<compile_context>
chip_gen: v7x
topology: tpu7x:2x2x1
jax: 0.10.2.dev20260603
libtpu: 0.0.44.dev20260713+nightly
codegen_flags: <defaults>
</compile_context>

<pallas_src>
import jax
import jax.numpy as jnp
from jax import lax
from jax.experimental import pallas as pl
from jax.experimental.pallas import tpu as pltpu
from jax.experimental.pallas import tpu_sc as plsc

HIST = 200
DP = 64
NLANE = 16
NGRP = DP // NLANE
NSUB = 16
PER_TILE = 16
NBUF = 8
NW1 = 1000000
NW2 = 100000


def _extract_col(blk_ref, col, iota16):
    colv = lax.broadcast_in_dim(col, (NLANE,), ()).astype(jnp.int32)
    return [plsc.load_gather(blk_ref, [iota16 + g * NLANE, colv])
            for g in range(NGRP)]


def _body(x0_hbm, x1_hbm, emb1t_hbm, lin_w_hbm, lin_b_hbm, emb2t_hbm,
          out_hbm,
          idx_v, ring_v, y2blk_v, x1_v, linw_v, linb_v,
          acc_v, y2acc_v, gath_v, out_v, shared,
          sem_r, sem_y, sem_w):
    sid = lax.axis_index("s")
    iota16 = lax.iota(jnp.int32, NLANE)

    @pl.when(sid == NSUB - 1)
    def _():
        pltpu.async_copy(lin_w_hbm, linw_v, sem_w)
        pltpu.async_copy(lin_b_hbm, linb_v, sem_w)
        pltpu.sync_copy(x1_hbm, x1_v.at[pl.ds(0, 1)])
        r1 = jnp.clip(x1_v[pl.ds(0, NLANE)][0], 0, NW2 - 1)
        blk1 = pl.multiple_of((r1 >> 7) << 7, 128)
        pltpu.async_copy(
            emb2t_hbm.at[:, pl.ds(blk1, 128)], y2blk_v, sem_y).wait()
        y2g = _extract_col(y2blk_v, r1 - blk1, iota16)

        pltpu.make_async_copy(lin_w_hbm, linw_v, sem_w).wait()
        pltpu.make_async_copy(lin_b_hbm, linb_v, sem_w).wait()

        v = [jnp.zeros((NLANE,), jnp.float32) for _ in range(NGRP)]
        cv = jnp.zeros((NLANE,), jnp.float32)
        for j in range(NGRP):
            cv = cv + y2g[j] * linb_v[pl.ds(j * NLANE, NLANE)]
        for d in range(DP):
            bd = lax.broadcast_in_dim(y2g[d // NLANE][d % NLANE],
                                      (NLANE,), ())
            for j in range(NGRP):
                v[j] = v[j] + bd * linw_v[d, pl.ds(j * NLANE, NLANE)]
        for g in range(NGRP):
            y2acc_v[pl.ds(g * NLANE, NLANE)] = v[g]
        c = cv[0]
        for i in range(1, NLANE):
            c = c + cv[i]
        out_v[...] = lax.broadcast_in_dim(c, (NLANE,), ())

    pltpu.sync_copy(x0_hbm, idx_v.at[pl.ds(0, HIST)])
    base = sid * PER_TILE
    zero16f = jnp.zeros((NLANE,), jnp.float32)
    for g in range(NGRP):
        acc_v[pl.ds(g * NLANE, NLANE)] = zero16f

    @pl.when(base < HIST)
    def _():
        vec = idx_v[pl.ds(base, NLANE)]

        handles = [None] * PER_TILE
        cols = [None] * PER_TILE
        acc = [jnp.zeros((NLANE,), jnp.float32) for _ in range(NGRP)]

        def _drain(j):
            handles[j].wait()
            mm = lax.broadcast_in_dim(
                jnp.where(base + j < HIST, 1.0, 0.0), (NLANE,), ())
            g_vecs = _extract_col(ring_v.at[j % NBUF], cols[j], iota16)
            for g in range(NGRP):
                acc[g] = acc[g] + g_vecs[g] * mm

        for j in range(PER_TILE):
            if j >= NBUF:
                _drain(j - NBUF)
            r = jnp.clip(vec[j], 0, NW1 - 1)
            blk = pl.multiple_of((r >> 7) << 7, 128)
            cols[j] = r - blk
            handles[j] = pltpu.async_copy(
                emb1t_hbm.at[:, pl.ds(blk, 128)], ring_v.at[j % NBUF],
                sem_r)
        for j in range(PER_TILE - NBUF, PER_TILE):
            _drain(j)

        for g in range(NGRP):
            acc_v[pl.ds(g * NLANE, NLANE)] = acc[g]

    pltpu.sync_copy(acc_v, shared.at[sid])

    plsc.subcore_barrier()

    @pl.when(sid == NSUB - 1)
    def _():
        pltpu.sync_copy(shared, gath_v)
        accv = jnp.zeros((NLANE,), jnp.float32)
        inv_n = 1.0 / HIST
        for g in range(NGRP):
            s = gath_v[0, pl.ds(g * NLANE, NLANE)]
            for t in range(1, NSUB):
                s = s + gath_v[t, pl.ds(g * NLANE, NLANE)]
            accv = accv + (s * inv_n) * y2acc_v[pl.ds(g * NLANE, NLANE)]

        total = accv[0]
        for i in range(1, NLANE):
            total = total + accv[i]
        total = total + out_v[pl.ds(0, NLANE)][0]
        tb = lax.broadcast_in_dim(total, (NLANE,), ())
        out_v[...] = 1.0 / (1.0 + jnp.exp(-tb))
        pltpu.sync_copy(out_v, out_hbm)


def kernel(x0, x1, emb1_w, lin_w, lin_b, emb2_w):
    emb1_t = emb1_w.T
    emb2_t = emb2_w.T

    mesh = plsc.VectorSubcoreMesh(
        core_axis_name="c", subcore_axis_name="s", num_cores=1)
    run = pl.kernel(
        _body,
        out_type=jax.ShapeDtypeStruct((NLANE,), jnp.float32),
        mesh=mesh,
        compiler_params=pltpu.CompilerParams(
            use_tc_tiling_on_sc=True, needs_layout_passes=False),
        scratch_types=[
            pltpu.VMEM((NSUB * PER_TILE + 8,), jnp.int32),
            pltpu.VMEM((NBUF, DP, 128), jnp.float32),
            pltpu.VMEM((DP, 128), jnp.float32),
            pltpu.VMEM((NLANE,), jnp.int32),
            pltpu.VMEM((DP, DP), jnp.float32),
            pltpu.VMEM((DP,), jnp.float32),
            pltpu.VMEM((DP,), jnp.float32),
            pltpu.VMEM((DP,), jnp.float32),
            pltpu.VMEM((NSUB, DP), jnp.float32),
            pltpu.VMEM((NLANE,), jnp.float32),
            pltpu.VMEM_SHARED((NSUB, DP), jnp.float32),
            pltpu.SemaphoreType.DMA,
            pltpu.SemaphoreType.DMA,
            pltpu.SemaphoreType.DMA,
        ],
    )
    out = run(x0.astype(jnp.int32), x1.astype(jnp.int32),
              emb1_t, lin_w, lin_b, emb2_t)
    return out[0]

# --- scband reference (transcript-rebuilt; emitter-appended) ---
"""Pipeline reference for scband-bill-model-48326972014690 (READ-ONLY COPY).

The authoritative reference and input builder live on the scoring server;
editing this copy changes nothing except your own understanding.
"""

import jax, jax.numpy as jnp
import numpy as np

NUM_WORDS = 1000000
WORD_EMBED = 64
NUM_CP = 100000
DP = 64
HIST = 200


def setup_inputs(seed: int = 0) -> dict:
    key = jax.random.key(seed)
    k1, k2, k3, k4, k5, k6 = jax.random.split(key, 6)
    x0 = jax.random.randint(k1, (HIST,), 0, NUM_WORDS)
    x1 = jax.random.randint(k2, (1,), 0, NUM_CP)
    emb1_w = jax.random.normal(k3, (NUM_WORDS, WORD_EMBED), dtype=jnp.float32)
    lin_w = jax.random.uniform(k4, (DP, WORD_EMBED), minval=-0.01, maxval=0.01, dtype=jnp.float32)
    lin_b = jax.random.uniform(k5, (DP,), minval=-0.01, maxval=0.01, dtype=jnp.float32)
    emb2_w = jax.random.uniform(k6, (NUM_CP, DP), minval=-0.01, maxval=0.01, dtype=jnp.float32)
    return {"x0": x0, "x1": x1, "emb1_w": emb1_w, "lin_w": lin_w, "lin_b": lin_b, "emb2_w": emb2_w}


def reference(x0, x1, emb1_w, lin_w, lin_b, emb2_w):
    # y1 = embedding1(x0).mean(0)
    y1 = jnp.take(emb1_w, x0, axis=0).mean(axis=0)
    # y1 = linear1(y1)
    y1 = lin_w @ y1 + lin_b
    # y2 = embedding2(x1).view(dp_size)
    y2 = jnp.take(emb2_w, x1, axis=0).reshape(-1)
    y = jnp.dot(y1, y2)
    return jax.nn.sigmoid(y)

if __name__ == "__main__":
    import jax
    _d = setup_inputs()
    print(jax.jit(kernel)(*tuple(_d.values())))

</pallas_src>

<mosaic_0001>
#map = affine_map<(d0, d1) -> (0)>
#map1 = affine_map<(d0, d1) -> (0, 0)>
module attributes {stable_mosaic.version = 14 : i64} {
  func.func @_body(%arg0: i32, %arg1: i32, %arg2: memref<200xi32, #tpu.memory_space<hbm>>, %arg3: memref<1xi32, #tpu.memory_space<hbm>>, %arg4: memref<64x1000000xf32, #tpu.memory_space<hbm>>, %arg5: memref<64x64xf32, #tpu.memory_space<hbm>>, %arg6: memref<64xf32, #tpu.memory_space<hbm>>, %arg7: memref<64x100000xf32, #tpu.memory_space<hbm>>, %arg8: memref<16xf32, #tpu.memory_space<hbm>>, %arg9: memref<264xi32, #tpu.memory_space<vmem>>, %arg10: memref<8x64x128xf32, #tpu.memory_space<vmem>>, %arg11: memref<64x128xf32, #tpu.memory_space<vmem>>, %arg12: memref<16xi32, #tpu.memory_space<vmem>>, %arg13: memref<64x64xf32, #tpu.memory_space<vmem>>, %arg14: memref<64xf32, #tpu.memory_space<vmem>>, %arg15: memref<64xf32, #tpu.memory_space<vmem>>, %arg16: memref<64xf32, #tpu.memory_space<vmem>>, %arg17: memref<16x64xf32, #tpu.memory_space<vmem>>, %arg18: memref<16xf32, #tpu.memory_space<vmem>>, %arg19: memref<16x64xf32, #tpu.memory_space<vmem_shared>>, %arg20: memref<!tpu.dma_semaphore, #tpu.memory_space<semaphore_mem>>, %arg21: memref<!tpu.dma_semaphore, #tpu.memory_space<semaphore_mem>>, %arg22: memref<!tpu.dma_semaphore, #tpu.memory_space<semaphore_mem>>) attributes {dimension_semantics = [#tpu.dimension_semantics<core_parallel>, #tpu.dimension_semantics<subcore_parallel>], iteration_bounds = array<i64: 1, 16>, scalar_prefetch = 0 : i64, scratch_operands = 14 : i64, tpu.core_type = #tpu.core_type<sc_vector_subcore>, window_params = [{transform_indices = #map}, {transform_indices = #map}, {transform_indices = #map1}, {transform_indices = #map1}, {transform_indices = #map}, {transform_indices = #map1}, {transform_indices = #map}]} {
    %iota3A = tpu.iota {dimensions = array<i32: 0>} : vector<16xi32>
    %eq3A = arith.constant 15 : i32
    %eq3A_0 = arith.cmpi eq, %arg1, %eq3A : i32
    %convert_element_type3A = arith.extui %eq3A_0 : i1 to i32
    %cond3A = arith.constant 0 : i32
    %cond3A_1 = arith.cmpi ne, %convert_element_type3A, %cond3A : i32
    scf.if %cond3A_1 {
      tpu.enqueue_dma source(%arg5 : memref<64x64xf32, #tpu.memory_space<hbm>>) target(%arg13 : memref<64x64xf32, #tpu.memory_space<vmem>>) target_semaphore(%arg22 : memref<!tpu.dma_semaphore, #tpu.memory_space<semaphore_mem>>)
      tpu.enqueue_dma source(%arg6 : memref<64xf32, #tpu.memory_space<hbm>>) target(%arg14 : memref<64xf32, #tpu.memory_space<vmem>>) target_semaphore(%arg22 : memref<!tpu.dma_semaphore, #tpu.memory_space<semaphore_mem>>)
      "tpu.region"() ({
        %run_scoped3A = tpu.sem_alloc : memref<!tpu.dma_semaphore, #tpu.memory_space<semaphore_mem>>
        %dma_start3A_1857 = arith.constant 0 : i32
        %dma_start3A_1858 = tpu.memref_slice %arg12[%dma_start3A_1857] : memref<16xi32, #tpu.memory_space<vmem>> -> memref<1xi32, #tpu.memory_space<vmem>>
        %dma_start3A_1859 = arith.constant 0 : i32
        %dma_start3A_1860 = tpu.memref_slice %arg12[%dma_start3A_1859] : memref<16xi32, #tpu.memory_space<vmem>> -> memref<1xi32, #tpu.memory_space<vmem>>
        tpu.enqueue_dma source(%arg3 : memref<1xi32, #tpu.memory_space<hbm>>) target(%dma_start3A_1860 : memref<1xi32, #tpu.memory_space<vmem>>) target_semaphore(%run_scoped3A : memref<!tpu.dma_semaphore, #tpu.memory_space<semaphore_mem>>)
        %dma_wait3A_1861 = arith.constant 0 : i32
        %dma_wait3A_1862 = tpu.memref_slice %arg12[%dma_wait3A_1861] : memref<16xi32, #tpu.memory_space<vmem>> -> memref<1xi32, #tpu.memory_space<vmem>>
        %dma_wait3A_1863 = arith.constant 0 : i32
        %dma_wait3A_1864 = tpu.memref_slice %arg12[%dma_wait3A_1863] : memref<16xi32, #tpu.memory_space<vmem>> -> memref<1xi32, #tpu.memory_space<vmem>>
        tpu.wait_dma2 semaphore(%run_scoped3A : memref<!tpu.dma_semaphore, #tpu.memory_space<semaphore_mem>>) src(%arg3 : memref<1xi32, #tpu.memory_space<hbm>>) dst(%dma_wait3A_1864 : memref<1xi32, #tpu.memory_space<vmem>>)
        tpu.yield
      }) : () -> ()
      %get3A = arith.constant 0 : index
      %get3A_20 = tpu.vector_load %arg12[%get3A] {strides = array<i32>} : memref<16xi32, #tpu.memory_space<vmem>>, vector<16xi32>,
      %slice3A = vector.extract_strided_slice %get3A_20 {offsets = [0], sizes = [1], strides = [1]} : vector<16xi32> to vector<1xi32>
      %squeeze3A = vector.extract %slice3A[0] : i32 from vector<1xi32>
      %jit3A = arith.constant 0 : i32
      %jit3A_21 = arith.constant 99999 : i32
      %max3A = arith.maxsi %jit3A, %squeeze3A : i32
      %min3A = arith.minsi %jit3A_21, %max3A : i32
      %shift_right_arithmetic3A = arith.constant 7 : i32
      %shift_right_arithmetic3A_22 = arith.shrsi %min3A, %shift_right_arithmetic3A : i32
      %shift_left3A = arith.constant 7 : i32
      %shift_left3A_23 = arith.shli %shift_right_arithmetic3A_22, %shift_left3A : i32
      %multiple_of3A = tpu.assume_multiple %shift_left3A_23, 128 : i32
      %dma_start3A = arith.constant 0 : i32
      %dma_start3A_24 = tpu.memref_slice %arg7[%dma_start3A, %multiple_of3A] : memref<64x100000xf32, #tpu.memory_space<hbm>> -> memref<64x128xf32, #tpu.memory_space<hbm>>
      %dma_start3A_25 = arith.constant 0 : i32
      %dma_start3A_26 = tpu.memref_slice %arg7[%dma_start3A_25, %multiple_of3A] : memref<64x100000xf32, #tpu.memory_space<hbm>> -> memref<64x128xf32, #tpu.memory_space<hbm>>
      tpu.enqueue_dma source(%dma_start3A_26 : memref<64x128xf32, #tpu.memory_space<hbm>>) target(%arg11 : memref<64x128xf32, #tpu.memory_space<vmem>>) target_semaphore(%arg21 : memref<!tpu.dma_semaphore, #tpu.memory_space<semaphore_mem>>)
      %dma_wait3A = arith.constant 0 : i32
      %dma_wait3A_27 = tpu.memref_slice %arg7[%dma_wait3A, %multiple_of3A] : memref<64x100000xf32, #tpu.memory_space<hbm>> -> memref<64x128xf32, #tpu.memory_space<hbm>>
      %dma_wait3A_28 = arith.constant 0 : i32
      %dma_wait3A_29 = tpu.memref_slice %arg7[%dma_wait3A_28, %multiple_of3A] : memref<64x100000xf32, #tpu.memory_space<hbm>> -> memref<64x128xf32, #tpu.memory_space<hbm>>
      tpu.wait_dma2 semaphore(%arg21 : memref<!tpu.dma_semaphore, #tpu.memory_space<semaphore_mem>>) src(%dma_wait3A_29 : memref<64x128xf32, #tpu.memory_space<hbm>>) dst(%arg11 : memref<64x128xf32, #tpu.memory_space<vmem>>)
      %sub3A = arith.subi %min3A, %multiple_of3A : i32
      %broadcast_in_dim3A_30 = vector.broadcast %sub3A : i32 to vector<16xi32>
      %add3A = arith.constant 0 : i32
      %add3A_31 = vector.broadcast %add3A : i32 to vector<16xi32>
      %add3A_32 = arith.addi %iota3A, %add3A_31 : vector<16xi32>
      %gather3A = tpu.vector_load_idx %arg11[%add3A_32, %broadcast_in_dim3A_30] : memref<64x128xf32, #tpu.memory_space<vmem>>[vector<16xi32>, vector<16xi32>], vector<16xf32>,
      %add3A_33 = arith.constant 16 : i32
      %add3A_34 = vector.broadcast %add3A_33 : i32 to vector<16xi32>
      %add3A_35 = arith.addi %iota3A, %add3A_34 : vector<16xi32>
      %gather3A_36 = tpu.vector_load_idx %arg11[%add3A_35, %broadcast_in_dim3A_30] : memref<64x128xf32, #tpu.memory_space<vmem>>[vector<16xi32>, vector<16xi32>], vector<16xf32>,
      %add3A_37 = arith.constant 32 : i32
      %add3A_38 = vector.broadcast %add3A_37 : i32 to vector<16xi32>
      %add3A_39 = arith.addi %iota3A, %add3A_38 : vector<16xi32>
      %gather3A_40 = tpu.vector_load_idx %arg11[%add3A_39, %broadcast_in_dim3A_30] : memref<64x128xf32, #tpu.memory_space<vmem>>[vector<16xi32>, vector<16xi32>], vector<16xf32>,
      %add3A_41 = arith.constant 48 : i32
      %add3A_42 = vector.broadcast %add3A_41 : i32 to vector<16xi32>
      %add3A_43 = arith.addi %iota3A, %add3A_42 : vector<16xi32>
      %gather3A_44 = tpu.vector_load_idx %arg11[%add3A_43, %broadcast_in_dim3A_30] : memref<64x128xf32, #tpu.memory_space<vmem>>[vector<16xi32>, vector<16xi32>], vector<16xf32>,
      tpu.wait_dma2 semaphore(%arg22 : memref<!tpu.dma_semaphore, #tpu.memory_space<semaphore_mem>>) src(%arg5 : memref<64x64xf32, #tpu.memory_space<hbm>>) dst(%arg13 : memref<64x64xf32, #tpu.memory_space<vmem>>)
      tpu.wait_dma2 semaphore(%arg22 : memref<!tpu.dma_semaphore, #tpu.memory_space<semaphore_mem>>) src(%arg6 : memref<64xf32, #tpu.memory_space<hbm>>) dst(%arg14 : memref<64xf32, #tpu.memory_space<vmem>>)
      %broadcast_in_dim3A_45 = arith.constant 0.000000e+00 : f32
      %broadcast_in_dim3A_46 = vector.broadcast %broadcast_in_dim3A_45 : f32 to vector<16xf32>
      %broadcast_in_dim3A_47 = arith.constant 0.000000e+00 : f32
      %broadcast_in_dim3A_48 = vector.broadcast %broadcast_in_dim3A_47 : f32 to vector<16xf32>
      %broadcast_in_dim3A_49 = arith.constant 0.000000e+00 : f32
      %broadcast_in_dim3A_50 = vector.broadcast %broadcast_in_dim3A_49 : f32 to vector<16xf32>
      %broadcast_in_dim3A_51 = arith.constant 0.000000e+00 : f32
      %broadcast_in_dim3A_52 = vector.broadcast %broadcast_in_dim3A_51 : f32 to vector<16xf32>
      %broadcast_in_dim3A_53 = arith.constant 0.000000e+00 : f32
      %broadcast_in_dim3A_54 = vector.broadcast %broadcast_in_dim3A_53 : f32 to vector<16xf32>
      %get3A_55 = arith.constant 0 : index
      %get3A_56 = tpu.vector_load %arg14[%get3A_55] {strides = array<i32>} : memref<64xf32, #tpu.memory_space<vmem>>, vector<16xf32>,
      %mul3A_57 = arith.mulf %gather3A, %get3A_56 : vector<16xf32>
      %add3A_58 = arith.addf %broadcast_in_dim3A_54, %mul3A_57 : vector<16xf32>
      %get3A_59 = arith.constant 16 : index
      %get3A_60 = tpu.vector_load %arg14[%get3A_59] {strides = array<i32>} : memref<64xf32, #tpu.memory_space<vmem>>, vector<16xf32>,
      %mul3A_61 = arith.mulf %gather3A_36, %get3A_60 : vector<16xf32>
      %add3A_62 = arith.addf %add3A_58, %mul3A_61 : vector<16xf32>
      %get3A_63 = arith.constant 32 : index
      %get3A_64 = tpu.vector_load %arg14[%get3A_63] {strides = array<i32>} : memref<64xf32, #tpu.memory_space<vmem>>, vector<16xf32>,
      %mul3A_65 = arith.mulf %gather3A_40, %get3A_64 : vector<16xf32>
      %add3A_66 = arith.addf %add3A_62, %mul3A_65 : vector<16xf32>
      %get3A_67 = arith.constant 48 : index
      %get3A_68 = tpu.vector_load %arg14[%get3A_67] {strides = array<i32>} : memref<64xf32, #tpu.memory_space<vmem>>, vector<16xf32>,
      %mul3A_69 = arith.mulf %gather3A_44, %get3A_68 : vector<16xf32>
      %add3A_70 = arith.addf %add3A_66, %mul3A_69 : vector<16xf32>
      %slice3A_71 = vector.extract_strided_slice %gather3A {offsets = [0], sizes = [1], strides = [1]} : vector<16xf32> to vector<1xf32>
      %squeeze3A_72 = vector.extract %slice3A_71[0] : f32 from vector<1xf32>
      %broadcast_in_dim3A_73 = vector.broadcast %squeeze3A_72 : f32 to vector<16xf32>
      %get3A_74 = arith.constant 0 : i32
      %get3A_75 = arith.index_cast %get3A_74 : i32 to index
      %get3A_76 = arith.constant 0 : index
      %get3A_77 = tpu.vector_load %arg13[%get3A_75, %get3A_76] {strides = array<i32>} : memref<64x64xf32, #tpu.memory_space<vmem>>, vector<16xf32>,
      %mul3A_78 = arith.mulf %broadcast_in_dim3A_73, %get3A_77 : vector<16xf32>
      %add3A_79 = arith.addf %broadcast_in_dim3A_46, %mul3A_78 : vector<16xf32>
      %get3A_80 = arith.constant 0 : i32
      %get3A_81 = arith.index_cast %get3A_80 : i32 to index
      %get3A_82 = arith.constant 16 : index
      %get3A_83 = tpu.vector_load %arg13[%get3A_81, %get3A_82] {strides = array<i32>} : memref<64x64xf32, #tpu.memory_space<vmem>>, vector<16xf32>,
      %mul3A_84 = arith.mulf %broadcast_in_dim3A_73, %get3A_83 : vector<16xf32>
      %add3A_85 = arith.addf %broadcast_in_dim3A_48, %mul3A_84 : vector<16xf32>
      %get3A_86 = arith.constant 0 : i32
      %get3A_87 = arith.index_cast %get3A_86 : i32 to index
      %get3A_88 = arith.constant 32 : index
      %get3A_89 = tpu.vector_load %arg13[%get3A_87, %get3A_88] {strides = array<i32>} : memref<64x64xf32, #tpu.memory_space<vmem>>, vector<16xf32>,
      %mul3A_90 = arith.mulf %broadcast_in_dim3A_73, %get3A_89 : vector<16xf32>
      %add3A_91 = arith.addf %broadcast_in_dim3A_50, %mul3A_90 : vector<16xf32>
      %get3A_92 = arith.constant 0 : i32
      %get3A_93 = arith.index_cast %get3A_92 : i32 to index
      %get3A_94 = arith.constant 48 : index
      %get3A_95 = tpu.vector_load %arg13[%get3A_93, %get3A_94] {strides = array<i32>} : memref<64x64xf32, #tpu.memory_space<vmem>>, vector<16xf32>,
      %mul3A_96 = arith.mulf %broadcast_in_dim3A_73, %get3A_95 : vector<16xf32>
      %add3A_97 = arith.addf %broadcast_in_dim3A_52, %mul3A_96 : vector<16xf32>
      %slice3A_98 = vector.extract_strided_slice %gather3A {offsets = [1], sizes = [1], strides = [1]} : vector<16xf32> to vector<1xf32>
      %squeeze3A_99 = vector.extract %slice3A_98[0] : f32 from vector<1xf32>
      %broadcast_in_dim3A_100 = vector.broadcast %squeeze3A_99 : f32 to vector<16xf32>
      %get3A_101 = arith.constant 1 : i32
      %get3A_102 = arith.index_cast %get3A_101 : i32 to index
      %get3A_103 = arith.constant 0 : index
      %get3A_104 = tpu.vector_load %arg13[%get3A_102, %get3A_103] {strides = array<i32>} : memref<64x64xf32, #tpu.memory_space<vmem>>, vector<16xf32>,
      %mul3A_105 = arith.mulf %broadcast_in_dim3A_100, %get3A_104 : vector<16xf32>
      %add3A_106 = arith.addf %add3A_79, %mul3A_105 : vector<16xf32>
      %get3A_107 = arith.constant 1 : i32
      %get3A_108 = arith.index_cast %get3A_107 : i32 to index
      %get3A_109 = arith.constant 16 : index
      %get3A_110 = tpu.vector_load %arg13[%get3A_108, %get3A_109] {strides = array<i32>} : memref<64x64xf32, #tpu.memory_space<vmem>>, vector<16xf32>,
      %mul3A_111 = arith.mulf %broadcast_in_dim3A_100, %get3A_110 : vector<16xf32>
      %add3A_112 = arith.addf %add3A_85, %mul3A_111 : vector<16xf32>
      %get3A_113 = arith.constant 1 : i32
      %get3A_114 = arith.index_cast %get3A_113 : i32 to index
      %get3A_115 = arith.constant 32 : index
      %get3A_116 = tpu.vector_load %arg13[%get3A_114, %get3A_115] {strides = array<i32>} : memref<64x64xf32, #tpu.memory_space<vmem>>, vector<16xf32>,
      %mul3A_117 = arith.mulf %broadcast_in_dim3A_100, %get3A_116 : vector<16xf32>
      %add3A_118 = arith.addf %add3A_91, %mul3A_117 : vector<16xf32>
      %get3A_119 = arith.constant 1 : i32
      %get3A_120 = arith.index_cast %get3A_119 : i32 to index
      %get3A_121 = arith.constant 48 : index
      %get3A_122 = tpu.vector_load %arg13[%get3A_120, %get3A_121] {strides = array<i32>} : memref<64x64xf32, #tpu.memory_space<vmem>>, vector<16xf32>,
      %mul3A_123 = arith.mulf %broadcast_in_dim3A_100, %get3A_122 : vector<16xf32>
      %add3A_124 = arith.addf %add3A_97, %mul3A_123 : vector<16xf32>
      %slice3A_125 = vector.extract_strided_slice %gather3A {offsets = [2], sizes = [1], strides = [1]} : vector<16xf32> to vector<1xf32>
      %squeeze3A_126 = vector.extract %slice3A_125[0] : f32 from vector<1xf32>
      %broadcast_in_dim3A_127 = vector.broadcast %squeeze3A_126 : f32 to vector<16xf32>
      %get3A_128 = arith.constant 2 : i32
      %get3A_129 = arith.index_cast %get3A_128 : i32 to index
      %get3A_130 = arith.constant 0 : index
      %get3A_131 = tpu.vector_load %arg13[%get3A_129, %get3A_130] {strides = array<i32>} : memref<64x64xf32, #tpu.memory_space<vmem>>, vector<16xf32>,
      %mul3A_132 = arith.mulf %broadcast_in_dim3A_127, %get3A_131 : vector<16xf32>
      %add3A_133 = arith.addf %add3A_106, %mul3A_132 : vector<16xf32>
      %get3A_134 = arith.constant 2 : i32
      %get3A_135 = arith.index_cast %get3A_134 : i32 to index
      %get3A_136 = arith.constant 16 : index
      %get3A_137 = tpu.vector_load %arg13[%get3A_135, %get3A_136] {strides = array<i32>} : memref<64x64xf32, #tpu.memory_space<vmem>>, vector<16xf32>,
      %mul3A_138 = arith.mulf %broadcast_in_dim3A_127, %get3A_137 : vector<16xf32>
      %add3A_139 = arith.addf %add3A_112, %mul3A_138 : vector<16xf32>
      %get3A_140 = arith.constant 2 : i32
      %get3A_141 = arith.index_cast %get3A_140 : i32 to index
      %get3A_142 = arith.constant 32 : index
      %get3A_143 = tpu.vector_load %arg13[%get3A_141, %get3A_142] {strides = array<i32>} : memref<64x64xf32, #tpu.memory_space<vmem>>, vector<16xf32>,
      %mul3A_144 = arith.mulf %broadcast_in_dim3A_127, %get3A_143 : vector<16xf32>
      %add3A_145 = arith.addf %add3A_118, %mul3A_144 : vector<16xf32>
      %get3A_146 = arith.constant 2 : i32
      %get3A_147 = arith.index_cast %get3A_146 : i32 to index
      %get3A_148 = arith.constant 48 : index
      %get3A_149 = tpu.vector_load %arg13[%get3A_147, %get3A_148] {strides = array<i32>} : memref<64x64xf32, #tpu.memory_space<vmem>>, vector<16xf32>,
      %mul3A_150 = arith.mulf %broadcast_in_dim3A_127, %get3A_149 : vector<16xf32>
      %add3A_151 = arith.addf %add3A_124, %mul3A_150 : vector<16xf32>
      %slice3A_152 = vector.extract_strided_slice %gather3A {offsets = [3], sizes = [1], strides = [1]} : vector<16xf32> to vector<1xf32>
      %squeeze3A_153 = vector.extract %slice3A_152[0] : f32 from vector<1xf32>
      %broadcast_in_dim3A_154 = vector.broadcast %squeeze3A_153 : f32 to vector<16xf32>
      %get3A_155 = arith.constant 3 : i32
      %get3A_156 = arith.index_cast %get3A_155 : i32 to index
      %get3A_157 = arith.constant 0 : index
      %get3A_158 = tpu.vector_load %arg13[%get3A_156, %get3A_157] {strides = array<i32>} : memref<64x64xf32, #tpu.memory_space<vmem>>, vector<16xf32>,
      %mul3A_159 = arith.mulf %broadcast_in_dim3A_154, %get3A_158 : vector<16xf32>
      %add3A_160 = arith.addf %add3A_133, %mul3A_159 : vector<16xf32>
      %get3A_161 = arith.constant 3 : i32
      %get3A_162 = arith.index_cast %get3A_161 : i32 to index
      %get3A_163 = arith.constant 16 : index
      %get3A_164 = tpu.vector_load %arg13[%get3A_162, %get3A_163] {strides = array<i32>} : memref<64x64xf32, #tpu.memory_space<vmem>>, vector<16xf32>,
      %mul3A_165 = arith.mulf %broadcast_in_dim3A_154, %get3A_164 : vector<16xf32>
      %add3A_166 = arith.addf %add3A_139, %mul3A_165 : vector<16xf32>
      %get3A_167 = arith.constant 3 : i32
      %get3A_168 = arith.index_cast %get3A_167 : i32 to index
      %get3A_169 = arith.constant 32 : index
      %get3A_170 = tpu.vector_load %arg13[%get3A_168, %get3A_169] {strides = array<i32>} : memref<64x64xf32, #tpu.memory_space<vmem>>, vector<16xf32>,
      %mul3A_171 = arith.mulf %broadcast_in_dim3A_154, %get3A_170 : vector<16xf32>
      %add3A_172 = arith.addf %add3A_145, %mul3A_171 : vector<16xf32>
      %get3A_173 = arith.constant 3 : i32
      %get3A_174 = arith.index_cast %get3A_173 : i32 to index
      %get3A_175 = arith.constant 48 : index
      %get3A_176 = tpu.vector_load %arg13[%get3A_174, %get3A_175] {strides = array<i32>} : memref<64x64xf32, #tpu.memory_space<vmem>>, vector<16xf32>,
      %mul3A_177 = arith.mulf %broadcast_in_dim3A_154, %get3A_176 : vector<16xf32>
      %add3A_178 = arith.addf %add3A_151, %mul3A_177 : vector<16xf32>
      %slice3A_179 = vector.extract_strided_slice %gather3A {offsets = [4], sizes = [1], strides = [1]} : vector<16xf32> to vector<1xf32>
      %squeeze3A_180 = vector.extract %slice3A_179[0] : f32 from vector<1xf32>
      %broadcast_in_dim3A_181 = vector.broadcast %squeeze3A_180 : f32 to vector<16xf32>
      %get3A_182 = arith.constant 4 : i32
      %get3A_183 = arith.index_cast %get3A_182 : i32 to index
      %get3A_184 = arith.constant 0 : index
      %get3A_185 = tpu.vector_load %arg13[%get3A_183, %get3A_184] {strides = array<i32>} : memref<64x64xf32, #tpu.memory_space<vmem>>, vector<16xf32>,
      %mul3A_186 = arith.mulf %broadcast_in_dim3A_181, %get3A_185 : vector<16xf32>
      %add3A_187 = arith.addf %add3A_160, %mul3A_186 : vector<16xf32>
      %get3A_188 = arith.constant 4 : i32
      %get3A_189 = arith.index_cast %get3A_188 : i32 to index
      %get3A_190 = arith.constant 16 : index
      %get3A_191 = tpu.vector_load %arg13[%get3A_189, %get3A_190] {strides = array<i32>} : memref<64x64xf32, #tpu.memory_space<vmem>>, vector<16xf32>,
      %mul3A_192 = arith.mulf %broadcast_in_dim3A_181, %get3A_191 : vector<16xf32>
      %add3A_193 = arith.addf %add3A_166, %mul3A_192 : vector<16xf32>
      %get3A_194 = arith.constant 4 : i32
      %get3A_195 = arith.index_cast %get3A_194 : i32 to index
      %get3A_196 = arith.constant 32 : index
      %get3A_197 = tpu.vector_load %arg13[%get3A_195, %get3A_196] {strides = array<i32>} : memref<64x64xf32, #tpu.memory_space<vmem>>, vector<16xf32>,
      %mul3A_198 = arith.mulf %broadcast_in_dim3A_181, %get3A_197 : vector<16xf32>
      %add3A_199 = arith.addf %add3A_172, %mul3A_198 : vector<16xf32>
      %get3A_200 = arith.constant 4 : i32
      %get3A_201 = arith.index_cast %get3A_200 : i32 to index
      %get3A_202 = arith.constant 48 : index
      %get3A_203 = tpu.vector_load %arg13[%get3A_201, %get3A_202] {strides = array<i32>} : memref<64x64xf32, #tpu.memory_space<vmem>>, vector<16xf32>,
      %mul3A_204 = arith.mulf %broadcast_in_dim3A_181, %get3A_203 : vector<16xf32>
      %add3A_205 = arith.addf %add3A_178, %mul3A_204 : vector<16xf32>
      %slice3A_206 = vector.extract_strided_slice %gather3A {offsets = [5], sizes = [1], strides = [1]} : vector<16xf32> to vector<1xf32>
      %squeeze3A_207 = vector.extract %slice3A_206[0] : f32 from vector<1xf32>
      %broadcast_in_dim3A_208 = vector.broadcast %squeeze3A_207 : f32 to vector<16xf32>
      %get3A_209 = arith.constant 5 : i32
      %get3A_210 = arith.index_cast %get3A_209 : i32 to index
      %get3A_211 = arith.constant 0 : index
      %get3A_212 = tpu.vector_load %arg13[%get3A_210, %get3A_211] {strides = array<i32>} : memref<64x64xf32, #tpu.memory_space<vmem>>, vector<16xf32>,
      %mul3A_213 = arith.mulf %broadcast_in_dim3A_208, %get3A_212 : vector<16xf32>
      %add3A_214 = arith.addf %add3A_187, %mul3A_213 : vector<16xf32>
      %get3A_215 = arith.constant 5 : i32
      %get3A_216 = arith.index_cast %get3A_215 : i32 to index
      %get3A_217 = arith.constant 16 : index
      %get3A_218 = tpu.vector_load %arg13[%get3A_216, %get3A_217] {strides = array<i32>} : memref<64x64xf32, #tpu.memory_space<vmem>>, vector<16xf32>,
      %mul3A_219 = arith.mulf %broadcast_in_dim3A_208, %get3A_218 : vector<16xf32>
      %add3A_220 = arith.addf %add3A_193, %mul3A_219 : vector<16xf32>
      %get3A_221 = arith.constant 5 : i32
      %get3A_222 = arith.index_cast %get3A_221 : i32 to index
      %get3A_223 = arith.constant 32 : index
      %get3A_224 = tpu.vector_load %arg13[%get3A_222, %get3A_223] {strides = array<i32>} : memref<64x64xf32, #tpu.memory_space<vmem>>, vector<16xf32>,
      %mul3A_225 = arith.mulf %broadcast_in_dim3A_208, %get3A_224 : vector<16xf32>
      %add3A_226 = arith.addf %add3A_199, %mul3A_225 : vector<16xf32>
      %get3A_227 = arith.constant 5 : i32
      %get3A_228 = arith.index_cast %get3A_227 : i32 to index
      %get3A_229 = arith.constant 48 : index
      %get3A_230 = tpu.vector_load %arg13[%get3A_228, %get3A_229] {strides = array<i32>} : memref<64x64xf32, #tpu.memory_space<vmem>>, vector<16xf32>,
      %mul3A_231 = arith.mulf %broadcast_in_dim3A_208, %get3A_230 : vector<16xf32>
      %add3A_232 = arith.addf %add3A_205, %mul3A_231 : vector<16xf32>
      %slice3A_233 = vector.extract_strided_slice %gather3A {offsets = [6], sizes = [1], strides = [1]} : vector<16xf32> to vector<1xf32>
      %squeeze3A_234 = vector.extract %slice3A_233[0] : f32 from vector<1xf32>
      %broadcast_in_dim3A_235 = vector.broadcast %squeeze3A_234 : f32 to vector<16xf32>
      %get3A_236 = arith.constant 6 : i32
      %get3A_237 = arith.index_cast %get3A_236 : i32 to index
      %get3A_238 = arith.constant 0 : index
      %get3A_239 = tpu.vector_load %arg13[%get3A_237, %get3A_238] {strides = array<i32>} : memref<64x64xf32, #tpu.memory_space<vmem>>, vector<16xf32>,
      %mul3A_240 = arith.mulf %broadcast_in_dim3A_235, %get3A_239 : vector<16xf32>
      %add3A_241 = arith.addf %add3A_214, %mul3A_240 : vector<16xf32>
      %get3A_242 = arith.constant 6 : i32
      %get3A_243 = arith.index_cast %get3A_242 : i32 to index
      %get3A_244 = arith.constant 16 : index
      %get3A_245 = tpu.vector_load %arg13[%get3A_243, %get3A_244] {strides = array<i32>} : memref<64x64xf32, #tpu.memory_space<vmem>>, vector<16xf32>,
      %mul3A_246 = arith.mulf %broadcast_in_dim3A_235, %get3A_245 : vector<16xf32>
      %add3A_247 = arith.addf %add3A_220, %mul3A_246 : vector<16xf32>
      %get3A_248 = arith.constant 6 : i32
      %get3A_249 = arith.index_cast %get3A_248 : i32 to index
      %get3A_250 = arith.constant 32 : index
      %get3A_251 = tpu.vector_load %arg13[%get3A_249, %get3A_250] {strides = array<i32>} : memref<64x64xf32, #tpu.memory_space<vmem>>, vector<16xf32>,
      %mul3A_252 = arith.mulf %broadcast_in_dim3A_235, %get3A_251 : vector<16xf32>
      %add3A_253 = arith.addf %add3A_226, %mul3A_252 : vector<16xf32>
      %get3A_254 = arith.constant 6 : i32
      %get3A_255 = arith.index_cast %get3A_254 : i32 to index
      %get3A_256 = arith.constant 48 : index
      %get3A_257 = tpu.vector_load %arg13[%get3A_255, %get3A_256] {strides = array<i32>} : memref<64x64xf32, #tpu.memory_space<vmem>>, vector<16xf32>,
      %mul3A_258 = arith.mulf %broadcast_in_dim3A_235, %get3A_257 : vector<16xf32>
      %add3A_259 = arith.addf %add3A_232, %mul3A_258 : vector<16xf32>
      %slice3A_260 = vector.extract_strided_slice %gather3A {offsets = [7], sizes = [1], strides = [1]} : vector<16xf32> to vector<1xf32>
      %squeeze3A_261 = vector.extract %slice3A_260[0] : f32 from vector<1xf32>
      %broadcast_in_dim3A_262 = vector.broadcast %squeeze3A_261 : f32 to vector<16xf32>
      %get3A_263 = arith.constant 7 : i32
      %get3A_264 = arith.index_cast %get3A_263 : i32 to index
      %get3A_265 = arith.constant 0 : index
      %get3A_266 = tpu.vector_load %arg13[%get3A_264, %get3A_265] {strides = array<i32>} : memref<64x64xf32, #tpu.memory_space<vmem>>, vector<16xf32>,
      %mul3A_267 = arith.mulf %broadcast_in_dim3A_262, %get3A_266 : vector<16xf32>
      %add3A_268 = arith.addf %add3A_241, %mul3A_267 : vector<16xf32>
      %get3A_269 = arith.constant 7 : i32
      %get3A_270 = arith.index_cast %get3A_269 : i32 to index
      %get3A_271 = arith.constant 16 : index
      %get3A_272 = tpu.vector_load %arg13[%get3A_270, %get3A_271] {strides = array<i32>} : memref<64x64xf32, #tpu.memory_space<vmem>>, vector<16xf32>,
      %mul3A_273 = arith.mulf %broadcast_in_dim3A_262, %get3A_272 : vector<16xf32>
      %add3A_274 = arith.addf %add3A_247, %mul3A_273 : vector<16xf32>
      %get3A_275 = arith.constant 7 : i32
      %get3A_276 = arith.index_cast %get3A_275 : i32 to index
      %get3A_277 = arith.constant 32 : index
      %get3A_278 = tpu.vector_load %arg13[%get3A_276, %get3A_277] {strides = array<i32>} : memref<64x64xf32, #tpu.memory_space<vmem>>, vector<16xf32>,
      %mul3A_279 = arith.mulf %broadcast_in_dim3A_262, %get3A_278 : vector<16xf32>
      %add3A_280 = arith.addf %add3A_253, %mul3A_279 : vector<16xf32>
      %get3A_281 = arith.constant 7 : i32
      %get3A_282 = arith.index_cast %get3A_281 : i32 to index
      %get3A_283 = arith.constant 48 : index
      %get3A_284 = tpu.vector_load %arg13[%get3A_282, %get3A_283] {strides = array<i32>} : memref<64x64xf32, #tpu.memory_space<vmem>>, vector<16xf32>,
      %mul3A_285 = arith.mulf %broadcast_in_dim3A_262, %get3A_284 : vector<16xf32>
      %add3A_286 = arith.addf %add3A_259, %mul3A_285 : vector<16xf32>
      %slice3A_287 = vector.extract_strided_slice %gather3A {offsets = [8], sizes = [1], strides = [1]} : vector<16xf32> to vector<1xf32>
      %squeeze3A_288 = vector.extract %slice3A_287[0] : f32 from vector<1xf32>
      %broadcast_in_dim3A_289 = vector.broadcast %squeeze3A_288 : f32 to vector<16xf32>
      %get3A_290 = arith.constant 8 : i32
      %get3A_291 = arith.index_cast %get3A_290 : i32 to index
      %get3A_292 = arith.constant 0 : index
      %get3A_293 = tpu.vector_load %arg13[%get3A_291, %get3A_292] {strides = array<i32>} : memref<64x64xf32, #tpu.memory_space<vmem>>, vector<16xf32>,
      %mul3A_294 = arith.mulf %broadcast_in_dim3A_289, %get3A_293 : vector<16xf32>
      %add3A_295 = arith.addf %add3A_268, %mul3A_294 : vector<16xf32>
      %get3A_296 = arith.constant 8 : i32
      %get3A_297 = arith.index_cast %get3A_296 : i32 to index
      %get3A_298 = arith.constant 16 : index
      %get3A_299 = tpu.vector_load %arg13[%get3A_297, %get3A_298] {strides = array<i32>} : memref<64x64xf32, #tpu.memory_space<vmem>>, vector<16xf32>,
      %mul3A_300 = arith.mulf %broadcast_in_dim3A_289, %get3A_299 : vector<16xf32>
      %add3A_301 = arith.addf %add3A_274, %mul3A_300 : vector<16xf32>
      %get3A_302 = arith.constant 8 : i32
      %get3A_303 = arith.index_cast %get3A_302 : i32 to index
      %get3A_304 = arith.constant 32 : index
      %get3A_305 = tpu.vector_load %arg13[%get3A_303, %get3A_304] {strides = array<i32>} : memref<64x64xf32, #tpu.memory_space<vmem>>, vector<16xf32>,
      %mul3A_306 = arith.mulf %broadcast_in_dim3A_289, %get3A_305 : vector<16xf32>
      %add3A_307 = arith.addf %add3A_280, %mul3A_306 : vector<16xf32>
      %get3A_308 = arith.constant 8 : i32
      %get3A_309 = arith.index_cast %get3A_308 : i32 to index
      %get3A_310 = arith.constant 48 : index
      %get3A_311 = tpu.vector_load %arg13[%get3A_309, %get3A_310] {strides = array<i32>} : memref<64x64xf32, #tpu.memory_space<vmem>>, vector<16xf32>,
      %mul3A_312 = arith.mulf %broadcast_in_dim3A_289, %get3A_311 : vector<16xf32>
      %add3A_313 = arith.addf %add3A_286, %mul3A_312 : vector<16xf32>
      %slice3A_314 = vector.extract_strided_slice %gather3A {offsets = [9], sizes = [1], strides = [1]} : vector<16xf32> to vector<1xf32>
      %squeeze3A_315 = vector.extract %slice3A_314[0] : f32 from vector<1xf32>
      %broadcast_in_dim3A_316 = vector.broadcast %squeeze3A_315 : f32 to vector<16xf32>
      %get3A_317 = arith.constant 9 : i32
      %get3A_318 = arith.index_cast %get3A_317 : i32 to index
      %get3A_319 = arith.constant 0 : index
      %get3A_320 = tpu.vector_load %arg13[%get3A_318, %get3A_319] {strides = array<i32>} : memref<64x64xf32, #tpu.memory_space<vmem>>, vector<16xf32>,
      %mul3A_321 = arith.mulf %broadcast_in_dim3A_316, %get3A_320 : vector<16xf32>
      %add3A_322 = arith.addf %add3A_295, %mul3A_321 : vector<16xf32>
      %get3A_323 = arith.constant 9 : i32
      %get3A_324 = arith.index_cast %get3A_323 : i32 to index
      %get3A_325 = arith.constant 16 : index
      %get3A_326 = tpu.vector_load %arg13[%get3A_324, %get3A_325] {strides = array<i32>} : memref<64x64xf32, #tpu.memory_space<vmem>>, vector<16xf32>,
      %mul3A_327 = arith.mulf %broadcast_in_dim3A_316, %get3A_326 : vector<16xf32>
      %add3A_328 = arith.addf %add3A_301, %mul3A_327 : vector<16xf32>
      %get3A_329 = arith.constant 9 : i32
      %get3A_330 = arith.index_cast %get3A_329 : i32 to index
      %get3A_331 = arith.constant 32 : index
      %get3A_332 = tpu.vector_load %arg13[%get3A_330, %get3A_331] {strides = array<i32>} : memref<64x64xf32, #tpu.memory_space<vmem>>, vector<16xf32>,
      %mul3A_333 = arith.mulf %broadcast_in_dim3A_316, %get3A_332 : vector<16xf32>
      %add3A_334 = arith.addf %add3A_307, %mul3A_333 : vector<16xf32>
      %get3A_335 = arith.constant 9 : i32
      %get3A_336 = arith.index_cast %get3A_335 : i32 to index
      %get3A_337 = arith.constant 48 : index
      %get3A_338 = tpu.vector_load %arg13[%get3A_336, %get3A_337] {strides = array<i32>} : memref<64x64xf32, #tpu.memory_space<vmem>>, vector<16xf32>,
      %mul3A_339 = arith.mulf %broadcast_in_dim3A_316, %get3A_338 : vector<16xf32>
      %add3A_340 = arith.addf %add3A_313, %mul3A_339 : vector<16xf32>
      %slice3A_341 = vector.extract_strided_slice %gather3A {offsets = [10], sizes = [1], strides = [1]} : vector<16xf32> to vector<1xf32>
      %squeeze3A_342 = vector.extract %slice3A_341[0] : f32 from vector<1xf32>
      %broadcast_in_dim3A_343 = vector.broadcast %squeeze3A_342 : f32 to vector<16xf32>
      %get3A_344 = arith.constant 10 : i32
      %get3A_345 = arith.index_cast %get3A_344 : i32 to index
      %get3A_346 = arith.constant 0 : index
      %get3A_347 = tpu.vector_load %arg13[%get3A_345, %get3A_346] {strides = array<i32>} : memref<64x64xf32, #tpu.memory_space<vmem>>, vector<16xf32>,
      %mul3A_348 = arith.mulf %broadcast_in_dim3A_343, %get3A_347 : vector<16xf32>
      %add3A_349 = arith.addf %add3A_322, %mul3A_348 : vector<16xf32>
      %get3A_350 = arith.constant 10 : i32
      %get3A_351 = arith.index_cast %get3A_350 : i32 to index
      %get3A_352 = arith.constant 16 : index
      %get3A_353 = tpu.vector_load %arg13[%get3A_351, %get3A_352] {strides = array<i32>} : memref<64x64xf32, #tpu.memory_space<vmem>>, vector<16xf32>,
      %mul3A_354 = arith.mulf %broadcast_in_dim3A_343, %get3A_353 : vector<16xf32>
      %add3A_355 = arith.addf %add3A_328, %mul3A_354 : vector<16xf32>
      %get3A_356 = arith.constant 10 : i32
      %get3A_357 = arith.index_cast %get3A_356 : i32 to index
      %get3A_358 = arith.constant 32 : index
      %get3A_359 = tpu.vector_load %arg13[%get3A_357, %get3A_358] {strides = array<i32>} : memref<64x64xf32, #tpu.memory_space<vmem>>, vector<16xf32>,
      %mul3A_360 = arith.mulf %broadcast_in_dim3A_343, %get3A_359 : vector<16xf32>
      %add3A_361 = arith.addf %add3A_334, %mul3A_360 : vector<16xf32>
      %get3A_362 = arith.constant 10 : i32
      %get3A_363 = arith.index_cast %get3A_362 : i32 to index
      %get3A_364 = arith.constant 48 : index
      %get3A_365 = tpu.vector_load %arg13[%get3A_363, %get3A_364] {strides = array<i32>} : memref<64x64xf32, #tpu.memory_space<vmem>>, vector<16xf32>,
      %mul3A_366 = arith.mulf %broadcast_in_dim3A_343, %get3A_365 : vector<16xf32>
      %add3A_367 = arith.addf %add3A_340, %mul3A_366 : vector<16xf32>
      %slice3A_368 = vector.extract_strided_slice %gather3A {offsets = [11], sizes = [1], strides = [1]} : vector<16xf32> to vector<1xf32>
      %squeeze3A_369 = vector.extract %slice3A_368[0] : f32 from vector<1xf32>
      %broadcast_in_dim3A_370 = vector.broadcast %squeeze3A_369 : f32 to vector<16xf32>
      %get3A_371 = arith.constant 11 : i32
      %get3A_372 = arith.index_cast %get3A_371 : i32 to index
      %get3A_373 = arith.constant 0 : index
      %get3A_374 = tpu.vector_load %arg13[%get3A_372, %get3A_373] {strides = array<i32>} : memref<64x64xf32, #tpu.memory_space<vmem>>, vector<16xf32>,
      %mul3A_375 = arith.mulf %broadcast_in_dim3A_370, %get3A_374 : vector<16xf32>
      %add3A_376 = arith.addf %add3A_349, %mul3A_375 : vector<16xf32>
      %get3A_377 = arith.constant 11 : i32
      %get3A_378 = arith.index_cast %get3A_377 : i32 to index
      %get3A_379 = arith.constant 16 : index
      %get3A_380 = tpu.vector_load %arg13[%get3A_378, %get3A_379] {strides = array<i32>} : memref<64x64xf32, #tpu.memory_space<vmem>>, vector<16xf32>,
      %mul3A_381 = arith.mulf %broadcast_in_dim3A_370, %get3A_380 : vector<16xf32>
      %add3A_382 = arith.addf %add3A_355, %mul3A_381 : vector<16xf32>
      %get3A_383 = arith.constant 11 : i32
      %get3A_384 = arith.index_cast %get3A_383 : i32 to index
      %get3A_385 = arith.constant 32 : index
      %get3A_386 = tpu.vector_load %arg13[%get3A_384, %get3A_385] {strides = array<i32>} : memref<64x64xf32, #tpu.memory_space<vmem>>, vector<16xf32>,
      %mul3A_387 = arith.mulf %broadcast_in_dim3A_370, %get3A_386 : vector<16xf32>
      %add3A_388 = arith.addf %add3A_361, %mul3A_387 : vector<16xf32>
      %get3A_389 = arith.constant 11 : i32
      %get3A_390 = arith.index_cast %get3A_389 : i32 to index
      %get3A_391 = arith.constant 48 : index
      %get3A_392 = tpu.vector_load %arg13[%get3A_390, %get3A_391] {strides = array<i32>} : memref<64x64xf32, #tpu.memory_space<vmem>>, vector<16xf32>,
      %mul3A_393 = arith.mulf %broadcast_in_dim3A_370, %get3A_392 : vector<16xf32>
      %add3A_394 = arith.addf %add3A_367, %mul3A_393 : vector<16xf32>
      %slice3A_395 = vector.extract_strided_slice %gather3A {offsets = [12], sizes = [1], strides = [1]} : vector<16xf32> to vector<1xf32>
      %squeeze3A_396 = vector.extract %slice3A_395[0] : f32 from vector<1xf32>
      %broadcast_in_dim3A_397 = vector.broadcast %squeeze3A_396 : f32 to vector<16xf32>
      %get3A_398 = arith.constant 12 : i32
      %get3A_399 = arith.index_cast %get3A_398 : i32 to index
      %get3A_400 = arith.constant 0 : index
      %get3A_401 = tpu.vector_load %arg13[%get3A_399, %get3A_400] {strides = array<i32>} : memref<64x64xf32, #tpu.memory_space<vmem>>, vector<16xf32>,
      %mul3A_402 = arith.mulf %broadcast_in_dim3A_397, %get3A_401 : vector<16xf32>
      %add3A_403 = arith.addf %add3A_376, %mul3A_402 : vector<16xf32>
      %get3A_404 = arith.constant 12 : i32
      %get3A_405 = arith.index_cast %get3A_404 : i32 to index
      %get3A_406 = arith.constant 16 : index
      %get3A_407 = tpu.vector_load %arg13[%get3A_405, %get3A_406] {strides = array<i32>} : memref<64x64xf32, #tpu.memory_space<vmem>>, vector<16xf32>,
      %mul3A_408 = arith.mulf %broadcast_in_dim3A_397, %get3A_407 : vector<16xf32>
      %add3A_409 = arith.addf %add3A_382, %mul3A_408 : vector<16xf32>
      %get3A_410 = arith.constant 12 : i32
      %get3A_411 = arith.index_cast %get3A_410 : i32 to index
      %get3A_412 = arith.constant 32 : index
      %get3A_413 = tpu.vector_load %arg13[%get3A_411, %get3A_412] {strides = array<i32>} : memref<64x64xf32, #tpu.memory_space<vmem>>, vector<16xf32>,
      %mul3A_414 = arith.mulf %broadcast_in_dim3A_397, %get3A_413 : vector<16xf32>
      %add3A_415 = arith.addf %add3A_388, %mul3A_414 : vector<16xf32>
      %get3A_416 = arith.constant 12 : i32
      %get3A_417 = arith.index_cast %get3A_416 : i32 to index
      %get3A_418 = arith.constant 48 : index
      %get3A_419 = tpu.vector_load %arg13[%get3A_417, %get3A_418] {strides = array<i32>} : memref<64x64xf32, #tpu.memory_space<vmem>>, vector<16xf32>,
      %mul3A_420 = arith.mulf %broadcast_in_dim3A_397, %get3A_419 : vector<16xf32>
      %add3A_421 = arith.addf %add3A_394, %mul3A_420 : vector<16xf32>
      %slice3A_422 = vector.extract_strided_slice %gather3A {offsets = [13], sizes = [1], strides = [1]} : vector<16xf32> to vector<1xf32>
      %squeeze3A_423 = vector.extract %slice3A_422[0] : f32 from vector<1xf32>
      %broadcast_in_dim3A_424 = vector.broadcast %squeeze3A_423 : f32 to vector<16xf32>
      %get3A_425 = arith.constant 13 : i32
      %get3A_426 = arith.index_cast %get3A_425 : i32 to index
      %get3A_427 = arith.constant 0 : index
      %get3A_428 = tpu.vector_load %arg13[%get3A_426, %get3A_427] {strides = array<i32>} : memref<64x64xf32, #tpu.memory_space<vmem>>, vector<16xf32>,
      %mul3A_429 = arith.mulf %broadcast_in_dim3A_424, %get3A_428 : vector<16xf32>
      %add3A_430 = arith.addf %add3A_403, %mul3A_429 : vector<16xf32>
      %get3A_431 = arith.constant 13 : i32
      %get3A_432 = arith.index_cast %get3A_431 : i32 to index
      %get3A_433 = arith.constant 16 : index
      %get3A_434 = tpu.vector_load %arg13[%get3A_432, %get3A_433] {strides = array<i32>} : memref<64x64xf32, #tpu.memory_space<vmem>>, vector<16xf32>,
      %mul3A_435 = arith.mulf %broadcast_in_dim3A_424, %get3A_434 : vector<16xf32>
      %add3A_436 = arith.addf %add3A_409, %mul3A_435 : vector<16xf32>
      %get3A_437 = arith.constant 13 : i32
      %get3A_438 = arith.index_cast %get3A_437 : i32 to index
      %get3A_439 = arith.constant 32 : index
      %get3A_440 = tpu.vector_load %arg13[%get3A_438, %get3A_439] {strides = array<i32>} : memref<64x64xf32, #tpu.memory_space<vmem>>, vector<16xf32>,
      %mul3A_441 = arith.mulf %broadcast_in_dim3A_424, %get3A_440 : vector<16xf32>
      %add3A_442 = arith.addf %add3A_415, %mul3A_441 : vector<16xf32>
      %get3A_443 = arith.constant 13 : i32
      %get3A_444 = arith.index_cast %get3A_443 : i32 to index
      %get3A_445 = arith.constant 48 : index
      %get3A_446 = tpu.vector_load %arg13[%get3A_444, %get3A_445] {strides = array<i32>} : memref<64x64xf32, #tpu.memory_space<vmem>>, vector<16xf32>,
      %mul3A_447 = arith.mulf %broadcast_in_dim3A_424, %get3A_446 : vector<16xf32>
      %add3A_448 = arith.addf %add3A_421, %mul3A_447 : vector<16xf32>
      %slice3A_449 = vector.extract_strided_slice %gather3A {offsets = [14], sizes = [1], strides = [1]} : vector<16xf32> to vector<1xf32>
      %squeeze3A_450 = vector.extract %slice3A_449[0] : f32 from vector<1xf32>
      %broadcast_in_dim3A_451 = vector.broadcast %squeeze3A_450 : f32 to vector<16xf32>
      %get3A_452 = arith.constant 14 : i32
      %get3A_453 = arith.index_cast %get3A_452 : i32 to index
      %get3A_454 = arith.constant 0 : index
      %get3A_455 = tpu.vector_load %arg13[%get3A_453, %get3A_454] {strides = array<i32>} : memref<64x64xf32, #tpu.memory_space<vmem>>, vector<16xf32>,
      %mul3A_456 = arith.mulf %broadcast_in_dim3A_451, %get3A_455 : vector<16xf32>
      %add3A_457 = arith.addf %add3A_430, %mul3A_456 : vector<16xf32>
      %get3A_458 = arith.constant 14 : i32
      %get3A_459 = arith.index_cast %get3A_458 : i32 to index
      %get3A_460 = arith.constant 16 : index
      %get3A_461 = tpu.vector_load %arg13[%get3A_459, %get3A_460] {strides = array<i32>} : memref<64x64xf32, #tpu.memory_space<vmem>>, vector<16xf32>,
      %mul3A_462 = arith.mulf %broadcast_in_dim3A_451, %get3A_461 : vector<16xf32>
      %add3A_463 = arith.addf %add3A_436, %mul3A_462 : vector<16xf32>
      %get3A_464 = arith.constant 14 : i32
      %get3A_465 = arith.index_cast %get3A_464 : i32 to index
      %get3A_466 = arith.constant 32 : index
      %get3A_467 = tpu.vector_load %arg13[%get3A_465, %get3A_466] {strides = array<i32>} : memref<64x64xf32, #tpu.memory_space<vmem>>, vector<16xf32>,
      %mul3A_468 = arith.mulf %broadcast_in_dim3A_451, %get3A_467 : vector<16xf32>
      %add3A_469 = arith.addf %add3A_442, %mul3A_468 : vector<16xf32>
      %get3A_470 = arith.constant 14 : i32
      %get3A_471 = arith.index_cast %get3A_470 : i32 to index
      %get3A_472 = arith.constant 48 : index
      %get3A_473 = tpu.vector_load %arg13[%get3A_471, %get3A_472] {strides = array<i32>} : memref<64x64xf32, #tpu.memory_space<vmem>>, vector<16xf32>,
      %mul3A_474 = arith.mulf %broadcast_in_dim3A_451, %get3A_473 : vector<16xf32>
      %add3A_475 = arith.addf %add3A_448, %mul3A_474 : vector<16xf32>
      %slice3A_476 = vector.extract_strided_slice %gather3A {offsets = [15], sizes = [1], strides = [1]} : vector<16xf32> to vector<1xf32>
      %squeeze3A_477 = vector.extract %slice3A_476[0] : f32 from vector<1xf32>
      %broadcast_in_dim3A_478 = vector.broadcast %squeeze3A_477 : f32 to vector<16xf32>
      %get3A_479 = arith.constant 15 : i32
      %get3A_480 = arith.index_cast %get3A_479 : i32 to index
      %get3A_481 = arith.constant 0 : index
      %get3A_482 = tpu.vector_load %arg13[%get3A_480, %get3A_481] {strides = array<i32>} : memref<64x64xf32, #tpu.memory_space<vmem>>, vector<16xf32>,
      %mul3A_483 = arith.mulf %broadcast_in_dim3A_478, %get3A_482 : vector<16xf32>
      %add3A_484 = arith.addf %add3A_457, %mul3A_483 : vector<16xf32>
      %get3A_485 = arith.constant 15 : i32
      %get3A_486 = arith.index_cast %get3A_485 : i32 to index
      %get3A_487 = arith.constant 16 : index
      %get3A_488 = tpu.vector_load %arg13[%get3A_486, %get3A_487] {strides = array<i32>} : memref<64x64xf32, #tpu.memory_space<vmem>>, vector<16xf32>,
      %mul3A_489 = arith.mulf %broadcast_in_dim3A_478, %get3A_488 : vector<16xf32>
      %add3A_490 = arith.addf %add3A_463, %mul3A_489 : vector<16xf32>
      %get3A_491 = arith.constant 15 : i32
      %get3A_492 = arith.index_cast %get3A_491 : i32 to index
      %get3A_493 = arith.constant 32 : index
      %get3A_494 = tpu.vector_load %arg13[%get3A_492, %get3A_493] {strides = array<i32>} : memref<64x64xf32, #tpu.memory_space<vmem>>, vector<16xf32>,
      %mul3A_495 = arith.mulf %broadcast_in_dim3A_478, %get3A_494 : vector<16xf32>
      %add3A_496 = arith.addf %add3A_469, %mul3A_495 : vector<16xf32>
      %get3A_497 = arith.constant 15 : i32
      %get3A_498 = arith.index_cast %get3A_497 : i32 to index
      %get3A_499 = arith.constant 48 : index
      %get3A_500 = tpu.vector_load %arg13[%get3A_498, %get3A_499] {strides = array<i32>} : memref<64x64xf32, #tpu.memory_space<vmem>>, vector<16xf32>,
      %mul3A_501 = arith.mulf %broadcast_in_dim3A_478, %get3A_500 : vector<16xf32>
      %add3A_502 = arith.addf %add3A_475, %mul3A_501 : vector<16xf32>
      %slice3A_503 = vector.extract_strided_slice %gather3A_36 {offsets = [0], sizes = [1], strides = [1]} : vector<16xf32> to vector<1xf32>
      %squeeze3A_504 = vector.extract %slice3A_503[0] : f32 from vector<1xf32>
      %broadcast_in_dim3A_505 = vector.broadcast %squeeze3A_504 : f32 to vector<16xf32>
      %get3A_506 = arith.constant 16 : i32
      %get3A_507 = arith.index_cast %get3A_506 : i32 to index
      %get3A_508 = arith.constant 0 : index
      %get3A_509 = tpu.vector_load %arg13[%get3A_507, %get3A_508] {strides = array<i32>} : memref<64x64xf32, #tpu.memory_space<vmem>>, vector<16xf32>,
      %mul3A_510 = arith.mulf %broadcast_in_dim3A_505, %get3A_509 : vector<16xf32>
      %add3A_511 = arith.addf %add3A_484, %mul3A_510 : vector<16xf32>
      %get3A_512 = arith.constant 16 : i32
      %get3A_513 = arith.index_cast %get3A_512 : i32 to index
      %get3A_514 = arith.constant 16 : index
      %get3A_515 = tpu.vector_load %arg13[%get3A_513, %get3A_514] {strides = array<i32>} : memref<64x64xf32, #tpu.memory_space<vmem>>, vector<16xf32>,
      %mul3A_516 = arith.mulf %broadcast_in_dim3A_505, %get3A_515 : vector<16xf32>
      %add3A_517 = arith.addf %add3A_490, %mul3A_516 : vector<16xf32>
      %get3A_518 = arith.constant 16 : i32
      %get3A_519 = arith.index_cast %get3A_518 : i32 to index
      %get3A_520 = arith.constant 32 : index
      %get3A_521 = tpu.vector_load %arg13[%get3A_519, %get3A_520] {strides = array<i32>} : memref<64x64xf32, #tpu.memory_space<vmem>>, vector<16xf32>,
      %mul3A_522 = arith.mulf %broadcast_in_dim3A_505, %get3A_521 : vector<16xf32>
      %add3A_523 = arith.addf %add3A_496, %mul3A_522 : vector<16xf32>
      %get3A_524 = arith.constant 16 : i32
      %get3A_525 = arith.index_cast %get3A_524 : i32 to index
      %get3A_526 = arith.constant 48 : index
      %get3A_527 = tpu.vector_load %arg13[%get3A_525, %get3A_526] {strides = array<i32>} : memref<64x64xf32, #tpu.memory_space<vmem>>, vector<16xf32>,
      %mul3A_528 = arith.mulf %broadcast_in_dim3A_505, %get3A_527 : vector<16xf32>
      %add3A_529 = arith.addf %add3A_502, %mul3A_528 : vector<16xf32>
      %slice3A_530 = vector.extract_strided_slice %gather3A_36 {offsets = [1], sizes = [1], strides = [1]} : vector<16xf32> to vector<1xf32>
      %squeeze3A_531 = vector.extract %slice3A_530[0] : f32 from vector<1xf32>
      %broadcast_in_dim3A_532 = vector.broadcast %squeeze3A_531 : f32 to vector<16xf32>
      %get3A_533 = arith.constant 17 : i32
      %get3A_534 = arith.index_cast %get3A_533 : i32 to index
      %get3A_535 = arith.constant 0 : index
      %get3A_536 = tpu.vector_load %arg13[%get3A_534, %get3A_535] {strides = array<i32>} : memref<64x64xf32, #tpu.memory_space<vmem>>, vector<16xf32>,
      %mul3A_537 = arith.mulf %broadcast_in_dim3A_532, %get3A_536 : vector<16xf32>
      %add3A_538 = arith.addf %add3A_511, %mul3A_537 : vector<16xf32>
      %get3A_539 = arith.constant 17 : i32
      %get3A_540 = arith.index_cast %get3A_539 : i32 to index
      %get3A_541 = arith.constant 16 : index
      %get3A_542 = tpu.vector_load %arg13[%get3A_540, %get3A_541] {strides = array<i32>} : memref<64x64xf32, #tpu.memory_space<vmem>>, vector<16xf32>,
      %mul3A_543 = arith.mulf %broadcast_in_dim3A_532, %get3A_542 : vector<16xf32>
      %add3A_544 = arith.addf %add3A_517, %mul3A_543 : vector<16xf32>
      %get3A_545 = arith.constant 17 : i32
      %get3A_546 = arith.index_cast %get3A_545 : i32 to index
      %get3A_547 = arith.constant 32 : index
      %get3A_548 = tpu.vector_load %arg13[%get3A_546, %get3A_547] {strides = array<i32>} : memref<64x64xf32, #tpu.memory_space<vmem>>, vector<16xf32>,
      %mul3A_549 = arith.mulf %broadcast_in_dim3A_532, %get3A_548 : vector<16xf32>
      %add3A_550 = arith.addf %add3A_523, %mul3A_549 : vector<16xf32>
      %get3A_551 = arith.constant 17 : i32
      %get3A_552 = arith.index_cast %get3A_551 : i32 to index
      %get3A_553 = arith.constant 48 : index
      %get3A_554 = tpu.vector_load %arg13[%get3A_552, %get3A_553] {strides = array<i32>} : memref<64x64xf32, #tpu.memory_space<vmem>>, vector<16xf32>,
      %mul3A_555 = arith.mulf %broadcast_in_dim3A_532, %get3A_554 : vector<16xf32>
      %add3A_556 = arith.addf %add3A_529, %mul3A_555 : vector<16xf32>
      %slice3A_557 = vector.extract_strided_slice %gather3A_36 {offsets = [2], sizes = [1], strides = [1]} : vector<16xf32> to vector<1xf32>
      %squeeze3A_558 = vector.extract %slice3A_557[0] : f32 from vector<1xf32>
      %broadcast_in_dim3A_559 = vector.broadcast %squeeze3A_558 : f32 to vector<16xf32>
      %get3A_560 = arith.constant 18 : i32
      %get3A_561 = arith.index_cast %get3A_560 : i32 to index
      %get3A_562 = arith.constant 0 : index
      %get3A_563 = tpu.vector_load %arg13[%get3A_561, %get3A_562] {strides = array<i32>} : memref<64x64xf32, #tpu.memory_space<vmem>>, vector<16xf32>,
      %mul3A_564 = arith.mulf %broadcast_in_dim3A_559, %get3A_563 : vector<16xf32>
      %add3A_565 = arith.addf %add3A_538, %mul3A_564 : vector<16xf32>
      %get3A_566 = arith.constant 18 : i32
      %get3A_567 = arith.index_cast %get3A_566 : i32 to index
      %get3A_568 = arith.constant 16 : index
      %get3A_569 = tpu.vector_load %arg13[%get3A_567, %get3A_568] {strides = array<i32>} : memref<64x64xf32, #tpu.memory_space<vmem>>, vector<16xf32>,
      %mul3A_570 = arith.mulf %broadcast_in_dim3A_559, %get3A_569 : vector<16xf32>
      %add3A_571 = arith.addf %add3A_544, %mul3A_570 : vector<16xf32>
      %get3A_572 = arith.constant 18 : i32
      %get3A_573 = arith.index_cast %get3A_572 : i32 to index
      %get3A_574 = arith.constant 32 : index
      %get3A_575 = tpu.vector_load %arg13[%get3A_573, %get3A_574] {strides = array<i32>} : memref<64x64xf32, #tpu.memory_space<vmem>>, vector<16xf32>,
      %mul3A_576 = arith.mulf %broadcast_in_dim3A_559, %get3A_575 : vector<16xf32>
      %add3A_577 = arith.addf %add3A_550, %mul3A_576 : vector<16xf32>
      %get3A_578 = arith.constant 18 : i32
      %get3A_579 = arith.index_cast %get3A_578 : i32 to index
      %get3A_580 = arith.constant 48 : index
      %get3A_581 = tpu.vector_load %arg13[%get3A_579, %get3A_580] {strides = array<i32>} : memref<64x64xf32, #tpu.memory_space<vmem>>, vector<16xf32>,
      %mul3A_582 = arith.mulf %broadcast_in_dim3A_559, %get3A_581 : vector<16xf32>
      %add3A_583 = arith.addf %add3A_556, %mul3A_582 : vector<16xf32>
      %slice3A_584 = vector.extract_strided_slice %gather3A_36 {offsets = [3], sizes = [1], strides = [1]} : vector<16xf32> to vector<1xf32>
      %squeeze3A_585 = vector.extract %slice3A_584[0] : f32 from vector<1xf32>
      %broadcast_in_dim3A_586 = vector.broadcast %squeeze3A_585 : f32 to vector<16xf32>
      %get3A_587 = arith.constant 19 : i32
      %get3A_588 = arith.index_cast %get3A_587 : i32 to index
      %get3A_589 = arith.constant 0 : index
      %get3A_590 = tpu.vector_load %arg13[%get3A_588, %get3A_589] {strides = array<i32>} : memref<64x64xf32, #tpu.memory_space<vmem>>, vector<16xf32>,
      %mul3A_591 = arith.mulf %broadcast_in_dim3A_586, %get3A_590 : vector<16xf32>
      %add3A_592 = arith.addf %add3A_565, %mul3A_591 : vector<16xf32>
      %get3A_593 = arith.constant 19 : i32
      %get3A_594 = arith.index_cast %get3A_593 : i32 to index
      %get3A_595 = arith.constant 16 : index
      %get3A_596 = tpu.vector_load %arg13[%get3A_594, %get3A_595] {strides = array<i32>} : memref<64x64xf32, #tpu.memory_space<vmem>>, vector<16xf32>,
      %mul3A_597 = arith.mulf %broadcast_in_dim3A_586, %get3A_596 : vector<16xf32>
      %add3A_598 = arith.addf %add3A_571, %mul3A_597 : vector<16xf32>
      %get3A_599 = arith.constant 19 : i32
      %get3A_600 = arith.index_cast %get3A_599 : i32 to index
      %get3A_601 = arith.constant 32 : index
      %get3A_602 = tpu.vector_load %arg13[%get3A_600, %get3A_601] {strides = array<i32>} : memref<64x64xf32, #tpu.memory_space<vmem>>, vector<16xf32>,
      %mul3A_603 = arith.mulf %broadcast_in_dim3A_586, %get3A_602 : vector<16xf32>
      %add3A_604 = arith.addf %add3A_577, %mul3A_603 : vector<16xf32>
      %get3A_605 = arith.constant 19 : i32
      %get3A_606 = arith.index_cast %get3A_605 : i32 to index
      %get3A_607 = arith.constant 48 : index
      %get3A_608 = tpu.vector_load %arg13[%get3A_606, %get3A_607] {strides = array<i32>} : memref<64x64xf32, #tpu.memory_space<vmem>>, vector<16xf32>,
      %mul3A_609 = arith.mulf %broadcast_in_dim3A_586, %get3A_608 : vector<16xf32>
      %add3A_610 = arith.addf %add3A_583, %mul3A_609 : vector<16xf32>
      %slice3A_611 = vector.extract_strided_slice %gather3A_36 {offsets = [4], sizes = [1], strides = [1]} : vector<16xf32> to vector<1xf32>
      %squeeze3A_612 = vector.extract %slice3A_611[0] : f32 from vector<1xf32>
      %broadcast_in_dim3A_613 = vector.broadcast %squeeze3A_612 : f32 to vector<16xf32>
      %get3A_614 = arith.constant 20 : i32
      %get3A_615 = arith.index_cast %get3A_614 : i32 to index
      %get3A_616 = arith.constant 0 : index
      %get3A_617 = tpu.vector_load %arg13[%get3A_615, %get3A_616] {strides = array<i32>} : memref<64x64xf32, #tpu.memory_space<vmem>>, vector<16xf32>,
      %mul3A_618 = arith.mulf %broadcast_in_dim3A_613, %get3A_617 : vector<16xf32>
      %add3A_619 = arith.addf %add3A_592, %mul3A_618 : vector<16xf32>
      %get3A_620 = arith.constant 20 : i32
      %get3A_621 = arith.index_cast %get3A_620 : i32 to index
      %get3A_622 = arith.constant 16 : index
      %get3A_623 = tpu.vector_load %arg13[%get3A_621, %get3A_622] {strides = array<i32>} : memref<64x64xf32, #tpu.memory_space<vmem>>, vector<16xf32>,
      %mul3A_624 = arith.mulf %broadcast_in_dim3A_613, %get3A_623 : vector<16xf32>
      %add3A_625 = arith.addf %add3A_598, %mul3A_624 : vector<16xf32>
      %get3A_626 = arith.constant 20 : i32
      %get3A_627 = arith.index_cast %get3A_626 : i32 to index
      %get3A_628 = arith.constant 32 : index
      %get3A_629 = tpu.vector_load %arg13[%get3A_627, %get3A_628] {strides = array<i32>} : memref<64x64xf32, #tpu.memory_space<vmem>>, vector<16xf32>,
      %mul3A_630 = arith.mulf %broadcast_in_dim3A_613, %get3A_629 : vector<16xf32>
      %add3A_631 = arith.addf %add3A_604, %mul3A_630 : vector<16xf32>
      %get3A_632 = arith.constant 20 : i32
      %get3A_633 = arith.index_cast %get3A_632 : i32 to index
      %get3A_634 = arith.constant 48 : index
      %get3A_635 = tpu.vector_load %arg13[%get3A_633, %get3A_634] {strides = array<i32>} : memref<64x64xf32, #tpu.memory_space<vmem>>, vector<16xf32>,
      %mul3A_636 = arith.mulf %broadcast_in_dim3A_613, %get3A_635 : vector<16xf32>
      %add3A_637 = arith.addf %add3A_610, %mul3A_636 : vector<16xf32>
      %slice3A_638 = vector.extract_strided_slice %gather3A_36 {offsets = [5], sizes = [1], strides = [1]} : vector<16xf32> to vector<1xf32>
      %squeeze3A_639 = vector.extract %slice3A_638[0] : f32 from vector<1xf32>
      %broadcast_in_dim3A_640 = vector.broadcast %squeeze3A_639 : f32 to vector<16xf32>
      %get3A_641 = arith.constant 21 : i32
      %get3A_642 = arith.index_cast %get3A_641 : i32 to index
      %get3A_643 = arith.constant 0 : index
      %get3A_644 = tpu.vector_load %arg13[%get3A_642, %get3A_643] {strides = array<i32>} : memref<64x64xf32, #tpu.memory_space<vmem>>, vector<16xf32>,
      %mul3A_645 = arith.mulf %broadcast_in_dim3A_640, %get3A_644 : vector<16xf32>
      %add3A_646 = arith.addf %add3A_619, %mul3A_645 : vector<16xf32>
      %get3A_647 = arith.constant 21 : i32
      %get3A_648 = arith.index_cast %get3A_647 : i32 to index
      %get3A_649 = arith.constant 16 : index
      %get3A_650 = tpu.vector_load %arg13[%get3A_648, %get3A_649] {strides = array<i32>} : memref<64x64xf32, #tpu.memory_space<vmem>>, vector<16xf32>,
      %mul3A_651 = arith.mulf %broadcast_in_dim3A_640, %get3A_650 : vector<16xf32>
      %add3A_652 = arith.addf %add3A_625, %mul3A_651 : vector<16xf32>
      %get3A_653 = arith.constant 21 : i32
      %get3A_654 = arith.index_cast %get3A_653 : i32 to index
      %get3A_655 = arith.constant 32 : index
      %get3A_656 = tpu.vector_load %arg13[%get3A_654, %get3A_655] {strides = array<i32>} : memref<64x64xf32, #tpu.memory_space<vmem>>, vector<16xf32>,
      %mul3A_657 = arith.mulf %broadcast_in_dim3A_640, %get3A_656 : vector<16xf32>
      %add3A_658 = arith.addf %add3A_631, %mul3A_657 : vector<16xf32>
      %get3A_659 = arith.constant 21 : i32
      %get3A_660 = arith.index_cast %get3A_659 : i32 to index
      %get3A_661 = arith.constant 48 : index
      %get3A_662 = tpu.vector_load %arg13[%get3A_660, %get3A_661] {strides = array<i32>} : memref<64x64xf32, #tpu.memory_space<vmem>>, vector<16xf32>,
      %mul3A_663 = arith.mulf %broadcast_in_dim3A_640, %get3A_662 : vector<16xf32>
      %add3A_664 = arith.addf %add3A_637, %mul3A_663 : vector<16xf32>
      %slice3A_665 = vector.extract_strided_slice %gather3A_36 {offsets = [6], sizes = [1], strides = [1]} : vector<16xf32> to vector<1xf32>
      %squeeze3A_666 = vector.extract %slice3A_665[0] : f32 from vector<1xf32>
      %broadcast_in_dim3A_667 = vector.broadcast %squeeze3A_666 : f32 to vector<16xf32>
      %get3A_668 = arith.constant 22 : i32
      %get3A_669 = arith.index_cast %get3A_668 : i32 to index
      %get3A_670 = arith.constant 0 : index
      %get3A_671 = tpu.vector_load %arg13[%get3A_669, %get3A_670] {strides = array<i32>} : memref<64x64xf32, #tpu.memory_space<vmem>>, vector<16xf32>,
      %mul3A_672 = arith.mulf %broadcast_in_dim3A_667, %get3A_671 : vector<16xf32>
      %add3A_673 = arith.addf %add3A_646, %mul3A_672 : vector<16xf32>
      %get3A_674 = arith.constant 22 : i32
      %get3A_675 = arith.index_cast %get3A_674 : i32 to index
      %get3A_676 = arith.constant 16 : index
      %get3A_677 = tpu.vector_load %arg13[%get3A_675, %get3A_676] {strides = array<i32>} : memref<64x64xf32, #tpu.memory_space<vmem>>, vector<16xf32>,
      %mul3A_678 = arith.mulf %broadcast_in_dim3A_667, %get3A_677 : vector<16xf32>
      %add3A_679 = arith.addf %add3A_652, %mul3A_678 : vector<16xf32>
      %get3A_680 = arith.constant 22 : i32
      %get3A_681 = arith.index_cast %get3A_680 : i32 to index
      %get3A_682 = arith.constant 32 : index
      %get3A_683 = tpu.vector_load %arg13[%get3A_681, %get3A_682] {strides = array<i32>} : memref<64x64xf32, #tpu.memory_space<vmem>>, vector<16xf32>,
      %mul3A_684 = arith.mulf %broadcast_in_dim3A_667, %get3A_683 : vector<16xf32>
      %add3A_685 = arith.addf %add3A_658, %mul3A_684 : vector<16xf32>
      %get3A_686 = arith.constant 22 : i32
      %get3A_687 = arith.index_cast %get3A_686 : i32 to index
      %get3A_688 = arith.constant 48 : index
      %get3A_689 = tpu.vector_load %arg13[%get3A_687, %get3A_688] {strides = array<i32>} : memref<64x64xf32, #tpu.memory_space<vmem>>, vector<16xf32>,
      %mul3A_690 = arith.mulf %broadcast_in_dim3A_667, %get3A_689 : vector<16xf32>
      %add3A_691 = arith.addf %add3A_664, %mul3A_690 : vector<16xf32>
      %slice3A_692 = vector.extract_strided_slice %gather3A_36 {offsets = [7], sizes = [1], strides = [1]} : vector<16xf32> to vector<1xf32>
      %squeeze3A_693 = vector.extract %slice3A_692[0] : f32 from vector<1xf32>
      %broadcast_in_dim3A_694 = vector.broadcast %squeeze3A_693 : f32 to vector<16xf32>
      %get3A_695 = arith.constant 23 : i32
      %get3A_696 = arith.index_cast %get3A_695 : i32 to index
      %get3A_697 = arith.constant 0 : index
      %get3A_698 = tpu.vector_load %arg13[%get3A_696, %get3A_697] {strides = array<i32>} : memref<64x64xf32, #tpu.memory_space<vmem>>, vector<16xf32>,
      %mul3A_699 = arith.mulf %broadcast_in_dim3A_694, %get3A_698 : vector<16xf32>
      %add3A_700 = arith.addf %add3A_673, %mul3A_699 : vector<16xf32>
      %get3A_701 = arith.constant 23 : i32
      %get3A_702 = arith.index_cast %get3A_701 : i32 to index
      %get3A_703 = arith.constant 16 : index
      %get3A_704 = tpu.vector_load %arg13[%get3A_702, %get3A_703] {strides = array<i32>} : memref<64x64xf32, #tpu.memory_space<vmem>>, vector<16xf32>,
      %mul3A_705 = arith.mulf %broadcast_in_dim3A_694, %get3A_704 : vector<16xf32>
      %add3A_706 = arith.addf %add3A_679, %mul3A_705 : vector<16xf32>
      %get3A_707 = arith.constant 23 : i32
      %get3A_708 = arith.index_cast %get3A_707 : i32 to index
      %get3A_709 = arith.constant 32 : index
      %get3A_710 = tpu.vector_load %arg13[%get3A_708, %get3A_709] {strides = array<i32>} : memref<64x64xf32, #tpu.memory_space<vmem>>, vector<16xf32>,
      %mul3A_711 = arith.mulf %broadcast_in_dim3A_694, %get3A_710 : vector<16xf32>
      %add3A_712 = arith.addf %add3A_685, %mul3A_711 : vector<16xf32>
      %get3A_713 = arith.constant 23 : i32
      %get3A_714 = arith.index_cast %get3A_713 : i32 to index
      %get3A_715 = arith.constant 48 : index
      %get3A_716 = tpu.vector_load %arg13[%get3A_714, %get3A_715] {strides = array<i32>} : memref<64x64xf32, #tpu.memory_space<vmem>>, vector<16xf32>,
      %mul3A_717 = arith.mulf %broadcast_in_dim3A_694, %get3A_716 : vector<16xf32>
      %add3A_718 = arith.addf %add3A_691, %mul3A_717 : vector<16xf32>
      %slice3A_719 = vector.extract_strided_slice %gather3A_36 {offsets = [8], sizes = [1], strides = [1]} : vector<16xf32> to vector<1xf32>
      %squeeze3A_720 = vector.extract %slice3A_719[0] : f32 from vector<1xf32>
      %broadcast_in_dim3A_721 = vector.broadcast %squeeze3A_720 : f32 to vector<16xf32>
      %get3A_722 = arith.constant 24 : i32
      %get3A_723 = arith.index_cast %get3A_722 : i32 to index
      %get3A_724 = arith.constant 0 : index
      %get3A_725 = tpu.vector_load %arg13[%get3A_723, %get3A_724] {strides = array<i32>} : memref<64x64xf32, #tpu.memory_space<vmem>>, vector<16xf32>,
      %mul3A_726 = arith.mulf %broadcast_in_dim3A_721, %get3A_725 : vector<16xf32>
      %add3A_727 = arith.addf %add3A_700, %mul3A_726 : vector<16xf32>
      %get3A_728 = arith.constant 24 : i32
      %get3A_729 = arith.index_cast %get3A_728 : i32 to index
      %get3A_730 = arith.constant 16 : index
      %get3A_731 = tpu.vector_load %arg13[%get3A_729, %get3A_730] {strides = array<i32>} : memref<64x64xf32, #tpu.memory_space<vmem>>, vector<16xf32>,
      %mul3A_732 = arith.mulf %broadcast_in_dim3A_721, %get3A_731 : vector<16xf32>
      %add3A_733 = arith.addf %add3A_706, %mul3A_732 : vector<16xf32>
      %get3A_734 = arith.constant 24 : i32
      %get3A_735 = arith.index_cast %get3A_734 : i32 to index
      %get3A_736 = arith.constant 32 : index
      %get3A_737 = tpu.vector_load %arg13[%get3A_735, %get3A_736] {strides = array<i32>} : memref<64x64xf32, #tpu.memory_space<vmem>>, vector<16xf32>,
      %mul3A_738 = arith.mulf %broadcast_in_dim3A_721, %get3A_737 : vector<16xf32>
      %add3A_739 = arith.addf %add3A_712, %mul3A_738 : vector<16xf32>
      %get3A_740 = arith.constant 24 : i32
      %get3A_741 = arith.index_cast %get3A_740 : i32 to index
      %get3A_742 = arith.constant 48 : index
      %get3A_743 = tpu.vector_load %arg13[%get3A_741, %get3A_742] {strides = array<i32>} : memref<64x64xf32, #tpu.memory_space<vmem>>, vector<16xf32>,
      %mul3A_744 = arith.mulf %broadcast_in_dim3A_721, %get3A_743 : vector<16xf32>
      %add3A_745 = arith.addf %add3A_718, %mul3A_744 : vector<16xf32>
      %slice3A_746 = vector.extract_strided_slice %gather3A_36 {offsets = [9], sizes = [1], strides = [1]} : vector<16xf32> to vector<1xf32>
      %squeeze3A_747 = vector.extract %slice3A_746[0] : f32 from vector<1xf32>
      %broadcast_in_dim3A_748 = vector.broadcast %squeeze3A_747 : f32 to vector<16xf32>
      %get3A_749 = arith.constant 25 : i32
      %get3A_750 = arith.index_cast %get3A_749 : i32 to index
      %get3A_751 = arith.constant 0 : index
      %get3A_752 = tpu.vector_load %arg13[%get3A_750, %get3A_751] {strides = array<i32>} : memref<64x64xf32, #tpu.memory_space<vmem>>, vector<16xf32>,
      %mul3A_753 = arith.mulf %broadcast_in_dim3A_748, %get3A_752 : vector<16xf32>
      %add3A_754 = arith.addf %add3A_727, %mul3A_753 : vector<16xf32>
      %get3A_755 = arith.constant 25 : i32
      %get3A_756 = arith.index_cast %get3A_755 : i32 to index
      %get3A_757 = arith.constant 16 : index
      %get3A_758 = tpu.vector_load %arg13[%get3A_756, %get3A_757] {strides = array<i32>} : memref<64x64xf32, #tpu.memory_space<vmem>>, vector<16xf32>,
      %mul3A_759 = arith.mulf %broadcast_in_dim3A_748, %get3A_758 : vector<16xf32>
      %add3A_760 = arith.addf %add3A_733, %mul3A_759 : vector<16xf32>
      %get3A_761 = arith.constant 25 : i32
      %get3A_762 = arith.index_cast %get3A_761 : i32 to index
      %get3A_763 = arith.constant 32 : index
      %get3A_764 = tpu.vector_load %arg13[%get3A_762, %get3A_763] {strides = array<i32>} : memref<64x64xf32, #tpu.memory_space<vmem>>, vector<16xf32>,
      %mul3A_765 = arith.mulf %broadcast_in_dim3A_748, %get3A_764 : vector<16xf32>
      %add3A_766 = arith.addf %add3A_739, %mul3A_765 : vector<16xf32>
      %get3A_767 = arith.constant 25 : i32
      %get3A_768 = arith.index_cast %get3A_767 : i32 to index
      %get3A_769 = arith.constant 48 : index
      %get3A_770 = tpu.vector_load %arg13[%get3A_768, %get3A_769] {strides = array<i32>} : memref<64x64xf32, #tpu.memory_space<vmem>>, vector<16xf32>,
      %mul3A_771 = arith.mulf %broadcast_in_dim3A_748, %get3A_770 : vector<16xf32>
      %add3A_772 = arith.addf %add3A_745, %mul3A_771 : vector<16xf32>
      %slice3A_773 = vector.extract_strided_slice %gather3A_36 {offsets = [10], sizes = [1], strides = [1]} : vector<16xf32> to vector<1xf32>
      %squeeze3A_774 = vector.extract %slice3A_773[0] : f32 from vector<1xf32>
      %broadcast_in_dim3A_775 = vector.broadcast %squeeze3A_774 : f32 to vector<16xf32>
      %get3A_776 = arith.constant 26 : i32
      %get3A_777 = arith.index_cast %get3A_776 : i32 to index
      %get3A_778 = arith.constant 0 : index
      %get3A_779 = tpu.vector_load %arg13[%get3A_777, %get3A_778] {strides = array<i32>} : memref<64x64xf32, #tpu.memory_space<vmem>>, vector<16xf32>,
      %mul3A_780 = arith.mulf %broadcast_in_dim3A_775, %get3A_779 : vector<16xf32>
      %add3A_781 = arith.addf %add3A_754, %mul3A_780 : vector<16xf32>
      %get3A_782 = arith.constant 26 : i32
      %get3A_783 = arith.index_cast %get3A_782 : i32 to index
      %get3A_784 = arith.constant 16 : index
      %get3A_785 = tpu.vector_load %arg13[%get3A_783, %get3A_784] {strides = array<i32>} : memref<64x64xf32, #tpu.memory_space<vmem>>, vector<16xf32>,
      %mul3A_786 = arith.mulf %broadcast_in_dim3A_775, %get3A_785 : vector<16xf32>
      %add3A_787 = arith.addf %add3A_760, %mul3A_786 : vector<16xf32>
      %get3A_788 = arith.constant 26 : i32
      %get3A_789 = arith.index_cast %get3A_788 : i32 to index
      %get3A_790 = arith.constant 32 : index
      %get3A_791 = tpu.vector_load %arg13[%get3A_789, %get3A_790] {strides = array<i32>} : memref<64x64xf32, #tpu.memory_space<vmem>>, vector<16xf32>,
      %mul3A_792 = arith.mulf %broadcast_in_dim3A_775, %get3A_791 : vector<16xf32>
      %add3A_793 = arith.addf %add3A_766, %mul3A_792 : vector<16xf32>
      %get3A_794 = arith.constant 26 : i32
      %get3A_795 = arith.index_cast %get3A_794 : i32 to index
      %get3A_796 = arith.constant 48 : index
      %get3A_797 = tpu.vector_load %arg13[%get3A_795, %get3A_796] {strides = array<i32>} : memref<64x64xf32, #tpu.memory_space<vmem>>, vector<16xf32>,
      %mul3A_798 = arith.mulf %broadcast_in_dim3A_775, %get3A_797 : vector<16xf32>
      %add3A_799 = arith.addf %add3A_772, %mul3A_798 : vector<16xf32>
      %slice3A_800 = vector.extract_strided_slice %gather3A_36 {offsets = [11], sizes = [1], strides = [1]} : vector<16xf32> to vector<1xf32>
      %squeeze3A_801 = vector.extract %slice3A_800[0] : f32 from vector<1xf32>
      %broadcast_in_dim3A_802 = vector.broadcast %squeeze3A_801 : f32 to vector<16xf32>
      %get3A_803 = arith.constant 27 : i32
      %get3A_804 = arith.index_cast %get3A_803 : i32 to index
      %get3A_805 = arith.constant 0 : index
      %get3A_806 = tpu.vector_load %arg13[%get3A_804, %get3A_805] {strides = array<i32>} : memref<64x64xf32, #tpu.memory_space<vmem>>, vector<16xf32>,
      %mul3A_807 = arith.mulf %broadcast_in_dim3A_802, %get3A_806 : vector<16xf32>
      %add3A_808 = arith.addf %add3A_781, %mul3A_807 : vector<16xf32>
      %get3A_809 = arith.constant 27 : i32
      %get3A_810 = arith.index_cast %get3A_809 : i32 to index
      %get3A_811 = arith.constant 16 : index
      %get3A_812 = tpu.vector_load %arg13[%get3A_810, %get3A_811] {strides = array<i32>} : memref<64x64xf32, #tpu.memory_space<vmem>>, vector<16xf32>,
      %mul3A_813 = arith.mulf %broadcast_in_dim3A_802, %get3A_812 : vector<16xf32>
      %add3A_814 = arith.addf %add3A_787, %mul3A_813 : vector<16xf32>
      %get3A_815 = arith.constant 27 : i32
      %get3A_816 = arith.index_cast %get3A_815 : i32 to index
      %get3A_817 = arith.constant 32 : index
      %get3A_818 = tpu.vector_load %arg13[%get3A_816, %get3A_817] {strides = array<i32>} : memref<64x64xf32, #tpu.memory_space<vmem>>, vector<16xf32>,
      %mul3A_819 = arith.mulf %broadcast_in_dim3A_802, %get3A_818 : vector<16xf32>
      %add3A_820 = arith.addf %add3A_793, %mul3A_819 : vector<16xf32>
      %get3A_821 = arith.constant 27 : i32
      %get3A_822 = arith.index_cast %get3A_821 : i32 to index
      %get3A_823 = arith.constant 48 : index
      %get3A_824 = tpu.vector_load %arg13[%get3A_822, %get3A_823] {strides = array<i32>} : memref<64x64xf32, #tpu.memory_space<vmem>>, vector<16xf32>,
      %mul3A_825 = arith.mulf %broadcast_in_dim3A_802, %get3A_824 : vector<16xf32>
      %add3A_826 = arith.addf %add3A_799, %mul3A_825 : vector<16xf32>
      %slice3A_827 = vector.extract_strided_slice %gather3A_36 {offsets = [12], sizes = [1], strides = [1]} : vector<16xf32> to vector<1xf32>
      %squeeze3A_828 = vector.extract %slice3A_827[0] : f32 from vector<1xf32>
      %broadcast_in_dim3A_829 = vector.broadcast %squeeze3A_828 : f32 to vector<16xf32>
      %get3A_830 = arith.constant 28 : i32
      %get3A_831 = arith.index_cast %get3A_830 : i32 to index
      %get3A_832 = arith.constant 0 : index
      %get3A_833 = tpu.vector_load %arg13[%get3A_831, %get3A_832] {strides = array<i32>} : memref<64x64xf32, #tpu.memory_space<vmem>>, vector<16xf32>,
      %mul3A_834 = arith.mulf %broadcast_in_dim3A_829, %get3A_833 : vector<16xf32>
      %add3A_835 = arith.addf %add3A_808, %mul3A_834 : vector<16xf32>
      %get3A_836 = arith.constant 28 : i32
      %get3A_837 = arith.index_cast %get3A_836 : i32 to index
      %get3A_838 = arith.constant 16 : index
      %get3A_839 = tpu.vector_load %arg13[%get3A_837, %get3A_838] {strides = array<i32>} : memref<64x64xf32, #tpu.memory_space<vmem>>, vector<16xf32>,
      %mul3A_840 = arith.mulf %broadcast_in_dim3A_829, %get3A_839 : vector<16xf32>
      %add3A_841 = arith.addf %add3A_814, %mul3A_840 : vector<16xf32>
      %get3A_842 = arith.constant 28 : i32
      %get3A_843 = arith.index_cast %get3A_842 : i32 to index
      %get3A_844 = arith.constant 32 : index
      %get3A_845 = tpu.vector_load %arg13[%get3A_843, %get3A_844] {strides = array<i32>} : memref<64x64xf32, #tpu.memory_space<vmem>>, vector<16xf32>,
      %mul3A_846 = arith.mulf %broadcast_in_dim3A_829, %get3A_845 : vector<16xf32>
      %add3A_847 = arith.addf %add3A_820, %mul3A_846 : vector<16xf32>
      %get3A_848 = arith.constant 28 : i32
      %get3A_849 = arith.index_cast %get3A_848 : i32 to index
      %get3A_850 = arith.constant 48 : index
      %get3A_851 = tpu.vector_load %arg13[%get3A_849, %get3A_850] {strides = array<i32>} : memref<64x64xf32, #tpu.memory_space<vmem>>, vector<16xf32>,
      %mul3A_852 = arith.mulf %broadcast_in_dim3A_829, %get3A_851 : vector<16xf32>
      %add3A_853 = arith.addf %add3A_826, %mul3A_852 : vector<16xf32>
      %slice3A_854 = vector.extract_strided_slice %gather3A_36 {offsets = [13], sizes = [1], strides = [1]} : vector<16xf32> to vector<1xf32>
      %squeeze3A_855 = vector.extract %slice3A_854[0] : f32 from vector<1xf32>
      %broadcast_in_dim3A_856 = vector.broadcast %squeeze3A_855 : f32 to vector<16xf32>
      %get3A_857 = arith.constant 29 : i32
      %get3A_858 = arith.index_cast %get3A_857 : i32 to index
      %get3A_859 = arith.constant 0 : index
      %get3A_860 = tpu.vector_load %arg13[%get3A_858, %get3A_859] {strides = array<i32>} : memref<64x64xf32, #tpu.memory_space<vmem>>, vector<16xf32>,
      %mul3A_861 = arith.mulf %broadcast_in_dim3A_856, %get3A_860 : vector<16xf32>
      %add3A_862 = arith.addf %add3A_835, %mul3A_861 : vector<16xf32>
      %get3A_863 = arith.constant 29 : i32
      %get3A_864 = arith.index_cast %get3A_863 : i32 to index
      %get3A_865 = arith.constant 16 : index
      %get3A_866 = tpu.vector_load %arg13[%get3A_864, %get3A_865] {strides = array<i32>} : memref<64x64xf32, #tpu.memory_space<vmem>>, vector<16xf32>,
      %mul3A_867 = arith.mulf %broadcast_in_dim3A_856, %get3A_866 : vector<16xf32>
      %add3A_868 = arith.addf %add3A_841, %mul3A_867 : vector<16xf32>
      %get3A_869 = arith.constant 29 : i32
      %get3A_870 = arith.index_cast %get3A_869 : i32 to index
      %get3A_871 = arith.constant 32 : index
      %get3A_872 = tpu.vector_load %arg13[%get3A_870, %get3A_871] {strides = array<i32>} : memref<64x64xf32, #tpu.memory_space<vmem>>, vector<16xf32>,
      %mul3A_873 = arith.mulf %broadcast_in_dim3A_856, %get3A_872 : vector<16xf32>
      %add3A_874 = arith.addf %add3A_847, %mul3A_873 : vector<16xf32>
      %get3A_875 = arith.constant 29 : i32
      %get3A_876 = arith.index_cast %get3A_875 : i32 to index
      %get3A_877 = arith.constant 48 : index
      %get3A_878 = tpu.vector_load %arg13[%get3A_876, %get3A_877] {strides = array<i32>} : memref<64x64xf32, #tpu.memory_space<vmem>>, vector<16xf32>,
      %mul3A_879 = arith.mulf %broadcast_in_dim3A_856, %get3A_878 : vector<16xf32>
      %add3A_880 = arith.addf %add3A_853, %mul3A_879 : vector<16xf32>
      %slice3A_881 = vector.extract_strided_slice %gather3A_36 {offsets = [14], sizes = [1], strides = [1]} : vector<16xf32> to vector<1xf32>
      %squeeze3A_882 = vector.extract %slice3A_881[0] : f32 from vector<1xf32>
      %broadcast_in_dim3A_883 = vector.broadcast %squeeze3A_882 : f32 to vector<16xf32>
      %get3A_884 = arith.constant 30 : i32
      %get3A_885 = arith.index_cast %get3A_884 : i32 to index
      %get3A_886 = arith.constant 0 : index
      %get3A_887 = tpu.vector_load %arg13[%get3A_885, %get3A_886] {strides = array<i32>} : memref<64x64xf32, #tpu.memory_space<vmem>>, vector<16xf32>,
      %mul3A_888 = arith.mulf %broadcast_in_dim3A_883, %get3A_887 : vector<16xf32>
      %add3A_889 = arith.addf %add3A_862, %mul3A_888 : vector<16xf32>
      %get3A_890 = arith.constant 30 : i32
      %get3A_891 = arith.index_cast %get3A_890 : i32 to index
      %get3A_892 = arith.constant 16 : index
      %get3A_893 = tpu.vector_load %arg13[%get3A_891, %get3A_892] {strides = array<i32>} : memref<64x64xf32, #tpu.memory_space<vmem>>, vector<16xf32>,
      %mul3A_894 = arith.mulf %broadcast_in_dim3A_883, %get3A_893 : vector<16xf32>
      %add3A_895 = arith.addf %add3A_868, %mul3A_894 : vector<16xf32>
      %get3A_896 = arith.constant 30 : i32
      %get3A_897 = arith.index_cast %get3A_896 : i32 to index
      %get3A_898 = arith.constant 32 : index
      %get3A_899 = tpu.vector_load %arg13[%get3A_897, %get3A_898] {strides = array<i32>} : memref<64x64xf32, #tpu.memory_space<vmem>>, vector<16xf32>,
      %mul3A_900 = arith.mulf %broadcast_in_dim3A_883, %get3A_899 : vector<16xf32>
      %add3A_901 = arith.addf %add3A_874, %mul3A_900 : vector<16xf32>
      %get3A_902 = arith.constant 30 : i32
      %get3A_903 = arith.index_cast %get3A_902 : i32 to index
      %get3A_904 = arith.constant 48 : index
      %get3A_905 = tpu.vector_load %arg13[%get3A_903, %get3A_904] {strides = array<i32>} : memref<64x64xf32, #tpu.memory_space<vmem>>, vector<16xf32>,
      %mul3A_906 = arith.mulf %broadcast_in_dim3A_883, %get3A_905 : vector<16xf32>
      %add3A_907 = arith.addf %add3A_880, %mul3A_906 : vector<16xf32>
      %slice3A_908 = vector.extract_strided_slice %gather3A_36 {offsets = [15], sizes = [1], strides = [1]} : vector<16xf32> to vector<1xf32>
      %squeeze3A_909 = vector.extract %slice3A_908[0] : f32 from vector<1xf32>
      %broadcast_in_dim3A_910 = vector.broadcast %squeeze3A_909 : f32 to vector<16xf32>
      %get3A_911 = arith.constant 31 : i32
      %get3A_912 = arith.index_cast %get3A_911 : i32 to index
      %get3A_913 = arith.constant 0 : index
      %get3A_914 = tpu.vector_load %arg13[%get3A_912, %get3A_913] {strides = array<i32>} : memref<64x64xf32, #tpu.memory_space<vmem>>, vector<16xf32>,
      %mul3A_915 = arith.mulf %broadcast_in_dim3A_910, %get3A_914 : vector<16xf32>
      %add3A_916 = arith.addf %add3A_889, %mul3A_915 : vector<16xf32>
      %get3A_917 = arith.constant 31 : i32
      %get3A_918 = arith.index_cast %get3A_917 : i32 to index
      %get3A_919 = arith.constant 16 : index
      %get3A_920 = tpu.vector_load %arg13[%get3A_918, %get3A_919] {strides = array<i32>} : memref<64x64xf32, #tpu.memory_space<vmem>>, vector<16xf32>,
      %mul3A_921 = arith.mulf %broadcast_in_dim3A_910, %get3A_920 : vector<16xf32>
      %add3A_922 = arith.addf %add3A_895, %mul3A_921 : vector<16xf32>
      %get3A_923 = arith.constant 31 : i32
      %get3A_924 = arith.index_cast %get3A_923 : i32 to index
      %get3A_925 = arith.constant 32 : index
      %get3A_926 = tpu.vector_load %arg13[%get3A_924, %get3A_925] {strides = array<i32>} : memref<64x64xf32, #tpu.memory_space<vmem>>, vector<16xf32>,
      %mul3A_927 = arith.mulf %broadcast_in_dim3A_910, %get3A_926 : vector<16xf32>
      %add3A_928 = arith.addf %add3A_901, %mul3A_927 : vector<16xf32>
      %get3A_929 = arith.constant 31 : i32
      %get3A_930 = arith.index_cast %get3A_929 : i32 to index
      %get3A_931 = arith.constant 48 : index
      %get3A_932 = tpu.vector_load %arg13[%get3A_930, %get3A_931] {strides = array<i32>} : memref<64x64xf32, #tpu.memory_space<vmem>>, vector<16xf32>,
      %mul3A_933 = arith.mulf %broadcast_in_dim3A_910, %get3A_932 : vector<16xf32>
      %add3A_934 = arith.addf %add3A_907, %mul3A_933 : vector<16xf32>
      %slice3A_935 = vector.extract_strided_slice %gather3A_40 {offsets = [0], sizes = [1], strides = [1]} : vector<16xf32> to vector<1xf32>
      %squeeze3A_936 = vector.extract %slice3A_935[0] : f32 from vector<1xf32>
      %broadcast_in_dim3A_937 = vector.broadcast %squeeze3A_936 : f32 to vector<16xf32>
      %get3A_938 = arith.constant 32 : i32
      %get3A_939 = arith.index_cast %get3A_938 : i32 to index
      %get3A_940 = arith.constant 0 : index
      %get3A_941 = tpu.vector_load %arg13[%get3A_939, %get3A_940] {strides = array<i32>} : memref<64x64xf32, #tpu.memory_space<vmem>>, vector<16xf32>,
      %mul3A_942 = arith.mulf %broadcast_in_dim3A_937, %get3A_941 : vector<16xf32>
      %add3A_943 = arith.addf %add3A_916, %mul3A_942 : vector<16xf32>
      %get3A_944 = arith.constant 32 : i32
      %get3A_945 = arith.index_cast %get3A_944 : i32 to index
      %get3A_946 = arith.constant 16 : index
      %get3A_947 = tpu.vector_load %arg13[%get3A_945, %get3A_946] {strides = array<i32>} : memref<64x64xf32, #tpu.memory_space<vmem>>, vector<16xf32>,
      %mul3A_948 = arith.mulf %broadcast_in_dim3A_937, %get3A_947 : vector<16xf32>
      %add3A_949 = arith.addf %add3A_922, %mul3A_948 : vector<16xf32>
      %get3A_950 = arith.constant 32 : i32
      %get3A_951 = arith.index_cast %get3A_950 : i32 to index
      %get3A_952 = arith.constant 32 : index
      %get3A_953 = tpu.vector_load %arg13[%get3A_951, %get3A_952] {strides = array<i32>} : memref<64x64xf32, #tpu.memory_space<vmem>>, vector<16xf32>,
      %mul3A_954 = arith.mulf %broadcast_in_dim3A_937, %get3A_953 : vector<16xf32>
      %add3A_955 = arith.addf %add3A_928, %mul3A_954 : vector<16xf32>
      %get3A_956 = arith.constant 32 : i32
      %get3A_957 = arith.index_cast %get3A_956 : i32 to index
      %get3A_958 = arith.constant 48 : index
      %get3A_959 = tpu.vector_load %arg13[%get3A_957, %get3A_958] {strides = array<i32>} : memref<64x64xf32, #tpu.memory_space<vmem>>, vector<16xf32>,
      %mul3A_960 = arith.mulf %broadcast_in_dim3A_937, %get3A_959 : vector<16xf32>
      %add3A_961 = arith.addf %add3A_934, %mul3A_960 : vector<16xf32>
      %slice3A_962 = vector.extract_strided_slice %gather3A_40 {offsets = [1], sizes = [1], strides = [1]} : vector<16xf32> to vector<1xf32>
      %squeeze3A_963 = vector.extract %slice3A_962[0] : f32 from vector<1xf32>
      %broadcast_in_dim3A_964 = vector.broadcast %squeeze3A_963 : f32 to vector<16xf32>
      %get3A_965 = arith.constant 33 : i32
      %get3A_966 = arith.index_cast %get3A_965 : i32 to index
      %get3A_967 = arith.constant 0 : index
      %get3A_968 = tpu.vector_load %arg13[%get3A_966, %get3A_967] {strides = array<i32>} : memref<64x64xf32, #tpu.memory_space<vmem>>, vector<16xf32>,
      %mul3A_969 = arith.mulf %broadcast_in_dim3A_964, %get3A_968 : vector<16xf32>
      %add3A_970 = arith.addf %add3A_943, %mul3A_969 : vector<16xf32>
      %get3A_971 = arith.constant 33 : i32
      %get3A_972 = arith.index_cast %get3A_971 : i32 to index
      %get3A_973 = arith.constant 16 : index
      %get3A_974 = tpu.vector_load %arg13[%get3A_972, %get3A_973] {strides = array<i32>} : memref<64x64xf32, #tpu.memory_space<vmem>>, vector<16xf32>,
      %mul3A_975 = arith.mulf %broadcast_in_dim3A_964, %get3A_974 : vector<16xf32>
      %add3A_976 = arith.addf %add3A_949, %mul3A_975 : vector<16xf32>
      %get3A_977 = arith.constant 33 : i32
      %get3A_978 = arith.index_cast %get3A_977 : i32 to index
      %get3A_979 = arith.constant 32 : index
      %get3A_980 = tpu.vector_load %arg13[%get3A_978, %get3A_979] {strides = array<i32>} : memref<64x64xf32, #tpu.memory_space<vmem>>, vector<16xf32>,
      %mul3A_981 = arith.mulf %broadcast_in_dim3A_964, %get3A_980 : vector<16xf32>
      %add3A_982 = arith.addf %add3A_955, %mul3A_981 : vector<16xf32>
      %get3A_983 = arith.constant 33 : i32
      %get3A_984 = arith.index_cast %get3A_983 : i32 to index
      %get3A_985 = arith.constant 48 : index
      %get3A_986 = tpu.vector_load %arg13[%get3A_984, %get3A_985] {strides = array<i32>} : memref<64x64xf32, #tpu.memory_space<vmem>>, vector<16xf32>,
      %mul3A_987 = arith.mulf %broadcast_in_dim3A_964, %get3A_986 : vector<16xf32>
      %add3A_988 = arith.addf %add3A_961, %mul3A_987 : vector<16xf32>
      %slice3A_989 = vector.extract_strided_slice %gather3A_40 {offsets = [2], sizes = [1], strides = [1]} : vector<16xf32> to vector<1xf32>
      %squeeze3A_990 = vector.extract %slice3A_989[0] : f32 from vector<1xf32>
      %broadcast_in_dim3A_991 = vector.broadcast %squeeze3A_990 : f32 to vector<16xf32>
      %get3A_992 = arith.constant 34 : i32
      %get3A_993 = arith.index_cast %get3A_992 : i32 to index
      %get3A_994 = arith.constant 0 : index
      %get3A_995 = tpu.vector_load %arg13[%get3A_993, %get3A_994] {strides = array<i32>} : memref<64x64xf32, #tpu.memory_space<vmem>>, vector<16xf32>,
      %mul3A_996 = arith.mulf %broadcast_in_dim3A_991, %get3A_995 : vector<16xf32>
      %add3A_997 = arith.addf %add3A_970, %mul3A_996 : vector<16xf32>
      %get3A_998 = arith.constant 34 : i32
      %get3A_999 = arith.index_cast %get3A_998 : i32 to index
      %get3A_1000 = arith.constant 16 : index
      %get3A_1001 = tpu.vector_load %arg13[%get3A_999, %get3A_1000] {strides = array<i32>} : memref<64x64xf32, #tpu.memory_space<vmem>>, vector<16xf32>,
      %mul3A_1002 = arith.mulf %broadcast_in_dim3A_991, %get3A_1001 : vector<16xf32>
      %add3A_1003 = arith.addf %add3A_976, %mul3A_1002 : vector<16xf32>
      %get3A_1004 = arith.constant 34 : i32
      %get3A_1005 = arith.index_cast %get3A_1004 : i32 to index
      %get3A_1006 = arith.constant 32 : index
      %get3A_1007 = tpu.vector_load %arg13[%get3A_1005, %get3A_1006] {strides = array<i32>} : memref<64x64xf32, #tpu.memory_space<vmem>>, vector<16xf32>,
      %mul3A_1008 = arith.mulf %broadcast_in_dim3A_991, %get3A_1007 : vector<16xf32>
      %add3A_1009 = arith.addf %add3A_982, %mul3A_1008 : vector<16xf32>
      %get3A_1010 = arith.constant 34 : i32
      %get3A_1011 = arith.index_cast %get3A_1010 : i32 to index
      %get3A_1012 = arith.constant 48 : index
      %get3A_1013 = tpu.vector_load %arg13[%get3A_1011, %get3A_1012] {strides = array<i32>} : memref<64x64xf32, #tpu.memory_space<vmem>>, vector<16xf32>,
      %mul3A_1014 = arith.mulf %broadcast_in_dim3A_991, %get3A_1013 : vector<16xf32>
      %add3A_1015 = arith.addf %add3A_988, %mul3A_1014 : vector<16xf32>
      %slice3A_1016 = vector.extract_strided_slice %gather3A_40 {offsets = [3], sizes = [1], strides = [1]} : vector<16xf32> to vector<1xf32>
      %squeeze3A_1017 = vector.extract %slice3A_1016[0] : f32 from vector<1xf32>
      %broadcast_in_dim3A_1018 = vector.broadcast %squeeze3A_1017 : f32 to vector<16xf32>
      %get3A_1019 = arith.constant 35 : i32
      %get3A_1020 = arith.index_cast %get3A_1019 : i32 to index
      %get3A_1021 = arith.constant 0 : index
      %get3A_1022 = tpu.vector_load %arg13[%get3A_1020, %get3A_1021] {strides = array<i32>} : memref<64x64xf32, #tpu.memory_space<vmem>>, vector<16xf32>,
      %mul3A_1023 = arith.mulf %broadcast_in_dim3A_1018, %get3A_1022 : vector<16xf32>
      %add3A_1024 = arith.addf %add3A_997, %mul3A_1023 : vector<16xf32>
      %get3A_1025 = arith.constant 35 : i32
      %get3A_1026 = arith.index_cast %get3A_1025 : i32 to index
      %get3A_1027 = arith.constant 16 : index
      %get3A_1028 = tpu.vector_load %arg13[%get3A_1026, %get3A_1027] {strides = array<i32>} : memref<64x64xf32, #tpu.memory_space<vmem>>, vector<16xf32>,
      %mul3A_1029 = arith.mulf %broadcast_in_dim3A_1018, %get3A_1028 : vector<16xf32>
      %add3A_1030 = arith.addf %add3A_1003, %mul3A_1029 : vector<16xf32>
      %get3A_1031 = arith.constant 35 : i32
      %get3A_1032 = arith.index_cast %get3A_1031 : i32 to index
      %get3A_1033 = arith.constant 32 : index
      %get3A_1034 = tpu.vector_load %arg13[%get3A_1032, %get3A_1033] {strides = array<i32>} : memref<64x64xf32, #tpu.memory_space<vmem>>, vector<16xf32>,
      %mul3A_1035 = arith.mulf %broadcast_in_dim3A_1018, %get3A_1034 : vector<16xf32>
      %add3A_1036 = arith.addf %add3A_1009, %mul3A_1035 : vector<16xf32>
      %get3A_1037 = arith.constant 35 : i32
      %get3A_1038 = arith.index_cast %get3A_1037 : i32 to index
      %get3A_1039 = arith.constant 48 : index
      %get3A_1040 = tpu.vector_load %arg13[%get3A_1038, %get3A_1039] {strides = array<i32>} : memref<64x64xf32, #tpu.memory_space<vmem>>, vector<16xf32>,
      %mul3A_1041 = arith.mulf %broadcast_in_dim3A_1018, %get3A_1040 : vector<16xf32>
      %add3A_1042 = arith.addf %add3A_1015, %mul3A_1041 : vector<16xf32>
      %slice3A_1043 = vector.extract_strided_slice %gather3A_40 {offsets = [4], sizes = [1], strides = [1]} : vector<16xf32> to vector<1xf32>
      %squeeze3A_1044 = vector.extract %slice3A_1043[0] : f32 from vector<1xf32>
      %broadcast_in_dim3A_1045 = vector.broadcast %squeeze3A_1044 : f32 to vector<16xf32>
      %get3A_1046 = arith.constant 36 : i32
      %get3A_1047 = arith.index_cast %get3A_1046 : i32 to index
      %get3A_1048 = arith.constant 0 : index
      %get3A_1049 = tpu.vector_load %arg13[%get3A_1047, %get3A_1048] {strides = array<i32>} : memref<64x64xf32, #tpu.memory_space<vmem>>, vector<16xf32>,
      %mul3A_1050 = arith.mulf %broadcast_in_dim3A_1045, %get3A_1049 : vector<16xf32>
      %add3A_1051 = arith.addf %add3A_1024, %mul3A_1050 : vector<16xf32>
      %get3A_1052 = arith.constant 36 : i32
      %get3A_1053 = arith.index_cast %get3A_1052 : i32 to index
      %get3A_1054 = arith.constant 16 : index
      %get3A_1055 = tpu.vector_load %arg13[%get3A_1053, %get3A_1054] {strides = array<i32>} : memref<64x64xf32, #tpu.memory_space<vmem>>, vector<16xf32>,
      %mul3A_1056 = arith.mulf %broadcast_in_dim3A_1045, %get3A_1055 : vector<16xf32>
      %add3A_1057 = arith.addf %add3A_1030, %mul3A_1056 : vector<16xf32>
      %get3A_1058 = arith.constant 36 : i32
      %get3A_1059 = arith.index_cast %get3A_1058 : i32 to index
      %get3A_1060 = arith.constant 32 : index
      %get3A_1061 = tpu.vector_load %arg13[%get3A_1059, %get3A_1060] {strides = array<i32>} : memref<64x64xf32, #tpu.memory_space<vmem>>, vector<16xf32>,
      %mul3A_1062 = arith.mulf %broadcast_in_dim3A_1045, %get3A_1061 : vector<16xf32>
      %add3A_1063 = arith.addf %add3A_1036, %mul3A_1062 : vector<16xf32>
      %get3A_1064 = arith.constant 36 : i32
      %get3A_1065 = arith.index_cast %get3A_1064 : i32 to index
      %get3A_1066 = arith.constant 48 : index
      %get3A_1067 = tpu.vector_load %arg13[%get3A_1065, %get3A_1066] {strides = array<i32>} : memref<64x64xf32, #tpu.memory_space<vmem>>, vector<16xf32>,
      %mul3A_1068 = arith.mulf %broadcast_in_dim3A_1045, %get3A_1067 : vector<16xf32>
      %add3A_1069 = arith.addf %add3A_1042, %mul3A_1068 : vector<16xf32>
      %slice3A_1070 = vector.extract_strided_slice %gather3A_40 {offsets = [5], sizes = [1], strides = [1]} : vector<16xf32> to vector<1xf32>
      %squeeze3A_1071 = vector.extract %slice3A_1070[0] : f32 from vector<1xf32>
      %broadcast_in_dim3A_1072 = vector.broadcast %squeeze3A_1071 : f32 to vector<16xf32>
      %get3A_1073 = arith.constant 37 : i32
      %get3A_1074 = arith.index_cast %get3A_1073 : i32 to index
      %get3A_1075 = arith.constant 0 : index
      %get3A_1076 = tpu.vector_load %arg13[%get3A_1074, %get3A_1075] {strides = array<i32>} : memref<64x64xf32, #tpu.memory_space<vmem>>, vector<16xf32>,
      %mul3A_1077 = arith.mulf %broadcast_in_dim3A_1072, %get3A_1076 : vector<16xf32>
      %add3A_1078 = arith.addf %add3A_1051, %mul3A_1077 : vector<16xf32>
      %get3A_1079 = arith.constant 37 : i32
      %get3A_1080 = arith.index_cast %get3A_1079 : i32 to index
      %get3A_1081 = arith.constant 16 : index
      %get3A_1082 = tpu.vector_load %arg13[%get3A_1080, %get3A_1081] {strides = array<i32>} : memref<64x64xf32, #tpu.memory_space<vmem>>, vector<16xf32>,
      %mul3A_1083 = arith.mulf %broadcast_in_dim3A_1072, %get3A_1082 : vector<16xf32>
      %add3A_1084 = arith.addf %add3A_1057, %mul3A_1083 : vector<16xf32>
      %get3A_1085 = arith.constant 37 : i32
      %get3A_1086 = arith.index_cast %get3A_1085 : i32 to index
      %get3A_1087 = arith.constant 32 : index
      %get3A_1088 = tpu.vector_load %arg13[%get3A_1086, %get3A_1087] {strides = array<i32>} : memref<64x64xf32, #tpu.memory_space<vmem>>, vector<16xf32>,
      %mul3A_1089 = arith.mulf %broadcast_in_dim3A_1072, %get3A_1088 : vector<16xf32>
      %add3A_1090 = arith.addf %add3A_1063, %mul3A_1089 : vector<16xf32>
      %get3A_1091 = arith.constant 37 : i32
      %get3A_1092 = arith.index_cast %get3A_1091 : i32 to index
      %get3A_1093 = arith.constant 48 : index
      %get3A_1094 = tpu.vector_load %arg13[%get3A_1092, %get3A_1093] {strides = array<i32>} : memref<64x64xf32, #tpu.memory_space<vmem>>, vector<16xf32>,
      %mul3A_1095 = arith.mulf %broadcast_in_dim3A_1072, %get3A_1094 : vector<16xf32>
      %add3A_1096 = arith.addf %add3A_1069, %mul3A_1095 : vector<16xf32>
      %slice3A_1097 = vector.extract_strided_slice %gather3A_40 {offsets = [6], sizes = [1], strides = [1]} : vector<16xf32> to vector<1xf32>
      %squeeze3A_1098 = vector.extract %slice3A_1097[0] : f32 from vector<1xf32>
      %broadcast_in_dim3A_1099 = vector.broadcast %squeeze3A_1098 : f32 to vector<16xf32>
      %get3A_1100 = arith.constant 38 : i32
      %get3A_1101 = arith.index_cast %get3A_1100 : i32 to index
      %get3A_1102 = arith.constant 0 : index
      %get3A_1103 = tpu.vector_load %arg13[%get3A_1101, %get3A_1102] {strides = array<i32>} : memref<64x64xf32, #tpu.memory_space<vmem>>, vector<16xf32>,
      %mul3A_1104 = arith.mulf %broadcast_in_dim3A_1099, %get3A_1103 : vector<16xf32>
      %add3A_1105 = arith.addf %add3A_1078, %mul3A_1104 : vector<16xf32>
      %get3A_1106 = arith.constant 38 : i32
      %get3A_1107 = arith.index_cast %get3A_1106 : i32 to index
      %get3A_1108 = arith.constant 16 : index
      %get3A_1109 = tpu.vector_load %arg13[%get3A_1107, %get3A_1108] {strides = array<i32>} : memref<64x64xf32, #tpu.memory_space<vmem>>, vector<16xf32>,
      %mul3A_1110 = arith.mulf %broadcast_in_dim3A_1099, %get3A_1109 : vector<16xf32>
      %add3A_1111 = arith.addf %add3A_1084, %mul3A_1110 : vector<16xf32>
      %get3A_1112 = arith.constant 38 : i32
      %get3A_1113 = arith.index_cast %get3A_1112 : i32 to index
      %get3A_1114 = arith.constant 32 : index
      %get3A_1115 = tpu.vector_load %arg13[%get3A_1113, %get3A_1114] {strides = array<i32>} : memref<64x64xf32, #tpu.memory_space<vmem>>, vector<16xf32>,
      %mul3A_1116 = arith.mulf %broadcast_in_dim3A_1099, %get3A_1115 : vector<16xf32>
      %add3A_1117 = arith.addf %add3A_1090, %mul3A_1116 : vector<16xf32>
      %get3A_1118 = arith.constant 38 : i32
      %get3A_1119 = arith.index_cast %get3A_1118 : i32 to index
      %get3A_1120 = arith.constant 48 : index
      %get3A_1121 = tpu.vector_load %arg13[%get3A_1119, %get3A_1120] {strides = array<i32>} : memref<64x64xf32, #tpu.memory_space<vmem>>, vector<16xf32>,
      %mul3A_1122 = arith.mulf %broadcast_in_dim3A_1099, %get3A_1121 : vector<16xf32>
      %add3A_1123 = arith.addf %add3A_1096, %mul3A_1122 : vector<16xf32>
      %slice3A_1124 = vector.extract_strided_slice %gather3A_40 {offsets = [7], sizes = [1], strides = [1]} : vector<16xf32> to vector<1xf32>
      %squeeze3A_1125 = vector.extract %slice3A_1124[0] : f32 from vector<1xf32>
      %broadcast_in_dim3A_1126 = vector.broadcast %squeeze3A_1125 : f32 to vector<16xf32>
      %get3A_1127 = arith.constant 39 : i32
      %get3A_1128 = arith.index_cast %get3A_1127 : i32 to index
      %get3A_1129 = arith.constant 0 : index
      %get3A_1130 = tpu.vector_load %arg13[%get3A_1128, %get3A_1129] {strides = array<i32>} : memref<64x64xf32, #tpu.memory_space<vmem>>, vector<16xf32>,
      %mul3A_1131 = arith.mulf %broadcast_in_dim3A_1126, %get3A_1130 : vector<16xf32>
      %add3A_1132 = arith.addf %add3A_1105, %mul3A_1131 : vector<16xf32>
      %get3A_1133 = arith.constant 39 : i32
      %get3A_1134 = arith.index_cast %get3A_1133 : i32 to index
      %get3A_1135 = arith.constant 16 : index
      %get3A_1136 = tpu.vector_load %arg13[%get3A_1134, %get3A_1135] {strides = array<i32>} : memref<64x64xf32, #tpu.memory_space<vmem>>, vector<16xf32>,
      %mul3A_1137 = arith.mulf %broadcast_in_dim3A_1126, %get3A_1136 : vector<16xf32>
      %add3A_1138 = arith.addf %add3A_1111, %mul3A_1137 : vector<16xf32>
      %get3A_1139 = arith.constant 39 : i32
      %get3A_1140 = arith.index_cast %get3A_1139 : i32 to index
      %get3A_1141 = arith.constant 32 : index
      %get3A_1142 = tpu.vector_load %arg13[%get3A_1140, %get3A_1141] {strides = array<i32>} : memref<64x64xf32, #tpu.memory_space<vmem>>, vector<16xf32>,
      %mul3A_1143 = arith.mulf %broadcast_in_dim3A_1126, %get3A_1142 : vector<16xf32>
      %add3A_1144 = arith.addf %add3A_1117, %mul3A_1143 : vector<16xf32>
      %get3A_1145 = arith.constant 39 : i32
      %get3A_1146 = arith.index_cast %get3A_1145 : i32 to index
      %get3A_1147 = arith.constant 48 : index
      %get3A_1148 = tpu.vector_load %arg13[%get3A_1146, %get3A_1147] {strides = array<i32>} : memref<64x64xf32, #tpu.memory_space<vmem>>, vector<16xf32>,
      %mul3A_1149 = arith.mulf %broadcast_in_dim3A_1126, %get3A_1148 : vector<16xf32>
      %add3A_1150 = arith.addf %add3A_1123, %mul3A_1149 : vector<16xf32>
      %slice3A_1151 = vector.extract_strided_slice %gather3A_40 {offsets = [8], sizes = [1], strides = [1]} : vector<16xf32> to vector<1xf32>
      %squeeze3A_1152 = vector.extract %slice3A_1151[0] : f32 from vector<1xf32>
      %broadcast_in_dim3A_1153 = vector.broadcast %squeeze3A_1152 : f32 to vector<16xf32>
      %get3A_1154 = arith.constant 40 : i32
      %get3A_1155 = arith.index_cast %get3A_1154 : i32 to index
      %get3A_1156 = arith.constant 0 : index
      %get3A_1157 = tpu.vector_load %arg13[%get3A_1155, %get3A_1156] {strides = array<i32>} : memref<64x64xf32, #tpu.memory_space<vmem>>, vector<16xf32>,
      %mul3A_1158 = arith.mulf %broadcast_in_dim3A_1153, %get3A_1157 : vector<16xf32>
      %add3A_1159 = arith.addf %add3A_1132, %mul3A_1158 : vector<16xf32>
      %get3A_1160 = arith.constant 40 : i32
      %get3A_1161 = arith.index_cast %get3A_1160 : i32 to index
      %get3A_1162 = arith.constant 16 : index
      %get3A_1163 = tpu.vector_load %arg13[%get3A_1161, %get3A_1162] {strides = array<i32>} : memref<64x64xf32, #tpu.memory_space<vmem>>, vector<16xf32>,
      %mul3A_1164 = arith.mulf %broadcast_in_dim3A_1153, %get3A_1163 : vector<16xf32>
      %add3A_1165 = arith.addf %add3A_1138, %mul3A_1164 : vector<16xf32>
      %get3A_1166 = arith.constant 40 : i32
      %get3A_1167 = arith.index_cast %get3A_1166 : i32 to index
      %get3A_1168 = arith.constant 32 : index
      %get3A_1169 = tpu.vector_load %arg13[%get3A_1167, %get3A_1168] {strides = array<i32>} : memref<64x64xf32, #tpu.memory_space<vmem>>, vector<16xf32>,
      %mul3A_1170 = arith.mulf %broadcast_in_dim3A_1153, %get3A_1169 : vector<16xf32>
      %add3A_1171 = arith.addf %add3A_1144, %mul3A_1170 : vector<16xf32>
      %get3A_1172 = arith.constant 40 : i32
      %get3A_1173 = arith.index_cast %get3A_1172 : i32 to index
      %get3A_1174 = arith.constant 48 : index
      %get3A_1175 = tpu.vector_load %arg13[%get3A_1173, %get3A_1174] {strides = array<i32>} : memref<64x64xf32, #tpu.memory_space<vmem>>, vector<16xf32>,
      %mul3A_1176 = arith.mulf %broadcast_in_dim3A_1153, %get3A_1175 : vector<16xf32>
      %add3A_1177 = arith.addf %add3A_1150, %mul3A_1176 : vector<16xf32>
      %slice3A_1178 = vector.extract_strided_slice %gather3A_40 {offsets = [9], sizes = [1], strides = [1]} : vector<16xf32> to vector<1xf32>
      %squeeze3A_1179 = vector.extract %slice3A_1178[0] : f32 from vector<1xf32>
      %broadcast_in_dim3A_1180 = vector.broadcast %squeeze3A_1179 : f32 to vector<16xf32>
      %get3A_1181 = arith.constant 41 : i32
      %get3A_1182 = arith.index_cast %get3A_1181 : i32 to index
      %get3A_1183 = arith.constant 0 : index
      %get3A_1184 = tpu.vector_load %arg13[%get3A_1182, %get3A_1183] {strides = array<i32>} : memref<64x64xf32, #tpu.memory_space<vmem>>, vector<16xf32>,
      %mul3A_1185 = arith.mulf %broadcast_in_dim3A_1180, %get3A_1184 : vector<16xf32>
      %add3A_1186 = arith.addf %add3A_1159, %mul3A_1185 : vector<16xf32>
      %get3A_1187 = arith.constant 41 : i32
      %get3A_1188 = arith.index_cast %get3A_1187 : i32 to index
      %get3A_1189 = arith.constant 16 : index
      %get3A_1190 = tpu.vector_load %arg13[%get3A_1188, %get3A_1189] {strides = array<i32>} : memref<64x64xf32, #tpu.memory_space<vmem>>, vector<16xf32>,
      %mul3A_1191 = arith.mulf %broadcast_in_dim3A_1180, %get3A_1190 : vector<16xf32>
      %add3A_1192 = arith.addf %add3A_1165, %mul3A_1191 : vector<16xf32>
      %get3A_1193 = arith.constant 41 : i32
      %get3A_1194 = arith.index_cast %get3A_1193 : i32 to index
      %get3A_1195 = arith.constant 32 : index
      %get3A_1196 = tpu.vector_load %arg13[%get3A_1194, %get3A_1195] {strides = array<i32>} : memref<64x64xf32, #tpu.memory_space<vmem>>, vector<16xf32>,
      %mul3A_1197 = arith.mulf %broadcast_in_dim3A_1180, %get3A_1196 : vector<16xf32>
      %add3A_1198 = arith.addf %add3A_1171, %mul3A_1197 : vector<16xf32>
      %get3A_1199 = arith.constant 41 : i32
      %get3A_1200 = arith.index_cast %get3A_1199 : i32 to index
      %get3A_1201 = arith.constant 48 : index
      %get3A_1202 = tpu.vector_load %arg13[%get3A_1200, %get3A_1201] {strides = array<i32>} : memref<64x64xf32, #tpu.memory_space<vmem>>, vector<16xf32>,
      %mul3A_1203 = arith.mulf %broadcast_in_dim3A_1180, %get3A_1202 : vector<16xf32>
      %add3A_1204 = arith.addf %add3A_1177, %mul3A_1203 : vector<16xf32>
      %slice3A_1205 = vector.extract_strided_slice %gather3A_40 {offsets = [10], sizes = [1], strides = [1]} : vector<16xf32> to vector<1xf32>
      %squeeze3A_1206 = vector.extract %slice3A_1205[0] : f32 from vector<1xf32>
      %broadcast_in_dim3A_1207 = vector.broadcast %squeeze3A_1206 : f32 to vector<16xf32>
      %get3A_1208 = arith.constant 42 : i32
      %get3A_1209 = arith.index_cast %get3A_1208 : i32 to index
      %get3A_1210 = arith.constant 0 : index
      %get3A_1211 = tpu.vector_load %arg13[%get3A_1209, %get3A_1210] {strides = array<i32>} : memref<64x64xf32, #tpu.memory_space<vmem>>, vector<16xf32>,
      %mul3A_1212 = arith.mulf %broadcast_in_dim3A_1207, %get3A_1211 : vector<16xf32>
      %add3A_1213 = arith.addf %add3A_1186, %mul3A_1212 : vector<16xf32>
      %get3A_1214 = arith.constant 42 : i32
      %get3A_1215 = arith.index_cast %get3A_1214 : i32 to index
      %get3A_1216 = arith.constant 16 : index
      %get3A_1217 = tpu.vector_load %arg13[%get3A_1215, %get3A_1216] {strides = array<i32>} : memref<64x64xf32, #tpu.memory_space<vmem>>, vector<16xf32>,
      %mul3A_1218 = arith.mulf %broadcast_in_dim3A_1207, %get3A_1217 : vector<16xf32>
      %add3A_1219 = arith.addf %add3A_1192, %mul3A_1218 : vector<16xf32>
      %get3A_1220 = arith.constant 42 : i32
      %get3A_1221 = arith.index_cast %get3A_1220 : i32 to index
      %get3A_1222 = arith.constant 32 : index
      %get3A_1223 = tpu.vector_load %arg13[%get3A_1221, %get3A_1222] {strides = array<i32>} : memref<64x64xf32, #tpu.memory_space<vmem>>, vector<16xf32>,
      %mul3A_1224 = arith.mulf %broadcast_in_dim3A_1207, %get3A_1223 : vector<16xf32>
      %add3A_1225 = arith.addf %add3A_1198, %mul3A_1224 : vector<16xf32>
      %get3A_1226 = arith.constant 42 : i32
      %get3A_1227 = arith.index_cast %get3A_1226 : i32 to index
      %get3A_1228 = arith.constant 48 : index
      %get3A_1229 = tpu.vector_load %arg13[%get3A_1227, %get3A_1228] {strides = array<i32>} : memref<64x64xf32, #tpu.memory_space<vmem>>, vector<16xf32>,
      %mul3A_1230 = arith.mulf %broadcast_in_dim3A_1207, %get3A_1229 : vector<16xf32>
      %add3A_1231 = arith.addf %add3A_1204, %mul3A_1230 : vector<16xf32>
      %slice3A_1232 = vector.extract_strided_slice %gather3A_40 {offsets = [11], sizes = [1], strides = [1]} : vector<16xf32> to vector<1xf32>
      %squeeze3A_1233 = vector.extract %slice3A_1232[0] : f32 from vector<1xf32>
      %broadcast_in_dim3A_1234 = vector.broadcast %squeeze3A_1233 : f32 to vector<16xf32>
      %get3A_1235 = arith.constant 43 : i32
      %get3A_1236 = arith.index_cast %get3A_1235 : i32 to index
      %get3A_1237 = arith.constant 0 : index
      %get3A_1238 = tpu.vector_load %arg13[%get3A_1236, %get3A_1237] {strides = array<i32>} : memref<64x64xf32, #tpu.memory_space<vmem>>, vector<16xf32>,
      %mul3A_1239 = arith.mulf %broadcast_in_dim3A_1234, %get3A_1238 : vector<16xf32>
      %add3A_1240 = arith.addf %add3A_1213, %mul3A_1239 : vector<16xf32>
      %get3A_1241 = arith.constant 43 : i32
      %get3A_1242 = arith.index_cast %get3A_1241 : i32 to index
      %get3A_1243 = arith.constant 16 : index
      %get3A_1244 = tpu.vector_load %arg13[%get3A_1242, %get3A_1243] {strides = array<i32>} : memref<64x64xf32, #tpu.memory_space<vmem>>, vector<16xf32>,
      %mul3A_1245 = arith.mulf %broadcast_in_dim3A_1234, %get3A_1244 : vector<16xf32>
      %add3A_1246 = arith.addf %add3A_1219, %mul3A_1245 : vector<16xf32>
      %get3A_1247 = arith.constant 43 : i32
      %get3A_1248 = arith.index_cast %get3A_1247 : i32 to index
      %get3A_1249 = arith.constant 32 : index
      %get3A_1250 = tpu.vector_load %arg13[%get3A_1248, %get3A_1249] {strides = array<i32>} : memref<64x64xf32, #tpu.memory_space<vmem>>, vector<16xf32>,
      %mul3A_1251 = arith.mulf %broadcast_in_dim3A_1234, %get3A_1250 : vector<16xf32>
      %add3A_1252 = arith.addf %add3A_1225, %mul3A_1251 : vector<16xf32>
      %get3A_1253 = arith.constant 43 : i32
      %get3A_1254 = arith.index_cast %get3A_1253 : i32 to index
      %get3A_1255 = arith.constant 48 : index
      %get3A_1256 = tpu.vector_load %arg13[%get3A_1254, %get3A_1255] {strides = array<i32>} : memref<64x64xf32, #tpu.memory_space<vmem>>, vector<16xf32>,
      %mul3A_1257 = arith.mulf %broadcast_in_dim3A_1234, %get3A_1256 : vector<16xf32>
      %add3A_1258 = arith.addf %add3A_1231, %mul3A_1257 : vector<16xf32>
      %slice3A_1259 = vector.extract_strided_slice %gather3A_40 {offsets = [12], sizes = [1], strides = [1]} : vector<16xf32> to vector<1xf32>
      %squeeze3A_1260 = vector.extract %slice3A_1259[0] : f32 from vector<1xf32>
      %broadcast_in_dim3A_1261 = vector.broadcast %squeeze3A_1260 : f32 to vector<16xf32>
      %get3A_1262 = arith.constant 44 : i32
      %get3A_1263 = arith.index_cast %get3A_1262 : i32 to index
      %get3A_1264 = arith.constant 0 : index
      %get3A_1265 = tpu.vector_load %arg13[%get3A_1263, %get3A_1264] {strides = array<i32>} : memref<64x64xf32, #tpu.memory_space<vmem>>, vector<16xf32>,
      %mul3A_1266 = arith.mulf %broadcast_in_dim3A_1261, %get3A_1265 : vector<16xf32>
      %add3A_1267 = arith.addf %add3A_1240, %mul3A_1266 : vector<16xf32>
      %get3A_1268 = arith.constant 44 : i32
      %get3A_1269 = arith.index_cast %get3A_1268 : i32 to index
      %get3A_1270 = arith.constant 16 : index
      %get3A_1271 = tpu.vector_load %arg13[%get3A_1269, %get3A_1270] {strides = array<i32>} : memref<64x64xf32, #tpu.memory_space<vmem>>, vector<16xf32>,
      %mul3A_1272 = arith.mulf %broadcast_in_dim3A_1261, %get3A_1271 : vector<16xf32>
      %add3A_1273 = arith.addf %add3A_1246, %mul3A_1272 : vector<16xf32>
      %get3A_1274 = arith.constant 44 : i32
      %get3A_1275 = arith.index_cast %get3A_1274 : i32 to index
      %get3A_1276 = arith.constant 32 : index
      %get3A_1277 = tpu.vector_load %arg13[%get3A_1275, %get3A_1276] {strides = array<i32>} : memref<64x64xf32, #tpu.memory_space<vmem>>, vector<16xf32>,
      %mul3A_1278 = arith.mulf %broadcast_in_dim3A_1261, %get3A_1277 : vector<16xf32>
      %add3A_1279 = arith.addf %add3A_1252, %mul3A_1278 : vector<16xf32>
      %get3A_1280 = arith.constant 44 : i32
      %get3A_1281 = arith.index_cast %get3A_1280 : i32 to index
      %get3A_1282 = arith.constant 48 : index
      %get3A_1283 = tpu.vector_load %arg13[%get3A_1281, %get3A_1282] {strides = array<i32>} : memref<64x64xf32, #tpu.memory_space<vmem>>, vector<16xf32>,
      %mul3A_1284 = arith.mulf %broadcast_in_dim3A_1261, %get3A_1283 : vector<16xf32>
      %add3A_1285 = arith.addf %add3A_1258, %mul3A_1284 : vector<16xf32>
      %slice3A_1286 = vector.extract_strided_slice %gather3A_40 {offsets = [13], sizes = [1], strides = [1]} : vector<16xf32> to vector<1xf32>
      %squeeze3A_1287 = vector.extract %slice3A_1286[0] : f32 from vector<1xf32>
      %broadcast_in_dim3A_1288 = vector.broadcast %squeeze3A_1287 : f32 to vector<16xf32>
      %get3A_1289 = arith.constant 45 : i32
      %get3A_1290 = arith.index_cast %get3A_1289 : i32 to index
      %get3A_1291 = arith.constant 0 : index
      %get3A_1292 = tpu.vector_load %arg13[%get3A_1290, %get3A_1291] {strides = array<i32>} : memref<64x64xf32, #tpu.memory_space<vmem>>, vector<16xf32>,
      %mul3A_1293 = arith.mulf %broadcast_in_dim3A_1288, %get3A_1292 : vector<16xf32>
      %add3A_1294 = arith.addf %add3A_1267, %mul3A_1293 : vector<16xf32>
      %get3A_1295 = arith.constant 45 : i32
      %get3A_1296 = arith.index_cast %get3A_1295 : i32 to index
      %get3A_1297 = arith.constant 16 : index
      %get3A_1298 = tpu.vector_load %arg13[%get3A_1296, %get3A_1297] {strides = array<i32>} : memref<64x64xf32, #tpu.memory_space<vmem>>, vector<16xf32>,
      %mul3A_1299 = arith.mulf %broadcast_in_dim3A_1288, %get3A_1298 : vector<16xf32>
      %add3A_1300 = arith.addf %add3A_1273, %mul3A_1299 : vector<16xf32>
      %get3A_1301 = arith.constant 45 : i32
      %get3A_1302 = arith.index_cast %get3A_1301 : i32 to index
      %get3A_1303 = arith.constant 32 : index
      %get3A_1304 = tpu.vector_load %arg13[%get3A_1302, %get3A_1303] {strides = array<i32>} : memref<64x64xf32, #tpu.memory_space<vmem>>, vector<16xf32>,
      %mul3A_1305 = arith.mulf %broadcast_in_dim3A_1288, %get3A_1304 : vector<16xf32>
      %add3A_1306 = arith.addf %add3A_1279, %mul3A_1305 : vector<16xf32>
      %get3A_1307 = arith.constant 45 : i32
      %get3A_1308 = arith.index_cast %get3A_1307 : i32 to index
      %get3A_1309 = arith.constant 48 : index
      %get3A_1310 = tpu.vector_load %arg13[%get3A_1308, %get3A_1309] {strides = array<i32>} : memref<64x64xf32, #tpu.memory_space<vmem>>, vector<16xf32>,
      %mul3A_1311 = arith.mulf %broadcast_in_dim3A_1288, %get3A_1310 : vector<16xf32>
      %add3A_1312 = arith.addf %add3A_1285, %mul3A_1311 : vector<16xf32>
      %slice3A_1313 = vector.extract_strided_slice %gather3A_40 {offsets = [14], sizes = [1], strides = [1]} : vector<16xf32> to vector<1xf32>
      %squeeze3A_1314 = vector.extract %slice3A_1313[0] : f32 from vector<1xf32>
      %broadcast_in_dim3A_1315 = vector.broadcast %squeeze3A_1314 : f32 to vector<16xf32>
      %get3A_1316 = arith.constant 46 : i32
      %get3A_1317 = arith.index_cast %get3A_1316 : i32 to index
      %get3A_1318 = arith.constant 0 : index
      %get3A_1319 = tpu.vector_load %arg13[%get3A_1317, %get3A_1318] {strides = array<i32>} : memref<64x64xf32, #tpu.memory_space<vmem>>, vector<16xf32>,
      %mul3A_1320 = arith.mulf %broadcast_in_dim3A_1315, %get3A_1319 : vector<16xf32>
      %add3A_1321 = arith.addf %add3A_1294, %mul3A_1320 : vector<16xf32>
      %get3A_1322 = arith.constant 46 : i32
      %get3A_1323 = arith.index_cast %get3A_1322 : i32 to index
      %get3A_1324 = arith.constant 16 : index
      %get3A_1325 = tpu.vector_load %arg13[%get3A_1323, %get3A_1324] {strides = array<i32>} : memref<64x64xf32, #tpu.memory_space<vmem>>, vector<16xf32>,
      %mul3A_1326 = arith.mulf %broadcast_in_dim3A_1315, %get3A_1325 : vector<16xf32>
      %add3A_1327 = arith.addf %add3A_1300, %mul3A_1326 : vector<16xf32>
      %get3A_1328 = arith.constant 46 : i32
      %get3A_1329 = arith.index_cast %get3A_1328 : i32 to index
      %get3A_1330 = arith.constant 32 : index
      %get3A_1331 = tpu.vector_load %arg13[%get3A_1329, %get3A_1330] {strides = array<i32>} : memref<64x64xf32, #tpu.memory_space<vmem>>, vector<16xf32>,
      %mul3A_1332 = arith.mulf %broadcast_in_dim3A_1315, %get3A_1331 : vector<16xf32>
      %add3A_1333 = arith.addf %add3A_1306, %mul3A_1332 : vector<16xf32>
      %get3A_1334 = arith.constant 46 : i32
      %get3A_1335 = arith.index_cast %get3A_1334 : i32 to index
      %get3A_1336 = arith.constant 48 : index
      %get3A_1337 = tpu.vector_load %arg13[%get3A_1335, %get3A_1336] {strides = array<i32>} : memref<64x64xf32, #tpu.memory_space<vmem>>, vector<16xf32>,
      %mul3A_1338 = arith.mulf %broadcast_in_dim3A_1315, %get3A_1337 : vector<16xf32>
      %add3A_1339 = arith.addf %add3A_1312, %mul3A_1338 : vector<16xf32>
      %slice3A_1340 = vector.extract_strided_slice %gather3A_40 {offsets = [15], sizes = [1], strides = [1]} : vector<16xf32> to vector<1xf32>
      %squeeze3A_1341 = vector.extract %slice3A_1340[0] : f32 from vector<1xf32>
      %broadcast_in_dim3A_1342 = vector.broadcast %squeeze3A_1341 : f32 to vector<16xf32>
      %get3A_1343 = arith.constant 47 : i32
      %get3A_1344 = arith.index_cast %get3A_1343 : i32 to index
      %get3A_1345 = arith.constant 0 : index
      %get3A_1346 = tpu.vector_load %arg13[%get3A_1344, %get3A_1345] {strides = array<i32>} : memref<64x64xf32, #tpu.memory_space<vmem>>, vector<16xf32>,
      %mul3A_1347 = arith.mulf %broadcast_in_dim3A_1342, %get3A_1346 : vector<16xf32>
      %add3A_1348 = arith.addf %add3A_1321, %mul3A_1347 : vector<16xf32>
      %get3A_1349 = arith.constant 47 : i32
      %get3A_1350 = arith.index_cast %get3A_1349 : i32 to index
      %get3A_1351 = arith.constant 16 : index
      %get3A_1352 = tpu.vector_load %arg13[%get3A_1350, %get3A_1351] {strides = array<i32>} : memref<64x64xf32, #tpu.memory_space<vmem>>, vector<16xf32>,
      %mul3A_1353 = arith.mulf %broadcast_in_dim3A_1342, %get3A_1352 : vector<16xf32>
      %add3A_1354 = arith.addf %add3A_1327, %mul3A_1353 : vector<16xf32>
      %get3A_1355 = arith.constant 47 : i32
      %get3A_1356 = arith.index_cast %get3A_1355 : i32 to index
      %get3A_1357 = arith.constant 32 : index
      %get3A_1358 = tpu.vector_load %arg13[%get3A_1356, %get3A_1357] {strides = array<i32>} : memref<64x64xf32, #tpu.memory_space<vmem>>, vector<16xf32>,
      %mul3A_1359 = arith.mulf %broadcast_in_dim3A_1342, %get3A_1358 : vector<16xf32>
      %add3A_1360 = arith.addf %add3A_1333, %mul3A_1359 : vector<16xf32>
      %get3A_1361 = arith.constant 47 : i32
      %get3A_1362 = arith.index_cast %get3A_1361 : i32 to index
      %get3A_1363 = arith.constant 48 : index
      %get3A_1364 = tpu.vector_load %arg13[%get3A_1362, %get3A_1363] {strides = array<i32>} : memref<64x64xf32, #tpu.memory_space<vmem>>, vector<16xf32>,
      %mul3A_1365 = arith.mulf %broadcast_in_dim3A_1342, %get3A_1364 : vector<16xf32>
      %add3A_1366 = arith.addf %add3A_1339, %mul3A_1365 : vector<16xf32>
      %slice3A_1367 = vector.extract_strided_slice %gather3A_44 {offsets = [0], sizes = [1], strides = [1]} : vector<16xf32> to vector<1xf32>
      %squeeze3A_1368 = vector.extract %slice3A_1367[0] : f32 from vector<1xf32>
      %broadcast_in_dim3A_1369 = vector.broadcast %squeeze3A_1368 : f32 to vector<16xf32>
      %get3A_1370 = arith.constant 48 : i32
      %get3A_1371 = arith.index_cast %get3A_1370 : i32 to index
      %get3A_1372 = arith.constant 0 : index
      %get3A_1373 = tpu.vector_load %arg13[%get3A_1371, %get3A_1372] {strides = array<i32>} : memref<64x64xf32, #tpu.memory_space<vmem>>, vector<16xf32>,
      %mul3A_1374 = arith.mulf %broadcast_in_dim3A_1369, %get3A_1373 : vector<16xf32>
      %add3A_1375 = arith.addf %add3A_1348, %mul3A_1374 : vector<16xf32>
      %get3A_1376 = arith.constant 48 : i32
      %get3A_1377 = arith.index_cast %get3A_1376 : i32 to index
      %get3A_1378 = arith.constant 16 : index
      %get3A_1379 = tpu.vector_load %arg13[%get3A_1377, %get3A_1378] {strides = array<i32>} : memref<64x64xf32, #tpu.memory_space<vmem>>, vector<16xf32>,
      %mul3A_1380 = arith.mulf %broadcast_in_dim3A_1369, %get3A_1379 : vector<16xf32>
      %add3A_1381 = arith.addf %add3A_1354, %mul3A_1380 : vector<16xf32>
      %get3A_1382 = arith.constant 48 : i32
      %get3A_1383 = arith.index_cast %get3A_1382 : i32 to index
      %get3A_1384 = arith.constant 32 : index
      %get3A_1385 = tpu.vector_load %arg13[%get3A_1383, %get3A_1384] {strides = array<i32>} : memref<64x64xf32, #tpu.memory_space<vmem>>, vector<16xf32>,
      %mul3A_1386 = arith.mulf %broadcast_in_dim3A_1369, %get3A_1385 : vector<16xf32>
      %add3A_1387 = arith.addf %add3A_1360, %mul3A_1386 : vector<16xf32>
      %get3A_1388 = arith.constant 48 : i32
      %get3A_1389 = arith.index_cast %get3A_1388 : i32 to index
      %get3A_1390 = arith.constant 48 : index
      %get3A_1391 = tpu.vector_load %arg13[%get3A_1389, %get3A_1390] {strides = array<i32>} : memref<64x64xf32, #tpu.memory_space<vmem>>, vector<16xf32>,
      %mul3A_1392 = arith.mulf %broadcast_in_dim3A_1369, %get3A_1391 : vector<16xf32>
      %add3A_1393 = arith.addf %add3A_1366, %mul3A_1392 : vector<16xf32>
      %slice3A_1394 = vector.extract_strided_slice %gather3A_44 {offsets = [1], sizes = [1], strides = [1]} : vector<16xf32> to vector<1xf32>
      %squeeze3A_1395 = vector.extract %slice3A_1394[0] : f32 from vector<1xf32>
      %broadcast_in_dim3A_1396 = vector.broadcast %squeeze3A_1395 : f32 to vector<16xf32>
      %get3A_1397 = arith.constant 49 : i32
      %get3A_1398 = arith.index_cast %get3A_1397 : i32 to index
      %get3A_1399 = arith.constant 0 : index
      %get3A_1400 = tpu.vector_load %arg13[%get3A_1398, %get3A_1399] {strides = array<i32>} : memref<64x64xf32, #tpu.memory_space<vmem>>, vector<16xf32>,
      %mul3A_1401 = arith.mulf %broadcast_in_dim3A_1396, %get3A_1400 : vector<16xf32>
      %add3A_1402 = arith.addf %add3A_1375, %mul3A_1401 : vector<16xf32>
      %get3A_1403 = arith.constant 49 : i32
      %get3A_1404 = arith.index_cast %get3A_1403 : i32 to index
      %get3A_1405 = arith.constant 16 : index
      %get3A_1406 = tpu.vector_load %arg13[%get3A_1404, %get3A_1405] {strides = array<i32>} : memref<64x64xf32, #tpu.memory_space<vmem>>, vector<16xf32>,
      %mul3A_1407 = arith.mulf %broadcast_in_dim3A_1396, %get3A_1406 : vector<16xf32>
      %add3A_1408 = arith.addf %add3A_1381, %mul3A_1407 : vector<16xf32>
      %get3A_1409 = arith.constant 49 : i32
      %get3A_1410 = arith.index_cast %get3A_1409 : i32 to index
      %get3A_1411 = arith.constant 32 : index
      %get3A_1412 = tpu.vector_load %arg13[%get3A_1410, %get3A_1411] {strides = array<i32>} : memref<64x64xf32, #tpu.memory_space<vmem>>, vector<16xf32>,
      %mul3A_1413 = arith.mulf %broadcast_in_dim3A_1396, %get3A_1412 : vector<16xf32>
      %add3A_1414 = arith.addf %add3A_1387, %mul3A_1413 : vector<16xf32>
      %get3A_1415 = arith.constant 49 : i32
      %get3A_1416 = arith.index_cast %get3A_1415 : i32 to index
      %get3A_1417 = arith.constant 48 : index
      %get3A_1418 = tpu.vector_load %arg13[%get3A_1416, %get3A_1417] {strides = array<i32>} : memref<64x64xf32, #tpu.memory_space<vmem>>, vector<16xf32>,
      %mul3A_1419 = arith.mulf %broadcast_in_dim3A_1396, %get3A_1418 : vector<16xf32>
      %add3A_1420 = arith.addf %add3A_1393, %mul3A_1419 : vector<16xf32>
      %slice3A_1421 = vector.extract_strided_slice %gather3A_44 {offsets = [2], sizes = [1], strides = [1]} : vector<16xf32> to vector<1xf32>
      %squeeze3A_1422 = vector.extract %slice3A_1421[0] : f32 from vector<1xf32>
      %broadcast_in_dim3A_1423 = vector.broadcast %squeeze3A_1422 : f32 to vector<16xf32>
      %get3A_1424 = arith.constant 50 : i32
      %get3A_1425 = arith.index_cast %get3A_1424 : i32 to index
      %get3A_1426 = arith.constant 0 : index
      %get3A_1427 = tpu.vector_load %arg13[%get3A_1425, %get3A_1426] {strides = array<i32>} : memref<64x64xf32, #tpu.memory_space<vmem>>, vector<16xf32>,
      %mul3A_1428 = arith.mulf %broadcast_in_dim3A_1423, %get3A_1427 : vector<16xf32>
      %add3A_1429 = arith.addf %add3A_1402, %mul3A_1428 : vector<16xf32>
      %get3A_1430 = arith.constant 50 : i32
      %get3A_1431 = arith.index_cast %get3A_1430 : i32 to index
      %get3A_1432 = arith.constant 16 : index
      %get3A_1433 = tpu.vector_load %arg13[%get3A_1431, %get3A_1432] {strides = array<i32>} : memref<64x64xf32, #tpu.memory_space<vmem>>, vector<16xf32>,
      %mul3A_1434 = arith.mulf %broadcast_in_dim3A_1423, %get3A_1433 : vector<16xf32>
      %add3A_1435 = arith.addf %add3A_1408, %mul3A_1434 : vector<16xf32>
      %get3A_1436 = arith.constant 50 : i32
      %get3A_1437 = arith.index_cast %get3A_1436 : i32 to index
      %get3A_1438 = arith.constant 32 : index
      %get3A_1439 = tpu.vector_load %arg13[%get3A_1437, %get3A_1438] {strides = array<i32>} : memref<64x64xf32, #tpu.memory_space<vmem>>, vector<16xf32>,
      %mul3A_1440 = arith.mulf %broadcast_in_dim3A_1423, %get3A_1439 : vector<16xf32>
      %add3A_1441 = arith.addf %add3A_1414, %mul3A_1440 : vector<16xf32>
      %get3A_1442 = arith.constant 50 : i32
      %get3A_1443 = arith.index_cast %get3A_1442 : i32 to index
      %get3A_1444 = arith.constant 48 : index
      %get3A_1445 = tpu.vector_load %arg13[%get3A_1443, %get3A_1444] {strides = array<i32>} : memref<64x64xf32, #tpu.memory_space<vmem>>, vector<16xf32>,
      %mul3A_1446 = arith.mulf %broadcast_in_dim3A_1423, %get3A_1445 : vector<16xf32>
      %add3A_1447 = arith.addf %add3A_1420, %mul3A_1446 : vector<16xf32>
      %slice3A_1448 = vector.extract_strided_slice %gather3A_44 {offsets = [3], sizes = [1], strides = [1]} : vector<16xf32> to vector<1xf32>
      %squeeze3A_1449 = vector.extract %slice3A_1448[0] : f32 from vector<1xf32>
      %broadcast_in_dim3A_1450 = vector.broadcast %squeeze3A_1449 : f32 to vector<16xf32>
      %get3A_1451 = arith.constant 51 : i32
      %get3A_1452 = arith.index_cast %get3A_1451 : i32 to index
      %get3A_1453 = arith.constant 0 : index
      %get3A_1454 = tpu.vector_load %arg13[%get3A_1452, %get3A_1453] {strides = array<i32>} : memref<64x64xf32, #tpu.memory_space<vmem>>, vector<16xf32>,
      %mul3A_1455 = arith.mulf %broadcast_in_dim3A_1450, %get3A_1454 : vector<16xf32>
      %add3A_1456 = arith.addf %add3A_1429, %mul3A_1455 : vector<16xf32>
      %get3A_1457 = arith.constant 51 : i32
      %get3A_1458 = arith.index_cast %get3A_1457 : i32 to index
      %get3A_1459 = arith.constant 16 : index
      %get3A_1460 = tpu.vector_load %arg13[%get3A_1458, %get3A_1459] {strides = array<i32>} : memref<64x64xf32, #tpu.memory_space<vmem>>, vector<16xf32>,
      %mul3A_1461 = arith.mulf %broadcast_in_dim3A_1450, %get3A_1460 : vector<16xf32>
      %add3A_1462 = arith.addf %add3A_1435, %mul3A_1461 : vector<16xf32>
      %get3A_1463 = arith.constant 51 : i32
      %get3A_1464 = arith.index_cast %get3A_1463 : i32 to index
      %get3A_1465 = arith.constant 32 : index
      %get3A_1466 = tpu.vector_load %arg13[%get3A_1464, %get3A_1465] {strides = array<i32>} : memref<64x64xf32, #tpu.memory_space<vmem>>, vector<16xf32>,
      %mul3A_1467 = arith.mulf %broadcast_in_dim3A_1450, %get3A_1466 : vector<16xf32>
      %add3A_1468 = arith.addf %add3A_1441, %mul3A_1467 : vector<16xf32>
      %get3A_1469 = arith.constant 51 : i32
      %get3A_1470 = arith.index_cast %get3A_1469 : i32 to index
      %get3A_1471 = arith.constant 48 : index
      %get3A_1472 = tpu.vector_load %arg13[%get3A_1470, %get3A_1471] {strides = array<i32>} : memref<64x64xf32, #tpu.memory_space<vmem>>, vector<16xf32>,
      %mul3A_1473 = arith.mulf %broadcast_in_dim3A_1450, %get3A_1472 : vector<16xf32>
      %add3A_1474 = arith.addf %add3A_1447, %mul3A_1473 : vector<16xf32>
      %slice3A_1475 = vector.extract_strided_slice %gather3A_44 {offsets = [4], sizes = [1], strides = [1]} : vector<16xf32> to vector<1xf32>
      %squeeze3A_1476 = vector.extract %slice3A_1475[0] : f32 from vector<1xf32>
      %broadcast_in_dim3A_1477 = vector.broadcast %squeeze3A_1476 : f32 to vector<16xf32>
      %get3A_1478 = arith.constant 52 : i32
      %get3A_1479 = arith.index_cast %get3A_1478 : i32 to index
      %get3A_1480 = arith.constant 0 : index
      %get3A_1481 = tpu.vector_load %arg13[%get3A_1479, %get3A_1480] {strides = array<i32>} : memref<64x64xf32, #tpu.memory_space<vmem>>, vector<16xf32>,
      %mul3A_1482 = arith.mulf %broadcast_in_dim3A_1477, %get3A_1481 : vector<16xf32>
      %add3A_1483 = arith.addf %add3A_1456, %mul3A_1482 : vector<16xf32>
      %get3A_1484 = arith.constant 52 : i32
      %get3A_1485 = arith.index_cast %get3A_1484 : i32 to index
      %get3A_1486 = arith.constant 16 : index
      %get3A_1487 = tpu.vector_load %arg13[%get3A_1485, %get3A_1486] {strides = array<i32>} : memref<64x64xf32, #tpu.memory_space<vmem>>, vector<16xf32>,
      %mul3A_1488 = arith.mulf %broadcast_in_dim3A_1477, %get3A_1487 : vector<16xf32>
      %add3A_1489 = arith.addf %add3A_1462, %mul3A_1488 : vector<16xf32>
      %get3A_1490 = arith.constant 52 : i32
      %get3A_1491 = arith.index_cast %get3A_1490 : i32 to index
      %get3A_1492 = arith.constant 32 : index
      %get3A_1493 = tpu.vector_load %arg13[%get3A_1491, %get3A_1492] {strides = array<i32>} : memref<64x64xf32, #tpu.memory_space<vmem>>, vector<16xf32>,
      %mul3A_1494 = arith.mulf %broadcast_in_dim3A_1477, %get3A_1493 : vector<16xf32>
      %add3A_1495 = arith.addf %add3A_1468, %mul3A_1494 : vector<16xf32>
      %get3A_1496 = arith.constant 52 : i32
      %get3A_1497 = arith.index_cast %get3A_1496 : i32 to index
      %get3A_1498 = arith.constant 48 : index
      %get3A_1499 = tpu.vector_load %arg13[%get3A_1497, %get3A_1498] {strides = array<i32>} : memref<64x64xf32, #tpu.memory_space<vmem>>, vector<16xf32>,
      %mul3A_1500 = arith.mulf %broadcast_in_dim3A_1477, %get3A_1499 : vector<16xf32>
      %add3A_1501 = arith.addf %add3A_1474, %mul3A_1500 : vector<16xf32>
      %slice3A_1502 = vector.extract_strided_slice %gather3A_44 {offsets = [5], sizes = [1], strides = [1]} : vector<16xf32> to vector<1xf32>
      %squeeze3A_1503 = vector.extract %slice3A_1502[0] : f32 from vector<1xf32>
      %broadcast_in_dim3A_1504 = vector.broadcast %squeeze3A_1503 : f32 to vector<16xf32>
      %get3A_1505 = arith.constant 53 : i32
      %get3A_1506 = arith.index_cast %get3A_1505 : i32 to index
      %get3A_1507 = arith.constant 0 : index
      %get3A_1508 = tpu.vector_load %arg13[%get3A_1506, %get3A_1507] {strides = array<i32>} : memref<64x64xf32, #tpu.memory_space<vmem>>, vector<16xf32>,
      %mul3A_1509 = arith.mulf %broadcast_in_dim3A_1504, %get3A_1508 : vector<16xf32>
      %add3A_1510 = arith.addf %add3A_1483, %mul3A_1509 : vector<16xf32>
      %get3A_1511 = arith.constant 53 : i32
      %get3A_1512 = arith.index_cast %get3A_1511 : i32 to index
      %get3A_1513 = arith.constant 16 : index
      %get3A_1514 = tpu.vector_load %arg13[%get3A_1512, %get3A_1513] {strides = array<i32>} : memref<64x64xf32, #tpu.memory_space<vmem>>, vector<16xf32>,
      %mul3A_1515 = arith.mulf %broadcast_in_dim3A_1504, %get3A_1514 : vector<16xf32>
      %add3A_1516 = arith.addf %add3A_1489, %mul3A_1515 : vector<16xf32>
      %get3A_1517 = arith.constant 53 : i32
      %get3A_1518 = arith.index_cast %get3A_1517 : i32 to index
      %get3A_1519 = arith.constant 32 : index
      %get3A_1520 = tpu.vector_load %arg13[%get3A_1518, %get3A_1519] {strides = array<i32>} : memref<64x64xf32, #tpu.memory_space<vmem>>, vector<16xf32>,
      %mul3A_1521 = arith.mulf %broadcast_in_dim3A_1504, %get3A_1520 : vector<16xf32>
      %add3A_1522 = arith.addf %add3A_1495, %mul3A_1521 : vector<16xf32>
      %get3A_1523 = arith.constant 53 : i32
      %get3A_1524 = arith.index_cast %get3A_1523 : i32 to index
      %get3A_1525 = arith.constant 48 : index
      %get3A_1526 = tpu.vector_load %arg13[%get3A_1524, %get3A_1525] {strides = array<i32>} : memref<64x64xf32, #tpu.memory_space<vmem>>, vector<16xf32>,
      %mul3A_1527 = arith.mulf %broadcast_in_dim3A_1504, %get3A_1526 : vector<16xf32>
      %add3A_1528 = arith.addf %add3A_1501, %mul3A_1527 : vector<16xf32>
      %slice3A_1529 = vector.extract_strided_slice %gather3A_44 {offsets = [6], sizes = [1], strides = [1]} : vector<16xf32> to vector<1xf32>
      %squeeze3A_1530 = vector.extract %slice3A_1529[0] : f32 from vector<1xf32>
      %broadcast_in_dim3A_1531 = vector.broadcast %squeeze3A_1530 : f32 to vector<16xf32>
      %get3A_1532 = arith.constant 54 : i32
      %get3A_1533 = arith.index_cast %get3A_1532 : i32 to index
      %get3A_1534 = arith.constant 0 : index
      %get3A_1535 = tpu.vector_load %arg13[%get3A_1533, %get3A_1534] {strides = array<i32>} : memref<64x64xf32, #tpu.memory_space<vmem>>, vector<16xf32>,
      %mul3A_1536 = arith.mulf %broadcast_in_dim3A_1531, %get3A_1535 : vector<16xf32>
      %add3A_1537 = arith.addf %add3A_1510, %mul3A_1536 : vector<16xf32>
      %get3A_1538 = arith.constant 54 : i32
      %get3A_1539 = arith.index_cast %get3A_1538 : i32 to index
      %get3A_1540 = arith.constant 16 : index
      %get3A_1541 = tpu.vector_load %arg13[%get3A_1539, %get3A_1540] {strides = array<i32>} : memref<64x64xf32, #tpu.memory_space<vmem>>, vector<16xf32>,
      %mul3A_1542 = arith.mulf %broadcast_in_dim3A_1531, %get3A_1541 : vector<16xf32>
      %add3A_1543 = arith.addf %add3A_1516, %mul3A_1542 : vector<16xf32>
      %get3A_1544 = arith.constant 54 : i32
      %get3A_1545 = arith.index_cast %get3A_1544 : i32 to index
      %get3A_1546 = arith.constant 32 : index
      %get3A_1547 = tpu.vector_load %arg13[%get3A_1545, %get3A_1546] {strides = array<i32>} : memref<64x64xf32, #tpu.memory_space<vmem>>, vector<16xf32>,
      %mul3A_1548 = arith.mulf %broadcast_in_dim3A_1531, %get3A_1547 : vector<16xf32>
      %add3A_1549 = arith.addf %add3A_1522, %mul3A_1548 : vector<16xf32>
      %get3A_1550 = arith.constant 54 : i32
      %get3A_1551 = arith.index_cast %get3A_1550 : i32 to index
      %get3A_1552 = arith.constant 48 : index
      %get3A_1553 = tpu.vector_load %arg13[%get3A_1551, %get3A_1552] {strides = array<i32>} : memref<64x64xf32, #tpu.memory_space<vmem>>, vector<16xf32>,
      %mul3A_1554 = arith.mulf %broadcast_in_dim3A_1531, %get3A_1553 : vector<16xf32>
      %add3A_1555 = arith.addf %add3A_1528, %mul3A_1554 : vector<16xf32>
      %slice3A_1556 = vector.extract_strided_slice %gather3A_44 {offsets = [7], sizes = [1], strides = [1]} : vector<16xf32> to vector<1xf32>
      %squeeze3A_1557 = vector.extract %slice3A_1556[0] : f32 from vector<1xf32>
      %broadcast_in_dim3A_1558 = vector.broadcast %squeeze3A_1557 : f32 to vector<16xf32>
      %get3A_1559 = arith.constant 55 : i32
      %get3A_1560 = arith.index_cast %get3A_1559 : i32 to index
      %get3A_1561 = arith.constant 0 : index
      %get3A_1562 = tpu.vector_load %arg13[%get3A_1560, %get3A_1561] {strides = array<i32>} : memref<64x64xf32, #tpu.memory_space<vmem>>, vector<16xf32>,
      %mul3A_1563 = arith.mulf %broadcast_in_dim3A_1558, %get3A_1562 : vector<16xf32>
      %add3A_1564 = arith.addf %add3A_1537, %mul3A_1563 : vector<16xf32>
      %get3A_1565 = arith.constant 55 : i32
      %get3A_1566 = arith.index_cast %get3A_1565 : i32 to index
      %get3A_1567 = arith.constant 16 : index
      %get3A_1568 = tpu.vector_load %arg13[%get3A_1566, %get3A_1567] {strides = array<i32>} : memref<64x64xf32, #tpu.memory_space<vmem>>, vector<16xf32>,
      %mul3A_1569 = arith.mulf %broadcast_in_dim3A_1558, %get3A_1568 : vector<16xf32>
      %add3A_1570 = arith.addf %add3A_1543, %mul3A_1569 : vector<16xf32>
      %get3A_1571 = arith.constant 55 : i32
      %get3A_1572 = arith.index_cast %get3A_1571 : i32 to index
      %get3A_1573 = arith.constant 32 : index
      %get3A_1574 = tpu.vector_load %arg13[%get3A_1572, %get3A_1573] {strides = array<i32>} : memref<64x64xf32, #tpu.memory_space<vmem>>, vector<16xf32>,
      %mul3A_1575 = arith.mulf %broadcast_in_dim3A_1558, %get3A_1574 : vector<16xf32>
      %add3A_1576 = arith.addf %add3A_1549, %mul3A_1575 : vector<16xf32>
      %get3A_1577 = arith.constant 55 : i32
      %get3A_1578 = arith.index_cast %get3A_1577 : i32 to index
      %get3A_1579 = arith.constant 48 : index
      %get3A_1580 = tpu.vector_load %arg13[%get3A_1578, %get3A_1579] {strides = array<i32>} : memref<64x64xf32, #tpu.memory_space<vmem>>, vector<16xf32>,
      %mul3A_1581 = arith.mulf %broadcast_in_dim3A_1558, %get3A_1580 : vector<16xf32>
      %add3A_1582 = arith.addf %add3A_1555, %mul3A_1581 : vector<16xf32>
      %slice3A_1583 = vector.extract_strided_slice %gather3A_44 {offsets = [8], sizes = [1], strides = [1]} : vector<16xf32> to vector<1xf32>
      %squeeze3A_1584 = vector.extract %slice3A_1583[0] : f32 from vector<1xf32>
      %broadcast_in_dim3A_1585 = vector.broadcast %squeeze3A_1584 : f32 to vector<16xf32>
      %get3A_1586 = arith.constant 56 : i32
      %get3A_1587 = arith.index_cast %get3A_1586 : i32 to index
      %get3A_1588 = arith.constant 0 : index
      %get3A_1589 = tpu.vector_load %arg13[%get3A_1587, %get3A_1588] {strides = array<i32>} : memref<64x64xf32, #tpu.memory_space<vmem>>, vector<16xf32>,
      %mul3A_1590 = arith.mulf %broadcast_in_dim3A_1585, %get3A_1589 : vector<16xf32>
      %add3A_1591 = arith.addf %add3A_1564, %mul3A_1590 : vector<16xf32>
      %get3A_1592 = arith.constant 56 : i32
      %get3A_1593 = arith.index_cast %get3A_1592 : i32 to index
      %get3A_1594 = arith.constant 16 : index
      %get3A_1595 = tpu.vector_load %arg13[%get3A_1593, %get3A_1594] {strides = array<i32>} : memref<64x64xf32, #tpu.memory_space<vmem>>, vector<16xf32>,
      %mul3A_1596 = arith.mulf %broadcast_in_dim3A_1585, %get3A_1595 : vector<16xf32>
      %add3A_1597 = arith.addf %add3A_1570, %mul3A_1596 : vector<16xf32>
      %get3A_1598 = arith.constant 56 : i32
      %get3A_1599 = arith.index_cast %get3A_1598 : i32 to index
      %get3A_1600 = arith.constant 32 : index
      %get3A_1601 = tpu.vector_load %arg13[%get3A_1599, %get3A_1600] {strides = array<i32>} : memref<64x64xf32, #tpu.memory_space<vmem>>, vector<16xf32>,
      %mul3A_1602 = arith.mulf %broadcast_in_dim3A_1585, %get3A_1601 : vector<16xf32>
      %add3A_1603 = arith.addf %add3A_1576, %mul3A_1602 : vector<16xf32>
      %get3A_1604 = arith.constant 56 : i32
      %get3A_1605 = arith.index_cast %get3A_1604 : i32 to index
      %get3A_1606 = arith.constant 48 : index
      %get3A_1607 = tpu.vector_load %arg13[%get3A_1605, %get3A_1606] {strides = array<i32>} : memref<64x64xf32, #tpu.memory_space<vmem>>, vector<16xf32>,
      %mul3A_1608 = arith.mulf %broadcast_in_dim3A_1585, %get3A_1607 : vector<16xf32>
      %add3A_1609 = arith.addf %add3A_1582, %mul3A_1608 : vector<16xf32>
      %slice3A_1610 = vector.extract_strided_slice %gather3A_44 {offsets = [9], sizes = [1], strides = [1]} : vector<16xf32> to vector<1xf32>
      %squeeze3A_1611 = vector.extract %slice3A_1610[0] : f32 from vector<1xf32>
      %broadcast_in_dim3A_1612 = vector.broadcast %squeeze3A_1611 : f32 to vector<16xf32>
      %get3A_1613 = arith.constant 57 : i32
      %get3A_1614 = arith.index_cast %get3A_1613 : i32 to index
      %get3A_1615 = arith.constant 0 : index
      %get3A_1616 = tpu.vector_load %arg13[%get3A_1614, %get3A_1615] {strides = array<i32>} : memref<64x64xf32, #tpu.memory_space<vmem>>, vector<16xf32>,
      %mul3A_1617 = arith.mulf %broadcast_in_dim3A_1612, %get3A_1616 : vector<16xf32>
      %add3A_1618 = arith.addf %add3A_1591, %mul3A_1617 : vector<16xf32>
      %get3A_1619 = arith.constant 57 : i32
      %get3A_1620 = arith.index_cast %get3A_1619 : i32 to index
      %get3A_1621 = arith.constant 16 : index
      %get3A_1622 = tpu.vector_load %arg13[%get3A_1620, %get3A_1621] {strides = array<i32>} : memref<64x64xf32, #tpu.memory_space<vmem>>, vector<16xf32>,
      %mul3A_1623 = arith.mulf %broadcast_in_dim3A_1612, %get3A_1622 : vector<16xf32>
      %add3A_1624 = arith.addf %add3A_1597, %mul3A_1623 : vector<16xf32>
      %get3A_1625 = arith.constant 57 : i32
      %get3A_1626 = arith.index_cast %get3A_1625 : i32 to index
      %get3A_1627 = arith.constant 32 : index
      %get3A_1628 = tpu.vector_load %arg13[%get3A_1626, %get3A_1627] {strides = array<i32>} : memref<64x64xf32, #tpu.memory_space<vmem>>, vector<16xf32>,
      %mul3A_1629 = arith.mulf %broadcast_in_dim3A_1612, %get3A_1628 : vector<16xf32>
      %add3A_1630 = arith.addf %add3A_1603, %mul3A_1629 : vector<16xf32>
      %get3A_1631 = arith.constant 57 : i32
      %get3A_1632 = arith.index_cast %get3A_1631 : i32 to index
      %get3A_1633 = arith.constant 48 : index
      %get3A_1634 = tpu.vector_load %arg13[%get3A_1632, %get3A_1633] {strides = array<i32>} : memref<64x64xf32, #tpu.memory_space<vmem>>, vector<16xf32>,
      %mul3A_1635 = arith.mulf %broadcast_in_dim3A_1612, %get3A_1634 : vector<16xf32>
      %add3A_1636 = arith.addf %add3A_1609, %mul3A_1635 : vector<16xf32>
      %slice3A_1637 = vector.extract_strided_slice %gather3A_44 {offsets = [10], sizes = [1], strides = [1]} : vector<16xf32> to vector<1xf32>
      %squeeze3A_1638 = vector.extract %slice3A_1637[0] : f32 from vector<1xf32>
      %broadcast_in_dim3A_1639 = vector.broadcast %squeeze3A_1638 : f32 to vector<16xf32>
      %get3A_1640 = arith.constant 58 : i32
      %get3A_1641 = arith.index_cast %get3A_1640 : i32 to index
      %get3A_1642 = arith.constant 0 : index
      %get3A_1643 = tpu.vector_load %arg13[%get3A_1641, %get3A_1642] {strides = array<i32>} : memref<64x64xf32, #tpu.memory_space<vmem>>, vector<16xf32>,
      %mul3A_1644 = arith.mulf %broadcast_in_dim3A_1639, %get3A_1643 : vector<16xf32>
      %add3A_1645 = arith.addf %add3A_1618, %mul3A_1644 : vector<16xf32>
      %get3A_1646 = arith.constant 58 : i32
      %get3A_1647 = arith.index_cast %get3A_1646 : i32 to index
      %get3A_1648 = arith.constant 16 : index
      %get3A_1649 = tpu.vector_load %arg13[%get3A_1647, %get3A_1648] {strides = array<i32>} : memref<64x64xf32, #tpu.memory_space<vmem>>, vector<16xf32>,
      %mul3A_1650 = arith.mulf %broadcast_in_dim3A_1639, %get3A_1649 : vector<16xf32>
      %add3A_1651 = arith.addf %add3A_1624, %mul3A_1650 : vector<16xf32>
      %get3A_1652 = arith.constant 58 : i32
      %get3A_1653 = arith.index_cast %get3A_1652 : i32 to index
      %get3A_1654 = arith.constant 32 : index
      %get3A_1655 = tpu.vector_load %arg13[%get3A_1653, %get3A_1654] {strides = array<i32>} : memref<64x64xf32, #tpu.memory_space<vmem>>, vector<16xf32>,
      %mul3A_1656 = arith.mulf %broadcast_in_dim3A_1639, %get3A_1655 : vector<16xf32>
      %add3A_1657 = arith.addf %add3A_1630, %mul3A_1656 : vector<16xf32>
      %get3A_1658 = arith.constant 58 : i32
      %get3A_1659 = arith.index_cast %get3A_1658 : i32 to index
      %get3A_1660 = arith.constant 48 : index
      %get3A_1661 = tpu.vector_load %arg13[%get3A_1659, %get3A_1660] {strides = array<i32>} : memref<64x64xf32, #tpu.memory_space<vmem>>, vector<16xf32>,
      %mul3A_1662 = arith.mulf %broadcast_in_dim3A_1639, %get3A_1661 : vector<16xf32>
      %add3A_1663 = arith.addf %add3A_1636, %mul3A_1662 : vector<16xf32>
      %slice3A_1664 = vector.extract_strided_slice %gather3A_44 {offsets = [11], sizes = [1], strides = [1]} : vector<16xf32> to vector<1xf32>
      %squeeze3A_1665 = vector.extract %slice3A_1664[0] : f32 from vector<1xf32>
      %broadcast_in_dim3A_1666 = vector.broadcast %squeeze3A_1665 : f32 to vector<16xf32>
      %get3A_1667 = arith.constant 59 : i32
      %get3A_1668 = arith.index_cast %get3A_1667 : i32 to index
      %get3A_1669 = arith.constant 0 : index
      %get3A_1670 = tpu.vector_load %arg13[%get3A_1668, %get3A_1669] {strides = array<i32>} : memref<64x64xf32, #tpu.memory_space<vmem>>, vector<16xf32>,
      %mul3A_1671 = arith.mulf %broadcast_in_dim3A_1666, %get3A_1670 : vector<16xf32>
      %add3A_1672 = arith.addf %add3A_1645, %mul3A_1671 : vector<16xf32>
      %get3A_1673 = arith.constant 59 : i32
      %get3A_1674 = arith.index_cast %get3A_1673 : i32 to index
      %get3A_1675 = arith.constant 16 : index
      %get3A_1676 = tpu.vector_load %arg13[%get3A_1674, %get3A_1675] {strides = array<i32>} : memref<64x64xf32, #tpu.memory_space<vmem>>, vector<16xf32>,
      %mul3A_1677 = arith.mulf %broadcast_in_dim3A_1666, %get3A_1676 : vector<16xf32>
      %add3A_1678 = arith.addf %add3A_1651, %mul3A_1677 : vector<16xf32>
      %get3A_1679 = arith.constant 59 : i32
      %get3A_1680 = arith.index_cast %get3A_1679 : i32 to index
      %get3A_1681 = arith.constant 32 : index
      %get3A_1682 = tpu.vector_load %arg13[%get3A_1680, %get3A_1681] {strides = array<i32>} : memref<64x64xf32, #tpu.memory_space<vmem>>, vector<16xf32>,
      %mul3A_1683 = arith.mulf %broadcast_in_dim3A_1666, %get3A_1682 : vector<16xf32>
      %add3A_1684 = arith.addf %add3A_1657, %mul3A_1683 : vector<16xf32>
      %get3A_1685 = arith.constant 59 : i32
      %get3A_1686 = arith.index_cast %get3A_1685 : i32 to index
      %get3A_1687 = arith.constant 48 : index
      %get3A_1688 = tpu.vector_load %arg13[%get3A_1686, %get3A_1687] {strides = array<i32>} : memref<64x64xf32, #tpu.memory_space<vmem>>, vector<16xf32>,
      %mul3A_1689 = arith.mulf %broadcast_in_dim3A_1666, %get3A_1688 : vector<16xf32>
      %add3A_1690 = arith.addf %add3A_1663, %mul3A_1689 : vector<16xf32>
      %slice3A_1691 = vector.extract_strided_slice %gather3A_44 {offsets = [12], sizes = [1], strides = [1]} : vector<16xf32> to vector<1xf32>
      %squeeze3A_1692 = vector.extract %slice3A_1691[0] : f32 from vector<1xf32>
      %broadcast_in_dim3A_1693 = vector.broadcast %squeeze3A_1692 : f32 to vector<16xf32>
      %get3A_1694 = arith.constant 60 : i32
      %get3A_1695 = arith.index_cast %get3A_1694 : i32 to index
      %get3A_1696 = arith.constant 0 : index
      %get3A_1697 = tpu.vector_load %arg13[%get3A_1695, %get3A_1696] {strides = array<i32>} : memref<64x64xf32, #tpu.memory_space<vmem>>, vector<16xf32>,
      %mul3A_1698 = arith.mulf %broadcast_in_dim3A_1693, %get3A_1697 : vector<16xf32>
      %add3A_1699 = arith.addf %add3A_1672, %mul3A_1698 : vector<16xf32>
      %get3A_1700 = arith.constant 60 : i32
      %get3A_1701 = arith.index_cast %get3A_1700 : i32 to index
      %get3A_1702 = arith.constant 16 : index
      %get3A_1703 = tpu.vector_load %arg13[%get3A_1701, %get3A_1702] {strides = array<i32>} : memref<64x64xf32, #tpu.memory_space<vmem>>, vector<16xf32>,
      %mul3A_1704 = arith.mulf %broadcast_in_dim3A_1693, %get3A_1703 : vector<16xf32>
      %add3A_1705 = arith.addf %add3A_1678, %mul3A_1704 : vector<16xf32>
      %get3A_1706 = arith.constant 60 : i32
      %get3A_1707 = arith.index_cast %get3A_1706 : i32 to index
      %get3A_1708 = arith.constant 32 : index
      %get3A_1709 = tpu.vector_load %arg13[%get3A_1707, %get3A_1708] {strides = array<i32>} : memref<64x64xf32, #tpu.memory_space<vmem>>, vector<16xf32>,
      %mul3A_1710 = arith.mulf %broadcast_in_dim3A_1693, %get3A_1709 : vector<16xf32>
      %add3A_1711 = arith.addf %add3A_1684, %mul3A_1710 : vector<16xf32>
      %get3A_1712 = arith.constant 60 : i32
      %get3A_1713 = arith.index_cast %get3A_1712 : i32 to index
      %get3A_1714 = arith.constant 48 : index
      %get3A_1715 = tpu.vector_load %arg13[%get3A_1713, %get3A_1714] {strides = array<i32>} : memref<64x64xf32, #tpu.memory_space<vmem>>, vector<16xf32>,
      %mul3A_1716 = arith.mulf %broadcast_in_dim3A_1693, %get3A_1715 : vector<16xf32>
      %add3A_1717 = arith.addf %add3A_1690, %mul3A_1716 : vector<16xf32>
      %slice3A_1718 = vector.extract_strided_slice %gather3A_44 {offsets = [13], sizes = [1], strides = [1]} : vector<16xf32> to vector<1xf32>
      %squeeze3A_1719 = vector.extract %slice3A_1718[0] : f32 from vector<1xf32>
      %broadcast_in_dim3A_1720 = vector.broadcast %squeeze3A_1719 : f32 to vector<16xf32>
      %get3A_1721 = arith.constant 61 : i32
      %get3A_1722 = arith.index_cast %get3A_1721 : i32 to index
      %get3A_1723 = arith.constant 0 : index
      %get3A_1724 = tpu.vector_load %arg13[%get3A_1722, %get3A_1723] {strides = array<i32>} : memref<64x64xf32, #tpu.memory_space<vmem>>, vector<16xf32>,
      %mul3A_1725 = arith.mulf %broadcast_in_dim3A_1720, %get3A_1724 : vector<16xf32>
      %add3A_1726 = arith.addf %add3A_1699, %mul3A_1725 : vector<16xf32>
      %get3A_1727 = arith.constant 61 : i32
      %get3A_1728 = arith.index_cast %get3A_1727 : i32 to index
      %get3A_1729 = arith.constant 16 : index
      %get3A_1730 = tpu.vector_load %arg13[%get3A_1728, %get3A_1729] {strides = array<i32>} : memref<64x64xf32, #tpu.memory_space<vmem>>, vector<16xf32>,
      %mul3A_1731 = arith.mulf %broadcast_in_dim3A_1720, %get3A_1730 : vector<16xf32>
      %add3A_1732 = arith.addf %add3A_1705, %mul3A_1731 : vector<16xf32>
      %get3A_1733 = arith.constant 61 : i32
      %get3A_1734 = arith.index_cast %get3A_1733 : i32 to index
      %get3A_1735 = arith.constant 32 : index
      %get3A_1736 = tpu.vector_load %arg13[%get3A_1734, %get3A_1735] {strides = array<i32>} : memref<64x64xf32, #tpu.memory_space<vmem>>, vector<16xf32>,
      %mul3A_1737 = arith.mulf %broadcast_in_dim3A_1720, %get3A_1736 : vector<16xf32>
      %add3A_1738 = arith.addf %add3A_1711, %mul3A_1737 : vector<16xf32>
      %get3A_1739 = arith.constant 61 : i32
      %get3A_1740 = arith.index_cast %get3A_1739 : i32 to index
      %get3A_1741 = arith.constant 48 : index
      %get3A_1742 = tpu.vector_load %arg13[%get3A_1740, %get3A_1741] {strides = array<i32>} : memref<64x64xf32, #tpu.memory_space<vmem>>, vector<16xf32>,
      %mul3A_1743 = arith.mulf %broadcast_in_dim3A_1720, %get3A_1742 : vector<16xf32>
      %add3A_1744 = arith.addf %add3A_1717, %mul3A_1743 : vector<16xf32>
      %slice3A_1745 = vector.extract_strided_slice %gather3A_44 {offsets = [14], sizes = [1], strides = [1]} : vector<16xf32> to vector<1xf32>
      %squeeze3A_1746 = vector.extract %slice3A_1745[0] : f32 from vector<1xf32>
      %broadcast_in_dim3A_1747 = vector.broadcast %squeeze3A_1746 : f32 to vector<16xf32>
      %get3A_1748 = arith.constant 62 : i32
      %get3A_1749 = arith.index_cast %get3A_1748 : i32 to index
      %get3A_1750 = arith.constant 0 : index
      %get3A_1751 = tpu.vector_load %arg13[%get3A_1749, %get3A_1750] {strides = array<i32>} : memref<64x64xf32, #tpu.memory_space<vmem>>, vector<16xf32>,
      %mul3A_1752 = arith.mulf %broadcast_in_dim3A_1747, %get3A_1751 : vector<16xf32>
      %add3A_1753 = arith.addf %add3A_1726, %mul3A_1752 : vector<16xf32>
      %get3A_1754 = arith.constant 62 : i32
      %get3A_1755 = arith.index_cast %get3A_1754 : i32 to index
      %get3A_1756 = arith.constant 16 : index
      %get3A_1757 = tpu.vector_load %arg13[%get3A_1755, %get3A_1756] {strides = array<i32>} : memref<64x64xf32, #tpu.memory_space<vmem>>, vector<16xf32>,
      %mul3A_1758 = arith.mulf %broadcast_in_dim3A_1747, %get3A_1757 : vector<16xf32>
      %add3A_1759 = arith.addf %add3A_1732, %mul3A_1758 : vector<16xf32>
      %get3A_1760 = arith.constant 62 : i32
      %get3A_1761 = arith.index_cast %get3A_1760 : i32 to index
      %get3A_1762 = arith.constant 32 : index
      %get3A_1763 = tpu.vector_load %arg13[%get3A_1761, %get3A_1762] {strides = array<i32>} : memref<64x64xf32, #tpu.memory_space<vmem>>, vector<16xf32>,
      %mul3A_1764 = arith.mulf %broadcast_in_dim3A_1747, %get3A_1763 : vector<16xf32>
      %add3A_1765 = arith.addf %add3A_1738, %mul3A_1764 : vector<16xf32>
      %get3A_1766 = arith.constant 62 : i32
      %get3A_1767 = arith.index_cast %get3A_1766 : i32 to index
      %get3A_1768 = arith.constant 48 : index
      %get3A_1769 = tpu.vector_load %arg13[%get3A_1767, %get3A_1768] {strides = array<i32>} : memref<64x64xf32, #tpu.memory_space<vmem>>, vector<16xf32>,
      %mul3A_1770 = arith.mulf %broadcast_in_dim3A_1747, %get3A_1769 : vector<16xf32>
      %add3A_1771 = arith.addf %add3A_1744, %mul3A_1770 : vector<16xf32>
      %slice3A_1772 = vector.extract_strided_slice %gather3A_44 {offsets = [15], sizes = [1], strides = [1]} : vector<16xf32> to vector<1xf32>
      %squeeze3A_1773 = vector.extract %slice3A_1772[0] : f32 from vector<1xf32>
      %broadcast_in_dim3A_1774 = vector.broadcast %squeeze3A_1773 : f32 to vector<16xf32>
      %get3A_1775 = arith.constant 63 : i32
      %get3A_1776 = arith.index_cast %get3A_1775 : i32 to index
      %get3A_1777 = arith.constant 0 : index
      %get3A_1778 = tpu.vector_load %arg13[%get3A_1776, %get3A_1777] {strides = array<i32>} : memref<64x64xf32, #tpu.memory_space<vmem>>, vector<16xf32>,
      %mul3A_1779 = arith.mulf %broadcast_in_dim3A_1774, %get3A_1778 : vector<16xf32>
      %add3A_1780 = arith.addf %add3A_1753, %mul3A_1779 : vector<16xf32>
      %get3A_1781 = arith.constant 63 : i32
      %get3A_1782 = arith.index_cast %get3A_1781 : i32 to index
      %get3A_1783 = arith.constant 16 : index
      %get3A_1784 = tpu.vector_load %arg13[%get3A_1782, %get3A_1783] {strides = array<i32>} : memref<64x64xf32, #tpu.memory_space<vmem>>, vector<16xf32>,
      %mul3A_1785 = arith.mulf %broadcast_in_dim3A_1774, %get3A_1784 : vector<16xf32>
      %add3A_1786 = arith.addf %add3A_1759, %mul3A_1785 : vector<16xf32>
      %get3A_1787 = arith.constant 63 : i32
      %get3A_1788 = arith.index_cast %get3A_1787 : i32 to index
      %get3A_1789 = arith.constant 32 : index
      %get3A_1790 = tpu.vector_load %arg13[%get3A_1788, %get3A_1789] {strides = array<i32>} : memref<64x64xf32, #tpu.memory_space<vmem>>, vector<16xf32>,
      %mul3A_1791 = arith.mulf %broadcast_in_dim3A_1774, %get3A_1790 : vector<16xf32>
      %add3A_1792 = arith.addf %add3A_1765, %mul3A_1791 : vector<16xf32>
      %get3A_1793 = arith.constant 63 : i32
      %get3A_1794 = arith.index_cast %get3A_1793 : i32 to index
      %get3A_1795 = arith.constant 48 : index
      %get3A_1796 = tpu.vector_load %arg13[%get3A_1794, %get3A_1795] {strides = array<i32>} : memref<64x64xf32, #tpu.memory_space<vmem>>, vector<16xf32>,
      %mul3A_1797 = arith.mulf %broadcast_in_dim3A_1774, %get3A_1796 : vector<16xf32>
      %add3A_1798 = arith.addf %add3A_1771, %mul3A_1797 : vector<16xf32>
      %swap3A_1799 = arith.constant 0 : index
      %swap3A_1800 = tpu.vector_load %arg16[%swap3A_1799] {strides = array<i32>} : memref<64xf32, #tpu.memory_space<vmem>>, vector<16xf32>,
      tpu.vector_store %arg16[%swap3A_1799], %add3A_1780 {strides = array<i32>} : memref<64xf32, #tpu.memory_space<vmem>>, vector<16xf32>,
      %swap3A_1801 = arith.constant 16 : index
      %swap3A_1802 = tpu.vector_load %arg16[%swap3A_1801] {strides = array<i32>} : memref<64xf32, #tpu.memory_space<vmem>>, vector<16xf32>,
      tpu.vector_store %arg16[%swap3A_1801], %add3A_1786 {strides = array<i32>} : memref<64xf32, #tpu.memory_space<vmem>>, vector<16xf32>,
      %swap3A_1803 = arith.constant 32 : index
      %swap3A_1804 = tpu.vector_load %arg16[%swap3A_1803] {strides = array<i32>} : memref<64xf32, #tpu.memory_space<vmem>>, vector<16xf32>,
      tpu.vector_store %arg16[%swap3A_1803], %add3A_1792 {strides = array<i32>} : memref<64xf32, #tpu.memory_space<vmem>>, vector<16xf32>,
      %swap3A_1805 = arith.constant 48 : index
      %swap3A_1806 = tpu.vector_load %arg16[%swap3A_1805] {strides = array<i32>} : memref<64xf32, #tpu.memory_space<vmem>>, vector<16xf32>,
      tpu.vector_store %arg16[%swap3A_1805], %add3A_1798 {strides = array<i32>} : memref<64xf32, #tpu.memory_space<vmem>>, vector<16xf32>,
      %slice3A_1807 = vector.extract_strided_slice %add3A_70 {offsets = [0], sizes = [1], strides = [1]} : vector<16xf32> to vector<1xf32>
      %squeeze3A_1808 = vector.extract %slice3A_1807[0] : f32 from vector<1xf32>
      %slice3A_1809 = vector.extract_strided_slice %add3A_70 {offsets = [1], sizes = [1], strides = [1]} : vector<16xf32> to vector<1xf32>
      %squeeze3A_1810 = vector.extract %slice3A_1809[0] : f32 from vector<1xf32>
      %add3A_1811 = arith.addf %squeeze3A_1808, %squeeze3A_1810 : f32
      %slice3A_1812 = vector.extract_strided_slice %add3A_70 {offsets = [2], sizes = [1], strides = [1]} : vector<16xf32> to vector<1xf32>
      %squeeze3A_1813 = vector.extract %slice3A_1812[0] : f32 from vector<1xf32>
      %add3A_1814 = arith.addf %add3A_1811, %squeeze3A_1813 : f32
      %slice3A_1815 = vector.extract_strided_slice %add3A_70 {offsets = [3], sizes = [1], strides = [1]} : vector<16xf32> to vector<1xf32>
      %squeeze3A_1816 = vector.extract %slice3A_1815[0] : f32 from vector<1xf32>
      %add3A_1817 = arith.addf %add3A_1814, %squeeze3A_1816 : f32
      %slice3A_1818 = vector.extract_strided_slice %add3A_70 {offsets = [4], sizes = [1], strides = [1]} : vector<16xf32> to vector<1xf32>
      %squeeze3A_1819 = vector.extract %slice3A_1818[0] : f32 from vector<1xf32>
      %add3A_1820 = arith.addf %add3A_1817, %squeeze3A_1819 : f32
      %slice3A_1821 = vector.extract_strided_slice %add3A_70 {offsets = [5], sizes = [1], strides = [1]} : vector<16xf32> to vector<1xf32>
      %squeeze3A_1822 = vector.extract %slice3A_1821[0] : f32 from vector<1xf32>
      %add3A_1823 = arith.addf %add3A_1820, %squeeze3A_1822 : f32
      %slice3A_1824 = vector.extract_strided_slice %add3A_70 {offsets = [6], sizes = [1], strides = [1]} : vector<16xf32> to vector<1xf32>
      %squeeze3A_1825 = vector.extract %slice3A_1824[0] : f32 from vector<1xf32>
      %add3A_1826 = arith.addf %add3A_1823, %squeeze3A_1825 : f32
      %slice3A_1827 = vector.extract_strided_slice %add3A_70 {offsets = [7], sizes = [1], strides = [1]} : vector<16xf32> to vector<1xf32>
      %squeeze3A_1828 = vector.extract %slice3A_1827[0] : f32 from vector<1xf32>
      %add3A_1829 = arith.addf %add3A_1826, %squeeze3A_1828 : f32
      %slice3A_1830 = vector.extract_strided_slice %add3A_70 {offsets = [8], sizes = [1], strides = [1]} : vector<16xf32> to vector<1xf32>
      %squeeze3A_1831 = vector.extract %slice3A_1830[0] : f32 from vector<1xf32>
      %add3A_1832 = arith.addf %add3A_1829, %squeeze3A_1831 : f32
      %slice3A_1833 = vector.extract_strided_slice %add3A_70 {offsets = [9], sizes = [1], strides = [1]} : vector<16xf32> to vector<1xf32>
      %squeeze3A_1834 = vector.extract %slice3A_1833[0] : f32 from vector<1xf32>
      %add3A_1835 = arith.addf %add3A_1832, %squeeze3A_1834 : f32
      %slice3A_1836 = vector.extract_strided_slice %add3A_70 {offsets = [10], sizes = [1], strides = [1]} : vector<16xf32> to vector<1xf32>
      %squeeze3A_1837 = vector.extract %slice3A_1836[0] : f32 from vector<1xf32>
      %add3A_1838 = arith.addf %add3A_1835, %squeeze3A_1837 : f32
      %slice3A_1839 = vector.extract_strided_slice %add3A_70 {offsets = [11], sizes = [1], strides = [1]} : vector<16xf32> to vector<1xf32>
      %squeeze3A_1840 = vector.extract %slice3A_1839[0] : f32 from vector<1xf32>
      %add3A_1841 = arith.addf %add3A_1838, %squeeze3A_1840 : f32
      %slice3A_1842 = vector.extract_strided_slice %add3A_70 {offsets = [12], sizes = [1], strides = [1]} : vector<16xf32> to vector<1xf32>
      %squeeze3A_1843 = vector.extract %slice3A_1842[0] : f32 from vector<1xf32>
      %add3A_1844 = arith.addf %add3A_1841, %squeeze3A_1843 : f32
      %slice3A_1845 = vector.extract_strided_slice %add3A_70 {offsets = [13], sizes = [1], strides = [1]} : vector<16xf32> to vector<1xf32>
      %squeeze3A_1846 = vector.extract %slice3A_1845[0] : f32 from vector<1xf32>
      %add3A_1847 = arith.addf %add3A_1844, %squeeze3A_1846 : f32
      %slice3A_1848 = vector.extract_strided_slice %add3A_70 {offsets = [14], sizes = [1], strides = [1]} : vector<16xf32> to vector<1xf32>
      %squeeze3A_1849 = vector.extract %slice3A_1848[0] : f32 from vector<1xf32>
      %add3A_1850 = arith.addf %add3A_1847, %squeeze3A_1849 : f32
      %slice3A_1851 = vector.extract_strided_slice %add3A_70 {offsets = [15], sizes = [1], strides = [1]} : vector<16xf32> to vector<1xf32>
      %squeeze3A_1852 = vector.extract %slice3A_1851[0] : f32 from vector<1xf32>
      %add3A_1853 = arith.addf %add3A_1850, %squeeze3A_1852 : f32
      %broadcast_in_dim3A_1854 = vector.broadcast %add3A_1853 : f32 to vector<16xf32>
      %swap3A_1855 = arith.constant 0 : index
      %swap3A_1856 = tpu.vector_load %arg18[%swap3A_1855] {strides = array<i32>} : memref<16xf32, #tpu.memory_space<vmem>>, vector<16xf32>,
      tpu.vector_store %arg18[%swap3A_1855], %broadcast_in_dim3A_1854 {strides = array<i32>} : memref<16xf32, #tpu.memory_space<vmem>>, vector<16xf32>,
    } else {
    }
    "tpu.region"() ({
      %run_scoped3A = tpu.sem_alloc : memref<!tpu.dma_semaphore, #tpu.memory_space<semaphore_mem>>
      %dma_start3A = arith.constant 0 : i32
      %dma_start3A_20 = tpu.memref_slice %arg9[%dma_start3A] : memref<264xi32, #tpu.memory_space<vmem>> -> memref<200xi32, #tpu.memory_space<vmem>>
      %dma_start3A_21 = arith.constant 0 : i32
      %dma_start3A_22 = tpu.memref_slice %arg9[%dma_start3A_21] : memref<264xi32, #tpu.memory_space<vmem>> -> memref<200xi32, #tpu.memory_space<vmem>>
      tpu.enqueue_dma source(%arg2 : memref<200xi32, #tpu.memory_space<hbm>>) target(%dma_start3A_22 : memref<200xi32, #tpu.memory_space<vmem>>) target_semaphore(%run_scoped3A : memref<!tpu.dma_semaphore, #tpu.memory_space<semaphore_mem>>)
      %dma_wait3A = arith.constant 0 : i32
      %dma_wait3A_23 = tpu.memref_slice %arg9[%dma_wait3A] : memref<264xi32, #tpu.memory_space<vmem>> -> memref<200xi32, #tpu.memory_space<vmem>>
      %dma_wait3A_24 = arith.constant 0 : i32
      %dma_wait3A_25 = tpu.memref_slice %arg9[%dma_wait3A_24] : memref<264xi32, #tpu.memory_space<vmem>> -> memref<200xi32, #tpu.memory_space<vmem>>
      tpu.wait_dma2 semaphore(%run_scoped3A : memref<!tpu.dma_semaphore, #tpu.memory_space<semaphore_mem>>) src(%arg2 : memref<200xi32, #tpu.memory_space<hbm>>) dst(%dma_wait3A_25 : memref<200xi32, #tpu.memory_space<vmem>>)
      tpu.yield
    }) : () -> ()
    %mul3A = arith.constant 16 : i32
    %mul3A_2 = arith.muli %arg1, %mul3A : i32
    %broadcast_in_dim3A = arith.constant 0.000000e+00 : f32
    %broadcast_in_dim3A_3 = vector.broadcast %broadcast_in_dim3A : f32 to vector<16xf32>
    %swap3A = arith.constant 0 : index
    %swap3A_4 = tpu.vector_load %arg15[%swap3A] {strides = array<i32>} : memref<64xf32, #tpu.memory_space<vmem>>, vector<16xf32>,
    tpu.vector_store %arg15[%swap3A], %broadcast_in_dim3A_3 {strides = array<i32>} : memref<64xf32, #tpu.memory_space<vmem>>, vector<16xf32>,
    %swap3A_5 = arith.constant 16 : index
    %swap3A_6 = tpu.vector_load %arg15[%swap3A_5] {strides = array<i32>} : memref<64xf32, #tpu.memory_space<vmem>>, vector<16xf32>,
    tpu.vector_store %arg15[%swap3A_5], %broadcast_in_dim3A_3 {strides = array<i32>} : memref<64xf32, #tpu.memory_space<vmem>>, vector<16xf32>,
    %swap3A_7 = arith.constant 32 : index
    %swap3A_8 = tpu.vector_load %arg15[%swap3A_7] {strides = array<i32>} : memref<64xf32, #tpu.memory_space<vmem>>, vector<16xf32>,
    tpu.vector_store %arg15[%swap3A_7], %broadcast_in_dim3A_3 {strides = array<i32>} : memref<64xf32, #tpu.memory_space<vmem>>, vector<16xf32>,
    %swap3A_9 = arith.constant 48 : index
    %swap3A_10 = tpu.vector_load %arg15[%swap3A_9] {strides = array<i32>} : memref<64xf32, #tpu.memory_space<vmem>>, vector<16xf32>,
    tpu.vector_store %arg15[%swap3A_9], %broadcast_in_dim3A_3 {strides = array<i32>} : memref<64xf32, #tpu.memory_space<vmem>>, vector<16xf32>,
    %lt3A = arith.constant 200 : i32
    %lt3A_11 = arith.cmpi slt, %mul3A_2, %lt3A : i32
    %convert_element_type3A_12 = arith.extui %lt3A_11 : i1 to i32
    %cond3A_13 = arith.constant 0 : i32
    %cond3A_14 = arith.cmpi ne, %convert_element_type3A_12, %cond3A_13 : i32
    scf.if %cond3A_14 {
      %get3A = arith.index_cast %mul3A_2 : i32 to index
      %get3A_20 = tpu.vector_load %arg9[%get3A] {strides = array<i32>} : memref<264xi32, #tpu.memory_space<vmem>>, vector<16xi32>,
      %broadcast_in_dim3A_21 = arith.constant 0.000000e+00 : f32
      %broadcast_in_dim3A_22 = vector.broadcast %broadcast_in_dim3A_21 : f32 to vector<16xf32>
      %broadcast_in_dim3A_23 = arith.constant 0.000000e+00 : f32
      %broadcast_in_dim3A_24 = vector.broadcast %broadcast_in_dim3A_23 : f32 to vector<16xf32>
      %broadcast_in_dim3A_25 = arith.constant 0.000000e+00 : f32
      %broadcast_in_dim3A_26 = vector.broadcast %broadcast_in_dim3A_25 : f32 to vector<16xf32>
      %broadcast_in_dim3A_27 = arith.constant 0.000000e+00 : f32
      %broadcast_in_dim3A_28 = vector.broadcast %broadcast_in_dim3A_27 : f32 to vector<16xf32>
      %slice3A = vector.extract_strided_slice %get3A_20 {offsets = [0], sizes = [1], strides = [1]} : vector<16xi32> to vector<1xi32>
      %squeeze3A = vector.extract %slice3A[0] : i32 from vector<1xi32>
      %jit3A = arith.constant 0 : i32
      %jit3A_29 = arith.constant 999999 : i32
      %max3A = arith.maxsi %jit3A, %squeeze3A : i32
      %min3A = arith.minsi %jit3A_29, %max3A : i32
      %shift_right_arithmetic3A = arith.constant 7 : i32
      %shift_right_arithmetic3A_30 = arith.shrsi %min3A, %shift_right_arithmetic3A : i32
      %shift_left3A = arith.constant 7 : i32
      %shift_left3A_31 = arith.shli %shift_right_arithmetic3A_30, %shift_left3A : i32
      %multiple_of3A = tpu.assume_multiple %shift_left3A_31, 128 : i32
      %sub3A = arith.subi %min3A, %multiple_of3A : i32
      %dma_start3A = arith.constant 0 : i32
      %dma_start3A_32 = arith.constant 0 : i32
      %dma_start3A_33 = arith.constant 0 : i32
      %dma_start3A_34 = tpu.memref_slice %arg10[%dma_start3A, %dma_start3A_32, %dma_start3A_33] : memref<8x64x128xf32, #tpu.memory_space<vmem>> -> memref<1x64x128xf32, #tpu.memory_space<vmem>>
      %dma_start3A_35 = tpu.memref_squeeze %dma_start3A_34 : memref<1x64x128xf32, #tpu.memory_space<vmem>> -> memref<64x128xf32, #tpu.memory_space<vmem>>
      %dma_start3A_36 = arith.constant 0 : i32
      %dma_start3A_37 = tpu.memref_slice %arg4[%dma_start3A_36, %multiple_of3A] : memref<64x1000000xf32, #tpu.memory_space<hbm>> -> memref<64x128xf32, #tpu.memory_space<hbm>>
      %dma_start3A_38 = arith.constant 0 : i32
      %dma_start3A_39 = arith.constant 0 : i32
      %dma_start3A_40 = tpu.memref_slice %arg10[%dma_start3A, %dma_start3A_38, %dma_start3A_39] : memref<8x64x128xf32, #tpu.memory_space<vmem>> -> memref<1x64x128xf32, #tpu.memory_space<vmem>>
      %dma_start3A_41 = tpu.memref_squeeze %dma_start3A_40 : memref<1x64x128xf32, #tpu.memory_space<vmem>> -> memref<64x128xf32, #tpu.memory_space<vmem>>
      %dma_start3A_42 = arith.constant 0 : i32
      %dma_start3A_43 = tpu.memref_slice %arg4[%dma_start3A_42, %multiple_of3A] : memref<64x1000000xf32, #tpu.memory_space<hbm>> -> memref<64x128xf32, #tpu.memory_space<hbm>>
      tpu.enqueue_dma source(%dma_start3A_43 : memref<64x128xf32, #tpu.memory_space<hbm>>) target(%dma_start3A_41 : memref<64x128xf32, #tpu.memory_space<vmem>>) target_semaphore(%arg20 : memref<!tpu.dma_semaphore, #tpu.memory_space<semaphore_mem>>)
      %slice3A_44 = vector.extract_strided_slice %get3A_20 {offsets = [1], sizes = [1], strides = [1]} : vector<16xi32> to vector<1xi32>
      %squeeze3A_45 = vector.extract %slice3A_44[0] : i32 from vector<1xi32>
      %jit3A_46 = arith.constant 0 : i32
      %jit3A_47 = arith.constant 999999 : i32
      %max3A_48 = arith.maxsi %jit3A_46, %squeeze3A_45 : i32
      %min3A_49 = arith.minsi %jit3A_47, %max3A_48 : i32
      %shift_right_arithmetic3A_50 = arith.constant 7 : i32
      %shift_right_arithmetic3A_51 = arith.shrsi %min3A_49, %shift_right_arithmetic3A_50 : i32
      %shift_left3A_52 = arith.constant 7 : i32
      %shift_left3A_53 = arith.shli %shift_right_arithmetic3A_51, %shift_left3A_52 : i32
      %multiple_of3A_54 = tpu.assume_multiple %shift_left3A_53, 128 : i32
      %sub3A_55 = arith.subi %min3A_49, %multiple_of3A_54 : i32
      %dma_start3A_56 = arith.constant 1 : i32
      %dma_start3A_57 = arith.constant 0 : i32
      %dma_start3A_58 = arith.constant 0 : i32
      %dma_start3A_59 = tpu.memref_slice %arg10[%dma_start3A_56, %dma_start3A_57, %dma_start3A_58] : memref<8x64x128xf32, #tpu.memory_space<vmem>> -> memref<1x64x128xf32, #tpu.memory_space<vmem>>
      %dma_start3A_60 = tpu.memref_squeeze %dma_start3A_59 : memref<1x64x128xf32, #tpu.memory_space<vmem>> -> memref<64x128xf32, #tpu.memory_space<vmem>>
      %dma_start3A_61 = arith.constant 0 : i32
      %dma_start3A_62 = tpu.memref_slice %arg4[%dma_start3A_61, %multiple_of3A_54] : memref<64x1000000xf32, #tpu.memory_space<hbm>> -> memref<64x128xf32, #tpu.memory_space<hbm>>
      %dma_start3A_63 = arith.constant 0 : i32
      %dma_start3A_64 = arith.constant 0 : i32
      %dma_start3A_65 = tpu.memref_slice %arg10[%dma_start3A_56, %dma_start3A_63, %dma_start3A_64] : memref<8x64x128xf32, #tpu.memory_space<vmem>> -> memref<1x64x128xf32, #tpu.memory_space<vmem>>
      %dma_start3A_66 = tpu.memref_squeeze %dma_start3A_65 : memref<1x64x128xf32, #tpu.memory_space<vmem>> -> memref<64x128xf32, #tpu.memory_space<vmem>>
      %dma_start3A_67 = arith.constant 0 : i32
      %dma_start3A_68 = tpu.memref_slice %arg4[%dma_start3A_67, %multiple_of3A_54] : memref<64x1000000xf32, #tpu.memory_space<hbm>> -> memref<64x128xf32, #tpu.memory_space<hbm>>
      tpu.enqueue_dma source(%dma_start3A_68 : memref<64x128xf32, #tpu.memory_space<hbm>>) target(%dma_start3A_66 : memref<64x128xf32, #tpu.memory_space<vmem>>) target_semaphore(%arg20 : memref<!tpu.dma_semaphore, #tpu.memory_space<semaphore_mem>>)
      %slice3A_69 = vector.extract_strided_slice %get3A_20 {offsets = [2], sizes = [1], strides = [1]} : vector<16xi32> to vector<1xi32>
      %squeeze3A_70 = vector.extract %slice3A_69[0] : i32 from vector<1xi32>
      %jit3A_71 = arith.constant 0 : i32
      %jit3A_72 = arith.constant 999999 : i32
      %max3A_73 = arith.maxsi %jit3A_71, %squeeze3A_70 : i32
      %min3A_74 = arith.minsi %jit3A_72, %max3A_73 : i32
      %shift_right_arithmetic3A_75 = arith.constant 7 : i32
      %shift_right_arithmetic3A_76 = arith.shrsi %min3A_74, %shift_right_arithmetic3A_75 : i32
      %shift_left3A_77 = arith.constant 7 : i32
      %shift_left3A_78 = arith.shli %shift_right_arithmetic3A_76, %shift_left3A_77 : i32
      %multiple_of3A_79 = tpu.assume_multiple %shift_left3A_78, 128 : i32
      %sub3A_80 = arith.subi %min3A_74, %multiple_of3A_79 : i32
      %dma_start3A_81 = arith.constant 2 : i32
      %dma_start3A_82 = arith.constant 0 : i32
      %dma_start3A_83 = arith.constant 0 : i32
      %dma_start3A_84 = tpu.memref_slice %arg10[%dma_start3A_81, %dma_start3A_82, %dma_start3A_83] : memref<8x64x128xf32, #tpu.memory_space<vmem>> -> memref<1x64x128xf32, #tpu.memory_space<vmem>>
      %dma_start3A_85 = tpu.memref_squeeze %dma_start3A_84 : memref<1x64x128xf32, #tpu.memory_space<vmem>> -> memref<64x128xf32, #tpu.memory_space<vmem>>
      %dma_start3A_86 = arith.constant 0 : i32
      %dma_start3A_87 = tpu.memref_slice %arg4[%dma_start3A_86, %multiple_of3A_79] : memref<64x1000000xf32, #tpu.memory_space<hbm>> -> memref<64x128xf32, #tpu.memory_space<hbm>>
      %dma_start3A_88 = arith.constant 0 : i32
      %dma_start3A_89 = arith.constant 0 : i32
      %dma_start3A_90 = tpu.memref_slice %arg10[%dma_start3A_81, %dma_start3A_88, %dma_start3A_89] : memref<8x64x128xf32, #tpu.memory_space<vmem>> -> memref<1x64x128xf32, #tpu.memory_space<vmem>>
      %dma_start3A_91 = tpu.memref_squeeze %dma_start3A_90 : memref<1x64x128xf32, #tpu.memory_space<vmem>> -> memref<64x128xf32, #tpu.memory_space<vmem>>
      %dma_start3A_92 = arith.constant 0 : i32
      %dma_start3A_93 = tpu.memref_slice %arg4[%dma_start3A_92, %multiple_of3A_79] : memref<64x1000000xf32, #tpu.memory_space<hbm>> -> memref<64x128xf32, #tpu.memory_space<hbm>>
      tpu.enqueue_dma source(%dma_start3A_93 : memref<64x128xf32, #tpu.memory_space<hbm>>) target(%dma_start3A_91 : memref<64x128xf32, #tpu.memory_space<vmem>>) target_semaphore(%arg20 : memref<!tpu.dma_semaphore, #tpu.memory_space<semaphore_mem>>)
      %slice3A_94 = vector.extract_strided_slice %get3A_20 {offsets = [3], sizes = [1], strides = [1]} : vector<16xi32> to vector<1xi32>
      %squeeze3A_95 = vector.extract %slice3A_94[0] : i32 from vector<1xi32>
      %jit3A_96 = arith.constant 0 : i32
      %jit3A_97 = arith.constant 999999 : i32
      %max3A_98 = arith.maxsi %jit3A_96, %squeeze3A_95 : i32
      %min3A_99 = arith.minsi %jit3A_97, %max3A_98 : i32
      %shift_right_arithmetic3A_100 = arith.constant 7 : i32
      %shift_right_arithmetic3A_101 = arith.shrsi %min3A_99, %shift_right_arithmetic3A_100 : i32
      %shift_left3A_102 = arith.constant 7 : i32
      %shift_left3A_103 = arith.shli %shift_right_arithmetic3A_101, %shift_left3A_102 : i32
      %multiple_of3A_104 = tpu.assume_multiple %shift_left3A_103, 128 : i32
      %sub3A_105 = arith.subi %min3A_99, %multiple_of3A_104 : i32
      %dma_start3A_106 = arith.constant 3 : i32
      %dma_start3A_107 = arith.constant 0 : i32
      %dma_start3A_108 = arith.constant 0 : i32
      %dma_start3A_109 = tpu.memref_slice %arg10[%dma_start3A_106, %dma_start3A_107, %dma_start3A_108] : memref<8x64x128xf32, #tpu.memory_space<vmem>> -> memref<1x64x128xf32, #tpu.memory_space<vmem>>
      %dma_start3A_110 = tpu.memref_squeeze %dma_start3A_109 : memref<1x64x128xf32, #tpu.memory_space<vmem>> -> memref<64x128xf32, #tpu.memory_space<vmem>>
      %dma_start3A_111 = arith.constant 0 : i32
      %dma_start3A_112 = tpu.memref_slice %arg4[%dma_start3A_111, %multiple_of3A_104] : memref<64x1000000xf32, #tpu.memory_space<hbm>> -> memref<64x128xf32, #tpu.memory_space<hbm>>
      %dma_start3A_113 = arith.constant 0 : i32
      %dma_start3A_114 = arith.constant 0 : i32
      %dma_start3A_115 = tpu.memref_slice %arg10[%dma_start3A_106, %dma_start3A_113, %dma_start3A_114] : memref<8x64x128xf32, #tpu.memory_space<vmem>> -> memref<1x64x128xf32, #tpu.memory_space<vmem>>
      %dma_start3A_116 = tpu.memref_squeeze %dma_start3A_115 : memref<1x64x128xf32, #tpu.memory_space<vmem>> -> memref<64x128xf32, #tpu.memory_space<vmem>>
      %dma_start3A_117 = arith.constant 0 : i32
      %dma_start3A_118 = tpu.memref_slice %arg4[%dma_start3A_117, %multiple_of3A_104] : memref<64x1000000xf32, #tpu.memory_space<hbm>> -> memref<64x128xf32, #tpu.memory_space<hbm>>
      tpu.enqueue_dma source(%dma_start3A_118 : memref<64x128xf32, #tpu.memory_space<hbm>>) target(%dma_start3A_116 : memref<64x128xf32, #tpu.memory_space<vmem>>) target_semaphore(%arg20 : memref<!tpu.dma_semaphore, #tpu.memory_space<semaphore_mem>>)
      %slice3A_119 = vector.extract_strided_slice %get3A_20 {offsets = [4], sizes = [1], strides = [1]} : vector<16xi32> to vector<1xi32>
      %squeeze3A_120 = vector.extract %slice3A_119[0] : i32 from vector<1xi32>
      %jit3A_121 = arith.constant 0 : i32
      %jit3A_122 = arith.constant 999999 : i32
      %max3A_123 = arith.maxsi %jit3A_121, %squeeze3A_120 : i32
      %min3A_124 = arith.minsi %jit3A_122, %max3A_123 : i32
      %shift_right_arithmetic3A_125 = arith.constant 7 : i32
      %shift_right_arithmetic3A_126 = arith.shrsi %min3A_124, %shift_right_arithmetic3A_125 : i32
      %shift_left3A_127 = arith.constant 7 : i32
      %shift_left3A_128 = arith.shli %shift_right_arithmetic3A_126, %shift_left3A_127 : i32
      %multiple_of3A_129 = tpu.assume_multiple %shift_left3A_128, 128 : i32
      %sub3A_130 = arith.subi %min3A_124, %multiple_of3A_129 : i32
      %dma_start3A_131 = arith.constant 4 : i32
      %dma_start3A_132 = arith.constant 0 : i32
      %dma_start3A_133 = arith.constant 0 : i32
      %dma_start3A_134 = tpu.memref_slice %arg10[%dma_start3A_131, %dma_start3A_132, %dma_start3A_133] : memref<8x64x128xf32, #tpu.memory_space<vmem>> -> memref<1x64x128xf32, #tpu.memory_space<vmem>>
      %dma_start3A_135 = tpu.memref_squeeze %dma_start3A_134 : memref<1x64x128xf32, #tpu.memory_space<vmem>> -> memref<64x128xf32, #tpu.memory_space<vmem>>
      %dma_start3A_136 = arith.constant 0 : i32
      %dma_start3A_137 = tpu.memref_slice %arg4[%dma_start3A_136, %multiple_of3A_129] : memref<64x1000000xf32, #tpu.memory_space<hbm>> -> memref<64x128xf32, #tpu.memory_space<hbm>>
      %dma_start3A_138 = arith.constant 0 : i32
      %dma_start3A_139 = arith.constant 0 : i32
      %dma_start3A_140 = tpu.memref_slice %arg10[%dma_start3A_131, %dma_start3A_138, %dma_start3A_139] : memref<8x64x128xf32, #tpu.memory_space<vmem>> -> memref<1x64x128xf32, #tpu.memory_space<vmem>>
      %dma_start3A_141 = tpu.memref_squeeze %dma_start3A_140 : memref<1x64x128xf32, #tpu.memory_space<vmem>> -> memref<64x128xf32, #tpu.memory_space<vmem>>
      %dma_start3A_142 = arith.constant 0 : i32
      %dma_start3A_143 = tpu.memref_slice %arg4[%dma_start3A_142, %multiple_of3A_129] : memref<64x1000000xf32, #tpu.memory_space<hbm>> -> memref<64x128xf32, #tpu.memory_space<hbm>>
      tpu.enqueue_dma source(%dma_start3A_143 : memref<64x128xf32, #tpu.memory_space<hbm>>) target(%dma_start3A_141 : memref<64x128xf32, #tpu.memory_space<vmem>>) target_semaphore(%arg20 : memref<!tpu.dma_semaphore, #tpu.memory_space<semaphore_mem>>)
      %slice3A_144 = vector.extract_strided_slice %get3A_20 {offsets = [5], sizes = [1], strides = [1]} : vector<16xi32> to vector<1xi32>
      %squeeze3A_145 = vector.extract %slice3A_144[0] : i32 from vector<1xi32>
      %jit3A_146 = arith.constant 0 : i32
      %jit3A_147 = arith.constant 999999 : i32
      %max3A_148 = arith.maxsi %jit3A_146, %squeeze3A_145 : i32
      %min3A_149 = arith.minsi %jit3A_147, %max3A_148 : i32
      %shift_right_arithmetic3A_150 = arith.constant 7 : i32
      %shift_right_arithmetic3A_151 = arith.shrsi %min3A_149, %shift_right_arithmetic3A_150 : i32
      %shift_left3A_152 = arith.constant 7 : i32
      %shift_left3A_153 = arith.shli %shift_right_arithmetic3A_151, %shift_left3A_152 : i32
      %multiple_of3A_154 = tpu.assume_multiple %shift_left3A_153, 128 : i32
      %sub3A_155 = arith.subi %min3A_149, %multiple_of3A_154 : i32
      %dma_start3A_156 = arith.constant 5 : i32
      %dma_start3A_157 = arith.constant 0 : i32
      %dma_start3A_158 = arith.constant 0 : i32
      %dma_start3A_159 = tpu.memref_slice %arg10[%dma_start3A_156, %dma_start3A_157, %dma_start3A_158] : memref<8x64x128xf32, #tpu.memory_space<vmem>> -> memref<1x64x128xf32, #tpu.memory_space<vmem>>
      %dma_start3A_160 = tpu.memref_squeeze %dma_start3A_159 : memref<1x64x128xf32, #tpu.memory_space<vmem>> -> memref<64x128xf32, #tpu.memory_space<vmem>>
      %dma_start3A_161 = arith.constant 0 : i32
      %dma_start3A_162 = tpu.memref_slice %arg4[%dma_start3A_161, %multiple_of3A_154] : memref<64x1000000xf32, #tpu.memory_space<hbm>> -> memref<64x128xf32, #tpu.memory_space<hbm>>
      %dma_start3A_163 = arith.constant 0 : i32
      %dma_start3A_164 = arith.constant 0 : i32
      %dma_start3A_165 = tpu.memref_slice %arg10[%dma_start3A_156, %dma_start3A_163, %dma_start3A_164] : memref<8x64x128xf32, #tpu.memory_space<vmem>> -> memref<1x64x128xf32, #tpu.memory_space<vmem>>
      %dma_start3A_166 = tpu.memref_squeeze %dma_start3A_165 : memref<1x64x128xf32, #tpu.memory_space<vmem>> -> memref<64x128xf32, #tpu.memory_space<vmem>>
      %dma_start3A_167 = arith.constant 0 : i32
      %dma_start3A_168 = tpu.memref_slice %arg4[%dma_start3A_167, %multiple_of3A_154] : memref<64x1000000xf32, #tpu.memory_space<hbm>> -> memref<64x128xf32, #tpu.memory_space<hbm>>
      tpu.enqueue_dma source(%dma_start3A_168 : memref<64x128xf32, #tpu.memory_space<hbm>>) target(%dma_start3A_166 : memref<64x128xf32, #tpu.memory_space<vmem>>) target_semaphore(%arg20 : memref<!tpu.dma_semaphore, #tpu.memory_space<semaphore_mem>>)
      %slice3A_169 = vector.extract_strided_slice %get3A_20 {offsets = [6], sizes = [1], strides = [1]} : vector<16xi32> to vector<1xi32>
      %squeeze3A_170 = vector.extract %slice3A_169[0] : i32 from vector<1xi32>
      %jit3A_171 = arith.constant 0 : i32
      %jit3A_172 = arith.constant 999999 : i32
      %max3A_173 = arith.maxsi %jit3A_171, %squeeze3A_170 : i32
      %min3A_174 = arith.minsi %jit3A_172, %max3A_173 : i32
      %shift_right_arithmetic3A_175 = arith.constant 7 : i32
      %shift_right_arithmetic3A_176 = arith.shrsi %min3A_174, %shift_right_arithmetic3A_175 : i32
      %shift_left3A_177 = arith.constant 7 : i32
      %shift_left3A_178 = arith.shli %shift_right_arithmetic3A_176, %shift_left3A_177 : i32
      %multiple_of3A_179 = tpu.assume_multiple %shift_left3A_178, 128 : i32
      %sub3A_180 = arith.subi %min3A_174, %multiple_of3A_179 : i32
      %dma_start3A_181 = arith.constant 6 : i32
      %dma_start3A_182 = arith.constant 0 : i32
      %dma_start3A_183 = arith.constant 0 : i32
      %dma_start3A_184 = tpu.memref_slice %arg10[%dma_start3A_181, %dma_start3A_182, %dma_start3A_183] : memref<8x64x128xf32, #tpu.memory_space<vmem>> -> memref<1x64x128xf32, #tpu.memory_space<vmem>>
      %dma_start3A_185 = tpu.memref_squeeze %dma_start3A_184 : memref<1x64x128xf32, #tpu.memory_space<vmem>> -> memref<64x128xf32, #tpu.memory_space<vmem>>
      %dma_start3A_186 = arith.constant 0 : i32
      %dma_start3A_187 = tpu.memref_slice %arg4[%dma_start3A_186, %multiple_of3A_179] : memref<64x1000000xf32, #tpu.memory_space<hbm>> -> memref<64x128xf32, #tpu.memory_space<hbm>>
      %dma_start3A_188 = arith.constant 0 : i32
      %dma_start3A_189 = arith.constant 0 : i32
      %dma_start3A_190 = tpu.memref_slice %arg10[%dma_start3A_181, %dma_start3A_188, %dma_start3A_189] : memref<8x64x128xf32, #tpu.memory_space<vmem>> -> memref<1x64x128xf32, #tpu.memory_space<vmem>>
      %dma_start3A_191 = tpu.memref_squeeze %dma_start3A_190 : memref<1x64x128xf32, #tpu.memory_space<vmem>> -> memref<64x128xf32, #tpu.memory_space<vmem>>
      %dma_start3A_192 = arith.constant 0 : i32
      %dma_start3A_193 = tpu.memref_slice %arg4[%dma_start3A_192, %multiple_of3A_179] : memref<64x1000000xf32, #tpu.memory_space<hbm>> -> memref<64x128xf32, #tpu.memory_space<hbm>>
      tpu.enqueue_dma source(%dma_start3A_193 : memref<64x128xf32, #tpu.memory_space<hbm>>) target(%dma_start3A_191 : memref<64x128xf32, #tpu.memory_space<vmem>>) target_semaphore(%arg20 : memref<!tpu.dma_semaphore, #tpu.memory_space<semaphore_mem>>)
      %slice3A_194 = vector.extract_strided_slice %get3A_20 {offsets = [7], sizes = [1], strides = [1]} : vector<16xi32> to vector<1xi32>
      %squeeze3A_195 = vector.extract %slice3A_194[0] : i32 from vector<1xi32>
      %jit3A_196 = arith.constant 0 : i32
      %jit3A_197 = arith.constant 999999 : i32
      %max3A_198 = arith.maxsi %jit3A_196, %squeeze3A_195 : i32
      %min3A_199 = arith.minsi %jit3A_197, %max3A_198 : i32
      %shift_right_arithmetic3A_200 = arith.constant 7 : i32
      %shift_right_arithmetic3A_201 = arith.shrsi %min3A_199, %shift_right_arithmetic3A_200 : i32
      %shift_left3A_202 = arith.constant 7 : i32
      %shift_left3A_203 = arith.shli %shift_right_arithmetic3A_201, %shift_left3A_202 : i32
      %multiple_of3A_204 = tpu.assume_multiple %shift_left3A_203, 128 : i32
      %sub3A_205 = arith.subi %min3A_199, %multiple_of3A_204 : i32
      %dma_start3A_206 = arith.constant 7 : i32
      %dma_start3A_207 = arith.constant 0 : i32
      %dma_start3A_208 = arith.constant 0 : i32
      %dma_start3A_209 = tpu.memref_slice %arg10[%dma_start3A_206, %dma_start3A_207, %dma_start3A_208] : memref<8x64x128xf32, #tpu.memory_space<vmem>> -> memref<1x64x128xf32, #tpu.memory_space<vmem>>
      %dma_start3A_210 = tpu.memref_squeeze %dma_start3A_209 : memref<1x64x128xf32, #tpu.memory_space<vmem>> -> memref<64x128xf32, #tpu.memory_space<vmem>>
      %dma_start3A_211 = arith.constant 0 : i32
      %dma_start3A_212 = tpu.memref_slice %arg4[%dma_start3A_211, %multiple_of3A_204] : memref<64x1000000xf32, #tpu.memory_space<hbm>> -> memref<64x128xf32, #tpu.memory_space<hbm>>
      %dma_start3A_213 = arith.constant 0 : i32
      %dma_start3A_214 = arith.constant 0 : i32
      %dma_start3A_215 = tpu.memref_slice %arg10[%dma_start3A_206, %dma_start3A_213, %dma_start3A_214] : memref<8x64x128xf32, #tpu.memory_space<vmem>> -> memref<1x64x128xf32, #tpu.memory_space<vmem>>
      %dma_start3A_216 = tpu.memref_squeeze %dma_start3A_215 : memref<1x64x128xf32, #tpu.memory_space<vmem>> -> memref<64x128xf32, #tpu.memory_space<vmem>>
      %dma_start3A_217 = arith.constant 0 : i32
      %dma_start3A_218 = tpu.memref_slice %arg4[%dma_start3A_217, %multiple_of3A_204] : memref<64x1000000xf32, #tpu.memory_space<hbm>> -> memref<64x128xf32, #tpu.memory_space<hbm>>
      tpu.enqueue_dma source(%dma_start3A_218 : memref<64x128xf32, #tpu.memory_space<hbm>>) target(%dma_start3A_216 : memref<64x128xf32, #tpu.memory_space<vmem>>) target_semaphore(%arg20 : memref<!tpu.dma_semaphore, #tpu.memory_space<semaphore_mem>>)
      %dma_wait3A = arith.constant 0 : i32
      %dma_wait3A_219 = arith.constant 0 : i32
      %dma_wait3A_220 = arith.constant 0 : i32
      %dma_wait3A_221 = tpu.memref_slice %arg10[%dma_wait3A, %dma_wait3A_219, %dma_wait3A_220] : memref<8x64x128xf32, #tpu.memory_space<vmem>> -> memref<1x64x128xf32, #tpu.memory_space<vmem>>
      %dma_wait3A_222 = tpu.memref_squeeze %dma_wait3A_221 : memref<1x64x128xf32, #tpu.memory_space<vmem>> -> memref<64x128xf32, #tpu.memory_space<vmem>>
      %dma_wait3A_223 = arith.constant 0 : i32
      %dma_wait3A_224 = tpu.memref_slice %arg4[%dma_wait3A_223, %multiple_of3A] : memref<64x1000000xf32, #tpu.memory_space<hbm>> -> memref<64x128xf32, #tpu.memory_space<hbm>>
      %dma_wait3A_225 = arith.constant 0 : i32
      %dma_wait3A_226 = arith.constant 0 : i32
      %dma_wait3A_227 = tpu.memref_slice %arg10[%dma_wait3A, %dma_wait3A_225, %dma_wait3A_226] : memref<8x64x128xf32, #tpu.memory_space<vmem>> -> memref<1x64x128xf32, #tpu.memory_space<vmem>>
      %dma_wait3A_228 = tpu.memref_squeeze %dma_wait3A_227 : memref<1x64x128xf32, #tpu.memory_space<vmem>> -> memref<64x128xf32, #tpu.memory_space<vmem>>
      %dma_wait3A_229 = arith.constant 0 : i32
      %dma_wait3A_230 = tpu.memref_slice %arg4[%dma_wait3A_229, %multiple_of3A] : memref<64x1000000xf32, #tpu.memory_space<hbm>> -> memref<64x128xf32, #tpu.memory_space<hbm>>
      tpu.wait_dma2 semaphore(%arg20 : memref<!tpu.dma_semaphore, #tpu.memory_space<semaphore_mem>>) src(%dma_wait3A_230 : memref<64x128xf32, #tpu.memory_space<hbm>>) dst(%dma_wait3A_228 : memref<64x128xf32, #tpu.memory_space<vmem>>)
      %add3A = arith.constant 0 : i32
      %add3A_231 = arith.addi %mul3A_2, %add3A : i32
      %lt3A_232 = arith.constant 200 : i32
      %lt3A_233 = arith.cmpi slt, %add3A_231, %lt3A_232 : i32
      %jit3A_234 = arith.constant 1.000000e+00 : f32
      %jit3A_235 = arith.constant 0.000000e+00 : f32
      %select_n3A = arith.select %lt3A_233, %jit3A_234, %jit3A_235 : f32
      %broadcast_in_dim3A_236 = vector.broadcast %select_n3A : f32 to vector<16xf32>
      %broadcast_in_dim3A_237 = vector.broadcast %sub3A : i32 to vector<16xi32>
      %add3A_238 = arith.constant 0 : i32
      %add3A_239 = vector.broadcast %add3A_238 : i32 to vector<16xi32>
      %add3A_240 = arith.addi %iota3A, %add3A_239 : vector<16xi32>
      %gather3A = arith.constant 0 : i32
      %gather3A_241 = arith.constant 0 : i32
      %gather3A_242 = arith.constant 0 : i32
      %gather3A_243 = tpu.memref_slice %arg10[%gather3A, %gather3A_241, %gather3A_242] : memref<8x64x128xf32, #tpu.memory_space<vmem>> -> memref<1x64x128xf32, #tpu.memory_space<vmem>>
      %gather3A_244 = tpu.memref_squeeze %gather3A_243 : memref<1x64x128xf32, #tpu.memory_space<vmem>> -> memref<64x128xf32, #tpu.memory_space<vmem>>
      %gather3A_245 = tpu.vector_load_idx %gather3A_244[%add3A_240, %broadcast_in_dim3A_237] : memref<64x128xf32, #tpu.memory_space<vmem>>[vector<16xi32>, vector<16xi32>], vector<16xf32>,
      %add3A_246 = arith.constant 16 : i32
      %add3A_247 = vector.broadcast %add3A_246 : i32 to vector<16xi32>
      %add3A_248 = arith.addi %iota3A, %add3A_247 : vector<16xi32>
      %gather3A_249 = arith.constant 0 : i32
      %gather3A_250 = arith.constant 0 : i32
      %gather3A_251 = arith.constant 0 : i32
      %gather3A_252 = tpu.memref_slice %arg10[%gather3A_249, %gather3A_250, %gather3A_251] : memref<8x64x128xf32, #tpu.memory_space<vmem>> -> memref<1x64x128xf32, #tpu.memory_space<vmem>>
      %gather3A_253 = tpu.memref_squeeze %gather3A_252 : memref<1x64x128xf32, #tpu.memory_space<vmem>> -> memref<64x128xf32, #tpu.memory_space<vmem>>
      %gather3A_254 = tpu.vector_load_idx %gather3A_253[%add3A_248, %broadcast_in_dim3A_237] : memref<64x128xf32, #tpu.memory_space<vmem>>[vector<16xi32>, vector<16xi32>], vector<16xf32>,
      %add3A_255 = arith.constant 32 : i32
      %add3A_256 = vector.broadcast %add3A_255 : i32 to vector<16xi32>
      %add3A_257 = arith.addi %iota3A, %add3A_256 : vector<16xi32>
      %gather3A_258 = arith.constant 0 : i32
      %gather3A_259 = arith.constant 0 : i32
      %gather3A_260 = arith.constant 0 : i32
      %gather3A_261 = tpu.memref_slice %arg10[%gather3A_258, %gather3A_259, %gather3A_260] : memref<8x64x128xf32, #tpu.memory_space<vmem>> -> memref<1x64x128xf32, #tpu.memory_space<vmem>>
      %gather3A_262 = tpu.memref_squeeze %gather3A_261 : memref<1x64x128xf32, #tpu.memory_space<vmem>> -> memref<64x128xf32, #tpu.memory_space<vmem>>
      %gather3A_263 = tpu.vector_load_idx %gather3A_262[%add3A_257, %broadcast_in_dim3A_237] : memref<64x128xf32, #tpu.memory_space<vmem>>[vector<16xi32>, vector<16xi32>], vector<16xf32>,
      %add3A_264 = arith.constant 48 : i32
      %add3A_265 = vector.broadcast %add3A_264 : i32 to vector<16xi32>
      %add3A_266 = arith.addi %iota3A, %add3A_265 : vector<16xi32>
      %gather3A_267 = arith.constant 0 : i32
      %gather3A_268 = arith.constant 0 : i32
      %gather3A_269 = arith.constant 0 : i32
      %gather3A_270 = tpu.memref_slice %arg10[%gather3A_267, %gather3A_268, %gather3A_269] : memref<8x64x128xf32, #tpu.memory_space<vmem>> -> memref<1x64x128xf32, #tpu.memory_space<vmem>>
      %gather3A_271 = tpu.memref_squeeze %gather3A_270 : memref<1x64x128xf32, #tpu.memory_space<vmem>> -> memref<64x128xf32, #tpu.memory_space<vmem>>
      %gather3A_272 = tpu.vector_load_idx %gather3A_271[%add3A_266, %broadcast_in_dim3A_237] : memref<64x128xf32, #tpu.memory_space<vmem>>[vector<16xi32>, vector<16xi32>], vector<16xf32>,
      %mul3A_273 = arith.mulf %gather3A_245, %broadcast_in_dim3A_236 : vector<16xf32>
      %add3A_274 = arith.addf %broadcast_in_dim3A_22, %mul3A_273 : vector<16xf32>
      %mul3A_275 = arith.mulf %gather3A_254, %broadcast_in_dim3A_236 : vector<16xf32>
      %add3A_276 = arith.addf %broadcast_in_dim3A_24, %mul3A_275 : vector<16xf32>
      %mul3A_277 = arith.mulf %gather3A_263, %broadcast_in_dim3A_236 : vector<16xf32>
      %add3A_278 = arith.addf %broadcast_in_dim3A_26, %mul3A_277 : vector<16xf32>
      %mul3A_279 = arith.mulf %gather3A_272, %broadcast_in_dim3A_236 : vector<16xf32>
      %add3A_280 = arith.addf %broadcast_in_dim3A_28, %mul3A_279 : vector<16xf32>
      %slice3A_281 = vector.extract_strided_slice %get3A_20 {offsets = [8], sizes = [1], strides = [1]} : vector<16xi32> to vector<1xi32>
      %squeeze3A_282 = vector.extract %slice3A_281[0] : i32 from vector<1xi32>
      %jit3A_283 = arith.constant 0 : i32
      %jit3A_284 = arith.constant 999999 : i32
      %max3A_285 = arith.maxsi %jit3A_283, %squeeze3A_282 : i32
      %min3A_286 = arith.minsi %jit3A_284, %max3A_285 : i32
      %shift_right_arithmetic3A_287 = arith.constant 7 : i32
      %shift_right_arithmetic3A_288 = arith.shrsi %min3A_286, %shift_right_arithmetic3A_287 : i32
      %shift_left3A_289 = arith.constant 7 : i32
      %shift_left3A_290 = arith.shli %shift_right_arithmetic3A_288, %shift_left3A_289 : i32
      %multiple_of3A_291 = tpu.assume_multiple %shift_left3A_290, 128 : i32
      %sub3A_292 = arith.subi %min3A_286, %multiple_of3A_291 : i32
      %dma_start3A_293 = arith.constant 0 : i32
      %dma_start3A_294 = arith.constant 0 : i32
      %dma_start3A_295 = arith.constant 0 : i32
      %dma_start3A_296 = tpu.memref_slice %arg10[%dma_start3A_293, %dma_start3A_294, %dma_start3A_295] : memref<8x64x128xf32, #tpu.memory_space<vmem>> -> memref<1x64x128xf32, #tpu.memory_space<vmem>>
      %dma_start3A_297 = tpu.memref_squeeze %dma_start3A_296 : memref<1x64x128xf32, #tpu.memory_space<vmem>> -> memref<64x128xf32, #tpu.memory_space<vmem>>
      %dma_start3A_298 = arith.constant 0 : i32
      %dma_start3A_299 = tpu.memref_slice %arg4[%dma_start3A_298, %multiple_of3A_291] : memref<64x1000000xf32, #tpu.memory_space<hbm>> -> memref<64x128xf32, #tpu.memory_space<hbm>>
      %dma_start3A_300 = arith.constant 0 : i32
      %dma_start3A_301 = arith.constant 0 : i32
      %dma_start3A_302 = tpu.memref_slice %arg10[%dma_start3A_293, %dma_start3A_300, %dma_start3A_301] : memref<8x64x128xf32, #tpu.memory_space<vmem>> -> memref<1x64x128xf32, #tpu.memory_space<vmem>>
      %dma_start3A_303 = tpu.memref_squeeze %dma_start3A_302 : memref<1x64x128xf32, #tpu.memory_space<vmem>> -> memref<64x128xf32, #tpu.memory_space<vmem>>
      %dma_start3A_304 = arith.constant 0 : i32
      %dma_start3A_305 = tpu.memref_slice %arg4[%dma_start3A_304, %multiple_of3A_291] : memref<64x1000000xf32, #tpu.memory_space<hbm>> -> memref<64x128xf32, #tpu.memory_space<hbm>>
      tpu.enqueue_dma source(%dma_start3A_305 : memref<64x128xf32, #tpu.memory_space<hbm>>) target(%dma_start3A_303 : memref<64x128xf32, #tpu.memory_space<vmem>>) target_semaphore(%arg20 : memref<!tpu.dma_semaphore, #tpu.memory_space<semaphore_mem>>)
      %dma_wait3A_306 = arith.constant 1 : i32
      %dma_wait3A_307 = arith.constant 0 : i32
      %dma_wait3A_308 = arith.constant 0 : i32
      %dma_wait3A_309 = tpu.memref_slice %arg10[%dma_wait3A_306, %dma_wait3A_307, %dma_wait3A_308] : memref<8x64x128xf32, #tpu.memory_space<vmem>> -> memref<1x64x128xf32, #tpu.memory_space<vmem>>
      %dma_wait3A_310 = tpu.memref_squeeze %dma_wait3A_309 : memref<1x64x128xf32, #tpu.memory_space<vmem>> -> memref<64x128xf32, #tpu.memory_space<vmem>>
      %dma_wait3A_311 = arith.constant 0 : i32
      %dma_wait3A_312 = tpu.memref_slice %arg4[%dma_wait3A_311, %multiple_of3A_54] : memref<64x1000000xf32, #tpu.memory_space<hbm>> -> memref<64x128xf32, #tpu.memory_space<hbm>>
      %dma_wait3A_313 = arith.constant 0 : i32
      %dma_wait3A_314 = arith.constant 0 : i32
      %dma_wait3A_315 = tpu.memref_slice %arg10[%dma_wait3A_306, %dma_wait3A_313, %dma_wait3A_314] : memref<8x64x128xf32, #tpu.memory_space<vmem>> -> memref<1x64x128xf32, #tpu.memory_space<vmem>>
      %dma_wait3A_316 = tpu.memref_squeeze %dma_wait3A_315 : memref<1x64x128xf32, #tpu.memory_space<vmem>> -> memref<64x128xf32, #tpu.memory_space<vmem>>
      %dma_wait3A_317 = arith.constant 0 : i32
      %dma_wait3A_318 = tpu.memref_slice %arg4[%dma_wait3A_317, %multiple_of3A_54] : memref<64x1000000xf32, #tpu.memory_space<hbm>> -> memref<64x128xf32, #tpu.memory_space<hbm>>
      tpu.wait_dma2 semaphore(%arg20 : memref<!tpu.dma_semaphore, #tpu.memory_space<semaphore_mem>>) src(%dma_wait3A_318 : memref<64x128xf32, #tpu.memory_space<hbm>>) dst(%dma_wait3A_316 : memref<64x128xf32, #tpu.memory_space<vmem>>)
      %add3A_319 = arith.constant 1 : i32
      %add3A_320 = arith.addi %mul3A_2, %add3A_319 : i32
      %lt3A_321 = arith.constant 200 : i32
      %lt3A_322 = arith.cmpi slt, %add3A_320, %lt3A_321 : i32
      %jit3A_323 = arith.constant 1.000000e+00 : f32
      %jit3A_324 = arith.constant 0.000000e+00 : f32
      %select_n3A_325 = arith.select %lt3A_322, %jit3A_323, %jit3A_324 : f32
      %broadcast_in_dim3A_326 = vector.broadcast %select_n3A_325 : f32 to vector<16xf32>
      %broadcast_in_dim3A_327 = vector.broadcast %sub3A_55 : i32 to vector<16xi32>
      %add3A_328 = arith.constant 0 : i32
      %add3A_329 = vector.broadcast %add3A_328 : i32 to vector<16xi32>
      %add3A_330 = arith.addi %iota3A, %add3A_329 : vector<16xi32>
      %gather3A_331 = arith.constant 1 : i32
      %gather3A_332 = arith.constant 0 : i32
      %gather3A_333 = arith.constant 0 : i32
      %gather3A_334 = tpu.memref_slice %arg10[%gather3A_331, %gather3A_332, %gather3A_333] : memref<8x64x128xf32, #tpu.memory_space<vmem>> -> memref<1x64x128xf32, #tpu.memory_space<vmem>>
      %gather3A_335 = tpu.memref_squeeze %gather3A_334 : memref<1x64x128xf32, #tpu.memory_space<vmem>> -> memref<64x128xf32, #tpu.memory_space<vmem>>
      %gather3A_336 = tpu.vector_load_idx %gather3A_335[%add3A_330, %broadcast_in_dim3A_327] : memref<64x128xf32, #tpu.memory_space<vmem>>[vector<16xi32>, vector<16xi32>], vector<16xf32>,
      %add3A_337 = arith.constant 16 : i32
      %add3A_338 = vector.broadcast %add3A_337 : i32 to vector<16xi32>
      %add3A_339 = arith.addi %iota3A, %add3A_338 : vector<16xi32>
      %gather3A_340 = arith.constant 1 : i32
      %gather3A_341 = arith.constant 0 : i32
      %gather3A_342 = arith.constant 0 : i32
      %gather3A_343 = tpu.memref_slice %arg10[%gather3A_340, %gather3A_341, %gather3A_342] : memref<8x64x128xf32, #tpu.memory_space<vmem>> -> memref<1x64x128xf32, #tpu.memory_space<vmem>>
      %gather3A_344 = tpu.memref_squeeze %gather3A_343 : memref<1x64x128xf32, #tpu.memory_space<vmem>> -> memref<64x128xf32, #tpu.memory_space<vmem>>
      %gather3A_345 = tpu.vector_load_idx %gather3A_344[%add3A_339, %broadcast_in_dim3A_327] : memref<64x128xf32, #tpu.memory_space<vmem>>[vector<16xi32>, vector<16xi32>], vector<16xf32>,
      %add3A_346 = arith.constant 32 : i32
      %add3A_347 = vector.broadcast %add3A_346 : i32 to vector<16xi32>
      %add3A_348 = arith.addi %iota3A, %add3A_347 : vector<16xi32>
      %gather3A_349 = arith.constant 1 : i32
      %gather3A_350 = arith.constant 0 : i32
      %gather3A_351 = arith.constant 0 : i32
      %gather3A_352 = tpu.memref_slice %arg10[%gather3A_349, %gather3A_350, %gather3A_351] : memref<8x64x128xf32, #tpu.memory_space<vmem>> -> memref<1x64x128xf32, #tpu.memory_space<vmem>>
      %gather3A_353 = tpu.memref_squeeze %gather3A_352 : memref<1x64x128xf32, #tpu.memory_space<vmem>> -> memref<64x128xf32, #tpu.memory_space<vmem>>
      %gather3A_354 = tpu.vector_load_idx %gather3A_353[%add3A_348, %broadcast_in_dim3A_327] : memref<64x128xf32, #tpu.memory_space<vmem>>[vector<16xi32>, vector<16xi32>], vector<16xf32>,
      %add3A_355 = arith.constant 48 : i32
      %add3A_356 = vector.broadcast %add3A_355 : i32 to vector<16xi32>
      %add3A_357 = arith.addi %iota3A, %add3A_356 : vector<16xi32>
      %gather3A_358 = arith.constant 1 : i32
      %gather3A_359 = arith.constant 0 : i32
      %gather3A_360 = arith.constant 0 : i32
      %gather3A_361 = tpu.memref_slice %arg10[%gather3A_358, %gather3A_359, %gather3A_360] : memref<8x64x128xf32, #tpu.memory_space<vmem>> -> memref<1x64x128xf32, #tpu.memory_space<vmem>>
      %gather3A_362 = tpu.memref_squeeze %gather3A_361 : memref<1x64x128xf32, #tpu.memory_space<vmem>> -> memref<64x128xf32, #tpu.memory_space<vmem>>
      %gather3A_363 = tpu.vector_load_idx %gather3A_362[%add3A_357, %broadcast_in_dim3A_327] : memref<64x128xf32, #tpu.memory_space<vmem>>[vector<16xi32>, vector<16xi32>], vector<16xf32>,
      %mul3A_364 = arith.mulf %gather3A_336, %broadcast_in_dim3A_326 : vector<16xf32>
      %add3A_365 = arith.addf %add3A_274, %mul3A_364 : vector<16xf32>
      %mul3A_366 = arith.mulf %gather3A_345, %broadcast_in_dim3A_326 : vector<16xf32>
      %add3A_367 = arith.addf %add3A_276, %mul3A_366 : vector<16xf32>
      %mul3A_368 = arith.mulf %gather3A_354, %broadcast_in_dim3A_326 : vector<16xf32>
      %add3A_369 = arith.addf %add3A_278, %mul3A_368 : vector<16xf32>
      %mul3A_370 = arith.mulf %gather3A_363, %broadcast_in_dim3A_326 : vector<16xf32>
      %add3A_371 = arith.addf %add3A_280, %mul3A_370 : vector<16xf32>
      %slice3A_372 = vector.extract_strided_slice %get3A_20 {offsets = [9], sizes = [1], strides = [1]} : vector<16xi32> to vector<1xi32>
      %squeeze3A_373 = vector.extract %slice3A_372[0] : i32 from vector<1xi32>
      %jit3A_374 = arith.constant 0 : i32
      %jit3A_375 = arith.constant 999999 : i32
      %max3A_376 = arith.maxsi %jit3A_374, %squeeze3A_373 : i32
      %min3A_377 = arith.minsi %jit3A_375, %max3A_376 : i32
      %shift_right_arithmetic3A_378 = arith.constant 7 : i32
      %shift_right_arithmetic3A_379 = arith.shrsi %min3A_377, %shift_right_arithmetic3A_378 : i32
      %shift_left3A_380 = arith.constant 7 : i32
      %shift_left3A_381 = arith.shli %shift_right_arithmetic3A_379, %shift_left3A_380 : i32
      %multiple_of3A_382 = tpu.assume_multiple %shift_left3A_381, 128 : i32
      %sub3A_383 = arith.subi %min3A_377, %multiple_of3A_382 : i32
      %dma_start3A_384 = arith.constant 1 : i32
      %dma_start3A_385 = arith.constant 0 : i32
      %dma_start3A_386 = arith.constant 0 : i32
      %dma_start3A_387 = tpu.memref_slice %arg10[%dma_start3A_384, %dma_start3A_385, %dma_start3A_386] : memref<8x64x128xf32, #tpu.memory_space<vmem>> -> memref<1x64x128xf32, #tpu.memory_space<vmem>>
      %dma_start3A_388 = tpu.memref_squeeze %dma_start3A_387 : memref<1x64x128xf32, #tpu.memory_space<vmem>> -> memref<64x128xf32, #tpu.memory_space<vmem>>
      %dma_start3A_389 = arith.constant 0 : i32
      %dma_start3A_390 = tpu.memref_slice %arg4[%dma_start3A_389, %multiple_of3A_382] : memref<64x1000000xf32, #tpu.memory_space<hbm>> -> memref<64x128xf32, #tpu.memory_space<hbm>>
      %dma_start3A_391 = arith.constant 0 : i32
      %dma_start3A_392 = arith.constant 0 : i32
      %dma_start3A_393 = tpu.memref_slice %arg10[%dma_start3A_384, %dma_start3A_391, %dma_start3A_392] : memref<8x64x128xf32, #tpu.memory_space<vmem>> -> memref<1x64x128xf32, #tpu.memory_space<vmem>>
      %dma_start3A_394 = tpu.memref_squeeze %dma_start3A_393 : memref<1x64x128xf32, #tpu.memory_space<vmem>> -> memref<64x128xf32, #tpu.memory_space<vmem>>
      %dma_start3A_395 = arith.constant 0 : i32
      %dma_start3A_396 = tpu.memref_slice %arg4[%dma_start3A_395, %multiple_of3A_382] : memref<64x1000000xf32, #tpu.memory_space<hbm>> -> memref<64x128xf32, #tpu.memory_space<hbm>>
      tpu.enqueue_dma source(%dma_start3A_396 : memref<64x128xf32, #tpu.memory_space<hbm>>) target(%dma_start3A_394 : memref<64x128xf32, #tpu.memory_space<vmem>>) target_semaphore(%arg20 : memref<!tpu.dma_semaphore, #tpu.memory_space<semaphore_mem>>)
      %dma_wait3A_397 = arith.constant 2 : i32
      %dma_wait3A_398 = arith.constant 0 : i32
      %dma_wait3A_399 = arith.constant 0 : i32
      %dma_wait3A_400 = tpu.memref_slice %arg10[%dma_wait3A_397, %dma_wait3A_398, %dma_wait3A_399] : memref<8x64x128xf32, #tpu.memory_space<vmem>> -> memref<1x64x128xf32, #tpu.memory_space<vmem>>
      %dma_wait3A_401 = tpu.memref_squeeze %dma_wait3A_400 : memref<1x64x128xf32, #tpu.memory_space<vmem>> -> memref<64x128xf32, #tpu.memory_space<vmem>>
      %dma_wait3A_402 = arith.constant 0 : i32
      %dma_wait3A_403 = tpu.memref_slice %arg4[%dma_wait3A_402, %multiple_of3A_79] : memref<64x1000000xf32, #tpu.memory_space<hbm>> -> memref<64x128xf32, #tpu.memory_space<hbm>>
      %dma_wait3A_404 = arith.constant 0 : i32
      %dma_wait3A_405 = arith.constant 0 : i32
      %dma_wait3A_406 = tpu.memref_slice %arg10[%dma_wait3A_397, %dma_wait3A_404, %dma_wait3A_405] : memref<8x64x128xf32, #tpu.memory_space<vmem>> -> memref<1x64x128xf32, #tpu.memory_space<vmem>>
      %dma_wait3A_407 = tpu.memref_squeeze %dma_wait3A_406 : memref<1x64x128xf32, #tpu.memory_space<vmem>> -> memref<64x128xf32, #tpu.memory_space<vmem>>
      %dma_wait3A_408 = arith.constant 0 : i32
      %dma_wait3A_409 = tpu.memref_slice %arg4[%dma_wait3A_408, %multiple_of3A_79] : memref<64x1000000xf32, #tpu.memory_space<hbm>> -> memref<64x128xf32, #tpu.memory_space<hbm>>
      tpu.wait_dma2 semaphore(%arg20 : memref<!tpu.dma_semaphore, #tpu.memory_space<semaphore_mem>>) src(%dma_wait3A_409 : memref<64x128xf32, #tpu.memory_space<hbm>>) dst(%dma_wait3A_407 : memref<64x128xf32, #tpu.memory_space<vmem>>)
      %add3A_410 = arith.constant 2 : i32
      %add3A_411 = arith.addi %mul3A_2, %add3A_410 : i32
      %lt3A_412 = arith.constant 200 : i32
      %lt3A_413 = arith.cmpi slt, %add3A_411, %lt3A_412 : i32
      %jit3A_414 = arith.constant 1.000000e+00 : f32
      %jit3A_415 = arith.constant 0.000000e+00 : f32
      %select_n3A_416 = arith.select %lt3A_413, %jit3A_414, %jit3A_415 : f32
      %broadcast_in_dim3A_417 = vector.broadcast %select_n3A_416 : f32 to vector<16xf32>
      %broadcast_in_dim3A_418 = vector.broadcast %sub3A_80 : i32 to vector<16xi32>
      %add3A_419 = arith.constant 0 : i32
      %add3A_420 = vector.broadcast %add3A_419 : i32 to vector<16xi32>
      %add3A_421 = arith.addi %iota3A, %add3A_420 : vector<16xi32>
      %gather3A_422 = arith.constant 2 : i32
      %gather3A_423 = arith.constant 0 : i32
      %gather3A_424 = arith.constant 0 : i32
      %gather3A_425 = tpu.memref_slice %arg10[%gather3A_422, %gather3A_423, %gather3A_424] : memref<8x64x128xf32, #tpu.memory_space<vmem>> -> memref<1x64x128xf32, #tpu.memory_space<vmem>>
      %gather3A_426 = tpu.memref_squeeze %gather3A_425 : memref<1x64x128xf32, #tpu.memory_space<vmem>> -> memref<64x128xf32, #tpu.memory_space<vmem>>
      %gather3A_427 = tpu.vector_load_idx %gather3A_426[%add3A_421, %broadcast_in_dim3A_418] : memref<64x128xf32, #tpu.memory_space<vmem>>[vector<16xi32>, vector<16xi32>], vector<16xf32>,
      %add3A_428 = arith.constant 16 : i32
      %add3A_429 = vector.broadcast %add3A_428 : i32 to vector<16xi32>
      %add3A_430 = arith.addi %iota3A, %add3A_429 : vector<16xi32>
      %gather3A_431 = arith.constant 2 : i32
      %gather3A_432 = arith.constant 0 : i32
      %gather3A_433 = arith.constant 0 : i32
      %gather3A_434 = tpu.memref_slice %arg10[%gather3A_431, %gather3A_432, %gather3A_433] : memref<8x64x128xf32, #tpu.memory_space<vmem>> -> memref<1x64x128xf32, #tpu.memory_space<vmem>>
      %gather3A_435 = tpu.memref_squeeze %gather3A_434 : memref<1x64x128xf32, #tpu.memory_space<vmem>> -> memref<64x128xf32, #tpu.memory_space<vmem>>
      %gather3A_436 = tpu.vector_load_idx %gather3A_435[%add3A_430, %broadcast_in_dim3A_418] : memref<64x128xf32, #tpu.memory_space<vmem>>[vector<16xi32>, vector<16xi32>], vector<16xf32>,
      %add3A_437 = arith.constant 32 : i32
      %add3A_438 = vector.broadcast %add3A_437 : i32 to vector<16xi32>
      %add3A_439 = arith.addi %iota3A, %add3A_438 : vector<16xi32>
      %gather3A_440 = arith.constant 2 : i32
      %gather3A_441 = arith.constant 0 : i32
      %gather3A_442 = arith.constant 0 : i32
      %gather3A_443 = tpu.memref_slice %arg10[%gather3A_440, %gather3A_441, %gather3A_442] : memref<8x64x128xf32, #tpu.memory_space<vmem>> -> memref<1x64x128xf32, #tpu.memory_space<vmem>>
      %gather3A_444 = tpu.memref_squeeze %gather3A_443 : memref<1x64x128xf32, #tpu.memory_space<vmem>> -> memref<64x128xf32, #tpu.memory_space<vmem>>
      %gather3A_445 = tpu.vector_load_idx %gather3A_444[%add3A_439, %broadcast_in_dim3A_418] : memref<64x128xf32, #tpu.memory_space<vmem>>[vector<16xi32>, vector<16xi32>], vector<16xf32>,
      %add3A_446 = arith.constant 48 : i32
      %add3A_447 = vector.broadcast %add3A_446 : i32 to vector<16xi32>
      %add3A_448 = arith.addi %iota3A, %add3A_447 : vector<16xi32>
      %gather3A_449 = arith.constant 2 : i32
      %gather3A_450 = arith.constant 0 : i32
      %gather3A_451 = arith.constant 0 : i32
      %gather3A_452 = tpu.memref_slice %arg10[%gather3A_449, %gather3A_450, %gather3A_451] : memref<8x64x128xf32, #tpu.memory_space<vmem>> -> memref<1x64x128xf32, #tpu.memory_space<vmem>>
      %gather3A_453 = tpu.memref_squeeze %gather3A_452 : memref<1x64x128xf32, #tpu.memory_space<vmem>> -> memref<64x128xf32, #tpu.memory_space<vmem>>
      %gather3A_454 = tpu.vector_load_idx %gather3A_453[%add3A_448, %broadcast_in_dim3A_418] : memref<64x128xf32, #tpu.memory_space<vmem>>[vector<16xi32>, vector<16xi32>], vector<16xf32>,
      %mul3A_455 = arith.mulf %gather3A_427, %broadcast_in_dim3A_417 : vector<16xf32>
      %add3A_456 = arith.addf %add3A_365, %mul3A_455 : vector<16xf32>
      %mul3A_457 = arith.mulf %gather3A_436, %broadcast_in_dim3A_417 : vector<16xf32>
      %add3A_458 = arith.addf %add3A_367, %mul3A_457 : vector<16xf32>
      %mul3A_459 = arith.mulf %gather3A_445, %broadcast_in_dim3A_417 : vector<16xf32>
      %add3A_460 = arith.addf %add3A_369, %mul3A_459 : vector<16xf32>
      %mul3A_461 = arith.mulf %gather3A_454, %broadcast_in_dim3A_417 : vector<16xf32>
      %add3A_462 = arith.addf %add3A_371, %mul3A_461 : vector<16xf32>
      %slice3A_463 = vector.extract_strided_slice %get3A_20 {offsets = [10], sizes = [1], strides = [1]} : vector<16xi32> to vector<1xi32>
      %squeeze3A_464 = vector.extract %slice3A_463[0] : i32 from vector<1xi32>
      %jit3A_465 = arith.constant 0 : i32
      %jit3A_466 = arith.constant 999999 : i32
      %max3A_467 = arith.maxsi %jit3A_465, %squeeze3A_464 : i32
      %min3A_468 = arith.minsi %jit3A_466, %max3A_467 : i32
      %shift_right_arithmetic3A_469 = arith.constant 7 : i32
      %shift_right_arithmetic3A_470 = arith.shrsi %min3A_468, %shift_right_arithmetic3A_469 : i32
      %shift_left3A_471 = arith.constant 7 : i32
      %shift_left3A_472 = arith.shli %shift_right_arithmetic3A_470, %shift_left3A_471 : i32
      %multiple_of3A_473 = tpu.assume_multiple %shift_left3A_472, 128 : i32
      %sub3A_474 = arith.subi %min3A_468, %multiple_of3A_473 : i32
      %dma_start3A_475 = arith.constant 2 : i32
      %dma_start3A_476 = arith.constant 0 : i32
      %dma_start3A_477 = arith.constant 0 : i32
      %dma_start3A_478 = tpu.memref_slice %arg10[%dma_start3A_475, %dma_start3A_476, %dma_start3A_477] : memref<8x64x128xf32, #tpu.memory_space<vmem>> -> memref<1x64x128xf32, #tpu.memory_space<vmem>>
      %dma_start3A_479 = tpu.memref_squeeze %dma_start3A_478 : memref<1x64x128xf32, #tpu.memory_space<vmem>> -> memref<64x128xf32, #tpu.memory_space<vmem>>
      %dma_start3A_480 = arith.constant 0 : i32
      %dma_start3A_481 = tpu.memref_slice %arg4[%dma_start3A_480, %multiple_of3A_473] : memref<64x1000000xf32, #tpu.memory_space<hbm>> -> memref<64x128xf32, #tpu.memory_space<hbm>>
      %dma_start3A_482 = arith.constant 0 : i32
      %dma_start3A_483 = arith.constant 0 : i32
      %dma_start3A_484 = tpu.memref_slice %arg10[%dma_start3A_475, %dma_start3A_482, %dma_start3A_483] : memref<8x64x128xf32, #tpu.memory_space<vmem>> -> memref<1x64x128xf32, #tpu.memory_space<vmem>>
      %dma_start3A_485 = tpu.memref_squeeze %dma_start3A_484 : memref<1x64x128xf32, #tpu.memory_space<vmem>> -> memref<64x128xf32, #tpu.memory_space<vmem>>
      %dma_start3A_486 = arith.constant 0 : i32
      %dma_start3A_487 = tpu.memref_slice %arg4[%dma_start3A_486, %multiple_of3A_473] : memref<64x1000000xf32, #tpu.memory_space<hbm>> -> memref<64x128xf32, #tpu.memory_space<hbm>>
      tpu.enqueue_dma source(%dma_start3A_487 : memref<64x128xf32, #tpu.memory_space<hbm>>) target(%dma_start3A_485 : memref<64x128xf32, #tpu.memory_space<vmem>>) target_semaphore(%arg20 : memref<!tpu.dma_semaphore, #tpu.memory_space<semaphore_mem>>)
      %dma_wait3A_488 = arith.constant 3 : i32
      %dma_wait3A_489 = arith.constant 0 : i32
      %dma_wait3A_490 = arith.constant 0 : i32
      %dma_wait3A_491 = tpu.memref_slice %arg10[%dma_wait3A_488, %dma_wait3A_489, %dma_wait3A_490] : memref<8x64x128xf32, #tpu.memory_space<vmem>> -> memref<1x64x128xf32, #tpu.memory_space<vmem>>
      %dma_wait3A_492 = tpu.memref_squeeze %dma_wait3A_491 : memref<1x64x128xf32, #tpu.memory_space<vmem>> -> memref<64x128xf32, #tpu.memory_space<vmem>>
      %dma_wait3A_493 = arith.constant 0 : i32
      %dma_wait3A_494 = tpu.memref_slice %arg4[%dma_wait3A_493, %multiple_of3A_104] : memref<64x1000000xf32, #tpu.memory_space<hbm>> -> memref<64x128xf32, #tpu.memory_space<hbm>>
      %dma_wait3A_495 = arith.constant 0 : i32
      %dma_wait3A_496 = arith.constant 0 : i32
      %dma_wait3A_497 = tpu.memref_slice %arg10[%dma_wait3A_488, %dma_wait3A_495, %dma_wait3A_496] : memref<8x64x128xf32, #tpu.memory_space<vmem>> -> memref<1x64x128xf32, #tpu.memory_space<vmem>>
      %dma_wait3A_498 = tpu.memref_squeeze %dma_wait3A_497 : memref<1x64x128xf32, #tpu.memory_space<vmem>> -> memref<64x128xf32, #tpu.memory_space<vmem>>
      %dma_wait3A_499 = arith.constant 0 : i32
      %dma_wait3A_500 = tpu.memref_slice %arg4[%dma_wait3A_499, %multiple_of3A_104] : memref<64x1000000xf32, #tpu.memory_space<hbm>> -> memref<64x128xf32, #tpu.memory_space<hbm>>
      tpu.wait_dma2 semaphore(%arg20 : memref<!tpu.dma_semaphore, #tpu.memory_space<semaphore_mem>>) src(%dma_wait3A_500 : memref<64x128xf32, #tpu.memory_space<hbm>>) dst(%dma_wait3A_498 : memref<64x128xf32, #tpu.memory_space<vmem>>)
      %add3A_501 = arith.constant 3 : i32
      %add3A_502 = arith.addi %mul3A_2, %add3A_501 : i32
      %lt3A_503 = arith.constant 200 : i32
      %lt3A_504 = arith.cmpi slt, %add3A_502, %lt3A_503 : i32
      %jit3A_505 = arith.constant 1.000000e+00 : f32
      %jit3A_506 = arith.constant 0.000000e+00 : f32
      %select_n3A_507 = arith.select %lt3A_504, %jit3A_505, %jit3A_506 : f32
      %broadcast_in_dim3A_508 = vector.broadcast %select_n3A_507 : f32 to vector<16xf32>
      %broadcast_in_dim3A_509 = vector.broadcast %sub3A_105 : i32 to vector<16xi32>
      %add3A_510 = arith.constant 0 : i32
      %add3A_511 = vector.broadcast %add3A_510 : i32 to vector<16xi32>
      %add3A_512 = arith.addi %iota3A, %add3A_511 : vector<16xi32>
      %gather3A_513 = arith.constant 3 : i32
      %gather3A_514 = arith.constant 0 : i32
      %gather3A_515 = arith.constant 0 : i32
      %gather3A_516 = tpu.memref_slice %arg10[%gather3A_513, %gather3A_514, %gather3A_515] : memref<8x64x128xf32, #tpu.memory_space<vmem>> -> memref<1x64x128xf32, #tpu.memory_space<vmem>>
      %gather3A_517 = tpu.memref_squeeze %gather3A_516 : memref<1x64x128xf32, #tpu.memory_space<vmem>> -> memref<64x128xf32, #tpu.memory_space<vmem>>
      %gather3A_518 = tpu.vector_load_idx %gather3A_517[%add3A_512, %broadcast_in_dim3A_509] : memref<64x128xf32, #tpu.memory_space<vmem>>[vector<16xi32>, vector<16xi32>], vector<16xf32>,
      %add3A_519 = arith.constant 16 : i32
      %add3A_520 = vector.broadcast %add3A_519 : i32 to vector<16xi32>
      %add3A_521 = arith.addi %iota3A, %add3A_520 : vector<16xi32>
      %gather3A_522 = arith.constant 3 : i32
      %gather3A_523 = arith.constant 0 : i32
      %gather3A_524 = arith.constant 0 : i32
      %gather3A_525 = tpu.memref_slice %arg10[%gather3A_522, %gather3A_523, %gather3A_524] : memref<8x64x128xf32, #tpu.memory_space<vmem>> -> memref<1x64x128xf32, #tpu.memory_space<vmem>>
      %gather3A_526 = tpu.memref_squeeze %gather3A_525 : memref<1x64x128xf32, #tpu.memory_space<vmem>> -> memref<64x128xf32, #tpu.memory_space<vmem>>
      %gather3A_527 = tpu.vector_load_idx %gather3A_526[%add3A_521, %broadcast_in_dim3A_509] : memref<64x128xf32, #tpu.memory_space<vmem>>[vector<16xi32>, vector<16xi32>], vector<16xf32>,
      %add3A_528 = arith.constant 32 : i32
      %add3A_529 = vector.broadcast %add3A_528 : i32 to vector<16xi32>
      %add3A_530 = arith.addi %iota3A, %add3A_529 : vector<16xi32>
      %gather3A_531 = arith.constant 3 : i32
      %gather3A_532 = arith.constant 0 : i32
      %gather3A_533 = arith.constant 0 : i32
      %gather3A_534 = tpu.memref_slice %arg10[%gather3A_531, %gather3A_532, %gather3A_533] : memref<8x64x128xf32, #tpu.memory_space<vmem>> -> memref<1x64x128xf32, #tpu.memory_space<vmem>>
      %gather3A_535 = tpu.memref_squeeze %gather3A_534 : memref<1x64x128xf32, #tpu.memory_space<vmem>> -> memref<64x128xf32, #tpu.memory_space<vmem>>
      %gather3A_536 = tpu.vector_load_idx %gather3A_535[%add3A_530, %broadcast_in_dim3A_509] : memref<64x128xf32, #tpu.memory_space<vmem>>[vector<16xi32>, vector<16xi32>], vector<16xf32>,
      %add3A_537 = arith.constant 48 : i32
      %add3A_538 = vector.broadcast %add3A_537 : i32 to vector<16xi32>
      %add3A_539 = arith.addi %iota3A, %add3A_538 : vector<16xi32>
      %gather3A_540 = arith.constant 3 : i32
      %gather3A_541 = arith.constant 0 : i32
      %gather3A_542 = arith.constant 0 : i32
      %gather3A_543 = tpu.memref_slice %arg10[%gather3A_540, %gather3A_541, %gather3A_542] : memref<8x64x128xf32, #tpu.memory_space<vmem>> -> memref<1x64x128xf32, #tpu.memory_space<vmem>>
      %gather3A_544 = tpu.memref_squeeze %gather3A_543 : memref<1x64x128xf32, #tpu.memory_space<vmem>> -> memref<64x128xf32, #tpu.memory_space<vmem>>
      %gather3A_545 = tpu.vector_load_idx %gather3A_544[%add3A_539, %broadcast_in_dim3A_509] : memref<64x128xf32, #tpu.memory_space<vmem>>[vector<16xi32>, vector<16xi32>], vector<16xf32>,
      %mul3A_546 = arith.mulf %gather3A_518, %broadcast_in_dim3A_508 : vector<16xf32>
      %add3A_547 = arith.addf %add3A_456, %mul3A_546 : vector<16xf32>
      %mul3A_548 = arith.mulf %gather3A_527, %broadcast_in_dim3A_508 : vector<16xf32>
      %add3A_549 = arith.addf %add3A_458, %mul3A_548 : vector<16xf32>
      %mul3A_550 = arith.mulf %gather3A_536, %broadcast_in_dim3A_508 : vector<16xf32>
      %add3A_551 = arith.addf %add3A_460, %mul3A_550 : vector<16xf32>
      %mul3A_552 = arith.mulf %gather3A_545, %broadcast_in_dim3A_508 : vector<16xf32>
      %add3A_553 = arith.addf %add3A_462, %mul3A_552 : vector<16xf32>
      %slice3A_554 = vector.extract_strided_slice %get3A_20 {offsets = [11], sizes = [1], strides = [1]} : vector<16xi32> to vector<1xi32>
      %squeeze3A_555 = vector.extract %slice3A_554[0] : i32 from vector<1xi32>
      %jit3A_556 = arith.constant 0 : i32
      %jit3A_557 = arith.constant 999999 : i32
      %max3A_558 = arith.maxsi %jit3A_556, %squeeze3A_555 : i32
      %min3A_559 = arith.minsi %jit3A_557, %max3A_558 : i32
      %shift_right_arithmetic3A_560 = arith.constant 7 : i32
      %shift_right_arithmetic3A_561 = arith.shrsi %min3A_559, %shift_right_arithmetic3A_560 : i32
      %shift_left3A_562 = arith.constant 7 : i32
      %shift_left3A_563 = arith.shli %shift_right_arithmetic3A_561, %shift_left3A_562 : i32
      %multiple_of3A_564 = tpu.assume_multiple %shift_left3A_563, 128 : i32
      %sub3A_565 = arith.subi %min3A_559, %multiple_of3A_564 : i32
      %dma_start3A_566 = arith.constant 3 : i32
      %dma_start3A_567 = arith.constant 0 : i32
      %dma_start3A_568 = arith.constant 0 : i32
      %dma_start3A_569 = tpu.memref_slice %arg10[%dma_start3A_566, %dma_start3A_567, %dma_start3A_568] : memref<8x64x128xf32, #tpu.memory_space<vmem>> -> memref<1x64x128xf32, #tpu.memory_space<vmem>>
      %dma_start3A_570 = tpu.memref_squeeze %dma_start3A_569 : memref<1x64x128xf32, #tpu.memory_space<vmem>> -> memref<64x128xf32, #tpu.memory_space<vmem>>
      %dma_start3A_571 = arith.constant 0 : i32
      %dma_start3A_572 = tpu.memref_slice %arg4[%dma_start3A_571, %multiple_of3A_564] : memref<64x1000000xf32, #tpu.memory_space<hbm>> -> memref<64x128xf32, #tpu.memory_space<hbm>>
      %dma_start3A_573 = arith.constant 0 : i32
      %dma_start3A_574 = arith.constant 0 : i32
      %dma_start3A_575 = tpu.memref_slice %arg10[%dma_start3A_566, %dma_start3A_573, %dma_start3A_574] : memref<8x64x128xf32, #tpu.memory_space<vmem>> -> memref<1x64x128xf32, #tpu.memory_space<vmem>>
      %dma_start3A_576 = tpu.memref_squeeze %dma_start3A_575 : memref<1x64x128xf32, #tpu.memory_space<vmem>> -> memref<64x128xf32, #tpu.memory_space<vmem>>
      %dma_start3A_577 = arith.constant 0 : i32
      %dma_start3A_578 = tpu.memref_slice %arg4[%dma_start3A_577, %multiple_of3A_564] : memref<64x1000000xf32, #tpu.memory_space<hbm>> -> memref<64x128xf32, #tpu.memory_space<hbm>>
      tpu.enqueue_dma source(%dma_start3A_578 : memref<64x128xf32, #tpu.memory_space<hbm>>) target(%dma_start3A_576 : memref<64x128xf32, #tpu.memory_space<vmem>>) target_semaphore(%arg20 : memref<!tpu.dma_semaphore, #tpu.memory_space<semaphore_mem>>)
      %dma_wait3A_579 = arith.constant 4 : i32
      %dma_wait3A_580 = arith.constant 0 : i32
      %dma_wait3A_581 = arith.constant 0 : i32
      %dma_wait3A_582 = tpu.memref_slice %arg10[%dma_wait3A_579, %dma_wait3A_580, %dma_wait3A_581] : memref<8x64x128xf32, #tpu.memory_space<vmem>> -> memref<1x64x128xf32, #tpu.memory_space<vmem>>
      %dma_wait3A_583 = tpu.memref_squeeze %dma_wait3A_582 : memref<1x64x128xf32, #tpu.memory_space<vmem>> -> memref<64x128xf32, #tpu.memory_space<vmem>>
      %dma_wait3A_584 = arith.constant 0 : i32
      %dma_wait3A_585 = tpu.memref_slice %arg4[%dma_wait3A_584, %multiple_of3A_129] : memref<64x1000000xf32, #tpu.memory_space<hbm>> -> memref<64x128xf32, #tpu.memory_space<hbm>>
      %dma_wait3A_586 = arith.constant 0 : i32
      %dma_wait3A_587 = arith.constant 0 : i32
      %dma_wait3A_588 = tpu.memref_slice %arg10[%dma_wait3A_579, %dma_wait3A_586, %dma_wait3A_587] : memref<8x64x128xf32, #tpu.memory_space<vmem>> -> memref<1x64x128xf32, #tpu.memory_space<vmem>>
      %dma_wait3A_589 = tpu.memref_squeeze %dma_wait3A_588 : memref<1x64x128xf32, #tpu.memory_space<vmem>> -> memref<64x128xf32, #tpu.memory_space<vmem>>
      %dma_wait3A_590 = arith.constant 0 : i32
      %dma_wait3A_591 = tpu.memref_slice %arg4[%dma_wait3A_590, %multiple_of3A_129] : memref<64x1000000xf32, #tpu.memory_space<hbm>> -> memref<64x128xf32, #tpu.memory_space<hbm>>
      tpu.wait_dma2 semaphore(%arg20 : memref<!tpu.dma_semaphore, #tpu.memory_space<semaphore_mem>>) src(%dma_wait3A_591 : memref<64x128xf32, #tpu.memory_space<hbm>>) dst(%dma_wait3A_589 : memref<64x128xf32, #tpu.memory_space<vmem>>)
      %add3A_592 = arith.constant 4 : i32
      %add3A_593 = arith.addi %mul3A_2, %add3A_592 : i32
      %lt3A_594 = arith.constant 200 : i32
      %lt3A_595 = arith.cmpi slt, %add3A_593, %lt3A_594 : i32
      %jit3A_596 = arith.constant 1.000000e+00 : f32
      %jit3A_597 = arith.constant 0.000000e+00 : f32
      %select_n3A_598 = arith.select %lt3A_595, %jit3A_596, %jit3A_597 : f32
      %broadcast_in_dim3A_599 = vector.broadcast %select_n3A_598 : f32 to vector<16xf32>
      %broadcast_in_dim3A_600 = vector.broadcast %sub3A_130 : i32 to vector<16xi32>
      %add3A_601 = arith.constant 0 : i32
      %add3A_602 = vector.broadcast %add3A_601 : i32 to vector<16xi32>
      %add3A_603 = arith.addi %iota3A, %add3A_602 : vector<16xi32>
      %gather3A_604 = arith.constant 4 : i32
      %gather3A_605 = arith.constant 0 : i32
      %gather3A_606 = arith.constant 0 : i32
      %gather3A_607 = tpu.memref_slice %arg10[%gather3A_604, %gather3A_605, %gather3A_606] : memref<8x64x128xf32, #tpu.memory_space<vmem>> -> memref<1x64x128xf32, #tpu.memory_space<vmem>>
      %gather3A_608 = tpu.memref_squeeze %gather3A_607 : memref<1x64x128xf32, #tpu.memory_space<vmem>> -> memref<64x128xf32, #tpu.memory_space<vmem>>
      %gather3A_609 = tpu.vector_load_idx %gather3A_608[%add3A_603, %broadcast_in_dim3A_600] : memref<64x128xf32, #tpu.memory_space<vmem>>[vector<16xi32>, vector<16xi32>], vector<16xf32>,
      %add3A_610 = arith.constant 16 : i32
      %add3A_611 = vector.broadcast %add3A_610 : i32 to vector<16xi32>
      %add3A_612 = arith.addi %iota3A, %add3A_611 : vector<16xi32>
      %gather3A_613 = arith.constant 4 : i32
      %gather3A_614 = arith.constant 0 : i32
      %gather3A_615 = arith.constant 0 : i32
      %gather3A_616 = tpu.memref_slice %arg10[%gather3A_613, %gather3A_614, %gather3A_615] : memref<8x64x128xf32, #tpu.memory_space<vmem>> -> memref<1x64x128xf32, #tpu.memory_space<vmem>>
      %gather3A_617 = tpu.memref_squeeze %gather3A_616 : memref<1x64x128xf32, #tpu.memory_space<vmem>> -> memref<64x128xf32, #tpu.memory_space<vmem>>
      %gather3A_618 = tpu.vector_load_idx %gather3A_617[%add3A_612, %broadcast_in_dim3A_600] : memref<64x128xf32, #tpu.memory_space<vmem>>[vector<16xi32>, vector<16xi32>], vector<16xf32>,
      %add3A_619 = arith.constant 32 : i32
      %add3A_620 = vector.broadcast %add3A_619 : i32 to vector<16xi32>
      %add3A_621 = arith.addi %iota3A, %add3A_620 : vector<16xi32>
      %gather3A_622 = arith.constant 4 : i32
      %gather3A_623 = arith.constant 0 : i32
      %gather3A_624 = arith.constant 0 : i32
      %gather3A_625 = tpu.memref_slice %arg10[%gather3A_622, %gather3A_623, %gather3A_624] : memref<8x64x128xf32, #tpu.memory_space<vmem>> -> memref<1x64x128xf32, #tpu.memory_space<vmem>>
      %gather3A_626 = tpu.memref_squeeze %gather3A_625 : memref<1x64x128xf32, #tpu.memory_space<vmem>> -> memref<64x128xf32, #tpu.memory_space<vmem>>
      %gather3A_627 = tpu.vector_load_idx %gather3A_626[%add3A_621, %broadcast_in_dim3A_600] : memref<64x128xf32, #tpu.memory_space<vmem>>[vector<16xi32>, vector<16xi32>], vector<16xf32>,
      %add3A_628 = arith.constant 48 : i32
      %add3A_629 = vector.broadcast %add3A_628 : i32 to vector<16xi32>
      %add3A_630 = arith.addi %iota3A, %add3A_629 : vector<16xi32>
      %gather3A_631 = arith.constant 4 : i32
      %gather3A_632 = arith.constant 0 : i32
      %gather3A_633 = arith.constant 0 : i32
      %gather3A_634 = tpu.memref_slice %arg10[%gather3A_631, %gather3A_632, %gather3A_633] : memref<8x64x128xf32, #tpu.memory_space<vmem>> -> memref<1x64x128xf32, #tpu.memory_space<vmem>>
      %gather3A_635 = tpu.memref_squeeze %gather3A_634 : memref<1x64x128xf32, #tpu.memory_space<vmem>> -> memref<64x128xf32, #tpu.memory_space<vmem>>
      %gather3A_636 = tpu.vector_load_idx %gather3A_635[%add3A_630, %broadcast_in_dim3A_600] : memref<64x128xf32, #tpu.memory_space<vmem>>[vector<16xi32>, vector<16xi32>], vector<16xf32>,
      %mul3A_637 = arith.mulf %gather3A_609, %broadcast_in_dim3A_599 : vector<16xf32>
      %add3A_638 = arith.addf %add3A_547, %mul3A_637 : vector<16xf32>
      %mul3A_639 = arith.mulf %gather3A_618, %broadcast_in_dim3A_599 : vector<16xf32>
      %add3A_640 = arith.addf %add3A_549, %mul3A_639 : vector<16xf32>
      %mul3A_641 = arith.mulf %gather3A_627, %broadcast_in_dim3A_599 : vector<16xf32>
      %add3A_642 = arith.addf %add3A_551, %mul3A_641 : vector<16xf32>
      %mul3A_643 = arith.mulf %gather3A_636, %broadcast_in_dim3A_599 : vector<16xf32>
      %add3A_644 = arith.addf %add3A_553, %mul3A_643 : vector<16xf32>
      %slice3A_645 = vector.extract_strided_slice %get3A_20 {offsets = [12], sizes = [1], strides = [1]} : vector<16xi32> to vector<1xi32>
      %squeeze3A_646 = vector.extract %slice3A_645[0] : i32 from vector<1xi32>
      %jit3A_647 = arith.constant 0 : i32
      %jit3A_648 = arith.constant 999999 : i32
      %max3A_649 = arith.maxsi %jit3A_647, %squeeze3A_646 : i32
      %min3A_650 = arith.minsi %jit3A_648, %max3A_649 : i32
      %shift_right_arithmetic3A_651 = arith.constant 7 : i32
      %shift_right_arithmetic3A_652 = arith.shrsi %min3A_650, %shift_right_arithmetic3A_651 : i32
      %shift_left3A_653 = arith.constant 7 : i32
      %shift_left3A_654 = arith.shli %shift_right_arithmetic3A_652, %shift_left3A_653 : i32
      %multiple_of3A_655 = tpu.assume_multiple %shift_left3A_654, 128 : i32
      %sub3A_656 = arith.subi %min3A_650, %multiple_of3A_655 : i32
      %dma_start3A_657 = arith.constant 4 : i32
      %dma_start3A_658 = arith.constant 0 : i32
      %dma_start3A_659 = arith.constant 0 : i32
      %dma_start3A_660 = tpu.memref_slice %arg10[%dma_start3A_657, %dma_start3A_658, %dma_start3A_659] : memref<8x64x128xf32, #tpu.memory_space<vmem>> -> memref<1x64x128xf32, #tpu.memory_space<vmem>>
      %dma_start3A_661 = tpu.memref_squeeze %dma_start3A_660 : memref<1x64x128xf32, #tpu.memory_space<vmem>> -> memref<64x128xf32, #tpu.memory_space<vmem>>
      %dma_start3A_662 = arith.constant 0 : i32
      %dma_start3A_663 = tpu.memref_slice %arg4[%dma_start3A_662, %multiple_of3A_655] : memref<64x1000000xf32, #tpu.memory_space<hbm>> -> memref<64x128xf32, #tpu.memory_space<hbm>>
      %dma_start3A_664 = arith.constant 0 : i32
      %dma_start3A_665 = arith.constant 0 : i32
      %dma_start3A_666 = tpu.memref_slice %arg10[%dma_start3A_657, %dma_start3A_664, %dma_start3A_665] : memref<8x64x128xf32, #tpu.memory_space<vmem>> -> memref<1x64x128xf32, #tpu.memory_space<vmem>>
      %dma_start3A_667 = tpu.memref_squeeze %dma_start3A_666 : memref<1x64x128xf32, #tpu.memory_space<vmem>> -> memref<64x128xf32, #tpu.memory_space<vmem>>
      %dma_start3A_668 = arith.constant 0 : i32
      %dma_start3A_669 = tpu.memref_slice %arg4[%dma_start3A_668, %multiple_of3A_655] : memref<64x1000000xf32, #tpu.memory_space<hbm>> -> memref<64x128xf32, #tpu.memory_space<hbm>>
      tpu.enqueue_dma source(%dma_start3A_669 : memref<64x128xf32, #tpu.memory_space<hbm>>) target(%dma_start3A_667 : memref<64x128xf32, #tpu.memory_space<vmem>>) target_semaphore(%arg20 : memref<!tpu.dma_semaphore, #tpu.memory_space<semaphore_mem>>)
      %dma_wait3A_670 = arith.constant 5 : i32
      %dma_wait3A_671 = arith.constant 0 : i32
      %dma_wait3A_672 = arith.constant 0 : i32
      %dma_wait3A_673 = tpu.memref_slice %arg10[%dma_wait3A_670, %dma_wait3A_671, %dma_wait3A_672] : memref<8x64x128xf32, #tpu.memory_space<vmem>> -> memref<1x64x128xf32, #tpu.memory_space<vmem>>
      %dma_wait3A_674 = tpu.memref_squeeze %dma_wait3A_673 : memref<1x64x128xf32, #tpu.memory_space<vmem>> -> memref<64x128xf32, #tpu.memory_space<vmem>>
      %dma_wait3A_675 = arith.constant 0 : i32
      %dma_wait3A_676 = tpu.memref_slice %arg4[%dma_wait3A_675, %multiple_of3A_154] : memref<64x1000000xf32, #tpu.memory_space<hbm>> -> memref<64x128xf32, #tpu.memory_space<hbm>>
      %dma_wait3A_677 = arith.constant 0 : i32
      %dma_wait3A_678 = arith.constant 0 : i32
      %dma_wait3A_679 = tpu.memref_slice %arg10[%dma_wait3A_670, %dma_wait3A_677, %dma_wait3A_678] : memref<8x64x128xf32, #tpu.memory_space<vmem>> -> memref<1x64x128xf32, #tpu.memory_space<vmem>>
      %dma_wait3A_680 = tpu.memref_squeeze %dma_wait3A_679 : memref<1x64x128xf32, #tpu.memory_space<vmem>> -> memref<64x128xf32, #tpu.memory_space<vmem>>
      %dma_wait3A_681 = arith.constant 0 : i32
      %dma_wait3A_682 = tpu.memref_slice %arg4[%dma_wait3A_681, %multiple_of3A_154] : memref<64x1000000xf32, #tpu.memory_space<hbm>> -> memref<64x128xf32, #tpu.memory_space<hbm>>
      tpu.wait_dma2 semaphore(%arg20 : memref<!tpu.dma_semaphore, #tpu.memory_space<semaphore_mem>>) src(%dma_wait3A_682 : memref<64x128xf32, #tpu.memory_space<hbm>>) dst(%dma_wait3A_680 : memref<64x128xf32, #tpu.memory_space<vmem>>)
      %add3A_683 = arith.constant 5 : i32
      %add3A_684 = arith.addi %mul3A_2, %add3A_683 : i32
      %lt3A_685 = arith.constant 200 : i32
      %lt3A_686 = arith.cmpi slt, %add3A_684, %lt3A_685 : i32
      %jit3A_687 = arith.constant 1.000000e+00 : f32
      %jit3A_688 = arith.constant 0.000000e+00 : f32
      %select_n3A_689 = arith.select %lt3A_686, %jit3A_687, %jit3A_688 : f32
      %broadcast_in_dim3A_690 = vector.broadcast %select_n3A_689 : f32 to vector<16xf32>
      %broadcast_in_dim3A_691 = vector.broadcast %sub3A_155 : i32 to vector<16xi32>
      %add3A_692 = arith.constant 0 : i32
      %add3A_693 = vector.broadcast %add3A_692 : i32 to vector<16xi32>
      %add3A_694 = arith.addi %iota3A, %add3A_693 : vector<16xi32>
      %gather3A_695 = arith.constant 5 : i32
      %gather3A_696 = arith.constant 0 : i32
      %gather3A_697 = arith.constant 0 : i32
      %gather3A_698 = tpu.memref_slice %arg10[%gather3A_695, %gather3A_696, %gather3A_697] : memref<8x64x128xf32, #tpu.memory_space<vmem>> -> memref<1x64x128xf32, #tpu.memory_space<vmem>>
      %gather3A_699 = tpu.memref_squeeze %gather3A_698 : memref<1x64x128xf32, #tpu.memory_space<vmem>> -> memref<64x128xf32, #tpu.memory_space<vmem>>
      %gather3A_700 = tpu.vector_load_idx %gather3A_699[%add3A_694, %broadcast_in_dim3A_691] : memref<64x128xf32, #tpu.memory_space<vmem>>[vector<16xi32>, vector<16xi32>], vector<16xf32>,
      %add3A_701 = arith.constant 16 : i32
      %add3A_702 = vector.broadcast %add3A_701 : i32 to vector<16xi32>
      %add3A_703 = arith.addi %iota3A, %add3A_702 : vector<16xi32>
      %gather3A_704 = arith.constant 5 : i32
      %gather3A_705 = arith.constant 0 : i32
      %gather3A_706 = arith.constant 0 : i32
      %gather3A_707 = tpu.memref_slice %arg10[%gather3A_704, %gather3A_705, %gather3A_706] : memref<8x64x128xf32, #tpu.memory_space<vmem>> -> memref<1x64x128xf32, #tpu.memory_space<vmem>>
      %gather3A_708 = tpu.memref_squeeze %gather3A_707 : memref<1x64x128xf32, #tpu.memory_space<vmem>> -> memref<64x128xf32, #tpu.memory_space<vmem>>
      %gather3A_709 = tpu.vector_load_idx %gather3A_708[%add3A_703, %broadcast_in_dim3A_691] : memref<64x128xf32, #tpu.memory_space<vmem>>[vector<16xi32>, vector<16xi32>], vector<16xf32>,
      %add3A_710 = arith.constant 32 : i32
      %add3A_711 = vector.broadcast %add3A_710 : i32 to vector<16xi32>
      %add3A_712 = arith.addi %iota3A, %add3A_711 : vector<16xi32>
      %gather3A_713 = arith.constant 5 : i32
      %gather3A_714 = arith.constant 0 : i32
      %gather3A_715 = arith.constant 0 : i32
      %gather3A_716 = tpu.memref_slice %arg10[%gather3A_713, %gather3A_714, %gather3A_715] : memref<8x64x128xf32, #tpu.memory_space<vmem>> -> memref<1x64x128xf32, #tpu.memory_space<vmem>>
      %gather3A_717 = tpu.memref_squeeze %gather3A_716 : memref<1x64x128xf32, #tpu.memory_space<vmem>> -> memref<64x128xf32, #tpu.memory_space<vmem>>
      %gather3A_718 = tpu.vector_load_idx %gather3A_717[%add3A_712, %broadcast_in_dim3A_691] : memref<64x128xf32, #tpu.memory_space<vmem>>[vector<16xi32>, vector<16xi32>], vector<16xf32>,
      %add3A_719 = arith.constant 48 : i32
      %add3A_720 = vector.broadcast %add3A_719 : i32 to vector<16xi32>
      %add3A_721 = arith.addi %iota3A, %add3A_720 : vector<16xi32>
      %gather3A_722 = arith.constant 5 : i32
      %gather3A_723 = arith.constant 0 : i32
      %gather3A_724 = arith.constant 0 : i32
      %gather3A_725 = tpu.memref_slice %arg10[%gather3A_722, %gather3A_723, %gather3A_724] : memref<8x64x128xf32, #tpu.memory_space<vmem>> -> memref<1x64x128xf32, #tpu.memory_space<vmem>>
      %gather3A_726 = tpu.memref_squeeze %gather3A_725 : memref<1x64x128xf32, #tpu.memory_space<vmem>> -> memref<64x128xf32, #tpu.memory_space<vmem>>
      %gather3A_727 = tpu.vector_load_idx %gather3A_726[%add3A_721, %broadcast_in_dim3A_691] : memref<64x128xf32, #tpu.memory_space<vmem>>[vector<16xi32>, vector<16xi32>], vector<16xf32>,
      %mul3A_728 = arith.mulf %gather3A_700, %broadcast_in_dim3A_690 : vector<16xf32>
      %add3A_729 = arith.addf %add3A_638, %mul3A_728 : vector<16xf32>
      %mul3A_730 = arith.mulf %gather3A_709, %broadcast_in_dim3A_690 : vector<16xf32>
      %add3A_731 = arith.addf %add3A_640, %mul3A_730 : vector<16xf32>
      %mul3A_732 = arith.mulf %gather3A_718, %broadcast_in_dim3A_690 : vector<16xf32>
      %add3A_733 = arith.addf %add3A_642, %mul3A_732 : vector<16xf32>
      %mul3A_734 = arith.mulf %gather3A_727, %broadcast_in_dim3A_690 : vector<16xf32>
      %add3A_735 = arith.addf %add3A_644, %mul3A_734 : vector<16xf32>
      %slice3A_736 = vector.extract_strided_slice %get3A_20 {offsets = [13], sizes = [1], strides = [1]} : vector<16xi32> to vector<1xi32>
      %squeeze3A_737 = vector.extract %slice3A_736[0] : i32 from vector<1xi32>
      %jit3A_738 = arith.constant 0 : i32
      %jit3A_739 = arith.constant 999999 : i32
      %max3A_740 = arith.maxsi %jit3A_738, %squeeze3A_737 : i32
      %min3A_741 = arith.minsi %jit3A_739, %max3A_740 : i32
      %shift_right_arithmetic3A_742 = arith.constant 7 : i32
      %shift_right_arithmetic3A_743 = arith.shrsi %min3A_741, %shift_right_arithmetic3A_742 : i32
      %shift_left3A_744 = arith.constant 7 : i32
      %shift_left3A_745 = arith.shli %shift_right_arithmetic3A_743, %shift_left3A_744 : i32
      %multiple_of3A_746 = tpu.assume_multiple %shift_left3A_745, 128 : i32
      %sub3A_747 = arith.subi %min3A_741, %multiple_of3A_746 : i32
      %dma_start3A_748 = arith.constant 5 : i32
      %dma_start3A_749 = arith.constant 0 : i32
      %dma_start3A_750 = arith.constant 0 : i32
      %dma_start3A_751 = tpu.memref_slice %arg10[%dma_start3A_748, %dma_start3A_749, %dma_start3A_750] : memref<8x64x128xf32, #tpu.memory_space<vmem>> -> memref<1x64x128xf32, #tpu.memory_space<vmem>>
      %dma_start3A_752 = tpu.memref_squeeze %dma_start3A_751 : memref<1x64x128xf32, #tpu.memory_space<vmem>> -> memref<64x128xf32, #tpu.memory_space<vmem>>
      %dma_start3A_753 = arith.constant 0 : i32
      %dma_start3A_754 = tpu.memref_slice %arg4[%dma_start3A_753, %multiple_of3A_746] : memref<64x1000000xf32, #tpu.memory_space<hbm>> -> memref<64x128xf32, #tpu.memory_space<hbm>>
      %dma_start3A_755 = arith.constant 0 : i32
      %dma_start3A_756 = arith.constant 0 : i32
      %dma_start3A_757 = tpu.memref_slice %arg10[%dma_start3A_748, %dma_start3A_755, %dma_start3A_756] : memref<8x64x128xf32, #tpu.memory_space<vmem>> -> memref<1x64x128xf32, #tpu.memory_space<vmem>>
      %dma_start3A_758 = tpu.memref_squeeze %dma_start3A_757 : memref<1x64x128xf32, #tpu.memory_space<vmem>> -> memref<64x128xf32, #tpu.memory_space<vmem>>
      %dma_start3A_759 = arith.constant 0 : i32
      %dma_start3A_760 = tpu.memref_slice %arg4[%dma_start3A_759, %multiple_of3A_746] : memref<64x1000000xf32, #tpu.memory_space<hbm>> -> memref<64x128xf32, #tpu.memory_space<hbm>>
      tpu.enqueue_dma source(%dma_start3A_760 : memref<64x128xf32, #tpu.memory_space<hbm>>) target(%dma_start3A_758 : memref<64x128xf32, #tpu.memory_space<vmem>>) target_semaphore(%arg20 : memref<!tpu.dma_semaphore, #tpu.memory_space<semaphore_mem>>)
      %dma_wait3A_761 = arith.constant 6 : i32
      %dma_wait3A_762 = arith.constant 0 : i32
      %dma_wait3A_763 = arith.constant 0 : i32
      %dma_wait3A_764 = tpu.memref_slice %arg10[%dma_wait3A_761, %dma_wait3A_762, %dma_wait3A_763] : memref<8x64x128xf32, #tpu.memory_space<vmem>> -> memref<1x64x128xf32, #tpu.memory_space<vmem>>
      %dma_wait3A_765 = tpu.memref_squeeze %dma_wait3A_764 : memref<1x64x128xf32, #tpu.memory_space<vmem>> -> memref<64x128xf32, #tpu.memory_space<vmem>>
      %dma_wait3A_766 = arith.constant 0 : i32
      %dma_wait3A_767 = tpu.memref_slice %arg4[%dma_wait3A_766, %multiple_of3A_179] : memref<64x1000000xf32, #tpu.memory_space<hbm>> -> memref<64x128xf32, #tpu.memory_space<hbm>>
      %dma_wait3A_768 = arith.constant 0 : i32
      %dma_wait3A_769 = arith.constant 0 : i32
      %dma_wait3A_770 = tpu.memref_slice %arg10[%dma_wait3A_761, %dma_wait3A_768, %dma_wait3A_769] : memref<8x64x128xf32, #tpu.memory_space<vmem>> -> memref<1x64x128xf32, #tpu.memory_space<vmem>>
      %dma_wait3A_771 = tpu.memref_squeeze %dma_wait3A_770 : memref<1x64x128xf32, #tpu.memory_space<vmem>> -> memref<64x128xf32, #tpu.memory_space<vmem>>
      %dma_wait3A_772 = arith.constant 0 : i32
      %dma_wait3A_773 = tpu.memref_slice %arg4[%dma_wait3A_772, %multiple_of3A_179] : memref<64x1000000xf32, #tpu.memory_space<hbm>> -> memref<64x128xf32, #tpu.memory_space<hbm>>
      tpu.wait_dma2 semaphore(%arg20 : memref<!tpu.dma_semaphore, #tpu.memory_space<semaphore_mem>>) src(%dma_wait3A_773 : memref<64x128xf32, #tpu.memory_space<hbm>>) dst(%dma_wait3A_771 : memref<64x128xf32, #tpu.memory_space<vmem>>)
      %add3A_774 = arith.constant 6 : i32
      %add3A_775 = arith.addi %mul3A_2, %add3A_774 : i32
      %lt3A_776 = arith.constant 200 : i32
      %lt3A_777 = arith.cmpi slt, %add3A_775, %lt3A_776 : i32
      %jit3A_778 = arith.constant 1.000000e+00 : f32
      %jit3A_779 = arith.constant 0.000000e+00 : f32
      %select_n3A_780 = arith.select %lt3A_777, %jit3A_778, %jit3A_779 : f32
      %broadcast_in_dim3A_781 = vector.broadcast %select_n3A_780 : f32 to vector<16xf32>
      %broadcast_in_dim3A_782 = vector.broadcast %sub3A_180 : i32 to vector<16xi32>
      %add3A_783 = arith.constant 0 : i32
      %add3A_784 = vector.broadcast %add3A_783 : i32 to vector<16xi32>
      %add3A_785 = arith.addi %iota3A, %add3A_784 : vector<16xi32>
      %gather3A_786 = arith.constant 6 : i32
      %gather3A_787 = arith.constant 0 : i32
      %gather3A_788 = arith.constant 0 : i32
      %gather3A_789 = tpu.memref_slice %arg10[%gather3A_786, %gather3A_787, %gather3A_788] : memref<8x64x128xf32, #tpu.memory_space<vmem>> -> memref<1x64x128xf32, #tpu.memory_space<vmem>>
      %gather3A_790 = tpu.memref_squeeze %gather3A_789 : memref<1x64x128xf32, #tpu.memory_space<vmem>> -> memref<64x128xf32, #tpu.memory_space<vmem>>
      %gather3A_791 = tpu.vector_load_idx %gather3A_790[%add3A_785, %broadcast_in_dim3A_782] : memref<64x128xf32, #tpu.memory_space<vmem>>[vector<16xi32>, vector<16xi32>], vector<16xf32>,
      %add3A_792 = arith.constant 16 : i32
      %add3A_793 = vector.broadcast %add3A_792 : i32 to vector<16xi32>
      %add3A_794 = arith.addi %iota3A, %add3A_793 : vector<16xi32>
      %gather3A_795 = arith.constant 6 : i32
      %gather3A_796 = arith.constant 0 : i32
      %gather3A_797 = arith.constant 0 : i32
      %gather3A_798 = tpu.memref_slice %arg10[%gather3A_795, %gather3A_796, %gather3A_797] : memref<8x64x128xf32, #tpu.memory_space<vmem>> -> memref<1x64x128xf32, #tpu.memory_space<vmem>>
      %gather3A_799 = tpu.memref_squeeze %gather3A_798 : memref<1x64x128xf32, #tpu.memory_space<vmem>> -> memref<64x128xf32, #tpu.memory_space<vmem>>
      %gather3A_800 = tpu.vector_load_idx %gather3A_799[%add3A_794, %broadcast_in_dim3A_782] : memref<64x128xf32, #tpu.memory_space<vmem>>[vector<16xi32>, vector<16xi32>], vector<16xf32>,
      %add3A_801 = arith.constant 32 : i32
      %add3A_802 = vector.broadcast %add3A_801 : i32 to vector<16xi32>
      %add3A_803 = arith.addi %iota3A, %add3A_802 : vector<16xi32>
      %gather3A_804 = arith.constant 6 : i32
      %gather3A_805 = arith.constant 0 : i32
      %gather3A_806 = arith.constant 0 : i32
      %gather3A_807 = tpu.memref_slice %arg10[%gather3A_804, %gather3A_805, %gather3A_806] : memref<8x64x128xf32, #tpu.memory_space<vmem>> -> memref<1x64x128xf32, #tpu.memory_space<vmem>>
      %gather3A_808 = tpu.memref_squeeze %gather3A_807 : memref<1x64x128xf32, #tpu.memory_space<vmem>> -> memref<64x128xf32, #tpu.memory_space<vmem>>
      %gather3A_809 = tpu.vector_load_idx %gather3A_808[%add3A_803, %broadcast_in_dim3A_782] : memref<64x128xf32, #tpu.memory_space<vmem>>[vector<16xi32>, vector<16xi32>], vector<16xf32>,
      %add3A_810 = arith.constant 48 : i32
      %add3A_811 = vector.broadcast %add3A_810 : i32 to vector<16xi32>
      %add3A_812 = arith.addi %iota3A, %add3A_811 : vector<16xi32>
      %gather3A_813 = arith.constant 6 : i32
      %gather3A_814 = arith.constant 0 : i32
      %gather3A_815 = arith.constant 0 : i32
      %gather3A_816 = tpu.memref_slice %arg10[%gather3A_813, %gather3A_814, %gather3A_815] : memref<8x64x128xf32, #tpu.memory_space<vmem>> -> memref<1x64x128xf32, #tpu.memory_space<vmem>>
      %gather3A_817 = tpu.memref_squeeze %gather3A_816 : memref<1x64x128xf32, #tpu.memory_space<vmem>> -> memref<64x128xf32, #tpu.memory_space<vmem>>
      %gather3A_818 = tpu.vector_load_idx %gather3A_817[%add3A_812, %broadcast_in_dim3A_782] : memref<64x128xf32, #tpu.memory_space<vmem>>[vector<16xi32>, vector<16xi32>], vector<16xf32>,
      %mul3A_819 = arith.mulf %gather3A_791, %broadcast_in_dim3A_781 : vector<16xf32>
      %add3A_820 = arith.addf %add3A_729, %mul3A_819 : vector<16xf32>
      %mul3A_821 = arith.mulf %gather3A_800, %broadcast_in_dim3A_781 : vector<16xf32>
      %add3A_822 = arith.addf %add3A_731, %mul3A_821 : vector<16xf32>
      %mul3A_823 = arith.mulf %gather3A_809, %broadcast_in_dim3A_781 : vector<16xf32>
      %add3A_824 = arith.addf %add3A_733, %mul3A_823 : vector<16xf32>
      %mul3A_825 = arith.mulf %gather3A_818, %broadcast_in_dim3A_781 : vector<16xf32>
      %add3A_826 = arith.addf %add3A_735, %mul3A_825 : vector<16xf32>
      %slice3A_827 = vector.extract_strided_slice %get3A_20 {offsets = [14], sizes = [1], strides = [1]} : vector<16xi32> to vector<1xi32>
      %squeeze3A_828 = vector.extract %slice3A_827[0] : i32 from vector<1xi32>
      %jit3A_829 = arith.constant 0 : i32
      %jit3A_830 = arith.constant 999999 : i32
      %max3A_831 = arith.maxsi %jit3A_829, %squeeze3A_828 : i32
      %min3A_832 = arith.minsi %jit3A_830, %max3A_831 : i32
      %shift_right_arithmetic3A_833 = arith.constant 7 : i32
      %shift_right_arithmetic3A_834 = arith.shrsi %min3A_832, %shift_right_arithmetic3A_833 : i32
      %shift_left3A_835 = arith.constant 7 : i32
      %shift_left3A_836 = arith.shli %shift_right_arithmetic3A_834, %shift_left3A_835 : i32
      %multiple_of3A_837 = tpu.assume_multiple %shift_left3A_836, 128 : i32
      %sub3A_838 = arith.subi %min3A_832, %multiple_of3A_837 : i32
      %dma_start3A_839 = arith.constant 6 : i32
      %dma_start3A_840 = arith.constant 0 : i32
      %dma_start3A_841 = arith.constant 0 : i32
      %dma_start3A_842 = tpu.memref_slice %arg10[%dma_start3A_839, %dma_start3A_840, %dma_start3A_841] : memref<8x64x128xf32, #tpu.memory_space<vmem>> -> memref<1x64x128xf32, #tpu.memory_space<vmem>>
      %dma_start3A_843 = tpu.memref_squeeze %dma_start3A_842 : memref<1x64x128xf32, #tpu.memory_space<vmem>> -> memref<64x128xf32, #tpu.memory_space<vmem>>
      %dma_start3A_844 = arith.constant 0 : i32
      %dma_start3A_845 = tpu.memref_slice %arg4[%dma_start3A_844, %multiple_of3A_837] : memref<64x1000000xf32, #tpu.memory_space<hbm>> -> memref<64x128xf32, #tpu.memory_space<hbm>>
      %dma_start3A_846 = arith.constant 0 : i32
      %dma_start3A_847 = arith.constant 0 : i32
      %dma_start3A_848 = tpu.memref_slice %arg10[%dma_start3A_839, %dma_start3A_846, %dma_start3A_847] : memref<8x64x128xf32, #tpu.memory_space<vmem>> -> memref<1x64x128xf32, #tpu.memory_space<vmem>>
      %dma_start3A_849 = tpu.memref_squeeze %dma_start3A_848 : memref<1x64x128xf32, #tpu.memory_space<vmem>> -> memref<64x128xf32, #tpu.memory_space<vmem>>
      %dma_start3A_850 = arith.constant 0 : i32
      %dma_start3A_851 = tpu.memref_slice %arg4[%dma_start3A_850, %multiple_of3A_837] : memref<64x1000000xf32, #tpu.memory_space<hbm>> -> memref<64x128xf32, #tpu.memory_space<hbm>>
      tpu.enqueue_dma source(%dma_start3A_851 : memref<64x128xf32, #tpu.memory_space<hbm>>) target(%dma_start3A_849 : memref<64x128xf32, #tpu.memory_space<vmem>>) target_semaphore(%arg20 : memref<!tpu.dma_semaphore, #tpu.memory_space<semaphore_mem>>)
      %dma_wait3A_852 = arith.constant 7 : i32
      %dma_wait3A_853 = arith.constant 0 : i32
      %dma_wait3A_854 = arith.constant 0 : i32
      %dma_wait3A_855 = tpu.memref_slice %arg10[%dma_wait3A_852, %dma_wait3A_853, %dma_wait3A_854] : memref<8x64x128xf32, #tpu.memory_space<vmem>> -> memref<1x64x128xf32, #tpu.memory_space<vmem>>
      %dma_wait3A_856 = tpu.memref_squeeze %dma_wait3A_855 : memref<1x64x128xf32, #tpu.memory_space<vmem>> -> memref<64x128xf32, #tpu.memory_space<vmem>>
      %dma_wait3A_857 = arith.constant 0 : i32
      %dma_wait3A_858 = tpu.memref_slice %arg4[%dma_wait3A_857, %multiple_of3A_204] : memref<64x1000000xf32, #tpu.memory_space<hbm>> -> memref<64x128xf32, #tpu.memory_space<hbm>>
      %dma_wait3A_859 = arith.constant 0 : i32
      %dma_wait3A_860 = arith.constant 0 : i32
      %dma_wait3A_861 = tpu.memref_slice %arg10[%dma_wait3A_852, %dma_wait3A_859, %dma_wait3A_860] : memref<8x64x128xf32, #tpu.memory_space<vmem>> -> memref<1x64x128xf32, #tpu.memory_space<vmem>>
      %dma_wait3A_862 = tpu.memref_squeeze %dma_wait3A_861 : memref<1x64x128xf32, #tpu.memory_space<vmem>> -> memref<64x128xf32, #tpu.memory_space<vmem>>
      %dma_wait3A_863 = arith.constant 0 : i32
      %dma_wait3A_864 = tpu.memref_slice %arg4[%dma_wait3A_863, %multiple_of3A_204] : memref<64x1000000xf32, #tpu.memory_space<hbm>> -> memref<64x128xf32, #tpu.memory_space<hbm>>
      tpu.wait_dma2 semaphore(%arg20 : memref<!tpu.dma_semaphore, #tpu.memory_space<semaphore_mem>>) src(%dma_wait3A_864 : memref<64x128xf32, #tpu.memory_space<hbm>>) dst(%dma_wait3A_862 : memref<64x128xf32, #tpu.memory_space<vmem>>)
      %add3A_865 = arith.constant 7 : i32
      %add3A_866 = arith.addi %mul3A_2, %add3A_865 : i32
      %lt3A_867 = arith.constant 200 : i32
      %lt3A_868 = arith.cmpi slt, %add3A_866, %lt3A_867 : i32
      %jit3A_869 = arith.constant 1.000000e+00 : f32
      %jit3A_870 = arith.constant 0.000000e+00 : f32
      %select_n3A_871 = arith.select %lt3A_868, %jit3A_869, %jit3A_870 : f32
      %broadcast_in_dim3A_872 = vector.broadcast %select_n3A_871 : f32 to vector<16xf32>
      %broadcast_in_dim3A_873 = vector.broadcast %sub3A_205 : i32 to vector<16xi32>
      %add3A_874 = arith.constant 0 : i32
      %add3A_875 = vector.broadcast %add3A_874 : i32 to vector<16xi32>
      %add3A_876 = arith.addi %iota3A, %add3A_875 : vector<16xi32>
      %gather3A_877 = arith.constant 7 : i32
      %gather3A_878 = arith.constant 0 : i32
      %gather3A_879 = arith.constant 0 : i32
      %gather3A_880 = tpu.memref_slice %arg10[%gather3A_877, %gather3A_878, %gather3A_879] : memref<8x64x128xf32, #tpu.memory_space<vmem>> -> memref<1x64x128xf32, #tpu.memory_space<vmem>>
      %gather3A_881 = tpu.memref_squeeze %gather3A_880 : memref<1x64x128xf32, #tpu.memory_space<vmem>> -> memref<64x128xf32, #tpu.memory_space<vmem>>
      %gather3A_882 = tpu.vector_load_idx %gather3A_881[%add3A_876, %broadcast_in_dim3A_873] : memref<64x128xf32, #tpu.memory_space<vmem>>[vector<16xi32>, vector<16xi32>], vector<16xf32>,
      %add3A_883 = arith.constant 16 : i32
      %add3A_884 = vector.broadcast %add3A_883 : i32 to vector<16xi32>
      %add3A_885 = arith.addi %iota3A, %add3A_884 : vector<16xi32>
      %gather3A_886 = arith.constant 7 : i32
      %gather3A_887 = arith.constant 0 : i32
      %gather3A_888 = arith.constant 0 : i32
      %gather3A_889 = tpu.memref_slice %arg10[%gather3A_886, %gather3A_887, %gather3A_888] : memref<8x64x128xf32, #tpu.memory_space<vmem>> -> memref<1x64x128xf32, #tpu.memory_space<vmem>>
      %gather3A_890 = tpu.memref_squeeze %gather3A_889 : memref<1x64x128xf32, #tpu.memory_space<vmem>> -> memref<64x128xf32, #tpu.memory_space<vmem>>
      %gather3A_891 = tpu.vector_load_idx %gather3A_890[%add3A_885, %broadcast_in_dim3A_873] : memref<64x128xf32, #tpu.memory_space<vmem>>[vector<16xi32>, vector<16xi32>], vector<16xf32>,
      %add3A_892 = arith.constant 32 : i32
      %add3A_893 = vector.broadcast %add3A_892 : i32 to vector<16xi32>
      %add3A_894 = arith.addi %iota3A, %add3A_893 : vector<16xi32>
      %gather3A_895 = arith.constant 7 : i32
      %gather3A_896 = arith.constant 0 : i32
      %gather3A_897 = arith.constant 0 : i32
      %gather3A_898 = tpu.memref_slice %arg10[%gather3A_895, %gather3A_896, %gather3A_897] : memref<8x64x128xf32, #tpu.memory_space<vmem>> -> memref<1x64x128xf32, #tpu.memory_space<vmem>>
      %gather3A_899 = tpu.memref_squeeze %gather3A_898 : memref<1x64x128xf32, #tpu.memory_space<vmem>> -> memref<64x128xf32, #tpu.memory_space<vmem>>
      %gather3A_900 = tpu.vector_load_idx %gather3A_899[%add3A_894, %broadcast_in_dim3A_873] : memref<64x128xf32, #tpu.memory_space<vmem>>[vector<16xi32>, vector<16xi32>], vector<16xf32>,
      %add3A_901 = arith.constant 48 : i32
      %add3A_902 = vector.broadcast %add3A_901 : i32 to vector<16xi32>
      %add3A_903 = arith.addi %iota3A, %add3A_902 : vector<16xi32>
      %gather3A_904 = arith.constant 7 : i32
      %gather3A_905 = arith.constant 0 : i32
      %gather3A_906 = arith.constant 0 : i32
      %gather3A_907 = tpu.memref_slice %arg10[%gather3A_904, %gather3A_905, %gather3A_906] : memref<8x64x128xf32, #tpu.memory_space<vmem>> -> memref<1x64x128xf32, #tpu.memory_space<vmem>>
      %gather3A_908 = tpu.memref_squeeze %gather3A_907 : memref<1x64x128xf32, #tpu.memory_space<vmem>> -> memref<64x128xf32, #tpu.memory_space<vmem>>
      %gather3A_909 = tpu.vector_load_idx %gather3A_908[%add3A_903, %broadcast_in_dim3A_873] : memref<64x128xf32, #tpu.memory_space<vmem>>[vector<16xi32>, vector<16xi32>], vector<16xf32>,
      %mul3A_910 = arith.mulf %gather3A_882, %broadcast_in_dim3A_872 : vector<16xf32>
      %add3A_911 = arith.addf %add3A_820, %mul3A_910 : vector<16xf32>
      %mul3A_912 = arith.mulf %gather3A_891, %broadcast_in_dim3A_872 : vector<16xf32>
      %add3A_913 = arith.addf %add3A_822, %mul3A_912 : vector<16xf32>
      %mul3A_914 = arith.mulf %gather3A_900, %broadcast_in_dim3A_872 : vector<16xf32>
      %add3A_915 = arith.addf %add3A_824, %mul3A_914 : vector<16xf32>
      %mul3A_916 = arith.mulf %gather3A_909, %broadcast_in_dim3A_872 : vector<16xf32>
      %add3A_917 = arith.addf %add3A_826, %mul3A_916 : vector<16xf32>
      %slice3A_918 = vector.extract_strided_slice %get3A_20 {offsets = [15], sizes = [1], strides = [1]} : vector<16xi32> to vector<1xi32>
      %squeeze3A_919 = vector.extract %slice3A_918[0] : i32 from vector<1xi32>
      %jit3A_920 = arith.constant 0 : i32
      %jit3A_921 = arith.constant 999999 : i32
      %max3A_922 = arith.maxsi %jit3A_920, %squeeze3A_919 : i32
      %min3A_923 = arith.minsi %jit3A_921, %max3A_922 : i32
      %shift_right_arithmetic3A_924 = arith.constant 7 : i32
      %shift_right_arithmetic3A_925 = arith.shrsi %min3A_923, %shift_right_arithmetic3A_924 : i32
      %shift_left3A_926 = arith.constant 7 : i32
      %shift_left3A_927 = arith.shli %shift_right_arithmetic3A_925, %shift_left3A_926 : i32
      %multiple_of3A_928 = tpu.assume_multiple %shift_left3A_927, 128 : i32
      %sub3A_929 = arith.subi %min3A_923, %multiple_of3A_928 : i32
      %dma_start3A_930 = arith.constant 7 : i32
      %dma_start3A_931 = arith.constant 0 : i32
      %dma_start3A_932 = arith.constant 0 : i32
      %dma_start3A_933 = tpu.memref_slice %arg10[%dma_start3A_930, %dma_start3A_931, %dma_start3A_932] : memref<8x64x128xf32, #tpu.memory_space<vmem>> -> memref<1x64x128xf32, #tpu.memory_space<vmem>>
      %dma_start3A_934 = tpu.memref_squeeze %dma_start3A_933 : memref<1x64x128xf32, #tpu.memory_space<vmem>> -> memref<64x128xf32, #tpu.memory_space<vmem>>
      %dma_start3A_935 = arith.constant 0 : i32
      %dma_start3A_936 = tpu.memref_slice %arg4[%dma_start3A_935, %multiple_of3A_928] : memref<64x1000000xf32, #tpu.memory_space<hbm>> -> memref<64x128xf32, #tpu.memory_space<hbm>>
      %dma_start3A_937 = arith.constant 0 : i32
      %dma_start3A_938 = arith.constant 0 : i32
      %dma_start3A_939 = tpu.memref_slice %arg10[%dma_start3A_930, %dma_start3A_937, %dma_start3A_938] : memref<8x64x128xf32, #tpu.memory_space<vmem>> -> memref<1x64x128xf32, #tpu.memory_space<vmem>>
      %dma_start3A_940 = tpu.memref_squeeze %dma_start3A_939 : memref<1x64x128xf32, #tpu.memory_space<vmem>> -> memref<64x128xf32, #tpu.memory_space<vmem>>
      %dma_start3A_941 = arith.constant 0 : i32
      %dma_start3A_942 = tpu.memref_slice %arg4[%dma_start3A_941, %multiple_of3A_928] : memref<64x1000000xf32, #tpu.memory_space<hbm>> -> memref<64x128xf32, #tpu.memory_space<hbm>>
      tpu.enqueue_dma source(%dma_start3A_942 : memref<64x128xf32, #tpu.memory_space<hbm>>) target(%dma_start3A_940 : memref<64x128xf32, #tpu.memory_space<vmem>>) target_semaphore(%arg20 : memref<!tpu.dma_semaphore, #tpu.memory_space<semaphore_mem>>)
      %dma_wait3A_943 = arith.constant 0 : i32
      %dma_wait3A_944 = arith.constant 0 : i32
      %dma_wait3A_945 = arith.constant 0 : i32
      %dma_wait3A_946 = tpu.memref_slice %arg10[%dma_wait3A_943, %dma_wait3A_944, %dma_wait3A_945] : memref<8x64x128xf32, #tpu.memory_space<vmem>> -> memref<1x64x128xf32, #tpu.memory_space<vmem>>
      %dma_wait3A_947 = tpu.memref_squeeze %dma_wait3A_946 : memref<1x64x128xf32, #tpu.memory_space<vmem>> -> memref<64x128xf32, #tpu.memory_space<vmem>>
      %dma_wait3A_948 = arith.constant 0 : i32
      %dma_wait3A_949 = tpu.memref_slice %arg4[%dma_wait3A_948, %multiple_of3A_291] : memref<64x1000000xf32, #tpu.memory_space<hbm>> -> memref<64x128xf32, #tpu.memory_space<hbm>>
      %dma_wait3A_950 = arith.constant 0 : i32
      %dma_wait3A_951 = arith.constant 0 : i32
      %dma_wait3A_952 = tpu.memref_slice %arg10[%dma_wait3A_943, %dma_wait3A_950, %dma_wait3A_951] : memref<8x64x128xf32, #tpu.memory_space<vmem>> -> memref<1x64x128xf32, #tpu.memory_space<vmem>>
      %dma_wait3A_953 = tpu.memref_squeeze %dma_wait3A_952 : memref<1x64x128xf32, #tpu.memory_space<vmem>> -> memref<64x128xf32, #tpu.memory_space<vmem>>
      %dma_wait3A_954 = arith.constant 0 : i32
      %dma_wait3A_955 = tpu.memref_slice %arg4[%dma_wait3A_954, %multiple_of3A_291] : memref<64x1000000xf32, #tpu.memory_space<hbm>> -> memref<64x128xf32, #tpu.memory_space<hbm>>
      tpu.wait_dma2 semaphore(%arg20 : memref<!tpu.dma_semaphore, #tpu.memory_space<semaphore_mem>>) src(%dma_wait3A_955 : memref<64x128xf32, #tpu.memory_space<hbm>>) dst(%dma_wait3A_953 : memref<64x128xf32, #tpu.memory_space<vmem>>)
      %add3A_956 = arith.constant 8 : i32
      %add3A_957 = arith.addi %mul3A_2, %add3A_956 : i32
      %lt3A_958 = arith.constant 200 : i32
      %lt3A_959 = arith.cmpi slt, %add3A_957, %lt3A_958 : i32
      %jit3A_960 = arith.constant 1.000000e+00 : f32
      %jit3A_961 = arith.constant 0.000000e+00 : f32
      %select_n3A_962 = arith.select %lt3A_959, %jit3A_960, %jit3A_961 : f32
      %broadcast_in_dim3A_963 = vector.broadcast %select_n3A_962 : f32 to vector<16xf32>
      %broadcast_in_dim3A_964 = vector.broadcast %sub3A_292 : i32 to vector<16xi32>
      %add3A_965 = arith.constant 0 : i32
      %add3A_966 = vector.broadcast %add3A_965 : i32 to vector<16xi32>
      %add3A_967 = arith.addi %iota3A, %add3A_966 : vector<16xi32>
      %gather3A_968 = arith.constant 0 : i32
      %gather3A_969 = arith.constant 0 : i32
      %gather3A_970 = arith.constant 0 : i32
      %gather3A_971 = tpu.memref_slice %arg10[%gather3A_968, %gather3A_969, %gather3A_970] : memref<8x64x128xf32, #tpu.memory_space<vmem>> -> memref<1x64x128xf32, #tpu.memory_space<vmem>>
      %gather3A_972 = tpu.memref_squeeze %gather3A_971 : memref<1x64x128xf32, #tpu.memory_space<vmem>> -> memref<64x128xf32, #tpu.memory_space<vmem>>
      %gather3A_973 = tpu.vector_load_idx %gather3A_972[%add3A_967, %broadcast_in_dim3A_964] : memref<64x128xf32, #tpu.memory_space<vmem>>[vector<16xi32>, vector<16xi32>], vector<16xf32>,
      %add3A_974 = arith.constant 16 : i32
      %add3A_975 = vector.broadcast %add3A_974 : i32 to vector<16xi32>
      %add3A_976 = arith.addi %iota3A, %add3A_975 : vector<16xi32>
      %gather3A_977 = arith.constant 0 : i32
      %gather3A_978 = arith.constant 0 : i32
      %gather3A_979 = arith.constant 0 : i32
      %gather3A_980 = tpu.memref_slice %arg10[%gather3A_977, %gather3A_978, %gather3A_979] : memref<8x64x128xf32, #tpu.memory_space<vmem>> -> memref<1x64x128xf32, #tpu.memory_space<vmem>>
      %gather3A_981 = tpu.memref_squeeze %gather3A_980 : memref<1x64x128xf32, #tpu.memory_space<vmem>> -> memref<64x128xf32, #tpu.memory_space<vmem>>
      %gather3A_982 = tpu.vector_load_idx %gather3A_981[%add3A_976, %broadcast_in_dim3A_964] : memref<64x128xf32, #tpu.memory_space<vmem>>[vector<16xi32>, vector<16xi32>], vector<16xf32>,
      %add3A_983 = arith.constant 32 : i32
      %add3A_984 = vector.broadcast %add3A_983 : i32 to vector<16xi32>
      %add3A_985 = arith.addi %iota3A, %add3A_984 : vector<16xi32>
      %gather3A_986 = arith.constant 0 : i32
      %gather3A_987 = arith.constant 0 : i32
      %gather3A_988 = arith.constant 0 : i32
      %gather3A_989 = tpu.memref_slice %arg10[%gather3A_986, %gather3A_987, %gather3A_988] : memref<8x64x128xf32, #tpu.memory_space<vmem>> -> memref<1x64x128xf32, #tpu.memory_space<vmem>>
      %gather3A_990 = tpu.memref_squeeze %gather3A_989 : memref<1x64x128xf32, #tpu.memory_space<vmem>> -> memref<64x128xf32, #tpu.memory_space<vmem>>
      %gather3A_991 = tpu.vector_load_idx %gather3A_990[%add3A_985, %broadcast_in_dim3A_964] : memref<64x128xf32, #tpu.memory_space<vmem>>[vector<16xi32>, vector<16xi32>], vector<16xf32>,
      %add3A_992 = arith.constant 48 : i32
      %add3A_993 = vector.broadcast %add3A_992 : i32 to vector<16xi32>
      %add3A_994 = arith.addi %iota3A, %add3A_993 : vector<16xi32>
      %gather3A_995 = arith.constant 0 : i32
      %gather3A_996 = arith.constant 0 : i32
      %gather3A_997 = arith.constant 0 : i32
      %gather3A_998 = tpu.memref_slice %arg10[%gather3A_995, %gather3A_996, %gather3A_997] : memref<8x64x128xf32, #tpu.memory_space<vmem>> -> memref<1x64x128xf32, #tpu.memory_space<vmem>>
      %gather3A_999 = tpu.memref_squeeze %gather3A_998 : memref<1x64x128xf32, #tpu.memory_space<vmem>> -> memref<64x128xf32, #tpu.memory_space<vmem>>
      %gather3A_1000 = tpu.vector_load_idx %gather3A_999[%add3A_994, %broadcast_in_dim3A_964] : memref<64x128xf32, #tpu.memory_space<vmem>>[vector<16xi32>, vector<16xi32>], vector<16xf32>,
      %mul3A_1001 = arith.mulf %gather3A_973, %broadcast_in_dim3A_963 : vector<16xf32>
      %add3A_1002 = arith.addf %add3A_911, %mul3A_1001 : vector<16xf32>
      %mul3A_1003 = arith.mulf %gather3A_982, %broadcast_in_dim3A_963 : vector<16xf32>
      %add3A_1004 = arith.addf %add3A_913, %mul3A_1003 : vector<16xf32>
      %mul3A_1005 = arith.mulf %gather3A_991, %broadcast_in_dim3A_963 : vector<16xf32>
      %add3A_1006 = arith.addf %add3A_915, %mul3A_1005 : vector<16xf32>
      %mul3A_1007 = arith.mulf %gather3A_1000, %broadcast_in_dim3A_963 : vector<16xf32>
      %add3A_1008 = arith.addf %add3A_917, %mul3A_1007 : vector<16xf32>
      %dma_wait3A_1009 = arith.constant 1 : i32
      %dma_wait3A_1010 = arith.constant 0 : i32
      %dma_wait3A_1011 = arith.constant 0 : i32
      %dma_wait3A_1012 = tpu.memref_slice %arg10[%dma_wait3A_1009, %dma_wait3A_1010, %dma_wait3A_1011] : memref<8x64x128xf32, #tpu.memory_space<vmem>> -> memref<1x64x128xf32, #tpu.memory_space<vmem>>
      %dma_wait3A_1013 = tpu.memref_squeeze %dma_wait3A_1012 : memref<1x64x128xf32, #tpu.memory_space<vmem>> -> memref<64x128xf32, #tpu.memory_space<vmem>>
      %dma_wait3A_1014 = arith.constant 0 : i32
      %dma_wait3A_1015 = tpu.memref_slice %arg4[%dma_wait3A_1014, %multiple_of3A_382] : memref<64x1000000xf32, #tpu.memory_space<hbm>> -> memref<64x128xf32, #tpu.memory_space<hbm>>
      %dma_wait3A_1016 = arith.constant 0 : i32
      %dma_wait3A_1017 = arith.constant 0 : i32
      %dma_wait3A_1018 = tpu.memref_slice %arg10[%dma_wait3A_1009, %dma_wait3A_1016, %dma_wait3A_1017] : memref<8x64x128xf32, #tpu.memory_space<vmem>> -> memref<1x64x128xf32, #tpu.memory_space<vmem>>
      %dma_wait3A_1019 = tpu.memref_squeeze %dma_wait3A_1018 : memref<1x64x128xf32, #tpu.memory_space<vmem>> -> memref<64x128xf32, #tpu.memory_space<vmem>>
      %dma_wait3A_1020 = arith.constant 0 : i32
      %dma_wait3A_1021 = tpu.memref_slice %arg4[%dma_wait3A_1020, %multiple_of3A_382] : memref<64x1000000xf32, #tpu.memory_space<hbm>> -> memref<64x128xf32, #tpu.memory_space<hbm>>
      tpu.wait_dma2 semaphore(%arg20 : memref<!tpu.dma_semaphore, #tpu.memory_space<semaphore_mem>>) src(%dma_wait3A_1021 : memref<64x128xf32, #tpu.memory_space<hbm>>) dst(%dma_wait3A_1019 : memref<64x128xf32, #tpu.memory_space<vmem>>)
      %add3A_1022 = arith.constant 9 : i32
      %add3A_1023 = arith.addi %mul3A_2, %add3A_1022 : i32
      %lt3A_1024 = arith.constant 200 : i32
      %lt3A_1025 = arith.cmpi slt, %add3A_1023, %lt3A_1024 : i32
      %jit3A_1026 = arith.constant 1.000000e+00 : f32
      %jit3A_1027 = arith.constant 0.000000e+00 : f32
      %select_n3A_1028 = arith.select %lt3A_1025, %jit3A_1026, %jit3A_1027 : f32
      %broadcast_in_dim3A_1029 = vector.broadcast %select_n3A_1028 : f32 to vector<16xf32>
      %broadcast_in_dim3A_1030 = vector.broadcast %sub3A_383 : i32 to vector<16xi32>
      %add3A_1031 = arith.constant 0 : i32
      %add3A_1032 = vector.broadcast %add3A_1031 : i32 to vector<16xi32>
      %add3A_1033 = arith.addi %iota3A, %add3A_1032 : vector<16xi32>
      %gather3A_1034 = arith.constant 1 : i32
      %gather3A_1035 = arith.constant 0 : i32
      %gather3A_1036 = arith.constant 0 : i32
      %gather3A_1037 = tpu.memref_slice %arg10[%gather3A_1034, %gather3A_1035, %gather3A_1036] : memref<8x64x128xf32, #tpu.memory_space<vmem>> -> memref<1x64x128xf32, #tpu.memory_space<vmem>>
      %gather3A_1038 = tpu.memref_squeeze %gather3A_1037 : memref<1x64x128xf32, #tpu.memory_space<vmem>> -> memref<64x128xf32, #tpu.memory_space<vmem>>
      %gather3A_1039 = tpu.vector_load_idx %gather3A_1038[%add3A_1033, %broadcast_in_dim3A_1030] : memref<64x128xf32, #tpu.memory_space<vmem>>[vector<16xi32>, vector<16xi32>], vector<16xf32>,
      %add3A_1040 = arith.constant 16 : i32
      %add3A_1041 = vector.broadcast %add3A_1040 : i32 to vector<16xi32>
      %add3A_1042 = arith.addi %iota3A, %add3A_1041 : vector<16xi32>
      %gather3A_1043 = arith.constant 1 : i32
      %gather3A_1044 = arith.constant 0 : i32
      %gather3A_1045 = arith.constant 0 : i32
      %gather3A_1046 = tpu.memref_slice %arg10[%gather3A_1043, %gather3A_1044, %gather3A_1045] : memref<8x64x128xf32, #tpu.memory_space<vmem>> -> memref<1x64x128xf32, #tpu.memory_space<vmem>>
      %gather3A_1047 = tpu.memref_squeeze %gather3A_1046 : memref<1x64x128xf32, #tpu.memory_space<vmem>> -> memref<64x128xf32, #tpu.memory_space<vmem>>
      %gather3A_1048 = tpu.vector_load_idx %gather3A_1047[%add3A_1042, %broadcast_in_dim3A_1030] : memref<64x128xf32, #tpu.memory_space<vmem>>[vector<16xi32>, vector<16xi32>], vector<16xf32>,
      %add3A_1049 = arith.constant 32 : i32
      %add3A_1050 = vector.broadcast %add3A_1049 : i32 to vector<16xi32>
      %add3A_1051 = arith.addi %iota3A, %add3A_1050 : vector<16xi32>
      %gather3A_1052 = arith.constant 1 : i32
      %gather3A_1053 = arith.constant 0 : i32
      %gather3A_1054 = arith.constant 0 : i32
      %gather3A_1055 = tpu.memref_slice %arg10[%gather3A_1052, %gather3A_1053, %gather3A_1054] : memref<8x64x128xf32, #tpu.memory_space<vmem>> -> memref<1x64x128xf32, #tpu.memory_space<vmem>>
      %gather3A_1056 = tpu.memref_squeeze %gather3A_1055 : memref<1x64x128xf32, #tpu.memory_space<vmem>> -> memref<64x128xf32, #tpu.memory_space<vmem>>
      %gather3A_1057 = tpu.vector_load_idx %gather3A_1056[%add3A_1051, %broadcast_in_dim3A_1030] : memref<64x128xf32, #tpu.memory_space<vmem>>[vector<16xi32>, vector<16xi32>], vector<16xf32>,
      %add3A_1058 = arith.constant 48 : i32
      %add3A_1059 = vector.broadcast %add3A_1058 : i32 to vector<16xi32>
      %add3A_1060 = arith.addi %iota3A, %add3A_1059 : vector<16xi32>
      %gather3A_1061 = arith.constant 1 : i32
      %gather3A_1062 = arith.constant 0 : i32
      %gather3A_1063 = arith.constant 0 : i32
      %gather3A_1064 = tpu.memref_slice %arg10[%gather3A_1061, %gather3A_1062, %gather3A_1063] : memref<8x64x128xf32, #tpu.memory_space<vmem>> -> memref<1x64x128xf32, #tpu.memory_space<vmem>>
      %gather3A_1065 = tpu.memref_squeeze %gather3A_1064 : memref<1x64x128xf32, #tpu.memory_space<vmem>> -> memref<64x128xf32, #tpu.memory_space<vmem>>
      %gather3A_1066 = tpu.vector_load_idx %gather3A_1065[%add3A_1060, %broadcast_in_dim3A_1030] : memref<64x128xf32, #tpu.memory_space<vmem>>[vector<16xi32>, vector<16xi32>], vector<16xf32>,
      %mul3A_1067 = arith.mulf %gather3A_1039, %broadcast_in_dim3A_1029 : vector<16xf32>
      %add3A_1068 = arith.addf %add3A_1002, %mul3A_1067 : vector<16xf32>
      %mul3A_1069 = arith.mulf %gather3A_1048, %broadcast_in_dim3A_1029 : vector<16xf32>
      %add3A_1070 = arith.addf %add3A_1004, %mul3A_1069 : vector<16xf32>
      %mul3A_1071 = arith.mulf %gather3A_1057, %broadcast_in_dim3A_1029 : vector<16xf32>
      %add3A_1072 = arith.addf %add3A_1006, %mul3A_1071 : vector<16xf32>
      %mul3A_1073 = arith.mulf %gather3A_1066, %broadcast_in_dim3A_1029 : vector<16xf32>
      %add3A_1074 = arith.addf %add3A_1008, %mul3A_1073 : vector<16xf32>
      %dma_wait3A_1075 = arith.constant 2 : i32
      %dma_wait3A_1076 = arith.constant 0 : i32
      %dma_wait3A_1077 = arith.constant 0 : i32
      %dma_wait3A_1078 = tpu.memref_slice %arg10[%dma_wait3A_1075, %dma_wait3A_1076, %dma_wait3A_1077] : memref<8x64x128xf32, #tpu.memory_space<vmem>> -> memref<1x64x128xf32, #tpu.memory_space<vmem>>
      %dma_wait3A_1079 = tpu.memref_squeeze %dma_wait3A_1078 : memref<1x64x128xf32, #tpu.memory_space<vmem>> -> memref<64x128xf32, #tpu.memory_space<vmem>>
      %dma_wait3A_1080 = arith.constant 0 : i32
      %dma_wait3A_1081 = tpu.memref_slice %arg4[%dma_wait3A_1080, %multiple_of3A_473] : memref<64x1000000xf32, #tpu.memory_space<hbm>> -> memref<64x128xf32, #tpu.memory_space<hbm>>
      %dma_wait3A_1082 = arith.constant 0 : i32
      %dma_wait3A_1083 = arith.constant 0 : i32
      %dma_wait3A_1084 = tpu.memref_slice %arg10[%dma_wait3A_1075, %dma_wait3A_1082, %dma_wait3A_1083] : memref<8x64x128xf32, #tpu.memory_space<vmem>> -> memref<1x64x128xf32, #tpu.memory_space<vmem>>
      %dma_wait3A_1085 = tpu.memref_squeeze %dma_wait3A_1084 : memref<1x64x128xf32, #tpu.memory_space<vmem>> -> memref<64x128xf32, #tpu.memory_space<vmem>>
      %dma_wait3A_1086 = arith.constant 0 : i32
      %dma_wait3A_1087 = tpu.memref_slice %arg4[%dma_wait3A_1086, %multiple_of3A_473] : memref<64x1000000xf32, #tpu.memory_space<hbm>> -> memref<64x128xf32, #tpu.memory_space<hbm>>
      tpu.wait_dma2 semaphore(%arg20 : memref<!tpu.dma_semaphore, #tpu.memory_space<semaphore_mem>>) src(%dma_wait3A_1087 : memref<64x128xf32, #tpu.memory_space<hbm>>) dst(%dma_wait3A_1085 : memref<64x128xf32, #tpu.memory_space<vmem>>)
      %add3A_1088 = arith.constant 10 : i32
      %add3A_1089 = arith.addi %mul3A_2, %add3A_1088 : i32
      %lt3A_1090 = arith.constant 200 : i32
      %lt3A_1091 = arith.cmpi slt, %add3A_1089, %lt3A_1090 : i32
      %jit3A_1092 = arith.constant 1.000000e+00 : f32
      %jit3A_1093 = arith.constant 0.000000e+00 : f32
      %select_n3A_1094 = arith.select %lt3A_1091, %jit3A_1092, %jit3A_1093 : f32
      %broadcast_in_dim3A_1095 = vector.broadcast %select_n3A_1094 : f32 to vector<16xf32>
      %broadcast_in_dim3A_1096 = vector.broadcast %sub3A_474 : i32 to vector<16xi32>
      %add3A_1097 = arith.constant 0 : i32
      %add3A_1098 = vector.broadcast %add3A_1097 : i32 to vector<16xi32>
      %add3A_1099 = arith.addi %iota3A, %add3A_1098 : vector<16xi32>
      %gather3A_1100 = arith.constant 2 : i32
      %gather3A_1101 = arith.constant 0 : i32
      %gather3A_1102 = arith.constant 0 : i32
      %gather3A_1103 = tpu.memref_slice %arg10[%gather3A_1100, %gather3A_1101, %gather3A_1102] : memref<8x64x128xf32, #tpu.memory_space<vmem>> -> memref<1x64x128xf32, #tpu.memory_space<vmem>>
      %gather3A_1104 = tpu.memref_squeeze %gather3A_1103 : memref<1x64x128xf32, #tpu.memory_space<vmem>> -> memref<64x128xf32, #tpu.memory_space<vmem>>
      %gather3A_1105 = tpu.vector_load_idx %gather3A_1104[%add3A_1099, %broadcast_in_dim3A_1096] : memref<64x128xf32, #tpu.memory_space<vmem>>[vector<16xi32>, vector<16xi32>], vector<16xf32>,
      %add3A_1106 = arith.constant 16 : i32
      %add3A_1107 = vector.broadcast %add3A_1106 : i32 to vector<16xi32>
      %add3A_1108 = arith.addi %iota3A, %add3A_1107 : vector<16xi32>
      %gather3A_1109 = arith.constant 2 : i32
      %gather3A_1110 = arith.constant 0 : i32
      %gather3A_1111 = arith.constant 0 : i32
      %gather3A_1112 = tpu.memref_slice %arg10[%gather3A_1109, %gather3A_1110, %gather3A_1111] : memref<8x64x128xf32, #tpu.memory_space<vmem>> -> memref<1x64x128xf32, #tpu.memory_space<vmem>>
      %gather3A_1113 = tpu.memref_squeeze %gather3A_1112 : memref<1x64x128xf32, #tpu.memory_space<vmem>> -> memref<64x128xf32, #tpu.memory_space<vmem>>
      %gather3A_1114 = tpu.vector_load_idx %gather3A_1113[%add3A_1108, %broadcast_in_dim3A_1096] : memref<64x128xf32, #tpu.memory_space<vmem>>[vector<16xi32>, vector<16xi32>], vector<16xf32>,
      %add3A_1115 = arith.constant 32 : i32
      %add3A_1116 = vector.broadcast %add3A_1115 : i32 to vector<16xi32>
      %add3A_1117 = arith.addi %iota3A, %add3A_1116 : vector<16xi32>
      %gather3A_1118 = arith.constant 2 : i32
      %gather3A_1119 = arith.constant 0 : i32
      %gather3A_1120 = arith.constant 0 : i32
      %gather3A_1121 = tpu.memref_slice %arg10[%gather3A_1118, %gather3A_1119, %gather3A_1120] : memref<8x64x128xf32, #tpu.memory_space<vmem>> -> memref<1x64x128xf32, #tpu.memory_space<vmem>>
      %gather3A_1122 = tpu.memref_squeeze %gather3A_1121 : memref<1x64x128xf32, #tpu.memory_space<vmem>> -> memref<64x128xf32, #tpu.memory_space<vmem>>
      %gather3A_1123 = tpu.vector_load_idx %gather3A_1122[%add3A_1117, %broadcast_in_dim3A_1096] : memref<64x128xf32, #tpu.memory_space<vmem>>[vector<16xi32>, vector<16xi32>], vector<16xf32>,
      %add3A_1124 = arith.constant 48 : i32
      %add3A_1125 = vector.broadcast %add3A_1124 : i32 to vector<16xi32>
      %add3A_1126 = arith.addi %iota3A, %add3A_1125 : vector<16xi32>
      %gather3A_1127 = arith.constant 2 : i32
      %gather3A_1128 = arith.constant 0 : i32
      %gather3A_1129 = arith.constant 0 : i32
      %gather3A_1130 = tpu.memref_slice %arg10[%gather3A_1127, %gather3A_1128, %gather3A_1129] : memref<8x64x128xf32, #tpu.memory_space<vmem>> -> memref<1x64x128xf32, #tpu.memory_space<vmem>>
      %gather3A_1131 = tpu.memref_squeeze %gather3A_1130 : memref<1x64x128xf32, #tpu.memory_space<vmem>> -> memref<64x128xf32, #tpu.memory_space<vmem>>
      %gather3A_1132 = tpu.vector_load_idx %gather3A_1131[%add3A_1126, %broadcast_in_dim3A_1096] : memref<64x128xf32, #tpu.memory_space<vmem>>[vector<16xi32>, vector<16xi32>], vector<16xf32>,
      %mul3A_1133 = arith.mulf %gather3A_1105, %broadcast_in_dim3A_1095 : vector<16xf32>
      %add3A_1134 = arith.addf %add3A_1068, %mul3A_1133 : vector<16xf32>
      %mul3A_1135 = arith.mulf %gather3A_1114, %broadcast_in_dim3A_1095 : vector<16xf32>
      %add3A_1136 = arith.addf %add3A_1070, %mul3A_1135 : vector<16xf32>
      %mul3A_1137 = arith.mulf %gather3A_1123, %broadcast_in_dim3A_1095 : vector<16xf32>
      %add3A_1138 = arith.addf %add3A_1072, %mul3A_1137 : vector<16xf32>
      %mul3A_1139 = arith.mulf %gather3A_1132, %broadcast_in_dim3A_1095 : vector<16xf32>
      %add3A_1140 = arith.addf %add3A_1074, %mul3A_1139 : vector<16xf32>
      %dma_wait3A_1141 = arith.constant 3 : i32
      %dma_wait3A_1142 = arith.constant 0 : i32
      %dma_wait3A_1143 = arith.constant 0 : i32
      %dma_wait3A_1144 = tpu.memref_slice %arg10[%dma_wait3A_1141, %dma_wait3A_1142, %dma_wait3A_1143] : memref<8x64x128xf32, #tpu.memory_space<vmem>> -> memref<1x64x128xf32, #tpu.memory_space<vmem>>
      %dma_wait3A_1145 = tpu.memref_squeeze %dma_wait3A_1144 : memref<1x64x128xf32, #tpu.memory_space<vmem>> -> memref<64x128xf32, #tpu.memory_space<vmem>>
      %dma_wait3A_1146 = arith.constant 0 : i32
      %dma_wait3A_1147 = tpu.memref_slice %arg4[%dma_wait3A_1146, %multiple_of3A_564] : memref<64x1000000xf32, #tpu.memory_space<hbm>> -> memref<64x128xf32, #tpu.memory_space<hbm>>
      %dma_wait3A_1148 = arith.constant 0 : i32
      %dma_wait3A_1149 = arith.constant 0 : i32
      %dma_wait3A_1150 = tpu.memref_slice %arg10[%dma_wait3A_1141, %dma_wait3A_1148, %dma_wait3A_1149] : memref<8x64x128xf32, #tpu.memory_space<vmem>> -> memref<1x64x128xf32, #tpu.memory_space<vmem>>
      %dma_wait3A_1151 = tpu.memref_squeeze %dma_wait3A_1150 : memref<1x64x128xf32, #tpu.memory_space<vmem>> -> memref<64x128xf32, #tpu.memory_space<vmem>>
      %dma_wait3A_1152 = arith.constant 0 : i32
      %dma_wait3A_1153 = tpu.memref_slice %arg4[%dma_wait3A_1152, %multiple_of3A_564] : memref<64x1000000xf32, #tpu.memory_space<hbm>> -> memref<64x128xf32, #tpu.memory_space<hbm>>
      tpu.wait_dma2 semaphore(%arg20 : memref<!tpu.dma_semaphore, #tpu.memory_space<semaphore_mem>>) src(%dma_wait3A_1153 : memref<64x128xf32, #tpu.memory_space<hbm>>) dst(%dma_wait3A_1151 : memref<64x128xf32, #tpu.memory_space<vmem>>)
      %add3A_1154 = arith.constant 11 : i32
      %add3A_1155 = arith.addi %mul3A_2, %add3A_1154 : i32
      %lt3A_1156 = arith.constant 200 : i32
      %lt3A_1157 = arith.cmpi slt, %add3A_1155, %lt3A_1156 : i32
      %jit3A_1158 = arith.constant 1.000000e+00 : f32
      %jit3A_1159 = arith.constant 0.000000e+00 : f32
      %select_n3A_1160 = arith.select %lt3A_1157, %jit3A_1158, %jit3A_1159 : f32
      %broadcast_in_dim3A_1161 = vector.broadcast %select_n3A_1160 : f32 to vector<16xf32>
      %broadcast_in_dim3A_1162 = vector.broadcast %sub3A_565 : i32 to vector<16xi32>
      %add3A_1163 = arith.constant 0 : i32
      %add3A_1164 = vector.broadcast %add3A_1163 : i32 to vector<16xi32>
      %add3A_1165 = arith.addi %iota3A, %add3A_1164 : vector<16xi32>
      %gather3A_1166 = arith.constant 3 : i32
      %gather3A_1167 = arith.constant 0 : i32
      %gather3A_1168 = arith.constant 0 : i32
      %gather3A_1169 = tpu.memref_slice %arg10[%gather3A_1166, %gather3A_1167, %gather3A_1168] : memref<8x64x128xf32, #tpu.memory_space<vmem>> -> memref<1x64x128xf32, #tpu.memory_space<vmem>>
      %gather3A_1170 = tpu.memref_squeeze %gather3A_1169 : memref<1x64x128xf32, #tpu.memory_space<vmem>> -> memref<64x128xf32, #tpu.memory_space<vmem>>
      %gather3A_1171 = tpu.vector_load_idx %gather3A_1170[%add3A_1165, %broadcast_in_dim3A_1162] : memref<64x128xf32, #tpu.memory_space<vmem>>[vector<16xi32>, vector<16xi32>], vector<16xf32>,
      %add3A_1172 = arith.constant 16 : i32
      %add3A_1173 = vector.broadcast %add3A_1172 : i32 to vector<16xi32>
      %add3A_1174 = arith.addi %iota3A, %add3A_1173 : vector<16xi32>
      %gather3A_1175 = arith.constant 3 : i32
      %gather3A_1176 = arith.constant 0 : i32
      %gather3A_1177 = arith.constant 0 : i32
      %gather3A_1178 = tpu.memref_slice %arg10[%gather3A_1175, %gather3A_1176, %gather3A_1177] : memref<8x64x128xf32, #tpu.memory_space<vmem>> -> memref<1x64x128xf32, #tpu.memory_space<vmem>>
      %gather3A_1179 = tpu.memref_squeeze %gather3A_1178 : memref<1x64x128xf32, #tpu.memory_space<vmem>> -> memref<64x128xf32, #tpu.memory_space<vmem>>
      %gather3A_1180 = tpu.vector_load_idx %gather3A_1179[%add3A_1174, %broadcast_in_dim3A_1162] : memref<64x128xf32, #tpu.memory_space<vmem>>[vector<16xi32>, vector<16xi32>], vector<16xf32>,
      %add3A_1181 = arith.constant 32 : i32
      %add3A_1182 = vector.broadcast %add3A_1181 : i32 to vector<16xi32>
      %add3A_1183 = arith.addi %iota3A, %add3A_1182 : vector<16xi32>
      %gather3A_1184 = arith.constant 3 : i32
      %gather3A_1185 = arith.constant 0 : i32
      %gather3A_1186 = arith.constant 0 : i32
      %gather3A_1187 = tpu.memref_slice %arg10[%gather3A_1184, %gather3A_1185, %gather3A_1186] : memref<8x64x128xf32, #tpu.memory_space<vmem>> -> memref<1x64x128xf32, #tpu.memory_space<vmem>>
      %gather3A_1188 = tpu.memref_squeeze %gather3A_1187 : memref<1x64x128xf32, #tpu.memory_space<vmem>> -> memref<64x128xf32, #tpu.memory_space<vmem>>
      %gather3A_1189 = tpu.vector_load_idx %gather3A_1188[%add3A_1183, %broadcast_in_dim3A_1162] : memref<64x128xf32, #tpu.memory_space<vmem>>[vector<16xi32>, vector<16xi32>], vector<16xf32>,
      %add3A_1190 = arith.constant 48 : i32
      %add3A_1191 = vector.broadcast %add3A_1190 : i32 to vector<16xi32>
      %add3A_1192 = arith.addi %iota3A, %add3A_1191 : vector<16xi32>
      %gather3A_1193 = arith.constant 3 : i32
      %gather3A_1194 = arith.constant 0 : i32
      %gather3A_1195 = arith.constant 0 : i32
      %gather3A_1196 = tpu.memref_slice %arg10[%gather3A_1193, %gather3A_1194, %gather3A_1195] : memref<8x64x128xf32, #tpu.memory_space<vmem>> -> memref<1x64x128xf32, #tpu.memory_space<vmem>>
      %gather3A_1197 = tpu.memref_squeeze %gather3A_1196 : memref<1x64x128xf32, #tpu.memory_space<vmem>> -> memref<64x128xf32, #tpu.memory_space<vmem>>
      %gather3A_1198 = tpu.vector_load_idx %gather3A_1197[%add3A_1192, %broadcast_in_dim3A_1162] : memref<64x128xf32, #tpu.memory_space<vmem>>[vector<16xi32>, vector<16xi32>], vector<16xf32>,
      %mul3A_1199 = arith.mulf %gather3A_1171, %broadcast_in_dim3A_1161 : vector<16xf32>
      %add3A_1200 = arith.addf %add3A_1134, %mul3A_1199 : vector<16xf32>
      %mul3A_1201 = arith.mulf %gather3A_1180, %broadcast_in_dim3A_1161 : vector<16xf32>
      %add3A_1202 = arith.addf %add3A_1136, %mul3A_1201 : vector<16xf32>
      %mul3A_1203 = arith.mulf %gather3A_1189, %broadcast_in_dim3A_1161 : vector<16xf32>
      %add3A_1204 = arith.addf %add3A_1138, %mul3A_1203 : vector<16xf32>
      %mul3A_1205 = arith.mulf %gather3A_1198, %broadcast_in_dim3A_1161 : vector<16xf32>
      %add3A_1206 = arith.addf %add3A_1140, %mul3A_1205 : vector<16xf32>
      %dma_wait3A_1207 = arith.constant 4 : i32
      %dma_wait3A_1208 = arith.constant 0 : i32
      %dma_wait3A_1209 = arith.constant 0 : i32
      %dma_wait3A_1210 = tpu.memref_slice %arg10[%dma_wait3A_1207, %dma_wait3A_1208, %dma_wait3A_1209] : memref<8x64x128xf32, #tpu.memory_space<vmem>> -> memref<1x64x128xf32, #tpu.memory_space<vmem>>
      %dma_wait3A_1211 = tpu.memref_squeeze %dma_wait3A_1210 : memref<1x64x128xf32, #tpu.memory_space<vmem>> -> memref<64x128xf32, #tpu.memory_space<vmem>>
      %dma_wait3A_1212 = arith.constant 0 : i32
      %dma_wait3A_1213 = tpu.memref_slice %arg4[%dma_wait3A_1212, %multiple_of3A_655] : memref<64x1000000xf32, #tpu.memory_space<hbm>> -> memref<64x128xf32, #tpu.memory_space<hbm>>
      %dma_wait3A_1214 = arith.constant 0 : i32
      %dma_wait3A_1215 = arith.constant 0 : i32
      %dma_wait3A_1216 = tpu.memref_slice %arg10[%dma_wait3A_1207, %dma_wait3A_1214, %dma_wait3A_1215] : memref<8x64x128xf32, #tpu.memory_space<vmem>> -> memref<1x64x128xf32, #tpu.memory_space<vmem>>
      %dma_wait3A_1217 = tpu.memref_squeeze %dma_wait3A_1216 : memref<1x64x128xf32, #tpu.memory_space<vmem>> -> memref<64x128xf32, #tpu.memory_space<vmem>>
      %dma_wait3A_1218 = arith.constant 0 : i32
      %dma_wait3A_1219 = tpu.memref_slice %arg4[%dma_wait3A_1218, %multiple_of3A_655] : memref<64x1000000xf32, #tpu.memory_space<hbm>> -> memref<64x128xf32, #tpu.memory_space<hbm>>
      tpu.wait_dma2 semaphore(%arg20 : memref<!tpu.dma_semaphore, #tpu.memory_space<semaphore_mem>>) src(%dma_wait3A_1219 : memref<64x128xf32, #tpu.memory_space<hbm>>) dst(%dma_wait3A_1217 : memref<64x128xf32, #tpu.memory_space<vmem>>)
      %add3A_1220 = arith.constant 12 : i32
      %add3A_1221 = arith.addi %mul3A_2, %add3A_1220 : i32
      %lt3A_1222 = arith.constant 200 : i32
      %lt3A_1223 = arith.cmpi slt, %add3A_1221, %lt3A_1222 : i32
      %jit3A_1224 = arith.constant 1.000000e+00 : f32
      %jit3A_1225 = arith.constant 0.000000e+00 : f32
      %select_n3A_1226 = arith.select %lt3A_1223, %jit3A_1224, %jit3A_1225 : f32
      %broadcast_in_dim3A_1227 = vector.broadcast %select_n3A_1226 : f32 to vector<16xf32>
      %broadcast_in_dim3A_1228 = vector.broadcast %sub3A_656 : i32 to vector<16xi32>
      %add3A_1229 = arith.constant 0 : i32
      %add3A_1230 = vector.broadcast %add3A_1229 : i32 to vector<16xi32>
      %add3A_1231 = arith.addi %iota3A, %add3A_1230 : vector<16xi32>
      %gather3A_1232 = arith.constant 4 : i32
      %gather3A_1233 = arith.constant 0 : i32
      %gather3A_1234 = arith.constant 0 : i32
      %gather3A_1235 = tpu.memref_slice %arg10[%gather3A_1232, %gather3A_1233, %gather3A_1234] : memref<8x64x128xf32, #tpu.memory_space<vmem>> -> memref<1x64x128xf32, #tpu.memory_space<vmem>>
      %gather3A_1236 = tpu.memref_squeeze %gather3A_1235 : memref<1x64x128xf32, #tpu.memory_space<vmem>> -> memref<64x128xf32, #tpu.memory_space<vmem>>
      %gather3A_1237 = tpu.vector_load_idx %gather3A_1236[%add3A_1231, %broadcast_in_dim3A_1228] : memref<64x128xf32, #tpu.memory_space<vmem>>[vector<16xi32>, vector<16xi32>], vector<16xf32>,
      %add3A_1238 = arith.constant 16 : i32
      %add3A_1239 = vector.broadcast %add3A_1238 : i32 to vector<16xi32>
      %add3A_1240 = arith.addi %iota3A, %add3A_1239 : vector<16xi32>
      %gather3A_1241 = arith.constant 4 : i32
      %gather3A_1242 = arith.constant 0 : i32
      %gather3A_1243 = arith.constant 0 : i32
      %gather3A_1244 = tpu.memref_slice %arg10[%gather3A_1241, %gather3A_1242, %gather3A_1243] : memref<8x64x128xf32, #tpu.memory_space<vmem>> -> memref<1x64x128xf32, #tpu.memory_space<vmem>>
      %gather3A_1245 = tpu.memref_squeeze %gather3A_1244 : memref<1x64x128xf32, #tpu.memory_space<vmem>> -> memref<64x128xf32, #tpu.memory_space<vmem>>
      %gather3A_1246 = tpu.vector_load_idx %gather3A_1245[%add3A_1240, %broadcast_in_dim3A_1228] : memref<64x128xf32, #tpu.memory_space<vmem>>[vector<16xi32>, vector<16xi32>], vector<16xf32>,
      %add3A_1247 = arith.constant 32 : i32
      %add3A_1248 = vector.broadcast %add3A_1247 : i32 to vector<16xi32>
      %add3A_1249 = arith.addi %iota3A, %add3A_1248 : vector<16xi32>
      %gather3A_1250 = arith.constant 4 : i32
      %gather3A_1251 = arith.constant 0 : i32
      %gather3A_1252 = arith.constant 0 : i32
      %gather3A_1253 = tpu.memref_slice %arg10[%gather3A_1250, %gather3A_1251, %gather3A_1252] : memref<8x64x128xf32, #tpu.memory_space<vmem>> -> memref<1x64x128xf32, #tpu.memory_space<vmem>>
      %gather3A_1254 = tpu.memref_squeeze %gather3A_1253 : memref<1x64x128xf32, #tpu.memory_space<vmem>> -> memref<64x128xf32, #tpu.memory_space<vmem>>
      %gather3A_1255 = tpu.vector_load_idx %gather3A_1254[%add3A_1249, %broadcast_in_dim3A_1228] : memref<64x128xf32, #tpu.memory_space<vmem>>[vector<16xi32>, vector<16xi32>], vector<16xf32>,
      %add3A_1256 = arith.constant 48 : i32
      %add3A_1257 = vector.broadcast %add3A_1256 : i32 to vector<16xi32>
      %add3A_1258 = arith.addi %iota3A, %add3A_1257 : vector<16xi32>
      %gather3A_1259 = arith.constant 4 : i32
      %gather3A_1260 = arith.constant 0 : i32
      %gather3A_1261 = arith.constant 0 : i32
      %gather3A_1262 = tpu.memref_slice %arg10[%gather3A_1259, %gather3A_1260, %gather3A_1261] : memref<8x64x128xf32, #tpu.memory_space<vmem>> -> memref<1x64x128xf32, #tpu.memory_space<vmem>>
      %gather3A_1263 = tpu.memref_squeeze %gather3A_1262 : memref<1x64x128xf32, #tpu.memory_space<vmem>> -> memref<64x128xf32, #tpu.memory_space<vmem>>
      %gather3A_1264 = tpu.vector_load_idx %gather3A_1263[%add3A_1258, %broadcast_in_dim3A_1228] : memref<64x128xf32, #tpu.memory_space<vmem>>[vector<16xi32>, vector<16xi32>], vector<16xf32>,
      %mul3A_1265 = arith.mulf %gather3A_1237, %broadcast_in_dim3A_1227 : vector<16xf32>
      %add3A_1266 = arith.addf %add3A_1200, %mul3A_1265 : vector<16xf32>
      %mul3A_1267 = arith.mulf %gather3A_1246, %broadcast_in_dim3A_1227 : vector<16xf32>
      %add3A_1268 = arith.addf %add3A_1202, %mul3A_1267 : vector<16xf32>
      %mul3A_1269 = arith.mulf %gather3A_1255, %broadcast_in_dim3A_1227 : vector<16xf32>
      %add3A_1270 = arith.addf %add3A_1204, %mul3A_1269 : vector<16xf32>
      %mul3A_1271 = arith.mulf %gather3A_1264, %broadcast_in_dim3A_1227 : vector<16xf32>
      %add3A_1272 = arith.addf %add3A_1206, %mul3A_1271 : vector<16xf32>
      %dma_wait3A_1273 = arith.constant 5 : i32
      %dma_wait3A_1274 = arith.constant 0 : i32
      %dma_wait3A_1275 = arith.constant 0 : i32
      %dma_wait3A_1276 = tpu.memref_slice %arg10[%dma_wait3A_1273, %dma_wait3A_1274, %dma_wait3A_1275] : memref<8x64x128xf32, #tpu.memory_space<vmem>> -> memref<1x64x128xf32, #tpu.memory_space<vmem>>
      %dma_wait3A_1277 = tpu.memref_squeeze %dma_wait3A_1276 : memref<1x64x128xf32, #tpu.memory_space<vmem>> -> memref<64x128xf32, #tpu.memory_space<vmem>>
      %dma_wait3A_1278 = arith.constant 0 : i32
      %dma_wait3A_1279 = tpu.memref_slice %arg4[%dma_wait3A_1278, %multiple_of3A_746] : memref<64x1000000xf32, #tpu.memory_space<hbm>> -> memref<64x128xf32, #tpu.memory_space<hbm>>
      %dma_wait3A_1280 = arith.constant 0 : i32
      %dma_wait3A_1281 = arith.constant 0 : i32
      %dma_wait3A_1282 = tpu.memref_slice %arg10[%dma_wait3A_1273, %dma_wait3A_1280, %dma_wait3A_1281] : memref<8x64x128xf32, #tpu.memory_space<vmem>> -> memref<1x64x128xf32, #tpu.memory_space<vmem>>
      %dma_wait3A_1283 = tpu.memref_squeeze %dma_wait3A_1282 : memref<1x64x128xf32, #tpu.memory_space<vmem>> -> memref<64x128xf32, #tpu.memory_space<vmem>>
      %dma_wait3A_1284 = arith.constant 0 : i32
      %dma_wait3A_1285 = tpu.memref_slice %arg4[%dma_wait3A_1284, %multiple_of3A_746] : memref<64x1000000xf32, #tpu.memory_space<hbm>> -> memref<64x128xf32, #tpu.memory_space<hbm>>
      tpu.wait_dma2 semaphore(%arg20 : memref<!tpu.dma_semaphore, #tpu.memory_space<semaphore_mem>>) src(%dma_wait3A_1285 : memref<64x128xf32, #tpu.memory_space<hbm>>) dst(%dma_wait3A_1283 : memref<64x128xf32, #tpu.memory_space<vmem>>)
      %add3A_1286 = arith.constant 13 : i32
      %add3A_1287 = arith.addi %mul3A_2, %add3A_1286 : i32
      %lt3A_1288 = arith.constant 200 : i32
      %lt3A_1289 = arith.cmpi slt, %add3A_1287, %lt3A_1288 : i32
      %jit3A_1290 = arith.constant 1.000000e+00 : f32
      %jit3A_1291 = arith.constant 0.000000e+00 : f32
      %select_n3A_1292 = arith.select %lt3A_1289, %jit3A_1290, %jit3A_1291 : f32
      %broadcast_in_dim3A_1293 = vector.broadcast %select_n3A_1292 : f32 to vector<16xf32>
      %broadcast_in_dim3A_1294 = vector.broadcast %sub3A_747 : i32 to vector<16xi32>
      %add3A_1295 = arith.constant 0 : i32
      %add3A_1296 = vector.broadcast %add3A_1295 : i32 to vector<16xi32>
      %add3A_1297 = arith.addi %iota3A, %add3A_1296 : vector<16xi32>
      %gather3A_1298 = arith.constant 5 : i32
      %gather3A_1299 = arith.constant 0 : i32
      %gather3A_1300 = arith.constant 0 : i32
      %gather3A_1301 = tpu.memref_slice %arg10[%gather3A_1298, %gather3A_1299, %gather3A_1300] : memref<8x64x128xf32, #tpu.memory_space<vmem>> -> memref<1x64x128xf32, #tpu.memory_space<vmem>>
      %gather3A_1302 = tpu.memref_squeeze %gather3A_1301 : memref<1x64x128xf32, #tpu.memory_space<vmem>> -> memref<64x128xf32, #tpu.memory_space<vmem>>
      %gather3A_1303 = tpu.vector_load_idx %gather3A_1302[%add3A_1297, %broadcast_in_dim3A_1294] : memref<64x128xf32, #tpu.memory_space<vmem>>[vector<16xi32>, vector<16xi32>], vector<16xf32>,
      %add3A_1304 = arith.constant 16 : i32
      %add3A_1305 = vector.broadcast %add3A_1304 : i32 to vector<16xi32>
      %add3A_1306 = arith.addi %iota3A, %add3A_1305 : vector<16xi32>
      %gather3A_1307 = arith.constant 5 : i32
      %gather3A_1308 = arith.constant 0 : i32
      %gather3A_1309 = arith.constant 0 : i32
      %gather3A_1310 = tpu.memref_slice %arg10[%gather3A_1307, %gather3A_1308, %gather3A_1309] : memref<8x64x128xf32, #tpu.memory_space<vmem>> -> memref<1x64x128xf32, #tpu.memory_space<vmem>>
      %gather3A_1311 = tpu.memref_squeeze %gather3A_1310 : memref<1x64x128xf32, #tpu.memory_space<vmem>> -> memref<64x128xf32, #tpu.memory_space<vmem>>
      %gather3A_1312 = tpu.vector_load_idx %gather3A_1311[%add3A_1306, %broadcast_in_dim3A_1294] : memref<64x128xf32, #tpu.memory_space<vmem>>[vector<16xi32>, vector<16xi32>], vector<16xf32>,
      %add3A_1313 = arith.constant 32 : i32
      %add3A_1314 = vector.broadcast %add3A_1313 : i32 to vector<16xi32>
      %add3A_1315 = arith.addi %iota3A, %add3A_1314 : vector<16xi32>
      %gather3A_1316 = arith.constant 5 : i32
      %gather3A_1317 = arith.constant 0 : i32
      %gather3A_1318 = arith.constant 0 : i32
      %gather3A_1319 = tpu.memref_slice %arg10[%gather3A_1316, %gather3A_1317, %gather3A_1318] : memref<8x64x128xf32, #tpu.memory_space<vmem>> -> memref<1x64x128xf32, #tpu.memory_space<vmem>>
      %gather3A_1320 = tpu.memref_squeeze %gather3A_1319 : memref<1x64x128xf32, #tpu.memory_space<vmem>> -> memref<64x128xf32, #tpu.memory_space<vmem>>
      %gather3A_1321 = tpu.vector_load_idx %gather3A_1320[%add3A_1315, %broadcast_in_dim3A_1294] : memref<64x128xf32, #tpu.memory_space<vmem>>[vector<16xi32>, vector<16xi32>], vector<16xf32>,
      %add3A_1322 = arith.constant 48 : i32
      %add3A_1323 = vector.broadcast %add3A_1322 : i32 to vector<16xi32>
      %add3A_1324 = arith.addi %iota3A, %add3A_1323 : vector<16xi32>
      %gather3A_1325 = arith.constant 5 : i32
      %gather3A_1326 = arith.constant 0 : i32
      %gather3A_1327 = arith.constant 0 : i32
      %gather3A_1328 = tpu.memref_slice %arg10[%gather3A_1325, %gather3A_1326, %gather3A_1327] : memref<8x64x128xf32, #tpu.memory_space<vmem>> -> memref<1x64x128xf32, #tpu.memory_space<vmem>>
      %gather3A_1329 = tpu.memref_squeeze %gather3A_1328 : memref<1x64x128xf32, #tpu.memory_space<vmem>> -> memref<64x128xf32, #tpu.memory_space<vmem>>
      %gather3A_1330 = tpu.vector_load_idx %gather3A_1329[%add3A_1324, %broadcast_in_dim3A_1294] : memref<64x128xf32, #tpu.memory_space<vmem>>[vector<16xi32>, vector<16xi32>], vector<16xf32>,
      %mul3A_1331 = arith.mulf %gather3A_1303, %broadcast_in_dim3A_1293 : vector<16xf32>
      %add3A_1332 = arith.addf %add3A_1266, %mul3A_1331 : vector<16xf32>
      %mul3A_1333 = arith.mulf %gather3A_1312, %broadcast_in_dim3A_1293 : vector<16xf32>
      %add3A_1334 = arith.addf %add3A_1268, %mul3A_1333 : vector<16xf32>
      %mul3A_1335 = arith.mulf %gather3A_1321, %broadcast_in_dim3A_1293 : vector<16xf32>
      %add3A_1336 = arith.addf %add3A_1270, %mul3A_1335 : vector<16xf32>
      %mul3A_1337 = arith.mulf %gather3A_1330, %broadcast_in_dim3A_1293 : vector<16xf32>
      %add3A_1338 = arith.addf %add3A_1272, %mul3A_1337 : vector<16xf32>
      %dma_wait3A_1339 = arith.constant 6 : i32
      %dma_wait3A_1340 = arith.constant 0 : i32
      %dma_wait3A_1341 = arith.constant 0 : i32
      %dma_wait3A_1342 = tpu.memref_slice %arg10[%dma_wait3A_1339, %dma_wait3A_1340, %dma_wait3A_1341] : memref<8x64x128xf32, #tpu.memory_space<vmem>> -> memref<1x64x128xf32, #tpu.memory_space<vmem>>
      %dma_wait3A_1343 = tpu.memref_squeeze %dma_wait3A_1342 : memref<1x64x128xf32, #tpu.memory_space<vmem>> -> memref<64x128xf32, #tpu.memory_space<vmem>>
      %dma_wait3A_1344 = arith.constant 0 : i32
      %dma_wait3A_1345 = tpu.memref_slice %arg4[%dma_wait3A_1344, %multiple_of3A_837] : memref<64x1000000xf32, #tpu.memory_space<hbm>> -> memref<64x128xf32, #tpu.memory_space<hbm>>
      %dma_wait3A_1346 = arith.constant 0 : i32
      %dma_wait3A_1347 = arith.constant 0 : i32
      %dma_wait3A_1348 = tpu.memref_slice %arg10[%dma_wait3A_1339, %dma_wait3A_1346, %dma_wait3A_1347] : memref<8x64x128xf32, #tpu.memory_space<vmem>> -> memref<1x64x128xf32, #tpu.memory_space<vmem>>
      %dma_wait3A_1349 = tpu.memref_squeeze %dma_wait3A_1348 : memref<1x64x128xf32, #tpu.memory_space<vmem>> -> memref<64x128xf32, #tpu.memory_space<vmem>>
      %dma_wait3A_1350 = arith.constant 0 : i32
      %dma_wait3A_1351 = tpu.memref_slice %arg4[%dma_wait3A_1350, %multiple_of3A_837] : memref<64x1000000xf32, #tpu.memory_space<hbm>> -> memref<64x128xf32, #tpu.memory_space<hbm>>
      tpu.wait_dma2 semaphore(%arg20 : memref<!tpu.dma_semaphore, #tpu.memory_space<semaphore_mem>>) src(%dma_wait3A_1351 : memref<64x128xf32, #tpu.memory_space<hbm>>) dst(%dma_wait3A_1349 : memref<64x128xf32, #tpu.memory_space<vmem>>)
      %add3A_1352 = arith.constant 14 : i32
      %add3A_1353 = arith.addi %mul3A_2, %add3A_1352 : i32
      %lt3A_1354 = arith.constant 200 : i32
      %lt3A_1355 = arith.cmpi slt, %add3A_1353, %lt3A_1354 : i32
      %jit3A_1356 = arith.constant 1.000000e+00 : f32
      %jit3A_1357 = arith.constant 0.000000e+00 : f32
      %select_n3A_1358 = arith.select %lt3A_1355, %jit3A_1356, %jit3A_1357 : f32
      %broadcast_in_dim3A_1359 = vector.broadcast %select_n3A_1358 : f32 to vector<16xf32>
      %broadcast_in_dim3A_1360 = vector.broadcast %sub3A_838 : i32 to vector<16xi32>
      %add3A_1361 = arith.constant 0 : i32
      %add3A_1362 = vector.broadcast %add3A_1361 : i32 to vector<16xi32>
      %add3A_1363 = arith.addi %iota3A, %add3A_1362 : vector<16xi32>
      %gather3A_1364 = arith.constant 6 : i32
      %gather3A_1365 = arith.constant 0 : i32
      %gather3A_1366 = arith.constant 0 : i32
      %gather3A_1367 = tpu.memref_slice %arg10[%gather3A_1364, %gather3A_1365, %gather3A_1366] : memref<8x64x128xf32, #tpu.memory_space<vmem>> -> memref<1x64x128xf32, #tpu.memory_space<vmem>>
      %gather3A_1368 = tpu.memref_squeeze %gather3A_1367 : memref<1x64x128xf32, #tpu.memory_space<vmem>> -> memref<64x128xf32, #tpu.memory_space<vmem>>
      %gather3A_1369 = tpu.vector_load_idx %gather3A_1368[%add3A_1363, %broadcast_in_dim3A_1360] : memref<64x128xf32, #tpu.memory_space<vmem>>[vector<16xi32>, vector<16xi32>], vector<16xf32>,
      %add3A_1370 = arith.constant 16 : i32
      %add3A_1371 = vector.broadcast %add3A_1370 : i32 to vector<16xi32>
      %add3A_1372 = arith.addi %iota3A, %add3A_1371 : vector<16xi32>
      %gather3A_1373 = arith.constant 6 : i32
      %gather3A_1374 = arith.constant 0 : i32
      %gather3A_1375 = arith.constant 0 : i32
      %gather3A_1376 = tpu.memref_slice %arg10[%gather3A_1373, %gather3A_1374, %gather3A_1375] : memref<8x64x128xf32, #tpu.memory_space<vmem>> -> memref<1x64x128xf32, #tpu.memory_space<vmem>>
      %gather3A_1377 = tpu.memref_squeeze %gather3A_1376 : memref<1x64x128xf32, #tpu.memory_space<vmem>> -> memref<64x128xf32, #tpu.memory_space<vmem>>
      %gather3A_1378 = tpu.vector_load_idx %gather3A_1377[%add3A_1372, %broadcast_in_dim3A_1360] : memref<64x128xf32, #tpu.memory_space<vmem>>[vector<16xi32>, vector<16xi32>], vector<16xf32>,
      %add3A_1379 = arith.constant 32 : i32
      %add3A_1380 = vector.broadcast %add3A_1379 : i32 to vector<16xi32>
      %add3A_1381 = arith.addi %iota3A, %add3A_1380 : vector<16xi32>
      %gather3A_1382 = arith.constant 6 : i32
      %gather3A_1383 = arith.constant 0 : i32
      %gather3A_1384 = arith.constant 0 : i32
      %gather3A_1385 = tpu.memref_slice %arg10[%gather3A_1382, %gather3A_1383, %gather3A_1384] : memref<8x64x128xf32, #tpu.memory_space<vmem>> -> memref<1x64x128xf32, #tpu.memory_space<vmem>>
      %gather3A_1386 = tpu.memref_squeeze %gather3A_1385 : memref<1x64x128xf32, #tpu.memory_space<vmem>> -> memref<64x128xf32, #tpu.memory_space<vmem>>
      %gather3A_1387 = tpu.vector_load_idx %gather3A_1386[%add3A_1381, %broadcast_in_dim3A_1360] : memref<64x128xf32, #tpu.memory_space<vmem>>[vector<16xi32>, vector<16xi32>], vector<16xf32>,
      %add3A_1388 = arith.constant 48 : i32
      %add3A_1389 = vector.broadcast %add3A_1388 : i32 to vector<16xi32>
      %add3A_1390 = arith.addi %iota3A, %add3A_1389 : vector<16xi32>
      %gather3A_1391 = arith.constant 6 : i32
      %gather3A_1392 = arith.constant 0 : i32
      %gather3A_1393 = arith.constant 0 : i32
      %gather3A_1394 = tpu.memref_slice %arg10[%gather3A_1391, %gather3A_1392, %gather3A_1393] : memref<8x64x128xf32, #tpu.memory_space<vmem>> -> memref<1x64x128xf32, #tpu.memory_space<vmem>>
      %gather3A_1395 = tpu.memref_squeeze %gather3A_1394 : memref<1x64x128xf32, #tpu.memory_space<vmem>> -> memref<64x128xf32, #tpu.memory_space<vmem>>
      %gather3A_1396 = tpu.vector_load_idx %gather3A_1395[%add3A_1390, %broadcast_in_dim3A_1360] : memref<64x128xf32, #tpu.memory_space<vmem>>[vector<16xi32>, vector<16xi32>], vector<16xf32>,
      %mul3A_1397 = arith.mulf %gather3A_1369, %broadcast_in_dim3A_1359 : vector<16xf32>
      %add3A_1398 = arith.addf %add3A_1332, %mul3A_1397 : vector<16xf32>
      %mul3A_1399 = arith.mulf %gather3A_1378, %broadcast_in_dim3A_1359 : vector<16xf32>
      %add3A_1400 = arith.addf %add3A_1334, %mul3A_1399 : vector<16xf32>
      %mul3A_1401 = arith.mulf %gather3A_1387, %broadcast_in_dim3A_1359 : vector<16xf32>
      %add3A_1402 = arith.addf %add3A_1336, %mul3A_1401 : vector<16xf32>
      %mul3A_1403 = arith.mulf %gather3A_1396, %broadcast_in_dim3A_1359 : vector<16xf32>
      %add3A_1404 = arith.addf %add3A_1338, %mul3A_1403 : vector<16xf32>
      %dma_wait3A_1405 = arith.constant 7 : i32
      %dma_wait3A_1406 = arith.constant 0 : i32
      %dma_wait3A_1407 = arith.constant 0 : i32
      %dma_wait3A_1408 = tpu.memref_slice %arg10[%dma_wait3A_1405, %dma_wait3A_1406, %dma_wait3A_1407] : memref<8x64x128xf32, #tpu.memory_space<vmem>> -> memref<1x64x128xf32, #tpu.memory_space<vmem>>
      %dma_wait3A_1409 = tpu.memref_squeeze %dma_wait3A_1408 : memref<1x64x128xf32, #tpu.memory_space<vmem>> -> memref<64x128xf32, #tpu.memory_space<vmem>>
      %dma_wait3A_1410 = arith.constant 0 : i32
      %dma_wait3A_1411 = tpu.memref_slice %arg4[%dma_wait3A_1410, %multiple_of3A_928] : memref<64x1000000xf32, #tpu.memory_space<hbm>> -> memref<64x128xf32, #tpu.memory_space<hbm>>
      %dma_wait3A_1412 = arith.constant 0 : i32
      %dma_wait3A_1413 = arith.constant 0 : i32
      %dma_wait3A_1414 = tpu.memref_slice %arg10[%dma_wait3A_1405, %dma_wait3A_1412, %dma_wait3A_1413] : memref<8x64x128xf32, #tpu.memory_space<vmem>> -> memref<1x64x128xf32, #tpu.memory_space<vmem>>
      %dma_wait3A_1415 = tpu.memref_squeeze %dma_wait3A_1414 : memref<1x64x128xf32, #tpu.memory_space<vmem>> -> memref<64x128xf32, #tpu.memory_space<vmem>>
      %dma_wait3A_1416 = arith.constant 0 : i32
      %dma_wait3A_1417 = tpu.memref_slice %arg4[%dma_wait3A_1416, %multiple_of3A_928] : memref<64x1000000xf32, #tpu.memory_space<hbm>> -> memref<64x128xf32, #tpu.memory_space<hbm>>
      tpu.wait_dma2 semaphore(%arg20 : memref<!tpu.dma_semaphore, #tpu.memory_space<semaphore_mem>>) src(%dma_wait3A_1417 : memref<64x128xf32, #tpu.memory_space<hbm>>) dst(%dma_wait3A_1415 : memref<64x128xf32, #tpu.memory_space<vmem>>)
      %add3A_1418 = arith.constant 15 : i32
      %add3A_1419 = arith.addi %mul3A_2, %add3A_1418 : i32
      %lt3A_1420 = arith.constant 200 : i32
      %lt3A_1421 = arith.cmpi slt, %add3A_1419, %lt3A_1420 : i32
      %jit3A_1422 = arith.constant 1.000000e+00 : f32
      %jit3A_1423 = arith.constant 0.000000e+00 : f32
      %select_n3A_1424 = arith.select %lt3A_1421, %jit3A_1422, %jit3A_1423 : f32
      %broadcast_in_dim3A_1425 = vector.broadcast %select_n3A_1424 : f32 to vector<16xf32>
      %broadcast_in_dim3A_1426 = vector.broadcast %sub3A_929 : i32 to vector<16xi32>
      %add3A_1427 = arith.constant 0 : i32
      %add3A_1428 = vector.broadcast %add3A_1427 : i32 to vector<16xi32>
      %add3A_1429 = arith.addi %iota3A, %add3A_1428 : vector<16xi32>
      %gather3A_1430 = arith.constant 7 : i32
      %gather3A_1431 = arith.constant 0 : i32
      %gather3A_1432 = arith.constant 0 : i32
      %gather3A_1433 = tpu.memref_slice %arg10[%gather3A_1430, %gather3A_1431, %gather3A_1432] : memref<8x64x128xf32, #tpu.memory_space<vmem>> -> memref<1x64x128xf32, #tpu.memory_space<vmem>>
      %gather3A_1434 = tpu.memref_squeeze %gather3A_1433 : memref<1x64x128xf32, #tpu.memory_space<vmem>> -> memref<64x128xf32, #tpu.memory_space<vmem>>
      %gather3A_1435 = tpu.vector_load_idx %gather3A_1434[%add3A_1429, %broadcast_in_dim3A_1426] : memref<64x128xf32, #tpu.memory_space<vmem>>[vector<16xi32>, vector<16xi32>], vector<16xf32>,
      %add3A_1436 = arith.constant 16 : i32
      %add3A_1437 = vector.broadcast %add3A_1436 : i32 to vector<16xi32>
      %add3A_1438 = arith.addi %iota3A, %add3A_1437 : vector<16xi32>
      %gather3A_1439 = arith.constant 7 : i32
      %gather3A_1440 = arith.constant 0 : i32
      %gather3A_1441 = arith.constant 0 : i32
      %gather3A_1442 = tpu.memref_slice %arg10[%gather3A_1439, %gather3A_1440, %gather3A_1441] : memref<8x64x128xf32, #tpu.memory_space<vmem>> -> memref<1x64x128xf32, #tpu.memory_space<vmem>>
      %gather3A_1443 = tpu.memref_squeeze %gather3A_1442 : memref<1x64x128xf32, #tpu.memory_space<vmem>> -> memref<64x128xf32, #tpu.memory_space<vmem>>
      %gather3A_1444 = tpu.vector_load_idx %gather3A_1443[%add3A_1438, %broadcast_in_dim3A_1426] : memref<64x128xf32, #tpu.memory_space<vmem>>[vector<16xi32>, vector<16xi32>], vector<16xf32>,
      %add3A_1445 = arith.constant 32 : i32
      %add3A_1446 = vector.broadcast %add3A_1445 : i32 to vector<16xi32>
      %add3A_1447 = arith.addi %iota3A, %add3A_1446 : vector<16xi32>
      %gather3A_1448 = arith.constant 7 : i32
      %gather3A_1449 = arith.constant 0 : i32
      %gather3A_1450 = arith.constant 0 : i32
      %gather3A_1451 = tpu.memref_slice %arg10[%gather3A_1448, %gather3A_1449, %gather3A_1450] : memref<8x64x128xf32, #tpu.memory_space<vmem>> -> memref<1x64x128xf32, #tpu.memory_space<vmem>>
      %gather3A_1452 = tpu.memref_squeeze %gather3A_1451 : memref<1x64x128xf32, #tpu.memory_space<vmem>> -> memref<64x128xf32, #tpu.memory_space<vmem>>
      %gather3A_1453 = tpu.vector_load_idx %gather3A_1452[%add3A_1447, %broadcast_in_dim3A_1426] : memref<64x128xf32, #tpu.memory_space<vmem>>[vector<16xi32>, vector<16xi32>], vector<16xf32>,
      %add3A_1454 = arith.constant 48 : i32
      %add3A_1455 = vector.broadcast %add3A_1454 : i32 to vector<16xi32>
      %add3A_1456 = arith.addi %iota3A, %add3A_1455 : vector<16xi32>
      %gather3A_1457 = arith.constant 7 : i32
      %gather3A_1458 = arith.constant 0 : i32
      %gather3A_1459 = arith.constant 0 : i32
      %gather3A_1460 = tpu.memref_slice %arg10[%gather3A_1457, %gather3A_1458, %gather3A_1459] : memref<8x64x128xf32, #tpu.memory_space<vmem>> -> memref<1x64x128xf32, #tpu.memory_space<vmem>>
      %gather3A_1461 = tpu.memref_squeeze %gather3A_1460 : memref<1x64x128xf32, #tpu.memory_space<vmem>> -> memref<64x128xf32, #tpu.memory_space<vmem>>
      %gather3A_1462 = tpu.vector_load_idx %gather3A_1461[%add3A_1456, %broadcast_in_dim3A_1426] : memref<64x128xf32, #tpu.memory_space<vmem>>[vector<16xi32>, vector<16xi32>], vector<16xf32>,
      %mul3A_1463 = arith.mulf %gather3A_1435, %broadcast_in_dim3A_1425 : vector<16xf32>
      %add3A_1464 = arith.addf %add3A_1398, %mul3A_1463 : vector<16xf32>
      %mul3A_1465 = arith.mulf %gather3A_1444, %broadcast_in_dim3A_1425 : vector<16xf32>
      %add3A_1466 = arith.addf %add3A_1400, %mul3A_1465 : vector<16xf32>
      %mul3A_1467 = arith.mulf %gather3A_1453, %broadcast_in_dim3A_1425 : vector<16xf32>
      %add3A_1468 = arith.addf %add3A_1402, %mul3A_1467 : vector<16xf32>
      %mul3A_1469 = arith.mulf %gather3A_1462, %broadcast_in_dim3A_1425 : vector<16xf32>
      %add3A_1470 = arith.addf %add3A_1404, %mul3A_1469 : vector<16xf32>
      %swap3A_1471 = arith.constant 0 : index
      %swap3A_1472 = tpu.vector_load %arg15[%swap3A_1471] {strides = array<i32>} : memref<64xf32, #tpu.memory_space<vmem>>, vector<16xf32>,
      tpu.vector_store %arg15[%swap3A_1471], %add3A_1464 {strides = array<i32>} : memref<64xf32, #tpu.memory_space<vmem>>, vector<16xf32>,
      %swap3A_1473 = arith.constant 16 : index
      %swap3A_1474 = tpu.vector_load %arg15[%swap3A_1473] {strides = array<i32>} : memref<64xf32, #tpu.memory_space<vmem>>, vector<16xf32>,
      tpu.vector_store %arg15[%swap3A_1473], %add3A_1466 {strides = array<i32>} : memref<64xf32, #tpu.memory_space<vmem>>, vector<16xf32>,
      %swap3A_1475 = arith.constant 32 : index
      %swap3A_1476 = tpu.vector_load %arg15[%swap3A_1475] {strides = array<i32>} : memref<64xf32, #tpu.memory_space<vmem>>, vector<16xf32>,
      tpu.vector_store %arg15[%swap3A_1475], %add3A_1468 {strides = array<i32>} : memref<64xf32, #tpu.memory_space<vmem>>, vector<16xf32>,
      %swap3A_1477 = arith.constant 48 : index
      %swap3A_1478 = tpu.vector_load %arg15[%swap3A_1477] {strides = array<i32>} : memref<64xf32, #tpu.memory_space<vmem>>, vector<16xf32>,
      tpu.vector_store %arg15[%swap3A_1477], %add3A_1470 {strides = array<i32>} : memref<64xf32, #tpu.memory_space<vmem>>, vector<16xf32>,
    } else {
    }
    "tpu.region"() ({
      %run_scoped3A = tpu.sem_alloc : memref<!tpu.dma_semaphore, #tpu.memory_space<semaphore_mem>>
      %dma_start3A = arith.constant 0 : i32
      %dma_start3A_20 = tpu.memref_slice %arg19[%arg1, %dma_start3A] : memref<16x64xf32, #tpu.memory_space<vmem_shared>> -> memref<1x64xf32, #tpu.memory_space<vmem_shared>>
      %dma_start3A_21 = tpu.memref_squeeze %dma_start3A_20 : memref<1x64xf32, #tpu.memory_space<vmem_shared>> -> memref<64xf32, #tpu.memory_space<vmem_shared>>
      %dma_start3A_22 = arith.constant 0 : i32
      %dma_start3A_23 = tpu.memref_slice %arg19[%arg1, %dma_start3A_22] : memref<16x64xf32, #tpu.memory_space<vmem_shared>> -> memref<1x64xf32, #tpu.memory_space<vmem_shared>>
      %dma_start3A_24 = tpu.memref_squeeze %dma_start3A_23 : memref<1x64xf32, #tpu.memory_space<vmem_shared>> -> memref<64xf32, #tpu.memory_space<vmem_shared>>
      tpu.enqueue_dma source(%arg15 : memref<64xf32, #tpu.memory_space<vmem>>) target(%dma_start3A_24 : memref<64xf32, #tpu.memory_space<vmem_shared>>) target_semaphore(%run_scoped3A : memref<!tpu.dma_semaphore, #tpu.memory_space<semaphore_mem>>)
      %dma_wait3A = arith.constant 0 : i32
      %dma_wait3A_25 = tpu.memref_slice %arg19[%arg1, %dma_wait3A] : memref<16x64xf32, #tpu.memory_space<vmem_shared>> -> memref<1x64xf32, #tpu.memory_space<vmem_shared>>
      %dma_wait3A_26 = tpu.memref_squeeze %dma_wait3A_25 : memref<1x64xf32, #tpu.memory_space<vmem_shared>> -> memref<64xf32, #tpu.memory_space<vmem_shared>>
      %dma_wait3A_27 = arith.constant 0 : i32
      %dma_wait3A_28 = tpu.memref_slice %arg19[%arg1, %dma_wait3A_27] : memref<16x64xf32, #tpu.memory_space<vmem_shared>> -> memref<1x64xf32, #tpu.memory_space<vmem_shared>>
      %dma_wait3A_29 = tpu.memref_squeeze %dma_wait3A_28 : memref<1x64xf32, #tpu.memory_space<vmem_shared>> -> memref<64xf32, #tpu.memory_space<vmem_shared>>
      tpu.wait_dma2 semaphore(%run_scoped3A : memref<!tpu.dma_semaphore, #tpu.memory_space<semaphore_mem>>) src(%arg15 : memref<64xf32, #tpu.memory_space<vmem>>) dst(%dma_wait3A_29 : memref<64xf32, #tpu.memory_space<vmem_shared>>)
      tpu.yield
    }) : () -> ()
    %barrier3A = arith.constant 0 : index
    tpu.barrier barrier_id(%barrier3A)
    %eq3A_15 = arith.constant 15 : i32
    %eq3A_16 = arith.cmpi eq, %arg1, %eq3A_15 : i32
    %convert_element_type3A_17 = arith.extui %eq3A_16 : i1 to i32
    %cond3A_18 = arith.constant 0 : i32
    %cond3A_19 = arith.cmpi ne, %convert_element_type3A_17, %cond3A_18 : i32
    scf.if %cond3A_19 {
      "tpu.region"() ({
        %run_scoped3A = tpu.sem_alloc : memref<!tpu.dma_semaphore, #tpu.memory_space<semaphore_mem>>
        tpu.enqueue_dma source(%arg19 : memref<16x64xf32, #tpu.memory_space<vmem_shared>>) target(%arg17 : memref<16x64xf32, #tpu.memory_space<vmem>>) target_semaphore(%run_scoped3A : memref<!tpu.dma_semaphore, #tpu.memory_space<semaphore_mem>>)
        tpu.wait_dma2 semaphore(%run_scoped3A : memref<!tpu.dma_semaphore, #tpu.memory_space<semaphore_mem>>) src(%arg19 : memref<16x64xf32, #tpu.memory_space<vmem_shared>>) dst(%arg17 : memref<16x64xf32, #tpu.memory_space<vmem>>)
        tpu.yield
      }) : () -> ()
      %broadcast_in_dim3A_20 = arith.constant 0.000000e+00 : f32
      %broadcast_in_dim3A_21 = vector.broadcast %broadcast_in_dim3A_20 : f32 to vector<16xf32>
      %get3A = arith.constant 0 : i32
      %get3A_22 = arith.index_cast %get3A : i32 to index
      %get3A_23 = arith.constant 0 : index
      %get3A_24 = tpu.vector_load %arg17[%get3A_22, %get3A_23] {strides = array<i32>} : memref<16x64xf32, #tpu.memory_space<vmem>>, vector<16xf32>,
      %get3A_25 = arith.constant 1 : i32
      %get3A_26 = arith.index_cast %get3A_25 : i32 to index
      %get3A_27 = arith.constant 0 : index
      %get3A_28 = tpu.vector_load %arg17[%get3A_26, %get3A_27] {strides = array<i32>} : memref<16x64xf32, #tpu.memory_space<vmem>>, vector<16xf32>,
      %add3A = arith.addf %get3A_24, %get3A_28 : vector<16xf32>
      %get3A_29 = arith.constant 2 : i32
      %get3A_30 = arith.index_cast %get3A_29 : i32 to index
      %get3A_31 = arith.constant 0 : index
      %get3A_32 = tpu.vector_load %arg17[%get3A_30, %get3A_31] {strides = array<i32>} : memref<16x64xf32, #tpu.memory_space<vmem>>, vector<16xf32>,
      %add3A_33 = arith.addf %add3A, %get3A_32 : vector<16xf32>
      %get3A_34 = arith.constant 3 : i32
      %get3A_35 = arith.index_cast %get3A_34 : i32 to index
      %get3A_36 = arith.constant 0 : index
      %get3A_37 = tpu.vector_load %arg17[%get3A_35, %get3A_36] {strides = array<i32>} : memref<16x64xf32, #tpu.memory_space<vmem>>, vector<16xf32>,
      %add3A_38 = arith.addf %add3A_33, %get3A_37 : vector<16xf32>
      %get3A_39 = arith.constant 4 : i32
      %get3A_40 = arith.index_cast %get3A_39 : i32 to index
      %get3A_41 = arith.constant 0 : index
      %get3A_42 = tpu.vector_load %arg17[%get3A_40, %get3A_41] {strides = array<i32>} : memref<16x64xf32, #tpu.memory_space<vmem>>, vector<16xf32>,
      %add3A_43 = arith.addf %add3A_38, %get3A_42 : vector<16xf32>
      %get3A_44 = arith.constant 5 : i32
      %get3A_45 = arith.index_cast %get3A_44 : i32 to index
      %get3A_46 = arith.constant 0 : index
      %get3A_47 = tpu.vector_load %arg17[%get3A_45, %get3A_46] {strides = array<i32>} : memref<16x64xf32, #tpu.memory_space<vmem>>, vector<16xf32>,
      %add3A_48 = arith.addf %add3A_43, %get3A_47 : vector<16xf32>
      %get3A_49 = arith.constant 6 : i32
      %get3A_50 = arith.index_cast %get3A_49 : i32 to index
      %get3A_51 = arith.constant 0 : index
      %get3A_52 = tpu.vector_load %arg17[%get3A_50, %get3A_51] {strides = array<i32>} : memref<16x64xf32, #tpu.memory_space<vmem>>, vector<16xf32>,
      %add3A_53 = arith.addf %add3A_48, %get3A_52 : vector<16xf32>
      %get3A_54 = arith.constant 7 : i32
      %get3A_55 = arith.index_cast %get3A_54 : i32 to index
      %get3A_56 = arith.constant 0 : index
      %get3A_57 = tpu.vector_load %arg17[%get3A_55, %get3A_56] {strides = array<i32>} : memref<16x64xf32, #tpu.memory_space<vmem>>, vector<16xf32>,
      %add3A_58 = arith.addf %add3A_53, %get3A_57 : vector<16xf32>
      %get3A_59 = arith.constant 8 : i32
      %get3A_60 = arith.index_cast %get3A_59 : i32 to index
      %get3A_61 = arith.constant 0 : index
      %get3A_62 = tpu.vector_load %arg17[%get3A_60, %get3A_61] {strides = array<i32>} : memref<16x64xf32, #tpu.memory_space<vmem>>, vector<16xf32>,
      %add3A_63 = arith.addf %add3A_58, %get3A_62 : vector<16xf32>
      %get3A_64 = arith.constant 9 : i32
      %get3A_65 = arith.index_cast %get3A_64 : i32 to index
      %get3A_66 = arith.constant 0 : index
      %get3A_67 = tpu.vector_load %arg17[%get3A_65, %get3A_66] {strides = array<i32>} : memref<16x64xf32, #tpu.memory_space<vmem>>, vector<16xf32>,
      %add3A_68 = arith.addf %add3A_63, %get3A_67 : vector<16xf32>
      %get3A_69 = arith.constant 10 : i32
      %get3A_70 = arith.index_cast %get3A_69 : i32 to index
      %get3A_71 = arith.constant 0 : index
      %get3A_72 = tpu.vector_load %arg17[%get3A_70, %get3A_71] {strides = array<i32>} : memref<16x64xf32, #tpu.memory_space<vmem>>, vector<16xf32>,
      %add3A_73 = arith.addf %add3A_68, %get3A_72 : vector<16xf32>
      %get3A_74 = arith.constant 11 : i32
      %get3A_75 = arith.index_cast %get3A_74 : i32 to index
      %get3A_76 = arith.constant 0 : index
      %get3A_77 = tpu.vector_load %arg17[%get3A_75, %get3A_76] {strides = array<i32>} : memref<16x64xf32, #tpu.memory_space<vmem>>, vector<16xf32>,
      %add3A_78 = arith.addf %add3A_73, %get3A_77 : vector<16xf32>
      %get3A_79 = arith.constant 12 : i32
      %get3A_80 = arith.index_cast %get3A_79 : i32 to index
      %get3A_81 = arith.constant 0 : index
      %get3A_82 = tpu.vector_load %arg17[%get3A_80, %get3A_81] {strides = array<i32>} : memref<16x64xf32, #tpu.memory_space<vmem>>, vector<16xf32>,
      %add3A_83 = arith.addf %add3A_78, %get3A_82 : vector<16xf32>
      %get3A_84 = arith.constant 13 : i32
      %get3A_85 = arith.index_cast %get3A_84 : i32 to index
      %get3A_86 = arith.constant 0 : index
      %get3A_87 = tpu.vector_load %arg17[%get3A_85, %get3A_86] {strides = array<i32>} : memref<16x64xf32, #tpu.memory_space<vmem>>, vector<16xf32>,
      %add3A_88 = arith.addf %add3A_83, %get3A_87 : vector<16xf32>
      %get3A_89 = arith.constant 14 : i32
      %get3A_90 = arith.index_cast %get3A_89 : i32 to index
      %get3A_91 = arith.constant 0 : index
      %get3A_92 = tpu.vector_load %arg17[%get3A_90, %get3A_91] {strides = array<i32>} : memref<16x64xf32, #tpu.memory_space<vmem>>, vector<16xf32>,
      %add3A_93 = arith.addf %add3A_88, %get3A_92 : vector<16xf32>
      %get3A_94 = arith.constant 15 : i32
      %get3A_95 = arith.index_cast %get3A_94 : i32 to index
      %get3A_96 = arith.constant 0 : index
      %get3A_97 = tpu.vector_load %arg17[%get3A_95, %get3A_96] {strides = array<i32>} : memref<16x64xf32, #tpu.memory_space<vmem>>, vector<16xf32>,
      %add3A_98 = arith.addf %add3A_93, %get3A_97 : vector<16xf32>
      %mul3A_99 = arith.constant 5.000000e-03 : f32
      %mul3A_100 = vector.broadcast %mul3A_99 : f32 to vector<16xf32>
      %mul3A_101 = arith.mulf %add3A_98, %mul3A_100 : vector<16xf32>
      %get3A_102 = arith.constant 0 : index
      %get3A_103 = tpu.vector_load %arg16[%get3A_102] {strides = array<i32>} : memref<64xf32, #tpu.memory_space<vmem>>, vector<16xf32>,
      %mul3A_104 = arith.mulf %mul3A_101, %get3A_103 : vector<16xf32>
      %add3A_105 = arith.addf %broadcast_in_dim3A_21, %mul3A_104 : vector<16xf32>
      %get3A_106 = arith.constant 0 : i32
      %get3A_107 = arith.index_cast %get3A_106 : i32 to index
      %get3A_108 = arith.constant 16 : index
      %get3A_109 = tpu.vector_load %arg17[%get3A_107, %get3A_108] {strides = array<i32>} : memref<16x64xf32, #tpu.memory_space<vmem>>, vector<16xf32>,
      %get3A_110 = arith.constant 1 : i32
      %get3A_111 = arith.index_cast %get3A_110 : i32 to index
      %get3A_112 = arith.constant 16 : index
      %get3A_113 = tpu.vector_load %arg17[%get3A_111, %get3A_112] {strides = array<i32>} : memref<16x64xf32, #tpu.memory_space<vmem>>, vector<16xf32>,
      %add3A_114 = arith.addf %get3A_109, %get3A_113 : vector<16xf32>
      %get3A_115 = arith.constant 2 : i32
      %get3A_116 = arith.index_cast %get3A_115 : i32 to index
      %get3A_117 = arith.constant 16 : index
      %get3A_118 = tpu.vector_load %arg17[%get3A_116, %get3A_117] {strides = array<i32>} : memref<16x64xf32, #tpu.memory_space<vmem>>, vector<16xf32>,
      %add3A_119 = arith.addf %add3A_114, %get3A_118 : vector<16xf32>
      %get3A_120 = arith.constant 3 : i32
      %get3A_121 = arith.index_cast %get3A_120 : i32 to index
      %get3A_122 = arith.constant 16 : index
      %get3A_123 = tpu.vector_load %arg17[%get3A_121, %get3A_122] {strides = array<i32>} : memref<16x64xf32, #tpu.memory_space<vmem>>, vector<16xf32>,
      %add3A_124 = arith.addf %add3A_119, %get3A_123 : vector<16xf32>
      %get3A_125 = arith.constant 4 : i32
      %get3A_126 = arith.index_cast %get3A_125 : i32 to index
      %get3A_127 = arith.constant 16 : index
      %get3A_128 = tpu.vector_load %arg17[%get3A_126, %get3A_127] {strides = array<i32>} : memref<16x64xf32, #tpu.memory_space<vmem>>, vector<16xf32>,
      %add3A_129 = arith.addf %add3A_124, %get3A_128 : vector<16xf32>
      %get3A_130 = arith.constant 5 : i32
      %get3A_131 = arith.index_cast %get3A_130 : i32 to index
      %get3A_132 = arith.constant 16 : index
      %get3A_133 = tpu.vector_load %arg17[%get3A_131, %get3A_132] {strides = array<i32>} : memref<16x64xf32, #tpu.memory_space<vmem>>, vector<16xf32>,
      %add3A_134 = arith.addf %add3A_129, %get3A_133 : vector<16xf32>
      %get3A_135 = arith.constant 6 : i32
      %get3A_136 = arith.index_cast %get3A_135 : i32 to index
      %get3A_137 = arith.constant 16 : index
      %get3A_138 = tpu.vector_load %arg17[%get3A_136, %get3A_137] {strides = array<i32>} : memref<16x64xf32, #tpu.memory_space<vmem>>, vector<16xf32>,
      %add3A_139 = arith.addf %add3A_134, %get3A_138 : vector<16xf32>
      %get3A_140 = arith.constant 7 : i32
      %get3A_141 = arith.index_cast %get3A_140 : i32 to index
      %get3A_142 = arith.constant 16 : index
      %get3A_143 = tpu.vector_load %arg17[%get3A_141, %get3A_142] {strides = array<i32>} : memref<16x64xf32, #tpu.memory_space<vmem>>, vector<16xf32>,
      %add3A_144 = arith.addf %add3A_139, %get3A_143 : vector<16xf32>
      %get3A_145 = arith.constant 8 : i32
      %get3A_146 = arith.index_cast %get3A_145 : i32 to index
      %get3A_147 = arith.constant 16 : index
      %get3A_148 = tpu.vector_load %arg17[%get3A_146, %get3A_147] {strides = array<i32>} : memref<16x64xf32, #tpu.memory_space<vmem>>, vector<16xf32>,
      %add3A_149 = arith.addf %add3A_144, %get3A_148 : vector<16xf32>
      %get3A_150 = arith.constant 9 : i32
      %get3A_151 = arith.index_cast %get3A_150 : i32 to index
      %get3A_152 = arith.constant 16 : index
      %get3A_153 = tpu.vector_load %arg17[%get3A_151, %get3A_152] {strides = array<i32>} : memref<16x64xf32, #tpu.memory_space<vmem>>, vector<16xf32>,
      %add3A_154 = arith.addf %add3A_149, %get3A_153 : vector<16xf32>
      %get3A_155 = arith.constant 10 : i32
      %get3A_156 = arith.index_cast %get3A_155 : i32 to index
      %get3A_157 = arith.constant 16 : index
      %get3A_158 = tpu.vector_load %arg17[%get3A_156, %get3A_157] {strides = array<i32>} : memref<16x64xf32, #tpu.memory_space<vmem>>, vector<16xf32>,
      %add3A_159 = arith.addf %add3A_154, %get3A_158 : vector<16xf32>
      %get3A_160 = arith.constant 11 : i32
      %get3A_161 = arith.index_cast %get3A_160 : i32 to index
      %get3A_162 = arith.constant 16 : index
      %get3A_163 = tpu.vector_load %arg17[%get3A_161, %get3A_162] {strides = array<i32>} : memref<16x64xf32, #tpu.memory_space<vmem>>, vector<16xf32>,
      %add3A_164 = arith.addf %add3A_159, %get3A_163 : vector<16xf32>
      %get3A_165 = arith.constant 12 : i32
      %get3A_166 = arith.index_cast %get3A_165 : i32 to index
      %get3A_167 = arith.constant 16 : index
      %get3A_168 = tpu.vector_load %arg17[%get3A_166, %get3A_167] {strides = array<i32>} : memref<16x64xf32, #tpu.memory_space<vmem>>, vector<16xf32>,
      %add3A_169 = arith.addf %add3A_164, %get3A_168 : vector<16xf32>
      %get3A_170 = arith.constant 13 : i32
      %get3A_171 = arith.index_cast %get3A_170 : i32 to index
      %get3A_172 = arith.constant 16 : index
      %get3A_173 = tpu.vector_load %arg17[%get3A_171, %get3A_172] {strides = array<i32>} : memref<16x64xf32, #tpu.memory_space<vmem>>, vector<16xf32>,
      %add3A_174 = arith.addf %add3A_169, %get3A_173 : vector<16xf32>
      %get3A_175 = arith.constant 14 : i32
      %get3A_176 = arith.index_cast %get3A_175 : i32 to index
      %get3A_177 = arith.constant 16 : index
      %get3A_178 = tpu.vector_load %arg17[%get3A_176, %get3A_177] {strides = array<i32>} : memref<16x64xf32, #tpu.memory_space<vmem>>, vector<16xf32>,
      %add3A_179 = arith.addf %add3A_174, %get3A_178 : vector<16xf32>
      %get3A_180 = arith.constant 15 : i32
      %get3A_181 = arith.index_cast %get3A_180 : i32 to index
      %get3A_182 = arith.constant 16 : index
      %get3A_183 = tpu.vector_load %arg17[%get3A_181, %get3A_182] {strides = array<i32>} : memref<16x64xf32, #tpu.memory_space<vmem>>, vector<16xf32>,
      %add3A_184 = arith.addf %add3A_179, %get3A_183 : vector<16xf32>
      %mul3A_185 = arith.constant 5.000000e-03 : f32
      %mul3A_186 = vector.broadcast %mul3A_185 : f32 to vector<16xf32>
      %mul3A_187 = arith.mulf %add3A_184, %mul3A_186 : vector<16xf32>
      %get3A_188 = arith.constant 16 : index
      %get3A_189 = tpu.vector_load %arg16[%get3A_188] {strides = array<i32>} : memref<64xf32, #tpu.memory_space<vmem>>, vector<16xf32>,
      %mul3A_190 = arith.mulf %mul3A_187, %get3A_189 : vector<16xf32>
      %add3A_191 = arith.addf %add3A_105, %mul3A_190 : vector<16xf32>
      %get3A_192 = arith.constant 0 : i32
      %get3A_193 = arith.index_cast %get3A_192 : i32 to index
      %get3A_194 = arith.constant 32 : index
      %get3A_195 = tpu.vector_load %arg17[%get3A_193, %get3A_194] {strides = array<i32>} : memref<16x64xf32, #tpu.memory_space<vmem>>, vector<16xf32>,
      %get3A_196 = arith.constant 1 : i32
      %get3A_197 = arith.index_cast %get3A_196 : i32 to index
      %get3A_198 = arith.constant 32 : index
      %get3A_199 = tpu.vector_load %arg17[%get3A_197, %get3A_198] {strides = array<i32>} : memref<16x64xf32, #tpu.memory_space<vmem>>, vector<16xf32>,
      %add3A_200 = arith.addf %get3A_195, %get3A_199 : vector<16xf32>
      %get3A_201 = arith.constant 2 : i32
      %get3A_202 = arith.index_cast %get3A_201 : i32 to index
      %get3A_203 = arith.constant 32 : index
      %get3A_204 = tpu.vector_load %arg17[%get3A_202, %get3A_203] {strides = array<i32>} : memref<16x64xf32, #tpu.memory_space<vmem>>, vector<16xf32>,
      %add3A_205 = arith.addf %add3A_200, %get3A_204 : vector<16xf32>
      %get3A_206 = arith.constant 3 : i32
      %get3A_207 = arith.index_cast %get3A_206 : i32 to index
      %get3A_208 = arith.constant 32 : index
      %get3A_209 = tpu.vector_load %arg17[%get3A_207, %get3A_208] {strides = array<i32>} : memref<16x64xf32, #tpu.memory_space<vmem>>, vector<16xf32>,
      %add3A_210 = arith.addf %add3A_205, %get3A_209 : vector<16xf32>
      %get3A_211 = arith.constant 4 : i32
      %get3A_212 = arith.index_cast %get3A_211 : i32 to index
      %get3A_213 = arith.constant 32 : index
      %get3A_214 = tpu.vector_load %arg17[%get3A_212, %get3A_213] {strides = array<i32>} : memref<16x64xf32, #tpu.memory_space<vmem>>, vector<16xf32>,
      %add3A_215 = arith.addf %add3A_210, %get3A_214 : vector<16xf32>
      %get3A_216 = arith.constant 5 : i32
      %get3A_217 = arith.index_cast %get3A_216 : i32 to index
      %get3A_218 = arith.constant 32 : index
      %get3A_219 = tpu.vector_load %arg17[%get3A_217, %get3A_218] {strides = array<i32>} : memref<16x64xf32, #tpu.memory_space<vmem>>, vector<16xf32>,
      %add3A_220 = arith.addf %add3A_215, %get3A_219 : vector<16xf32>
      %get3A_221 = arith.constant 6 : i32
      %get3A_222 = arith.index_cast %get3A_221 : i32 to index
      %get3A_223 = arith.constant 32 : index
      %get3A_224 = tpu.vector_load %arg17[%get3A_222, %get3A_223] {strides = array<i32>} : memref<16x64xf32, #tpu.memory_space<vmem>>, vector<16xf32>,
      %add3A_225 = arith.addf %add3A_220, %get3A_224 : vector<16xf32>
      %get3A_226 = arith.constant 7 : i32
      %get3A_227 = arith.index_cast %get3A_226 : i32 to index
      %get3A_228 = arith.constant 32 : index
      %get3A_229 = tpu.vector_load %arg17[%get3A_227, %get3A_228] {strides = array<i32>} : memref<16x64xf32, #tpu.memory_space<vmem>>, vector<16xf32>,
      %add3A_230 = arith.addf %add3A_225, %get3A_229 : vector<16xf32>
      %get3A_231 = arith.constant 8 : i32
      %get3A_232 = arith.index_cast %get3A_231 : i32 to index
      %get3A_233 = arith.constant 32 : index
      %get3A_234 = tpu.vector_load %arg17[%get3A_232, %get3A_233] {strides = array<i32>} : memref<16x64xf32, #tpu.memory_space<vmem>>, vector<16xf32>,
      %add3A_235 = arith.addf %add3A_230, %get3A_234 : vector<16xf32>
      %get3A_236 = arith.constant 9 : i32
      %get3A_237 = arith.index_cast %get3A_236 : i32 to index
      %get3A_238 = arith.constant 32 : index
      %get3A_239 = tpu.vector_load %arg17[%get3A_237, %get3A_238] {strides = array<i32>} : memref<16x64xf32, #tpu.memory_space<vmem>>, vector<16xf32>,
      %add3A_240 = arith.addf %add3A_235, %get3A_239 : vector<16xf32>
      %get3A_241 = arith.constant 10 : i32
      %get3A_242 = arith.index_cast %get3A_241 : i32 to index
      %get3A_243 = arith.constant 32 : index
      %get3A_244 = tpu.vector_load %arg17[%get3A_242, %get3A_243] {strides = array<i32>} : memref<16x64xf32, #tpu.memory_space<vmem>>, vector<16xf32>,
      %add3A_245 = arith.addf %add3A_240, %get3A_244 : vector<16xf32>
      %get3A_246 = arith.constant 11 : i32
      %get3A_247 = arith.index_cast %get3A_246 : i32 to index
      %get3A_248 = arith.constant 32 : index
      %get3A_249 = tpu.vector_load %arg17[%get3A_247, %get3A_248] {strides = array<i32>} : memref<16x64xf32, #tpu.memory_space<vmem>>, vector<16xf32>,
      %add3A_250 = arith.addf %add3A_245, %get3A_249 : vector<16xf32>
      %get3A_251 = arith.constant 12 : i32
      %get3A_252 = arith.index_cast %get3A_251 : i32 to index
      %get3A_253 = arith.constant 32 : index
      %get3A_254 = tpu.vector_load %arg17[%get3A_252, %get3A_253] {strides = array<i32>} : memref<16x64xf32, #tpu.memory_space<vmem>>, vector<16xf32>,
      %add3A_255 = arith.addf %add3A_250, %get3A_254 : vector<16xf32>
      %get3A_256 = arith.constant 13 : i32
      %get3A_257 = arith.index_cast %get3A_256 : i32 to index
      %get3A_258 = arith.constant 32 : index
      %get3A_259 = tpu.vector_load %arg17[%get3A_257, %get3A_258] {strides = array<i32>} : memref<16x64xf32, #tpu.memory_space<vmem>>, vector<16xf32>,
      %add3A_260 = arith.addf %add3A_255, %get3A_259 : vector<16xf32>
      %get3A_261 = arith.constant 14 : i32
      %get3A_262 = arith.index_cast %get3A_261 : i32 to index
      %get3A_263 = arith.constant 32 : index
      %get3A_264 = tpu.vector_load %arg17[%get3A_262, %get3A_263] {strides = array<i32>} : memref<16x64xf32, #tpu.memory_space<vmem>>, vector<16xf32>,
      %add3A_265 = arith.addf %add3A_260, %get3A_264 : vector<16xf32>
      %get3A_266 = arith.constant 15 : i32
      %get3A_267 = arith.index_cast %get3A_266 : i32 to index
      %get3A_268 = arith.constant 32 : index
      %get3A_269 = tpu.vector_load %arg17[%get3A_267, %get3A_268] {strides = array<i32>} : memref<16x64xf32, #tpu.memory_space<vmem>>, vector<16xf32>,
      %add3A_270 = arith.addf %add3A_265, %get3A_269 : vector<16xf32>
      %mul3A_271 = arith.constant 5.000000e-03 : f32
      %mul3A_272 = vector.broadcast %mul3A_271 : f32 to vector<16xf32>
      %mul3A_273 = arith.mulf %add3A_270, %mul3A_272 : vector<16xf32>
      %get3A_274 = arith.constant 32 : index
      %get3A_275 = tpu.vector_load %arg16[%get3A_274] {strides = array<i32>} : memref<64xf32, #tpu.memory_space<vmem>>, vector<16xf32>,
      %mul3A_276 = arith.mulf %mul3A_273, %get3A_275 : vector<16xf32>
      %add3A_277 = arith.addf %add3A_191, %mul3A_276 : vector<16xf32>
      %get3A_278 = arith.constant 0 : i32
      %get3A_279 = arith.index_cast %get3A_278 : i32 to index
      %get3A_280 = arith.constant 48 : index
      %get3A_281 = tpu.vector_load %arg17[%get3A_279, %get3A_280] {strides = array<i32>} : memref<16x64xf32, #tpu.memory_space<vmem>>, vector<16xf32>,
      %get3A_282 = arith.constant 1 : i32
      %get3A_283 = arith.index_cast %get3A_282 : i32 to index
      %get3A_284 = arith.constant 48 : index
      %get3A_285 = tpu.vector_load %arg17[%get3A_283, %get3A_284] {strides = array<i32>} : memref<16x64xf32, #tpu.memory_space<vmem>>, vector<16xf32>,
      %add3A_286 = arith.addf %get3A_281, %get3A_285 : vector<16xf32>
      %get3A_287 = arith.constant 2 : i32
      %get3A_288 = arith.index_cast %get3A_287 : i32 to index
      %get3A_289 = arith.constant 48 : index
      %get3A_290 = tpu.vector_load %arg17[%get3A_288, %get3A_289] {strides = array<i32>} : memref<16x64xf32, #tpu.memory_space<vmem>>, vector<16xf32>,
      %add3A_291 = arith.addf %add3A_286, %get3A_290 : vector<16xf32>
      %get3A_292 = arith.constant 3 : i32
      %get3A_293 = arith.index_cast %get3A_292 : i32 to index
      %get3A_294 = arith.constant 48 : index
      %get3A_295 = tpu.vector_load %arg17[%get3A_293, %get3A_294] {strides = array<i32>} : memref<16x64xf32, #tpu.memory_space<vmem>>, vector<16xf32>,
      %add3A_296 = arith.addf %add3A_291, %get3A_295 : vector<16xf32>
      %get3A_297 = arith.constant 4 : i32
      %get3A_298 = arith.index_cast %get3A_297 : i32 to index
      %get3A_299 = arith.constant 48 : index
      %get3A_300 = tpu.vector_load %arg17[%get3A_298, %get3A_299] {strides = array<i32>} : memref<16x64xf32, #tpu.memory_space<vmem>>, vector<16xf32>,
      %add3A_301 = arith.addf %add3A_296, %get3A_300 : vector<16xf32>
      %get3A_302 = arith.constant 5 : i32
      %get3A_303 = arith.index_cast %get3A_302 : i32 to index
      %get3A_304 = arith.constant 48 : index
      %get3A_305 = tpu.vector_load %arg17[%get3A_303, %get3A_304] {strides = array<i32>} : memref<16x64xf32, #tpu.memory_space<vmem>>, vector<16xf32>,
      %add3A_306 = arith.addf %add3A_301, %get3A_305 : vector<16xf32>
      %get3A_307 = arith.constant 6 : i32
      %get3A_308 = arith.index_cast %get3A_307 : i32 to index
      %get3A_309 = arith.constant 48 : index
      %get3A_310 = tpu.vector_load %arg17[%get3A_308, %get3A_309] {strides = array<i32>} : memref<16x64xf32, #tpu.memory_space<vmem>>, vector<16xf32>,
      %add3A_311 = arith.addf %add3A_306, %get3A_310 : vector<16xf32>
      %get3A_312 = arith.constant 7 : i32
      %get3A_313 = arith.index_cast %get3A_312 : i32 to index
      %get3A_314 = arith.constant 48 : index
      %get3A_315 = tpu.vector_load %arg17[%get3A_313, %get3A_314] {strides = array<i32>} : memref<16x64xf32, #tpu.memory_space<vmem>>, vector<16xf32>,
      %add3A_316 = arith.addf %add3A_311, %get3A_315 : vector<16xf32>
      %get3A_317 = arith.constant 8 : i32
      %get3A_318 = arith.index_cast %get3A_317 : i32 to index
      %get3A_319 = arith.constant 48 : index
      %get3A_320 = tpu.vector_load %arg17[%get3A_318, %get3A_319] {strides = array<i32>} : memref<16x64xf32, #tpu.memory_space<vmem>>, vector<16xf32>,
      %add3A_321 = arith.addf %add3A_316, %get3A_320 : vector<16xf32>
      %get3A_322 = arith.constant 9 : i32
      %get3A_323 = arith.index_cast %get3A_322 : i32 to index
      %get3A_324 = arith.constant 48 : index
      %get3A_325 = tpu.vector_load %arg17[%get3A_323, %get3A_324] {strides = array<i32>} : memref<16x64xf32, #tpu.memory_space<vmem>>, vector<16xf32>,
      %add3A_326 = arith.addf %add3A_321, %get3A_325 : vector<16xf32>
      %get3A_327 = arith.constant 10 : i32
      %get3A_328 = arith.index_cast %get3A_327 : i32 to index
      %get3A_329 = arith.constant 48 : index
      %get3A_330 = tpu.vector_load %arg17[%get3A_328, %get3A_329] {strides = array<i32>} : memref<16x64xf32, #tpu.memory_space<vmem>>, vector<16xf32>,
      %add3A_331 = arith.addf %add3A_326, %get3A_330 : vector<16xf32>
      %get3A_332 = arith.constant 11 : i32
      %get3A_333 = arith.index_cast %get3A_332 : i32 to index
      %get3A_334 = arith.constant 48 : index
      %get3A_335 = tpu.vector_load %arg17[%get3A_333, %get3A_334] {strides = array<i32>} : memref<16x64xf32, #tpu.memory_space<vmem>>, vector<16xf32>,
      %add3A_336 = arith.addf %add3A_331, %get3A_335 : vector<16xf32>
      %get3A_337 = arith.constant 12 : i32
      %get3A_338 = arith.index_cast %get3A_337 : i32 to index
      %get3A_339 = arith.constant 48 : index
      %get3A_340 = tpu.vector_load %arg17[%get3A_338, %get3A_339] {strides = array<i32>} : memref<16x64xf32, #tpu.memory_space<vmem>>, vector<16xf32>,
      %add3A_341 = arith.addf %add3A_336, %get3A_340 : vector<16xf32>
      %get3A_342 = arith.constant 13 : i32
      %get3A_343 = arith.index_cast %get3A_342 : i32 to index
      %get3A_344 = arith.constant 48 : index
      %get3A_345 = tpu.vector_load %arg17[%get3A_343, %get3A_344] {strides = array<i32>} : memref<16x64xf32, #tpu.memory_space<vmem>>, vector<16xf32>,
      %add3A_346 = arith.addf %add3A_341, %get3A_345 : vector<16xf32>
      %get3A_347 = arith.constant 14 : i32
      %get3A_348 = arith.index_cast %get3A_347 : i32 to index
      %get3A_349 = arith.constant 48 : index
      %get3A_350 = tpu.vector_load %arg17[%get3A_348, %get3A_349] {strides = array<i32>} : memref<16x64xf32, #tpu.memory_space<vmem>>, vector<16xf32>,
      %add3A_351 = arith.addf %add3A_346, %get3A_350 : vector<16xf32>
      %get3A_352 = arith.constant 15 : i32
      %get3A_353 = arith.index_cast %get3A_352 : i32 to index
      %get3A_354 = arith.constant 48 : index
      %get3A_355 = tpu.vector_load %arg17[%get3A_353, %get3A_354] {strides = array<i32>} : memref<16x64xf32, #tpu.memory_space<vmem>>, vector<16xf32>,
      %add3A_356 = arith.addf %add3A_351, %get3A_355 : vector<16xf32>
      %mul3A_357 = arith.constant 5.000000e-03 : f32
      %mul3A_358 = vector.broadcast %mul3A_357 : f32 to vector<16xf32>
      %mul3A_359 = arith.mulf %add3A_356, %mul3A_358 : vector<16xf32>
      %get3A_360 = arith.constant 48 : index
      %get3A_361 = tpu.vector_load %arg16[%get3A_360] {strides = array<i32>} : memref<64xf32, #tpu.memory_space<vmem>>, vector<16xf32>,
      %mul3A_362 = arith.mulf %mul3A_359, %get3A_361 : vector<16xf32>
      %add3A_363 = arith.addf %add3A_277, %mul3A_362 : vector<16xf32>
      %slice3A = vector.extract_strided_slice %add3A_363 {offsets = [0], sizes = [1], strides = [1]} : vector<16xf32> to vector<1xf32>
      %squeeze3A = vector.extract %slice3A[0] : f32 from vector<1xf32>
      %slice3A_364 = vector.extract_strided_slice %add3A_363 {offsets = [1], sizes = [1], strides = [1]} : vector<16xf32> to vector<1xf32>
      %squeeze3A_365 = vector.extract %slice3A_364[0] : f32 from vector<1xf32>
      %add3A_366 = arith.addf %squeeze3A, %squeeze3A_365 : f32
      %slice3A_367 = vector.extract_strided_slice %add3A_363 {offsets = [2], sizes = [1], strides = [1]} : vector<16xf32> to vector<1xf32>
      %squeeze3A_368 = vector.extract %slice3A_367[0] : f32 from vector<1xf32>
      %add3A_369 = arith.addf %add3A_366, %squeeze3A_368 : f32
      %slice3A_370 = vector.extract_strided_slice %add3A_363 {offsets = [3], sizes = [1], strides = [1]} : vector<16xf32> to vector<1xf32>
      %squeeze3A_371 = vector.extract %slice3A_370[0] : f32 from vector<1xf32>
      %add3A_372 = arith.addf %add3A_369, %squeeze3A_371 : f32
      %slice3A_373 = vector.extract_strided_slice %add3A_363 {offsets = [4], sizes = [1], strides = [1]} : vector<16xf32> to vector<1xf32>
      %squeeze3A_374 = vector.extract %slice3A_373[0] : f32 from vector<1xf32>
      %add3A_375 = arith.addf %add3A_372, %squeeze3A_374 : f32
      %slice3A_376 = vector.extract_strided_slice %add3A_363 {offsets = [5], sizes = [1], strides = [1]} : vector<16xf32> to vector<1xf32>
      %squeeze3A_377 = vector.extract %slice3A_376[0] : f32 from vector<1xf32>
      %add3A_378 = arith.addf %add3A_375, %squeeze3A_377 : f32
      %slice3A_379 = vector.extract_strided_slice %add3A_363 {offsets = [6], sizes = [1], strides = [1]} : vector<16xf32> to vector<1xf32>
      %squeeze3A_380 = vector.extract %slice3A_379[0] : f32 from vector<1xf32>
      %add3A_381 = arith.addf %add3A_378, %squeeze3A_380 : f32
      %slice3A_382 = vector.extract_strided_slice %add3A_363 {offsets = [7], sizes = [1], strides = [1]} : vector<16xf32> to vector<1xf32>
      %squeeze3A_383 = vector.extract %slice3A_382[0] : f32 from vector<1xf32>
      %add3A_384 = arith.addf %add3A_381, %squeeze3A_383 : f32
      %slice3A_385 = vector.extract_strided_slice %add3A_363 {offsets = [8], sizes = [1], strides = [1]} : vector<16xf32> to vector<1xf32>
      %squeeze3A_386 = vector.extract %slice3A_385[0] : f32 from vector<1xf32>
      %add3A_387 = arith.addf %add3A_384, %squeeze3A_386 : f32
      %slice3A_388 = vector.extract_strided_slice %add3A_363 {offsets = [9], sizes = [1], strides = [1]} : vector<16xf32> to vector<1xf32>
      %squeeze3A_389 = vector.extract %slice3A_388[0] : f32 from vector<1xf32>
      %add3A_390 = arith.addf %add3A_387, %squeeze3A_389 : f32
      %slice3A_391 = vector.extract_strided_slice %add3A_363 {offsets = [10], sizes = [1], strides = [1]} : vector<16xf32> to vector<1xf32>
      %squeeze3A_392 = vector.extract %slice3A_391[0] : f32 from vector<1xf32>
      %add3A_393 = arith.addf %add3A_390, %squeeze3A_392 : f32
      %slice3A_394 = vector.extract_strided_slice %add3A_363 {offsets = [11], sizes = [1], strides = [1]} : vector<16xf32> to vector<1xf32>
      %squeeze3A_395 = vector.extract %slice3A_394[0] : f32 from vector<1xf32>
      %add3A_396 = arith.addf %add3A_393, %squeeze3A_395 : f32
      %slice3A_397 = vector.extract_strided_slice %add3A_363 {offsets = [12], sizes = [1], strides = [1]} : vector<16xf32> to vector<1xf32>
      %squeeze3A_398 = vector.extract %slice3A_397[0] : f32 from vector<1xf32>
      %add3A_399 = arith.addf %add3A_396, %squeeze3A_398 : f32
      %slice3A_400 = vector.extract_strided_slice %add3A_363 {offsets = [13], sizes = [1], strides = [1]} : vector<16xf32> to vector<1xf32>
      %squeeze3A_401 = vector.extract %slice3A_400[0] : f32 from vector<1xf32>
      %add3A_402 = arith.addf %add3A_399, %squeeze3A_401 : f32
      %slice3A_403 = vector.extract_strided_slice %add3A_363 {offsets = [14], sizes = [1], strides = [1]} : vector<16xf32> to vector<1xf32>
      %squeeze3A_404 = vector.extract %slice3A_403[0] : f32 from vector<1xf32>
      %add3A_405 = arith.addf %add3A_402, %squeeze3A_404 : f32
      %slice3A_406 = vector.extract_strided_slice %add3A_363 {offsets = [15], sizes = [1], strides = [1]} : vector<16xf32> to vector<1xf32>
      %squeeze3A_407 = vector.extract %slice3A_406[0] : f32 from vector<1xf32>
      %add3A_408 = arith.addf %add3A_405, %squeeze3A_407 : f32
      %get3A_409 = arith.constant 0 : index
      %get3A_410 = tpu.vector_load %arg18[%get3A_409] {strides = array<i32>} : memref<16xf32, #tpu.memory_space<vmem>>, vector<16xf32>,
      %slice3A_411 = vector.extract_strided_slice %get3A_410 {offsets = [0], sizes = [1], strides = [1]} : vector<16xf32> to vector<1xf32>
      %squeeze3A_412 = vector.extract %slice3A_411[0] : f32 from vector<1xf32>
      %add3A_413 = arith.addf %add3A_408, %squeeze3A_412 : f32
      %broadcast_in_dim3A_414 = vector.broadcast %add3A_413 : f32 to vector<16xf32>
      %neg3A = arith.constant 0.000000e+00 : f32
      %neg3A_415 = vector.broadcast %neg3A : f32 to vector<16xf32>
      %neg3A_416 = arith.subf %neg3A_415, %broadcast_in_dim3A_414 : vector<16xf32>
      %exp3A = math.exp %neg3A_416 : vector<16xf32>
      %add3A_417 = arith.constant 1.000000e+00 : f32
      %add3A_418 = vector.broadcast %add3A_417 : f32 to vector<16xf32>
      %add3A_419 = arith.addf %add3A_418, %exp3A : vector<16xf32>
      %div3A = arith.constant 1.000000e+00 : f32
      %div3A_420 = vector.broadcast %div3A : f32 to vector<16xf32>
      %div3A_421 = arith.divf %div3A_420, %add3A_419 : vector<16xf32>
      %swap3A_422 = arith.constant 0 : index
      %swap3A_423 = tpu.vector_load %arg18[%swap3A_422] {strides = array<i32>} : memref<16xf32, #tpu.memory_space<vmem>>, vector<16xf32>,
      tpu.vector_store %arg18[%swap3A_422], %div3A_421 {strides = array<i32>} : memref<16xf32, #tpu.memory_space<vmem>>, vector<16xf32>,
      "tpu.region"() ({
        %run_scoped3A = tpu.sem_alloc : memref<!tpu.dma_semaphore, #tpu.memory_space<semaphore_mem>>
        tpu.enqueue_dma source(%arg18 : memref<16xf32, #tpu.memory_space<vmem>>) target(%arg8 : memref<16xf32, #tpu.memory_space<hbm>>) target_semaphore(%run_scoped3A : memref<!tpu.dma_semaphore, #tpu.memory_space<semaphore_mem>>)
        tpu.wait_dma2 semaphore(%run_scoped3A : memref<!tpu.dma_semaphore, #tpu.memory_space<semaphore_mem>>) src(%arg18 : memref<16xf32, #tpu.memory_space<vmem>>) dst(%arg8 : memref<16xf32, #tpu.memory_space<hbm>>)
        tpu.yield
      }) : () -> ()
    } else {
    }
    return
  }
}

</mosaic_0001>

<sc_bundles>
// kernel: kernel.3.cloned.1.call-start
scs
__scs_entry_jumppad:
0x0: {  	(pc) =	sbr.rel $0x88, $3  }
0x1: {  	(tag) =	ssettag $0x0;
	lr =	simm.s32 $0x1  }
0x2: {  	[smem:$0x3F9B] =	sst lr;
	_ =	strace $0xD0000000  }
0x3: {  	_ = 	snop  }
0x4: {  	_ = 	snop  }
0x5: {  	_ = 	snop  }
0x6: {  	_ = 	snop  }
0x7: {  	_ = 	snop  }
__scs_overlays_trampoline_lowered:
0x8: {  	[smem:$0x3FAA] =	sst s0  }
0x9: {  	[smem:$0x3FAB] =	sst s1  }
0xa: {  	[smem:$0x3FAC] =	sst s2  }
0xb: {  	[smem:$0x3FAD] =	sst s3  }
0xc: {  	[smem:$0x3FAE] =	sst s4  }
0xd: {  	[smem:$0x3FAF] =	sst s5  }
0xe: {  	[smem:$0x3FB0] =	sst s6  }
0xf: {  	[smem:$0x3FB1] =	sst s7  }
0x10: {  	[smem:$0x3FB2] =	sst s8  }
0x11: {  	[smem:$0x3FB3] =	sst s9;
	s0 =	simm.s32 @!p0 $0x0  }
0x12: {  	s1 =	sld [smem:$0x3F99];
	s0 =	simm.s32 @p0 $0x1  }
0x13: {  	[smem:$0x3FB4] =	sst s0;
	s0 =	simm.s32 @!p1 $0x0  }
0x14: {  	s2 =	sld [smem:$0x3F98];
	s0 =	simm.s32 @p1 $0x1  }
0x15: {  	[smem:$0x3FB5] =	sst s0;
	s0 =	simm.s32 @!p2 $0x0  }
0x16: {  	s3 =	sld [smem:$0x3FDB];
	s0 =	simm.s32 @p2 $0x1  }
0x17: {  	s4 =	simm.s32 $0x1BF5;
	[smem:$0x3FB7] =	sst s0  }
0x18: {  	s0 =	sld [smem:$0x3F9A];
	_ =	swait.ge [sflag:s4], $0x0  }
0x19: {  	s7 =	sld [smem:$0x3F9B]  }
0x1a: {  	s8 =	sadd.s32 $0xFFFFE003, lr  }
0x1b: {  	s9 =	sadd.s32 $0xFFFFFEF7, lr;
	s5 =	simm.s32 $0xFFFFFFFF;
	p2 =	slt.u32 s8, $0xFFFFF086  }
0x1c: {  	p1 =	slt.u32 s9, $0xF7A;
	s5 =	simm.s32 @!p2 $0x0  }
0x1d: {  	s5 =	simm.s32 @p1 $0x1;
	p0 =	seq.s32 s7, s2  }
0x1e: {  	s7 =	smul.u32 @!p0 $0xF7A, s2;
	p2 =	seq.s32 @!p0 s5, $0x0  }
0x1f: {  	s9 =	smul.u32 $0xF7A, s1;
	s8 =	simm.s32 @!p0 $0x1BF5;
	p2 =	por !p2, p0  }
0x20: {  	[sflag:s8] =	ssyncset.s32 @!p0 $0xFFFFF086;
	s6 =	sadd.s32 @!p0 s3, s7;
	s7 =	simm.s32 @!p0 $0x108  }
0x21: {  	s3 =	sadd.s32 s3, s9;
	s6 =	sadd.s32 @!p0 $0x88, s6;
	s7 =	simm.s32 @p2 $0x1082  }
0x22: {  	[simem:s7], [sflag:s8] =	dma.local @!p0 [hbm:s6], $0xF7A  }
0x23: {  	s9 =	sor.u32 $0xD0000000, s2;
	s6 =	simm.s32 $0x108;
	_ =	swait.ge @!p0 [sflag:s8], $0x0  }
0x24: {  	s3 =	sadd.s32 $0x88, s3;
	s6 =	simm.s32 @!p1 $0x1082;
	[sflag:s4] =	ssyncset.s32 $0xFFFFF086  }
0x25: {  	[simem:s6], [sflag:s4] =	dma.local [hbm:s3], $0xF7A  }
0x26: {  	[smem:$0x3F9B] =	sst s1;
	(tag) =	ssettag s2;
	_ =	strace s9  }
0x27: {  	s1 =	sld [smem:$0x3FAB]  }
0x28: {  	s2 =	sld [smem:$0x3FAC]  }
0x29: {  	s4 =	sld [smem:$0x3FAE]  }
0x2a: {  	p0 =	seq.s32 s5, $0x0;
	s5 =	sld [smem:$0x3FAF]  }
0x2b: {  	s6 =	sld [smem:$0x3FB0]  }
0x2c: {  	s7 =	sld [smem:$0x3FB1]  }
0x2d: {  	s3 =	simm.s32 $0x108;
	s8 =	sld [smem:$0x3FB2]  }
0x2e: {  	s3 =	simm.s32 @!p0 $0x1082;
	s9 =	sld [smem:$0x3FB3]  }
0x2f: {  	lr =	sadd.s32 s0, s3;
	s0 =	sld [smem:$0x3FAA]  }
0x30: {  	s3 =	sld [smem:$0x3FAD]  }
0x31: {  	[smem:$0x3FB6] =	sst s10  }
0x32: {  	s10 =	sld [smem:$0x3FB4];
	_ =	sdelay $0x3  }
0x33: {  	p0 =	seq.s32 s10, $0x1;
	s10 =	sld [smem:$0x3FB6];
	_ =	sdelay $0x3  }
0x34: {  	[smem:$0x3FB6] =	sst s10  }
0x35: {  	s10 =	sld [smem:$0x3FB5];
	_ =	sdelay $0x3  }
0x36: {  	p1 =	seq.s32 s10, $0x1;
	s10 =	sld [smem:$0x3FB6];
	_ =	sdelay $0x3  }
0x37: {  	[smem:$0x3FB6] =	sst s10  }
0x38: {  	s10 =	sld [smem:$0x3FB7]  }
0x39: {  	_ = 	snop;
	(pc) =	sbr.ind lr, $3  }
0x3a: {  	_ = 	snop  }
0x3b: {  	_ = 	snop  }
0x3c: {  	p2 =	seq.s32 s10, $0x1;
	s10 =	sld [smem:$0x3FB6]  }
0x3d: {  	_ =	shalt  }
0x3e: {  	_ =	shalt  }
0x3f: {  	_ =	shalt  }
0x40: {  	_ =	shalt  }
0x41: {  	_ =	shalt  }
0x42: {  	_ =	shalt  }
0x43: {  	_ =	shalt  }
0x44: {  	_ =	shalt  }
0x45: {  	_ =	shalt  }
0x46: {  	_ =	shalt  }
0x47: {  	_ =	shalt  }
0x48: {  	_ =	shalt  }
0x49: {  	_ =	shalt  }
0x4a: {  	_ =	shalt  }
0x4b: {  	_ =	shalt  }
0x4c: {  	_ =	shalt  }
0x4d: {  	_ =	shalt  }
0x4e: {  	_ =	shalt  }
0x4f: {  	_ =	shalt  }
0x50: {  	_ =	shalt  }
0x51: {  	_ =	shalt  }
0x52: {  	_ =	shalt  }
0x53: {  	_ =	shalt  }
0x54: {  	_ =	shalt  }
0x55: {  	_ =	shalt  }
0x56: {  	_ =	shalt  }
0x57: {  	_ =	shalt  }
0x58: {  	_ =	shalt  }
0x59: {  	_ =	shalt  }
0x5a: {  	_ =	shalt  }
0x5b: {  	_ =	shalt  }
0x5c: {  	_ =	shalt  }
0x5d: {  	_ =	shalt  }
0x5e: {  	_ =	shalt  }
0x5f: {  	_ =	shalt  }
0x60: {  	_ =	shalt  }
0x61: {  	_ =	shalt  }
0x62: {  	_ =	shalt  }
0x63: {  	_ =	shalt  }
0x64: {  	_ =	shalt  }
0x65: {  	_ =	shalt  }
0x66: {  	_ =	shalt  }
0x67: {  	_ =	shalt  }
0x68: {  	_ =	shalt  }
0x69: {  	_ =	shalt  }
0x6a: {  	_ =	shalt  }
0x6b: {  	_ =	shalt  }
0x6c: {  	_ =	shalt  }
0x6d: {  	_ =	shalt  }
0x6e: {  	_ =	shalt  }
0x6f: {  	_ =	shalt  }
0x70: {  	_ =	shalt  }
0x71: {  	_ =	shalt  }
0x72: {  	_ =	shalt  }
0x73: {  	_ =	shalt  }
0x74: {  	_ =	shalt  }
0x75: {  	_ =	shalt  }
0x76: {  	_ =	shalt  }
0x77: {  	_ =	shalt  }
0x78: {  	_ =	shalt  }
0x79: {  	_ =	shalt  }
0x7a: {  	_ =	shalt  }
0x7b: {  	_ =	shalt  }
0x7c: {  	_ =	shalt  }
0x7d: {  	_ =	shalt  }
0x7e: {  	_ =	shalt  }
0x7f: {  	_ =	shalt  }
0x80: {  	_ =	shalt  }
0x81: {  	_ =	shalt  }
0x82: {  	_ =	shalt  }
0x83: {  	_ =	shalt  }
0x84: {  	_ =	shalt  }
0x85: {  	_ =	shalt  }
0x86: {  	_ =	shalt  }
0x87: {  	_ =	shalt  }
.Lfunc_end0:
.L_simem_size_0:
called_computation_lowered:
.L_overlay_start_0:
0x88: {  	s0 =	sld [smem:$0x3FD9]  }
0x89: {  	s1 =	sld [smem:$0x3FFE];
	_ =	sdelay $0x3  }
0x8a: {  	s0 =	sadd.s32 s1, s0  }
0x8b: {  	[smem:$0x3FC2] =	sst s0  }
0x8c: {  	_ = 	snop  }
0x8d: {  	s0 =	sld [smem:$0x3FC9]  }
0x8e: {  	s17 =	sld [smem:$0x3FC8]  }
0x8f: {  	s2 =	sld [smem:$0x3FC7]  }
0x90: {  	s3 =	sld [smem:$0x3FC6]  }
0x91: {  	s4 =	sld [smem:$0x3FC5]  }
0x92: {  	s5 =	sld [smem:$0x3FC4]  }
0x93: {  	s6 =	sld [smem:$0x3FD0];
	(tm) =	ssettm $0x1  }
0x94: {  	s7 =	sld [smem:$0x3FFB];
	_ =	sdelay $0x3  }
0x95: {  	_ =	strace s7  }
0x96: {  	s7 =	sld [smem:$0x3FFC];
	_ =	sdelay $0x3  }
0x97: {  	_ =	strace s7  }
0x98: {  	s7 =	sld [smem:$0x3FFD];
	_ =	sdelay $0x3  }
0x99: {  	_ =	strace s7  }
0x9a: {  	_ =	strace $0x8FFFFFFF  }
0x9b: {  	s18 =	sld [smem:$0x3FDB];
	_ =	sdelay $0x1  }
0x9c: {  	s8 =	simm.s32 $_scs_section_size  }
0x9d: {  	s9 =	simm.s32 $_size__tile_overlayer_lowered;
	s10 =	simm.s32 $_tile_overlayer_lowered  }
0x9e: {  	s21 =	simm.s32 $0x1BFF;
	s20 =	sshll.u32 s10, $0x1;
	s7 =	sadd.s32 s8, s18  }
0x9f: {  	s11 =	simm.s32 $0x0;
	s19 =	sshll.u32 s9, $0x1;
	s9 =	sadd.s32 s20, s7  }
0xa0: {  	[timem:s11], [sflag:s21] =	dma.local [hbm:s9], s19  }
0xa1: {  	_ =	swait.ge [sflag:s21], s19  }
0xa2: {  	s8 =	ssub.s32 $0x0, s19;
	[sflag:s21] =	ssyncset.done $0x0  }
0xa3: {  	[sflag:s21] =	ssyncadd.s32 s8;
	_ =	sdelay $0x1  }
0xa4: {  	s22 =	simm.s32 $0x1B8B  }
0xa5: {  	_ =	swait.ge [sflag:s22], $0x1  }
0xa6: {  	[sflag:s22] =	ssyncset.done $0x0  }
0xa7: {  	s23 =	simm.s32 $0x1B8E;
	[sflag:s22] =	ssyncadd.s32 $0xFFFFFFFF  }
0xa8: {  	s24 =	simm.s32 $execute0_lowered;
	[smem:$0x3FD2] =	sst s23  }
0xa9: {  	s8 =	sshll.u32 s24, $0x1;
	_ =	strace $0x80000046;
	[dreg:$0x1] =	wrdreg $0xFFFFFFFF  }
0xaa: {  	s25 =	simm.s32 $_size_execute0_lowered;
	s7 =	sadd.s32 s7, s8;
	[dreg:$0x0] =	wrdreg $0x0  }
0xab: {  	s8 =	sshll.u32 s25, $0x1;
	[dreg:$0x2] =	wrdreg s7  }
0xac: {  	[dreg:$0x3] =	wrdreg s8  }
0xad: {  	[dreg:$0x4] =	wrdreg $0xC0  }
0xae: {  	_ =	task [dreg:s11], $0x5FFFF  }
0xaf: {  	[dreg:$0x1] =	wrdreg $0xFFFFFFFF  }
0xb0: {  	[dreg:$0x0] =	wrdreg $0x60  }
0xb1: {  	[dreg:$0x2] =	wrdreg s0  }
0xb2: {  	[dreg:$0x3] =	wrdreg s17  }
0xb3: {  	[dreg:$0x4] =	wrdreg s2  }
0xb4: {  	[dreg:$0x5] =	wrdreg s3  }
0xb5: {  	[dreg:$0x6] =	wrdreg s4  }
0xb6: {  	[dreg:$0x7] =	wrdreg s5  }
0xb7: {  	[dreg:$0x8] =	wrdreg s6  }
0xb8: {  	[dreg:$0x9] =	wrdreg $0x14C000  }
0xb9: {  	[dreg:$0xa] =	wrdreg $0x9  }
0xba: {  	_ =	task.clear_ibuf [dreg:s11], $0xBFFFF;
	_ =	strace $0x90000046  }
0xbb: {  	s26 =	simm.s32 $0x9;
	_ =	strace $0x80000048  }
0xbc: {  	_ =	swait.ge [sflag:s26], $0x1  }
0xbd: {  	[sflag:s26] =	ssyncadd.s32 $0xFFFFFFFF  }
0xbe: {  	_ =	strace $0x90000048  }
0xbf: {  	_ =	sfence  }
0xc0: {  	s28 =	sld [smem:$0x0];
	_ =	sdelay $0x1  }
0xc1: {  	s29 =	srdreg.scid  }
0xc2: {  	s30 =	sshll.u32 s29, $0xD;
	s31 =	sshrl.u32 s29, $0x2  }
0xc3: {  	s1 =	sand.u32 $0x1, s29;
	s2 =	sand.u32 $0x4000, s30;
	s0 =	sadd.s32 s31, s28  }
0xc4: {  	s1 =	sor.u32 s2, s1;
	s0 =	sshll.u32 s0, $0x11  }
0xc5: {  	s0 =	sor.u32 s0, s1  }
0xc6: {  	s0 =	sadd.s32 $0x8F2B, s0  }
0xc7: {  	[sflag:s0] =	ssyncadd.remote.s32 $0x1  }
0xc8: {  	_ =	sfence.sel $0xFFFF  }
0xc9: {  	[dreg:$0x0] =	wrdreg $0xFFFFFFFF;
	(pc) =	sbr.abs _section_cstart, $3  }
0xca: {  	[dreg:$0x1] =	wrdreg $0xFFFFFFFF  }
0xcb: {  	_ =	task.clear_ibuf [dreg:s11], $0x2FFFF;
	_ =	strace $0x9FFFFFFF  }
0xcc: {  	(tm) =	ssettm $0x7FFFFFFF  }
0xcd: {  	_ =	shalt  }
tec
execute0_lowered:
.L_overlay_start_1:
0x0: {  	(tag) =	ssettag $0x1  }
0x1: {  	s5 =	rddreg [dreg:$0x0]  }
0x2: {  	s9 =	rddreg [dreg:$0x1]  }
0x3: {  	s4 =	rddreg [dreg:$0x2]  }
0x4: {  	s11 =	rddreg [dreg:$0x3];
	s1 =	stileid.u32  }
0x5: {  	s10 =	rddreg [dreg:$0x4];
	p0 =	sne.s32 s1, $0xF  }
.Ltmp0:
0x6: {  	s8 =	rddreg [dreg:$0x5];
	(pc) =	sbr.rel @p0 .LBB2_2-.Ltmp0, $4  }
0x7: {  	s2 =	rddreg [dreg:$0x6]  }
0x8: {  	s3 =	rddreg [dreg:$0x7];
	s7 =	simm.s32 $0x0  }
0x9: {  	[smem:$0x7FF] =	sst s7  }
0xa: {  	s0 =	rddreg [dreg:$0x8];
	s6 =	sshll.u32 s1, $0x7;
	_ =	strace $0x80000047  }
0xb: {  	s12 =	simm.s32 $0x12200  }
0xc: {  	[tilespmem:s12], [sflag:$0x3] =	stream.linear.gather [hbm4b:s11+s7], $0x2000, $0x38;
	[tilespmem:$0x14C40] =	vst v63  }
0xd: {  	s24 =	simm.s32 $0x14200  }
0xe: {  	[tilespmem:s24], [sflag:$0x3] =	stream.linear.gather [hbm4b:s10+s7], $0x80, $0x38;
	[tilespmem:$0x14C40] =	vst v63  }
0xf: {  	s25 =	simm.s32 $0x12180;
	s26 =	simm.s32 $0x4  }
0x10: {  	[tilespmem:s25], [sflag:$0x4] =	stream.linear.gather [hbm4b:s9+s7], $0x1, $0x38;
	[tilespmem:$0x14C40] =	vst v63  }
0x11: {  	_ =	swait.ge [sflag:s26], $0x1  }
0x12: {  	[sflag:s26] =	ssyncset.done $0x0  }
0x13: {  	[sflag:s26] =	ssyncadd.s32 $0xFFFFFFFF  }
0x14: {  	v0 =	vld [tilespmem:$0x12180];
	_ =	sdelay $0x4  }
0x15: {  	(v2sf) =	vpush v0, $0x0;
	_ =	sdelay $0xe  }
0x16: {  	s9 =	spop (v2sf)  }
0x17: {  	p1 =	sgt.s32 s9, $0x0  }
0x18: {  	v5 =	vlaneseq.u32;
	s9 =	simm.s32 @!p1 $0x0  }
0x19: {  	s29 =	simm.s32 $0x400;
	v0 =	vmul.u32 $0x80, v5;
	s9 =	smin.u32 s9, $0x1869F  }
0x1a: {  	s30 =	simm.s32 $0xC3800;
	s28 =	sand.u32 $0x1FF80, s9;
	s9 =	sand.u32 $0x7F, s9  }
0x1b: {  	s31 =	simm.s32 $0x10180;
	s13 =	simm.s32 $0x2;
	v2 =	vor.u32 $0x800, v0;
	s8 =	sadd.s32 s8, s28;
	v1 =	vor.u32 s9, v0  }
0x1c: {  	v3 =	vor.u32 $0x1000, v0;
	v2 =	vor.u32 s9, v2;
	[tilespmem:s31], [sflag:$0x2] =	stream.strided.gather [hbm4b:s8+s29], $0x2000, s30, s29, $0x38;
	[tilespmem:$0x14C40] =	vst v63  }
0x1d: {  	v5 =	vor.u32 s9, v3;
	v0 =	vor.u32 $0x1800, v0;
	_ =	swait.ge [sflag:s13], $0x2000  }
0x1e: {  	v0 =	vor.u32 s9, v0;
	[sflag:s13] =	ssyncset.done $0x0  }
0x1f: {  	[sflag:s13] =	ssyncadd.s32 $0xFFFFE000  }
0x20: {  	v4 =	vld.idx.msk [tilespmem:v1+s31+$0x0], $0xffff  }
0x21: {  	v7 =	vld.idx.msk [tilespmem:v2+s31+$0x0], $0xffff  }
0x22: {  	s14 =	simm.s32 $0x3;
	v9 =	vld.idx.msk [tilespmem:v5+s31+$0x0], $0xffff  }
0x23: {  	v11 =	vld.idx.msk [tilespmem:v0+s31+$0x0], $0xffff;
	_ =	swait.ge [sflag:s14], $0x2000  }
0x24: {  	[sflag:s14] =	ssyncset.done $0x0  }
0x25: {  	[sflag:s14] =	ssyncadd.s32 $0xFFFFE000  }
0x26: {  	_ =	swait.ge [sflag:s14], $0x80  }
0x27: {  	[sflag:s14] =	ssyncset.done $0x0  }
0x28: {  	[sflag:s14] =	ssyncadd.s32 $0xFFFFFF80  }
0x29: {  	v1 =	vld [tilespmem:$0x14200]  }
0x2a: {  	v5 =	vld [tilespmem:$0x14210]  }
0x2b: {  	v0 =	vld [tilespmem:$0x14220]  }
0x2c: {  	v8 =	vld [tilespmem:$0x14230]  }
0x2d: {  	v10 =	vld [tilespmem:$0x12200]  }
0x2e: {  	v14 =	vld [tilespmem:$0x12210]  }
0x2f: {  	v15 =	vld [tilespmem:$0x12220]  }
0x30: {  	v17 =	vld [tilespmem:$0x12230]  }
0x31: {  	v18 =	vld [tilespmem:$0x12280]  }
0x32: {  	v19 =	vld [tilespmem:$0x12290]  }
0x33: {  	v20 =	vld [tilespmem:$0x122A0]  }
0x34: {  	v22 =	vld [tilespmem:$0x122B0]  }
0x35: {  	v23 =	vld [tilespmem:$0x12300]  }
0x36: {  	v26 =	vld [tilespmem:$0x12310]  }
0x37: {  	v27 =	vld [tilespmem:$0x12320]  }
0x38: {  	v29 =	vld [tilespmem:$0x12330]  }
0x39: {  	v30 =	vld [tilespmem:$0x12380]  }
0x3a: {  	v31 =	vld [tilespmem:$0x12390]  }
0x3b: {  	v32 =	vld [tilespmem:$0x123A0]  }
0x3c: {  	v34 =	vld [tilespmem:$0x123B0]  }
0x3d: {  	v35 =	vld [tilespmem:$0x12400]  }
0x3e: {  	v6 =	vld [tilespmem:$0x12890]  }
0x3f: {  	v38 =	vld [tilespmem:$0x12410]  }
0x40: {  	v39 =	vld [tilespmem:$0x12420]  }
0x41: {  	v41 =	vld [tilespmem:$0x12430]  }
0x42: {  	v42 =	vld [tilespmem:$0x12480]  }
0x43: {  	[tilespmem:$0x1FF60] =	vst v6;
	v6 =	vld [tilespmem:$0x128A0]  }
0x44: {  	v59 =	vld [tilespmem:$0x12490]  }
0x45: {  	v60 =	vld [tilespmem:$0x124A0]  }
0x46: {  	v61 =	vld [tilespmem:$0x124B0]  }
0x47: {  	v62 =	vld [tilespmem:$0x12500]  }
0x48: {  	[tilespmem:$0x1FF70] =	vst v6;
	v6 =	vld [tilespmem:$0x128B0]  }
0x49: {  	v63 =	vld [tilespmem:$0x12510]  }
0x4a: {  	v12 =	vld [tilespmem:$0x12520]  }
0x4b: {  	v16 =	vld [tilespmem:$0x12530]  }
0x4c: {  	v13 =	vld [tilespmem:$0x12580]  }
0x4d: {  	[tilespmem:$0x1FF80] =	vst v6;
	v6 =	vld [tilespmem:$0x12900]  }
0x4e: {  	v21 =	vld [tilespmem:$0x12590]  }
0x4f: {  	v43 =	vld [tilespmem:$0x125A0]  }
0x50: {  	v46 =	vld [tilespmem:$0x125B0]  }
0x51: {  	v58 =	vld [tilespmem:$0x12600]  }
0x52: {  	[tilespmem:$0x1FF90] =	vst v6;
	v6 =	vld [tilespmem:$0x12910]  }
0x53: {  	v44 =	vld [tilespmem:$0x12610]  }
0x54: {  	v47 =	vld [tilespmem:$0x12620]  }
0x55: {  	v50 =	vld [tilespmem:$0x12630]  }
0x56: {  	v57 =	vld [tilespmem:$0x12680]  }
0x57: {  	[tilespmem:$0x1FFA0] =	vst v6;
	v6 =	vld [tilespmem:$0x12920]  }
0x58: {  	v53 =	vld [tilespmem:$0x12690]  }
0x59: {  	v51 =	vld [tilespmem:$0x126A0]  }
0x5a: {  	v54 =	vld [tilespmem:$0x126B0]  }
0x5b: {  	v56 =	vld [tilespmem:$0x12700]  }
0x5c: {  	[tilespmem:$0x1FFB0] =	vst v6;
	v6 =	vld [tilespmem:$0x12930]  }
0x5d: {  	v55 =	vld [tilespmem:$0x12710]  }
0x5e: {  	v52 =	vld [tilespmem:$0x12720]  }
0x5f: {  	v48 =	vld [tilespmem:$0x12730]  }
0x60: {  	v49 =	vld [tilespmem:$0x12780]  }
0x61: {  	[tilespmem:$0x1FFC0] =	vst v6;
	v6 =	vld [tilespmem:$0x12980]  }
0x62: {  	v45 =	vld [tilespmem:$0x12790]  }
0x63: {  	v40 =	vld [tilespmem:$0x127A0]  }
0x64: {  	v36 =	vld [tilespmem:$0x127B0];
	v1 =	vmul.f32 v1, v4  }
0x65: {  	v37 =	vld [tilespmem:$0x12800]  }
0x66: {  	v5 =	vmul.f32 v5, v7;
	v1 =	vadd.f32 $0.0e+00, v1;
	[tilespmem:$0x1FFD0] =	vst v6;
	v6 =	vld [tilespmem:$0x129A0]  }
0x67: {  	v33 =	vld [tilespmem:$0x12810]  }
0x68: {  	v28 =	vld [tilespmem:$0x12820];
	v2 =	vadd.f32 v5, v1;
	v1 =	vmul.f32 v0, v9  }
0x69: {  	v24 =	vld [tilespmem:$0x12830];
	v0 =	vbroadcast v4, $0x0  }
0x6a: {  	v25 =	vld [tilespmem:$0x12880];
	v8 =	vmul.f32 v8, v11;
	v5 =	vadd.f32 v1, v2  }
0x6b: {  	v1 =	vbroadcast v4, $0x1;
	v14 =	vmul.f32 v14, v0;
	[tilespmem:$0x1FFE0] =	vst v6;
	v6 =	vld [tilespmem:$0x129B0]  }
0x6c: {  	v2 =	vmul.f32 v10, v0;
	v10 =	vld [tilespmem:$0x12990];
	v15 =	vmul.f32 v15, v0;
	v8 =	vadd.f32 v8, v5  }
0x6d: {  	v18 =	vmul.f32 v18, v1;
	v3 =	vadd.f32 $0.0e+00, v14;
	v19 =	vmul.f32 v19, v1;
	v14 =	vld [tilespmem:$0x12A00]  }
0x6e: {  	v2 =	vadd.f32 $0.0e+00, v2;
	v5 =	vmul.f32 v17, v0;
	v0 =	vbroadcast v4, $0x2;
	v17 =	vld [tilespmem:$0x12A10]  }
0x6f: {  	v20 =	vmul.f32 v20, v1;
	v3 =	vadd.f32 v19, v3;
	v19 =	vadd.f32 $0.0e+00, v15;
	v15 =	vld [tilespmem:$0x12A20]  }
0x70: {  	v5 =	vadd.f32 $0.0e+00, v5;
	[tilespmem:$0x1FFF0] =	vst v6;
	v6 =	vadd.f32 v18, v2;
	v18 =	vld [tilespmem:$0x12A30]  }
0x71: {  	v2 =	vmul.f32 v22, v1;
	v22 =	vmul.f32 v23, v0;
	v23 =	vadd.f32 v20, v19;
	v19 =	vld [tilespmem:$0x12A80]  }
0x72: {  	v26 =	vmul.f32 v26, v0;
	v1 =	vbroadcast v4, $0x3;
	v20 =	vld [tilespmem:$0x12AA0]  }
0x73: {  	v2 =	vadd.f32 v2, v5;
	v5 =	vadd.f32 v22, v6;
	v6 =	vmul.f32 v27, v0;
	v22 =	vld [tilespmem:$0x12A90]  }
0x74: {  	v3 =	vadd.f32 v26, v3;
	v0 =	vmul.f32 v29, v0;
	v26 =	vmul.f32 v30, v1;
	v29 =	vld [tilespmem:$0x12B10]  }
0x75: {  	v27 =	vmul.f32 v31, v1;
	v6 =	vadd.f32 v6, v23;
	v23 =	vld [tilespmem:$0x12AB0]  }
0x76: {  	v31 =	vbroadcast v4, $0x4;
	v0 =	vadd.f32 v0, v2;
	v2 =	vadd.f32 v26, v5;
	v26 =	vld [tilespmem:$0x12B00]  }
0x77: {  	v5 =	vmul.f32 v32, v1;
	v3 =	vadd.f32 v27, v3;
	v1 =	vmul.f32 v34, v1;
	v27 =	vld [tilespmem:$0x12B20]  }
0x78: {  	v30 =	vmul.f32 v35, v31;
	v38 =	vmul.f32 v38, v31;
	v34 =	vld [tilespmem:$0x12B90]  }
0x79: {  	v35 =	vbroadcast v4, $0x5;
	v39 =	vmul.f32 v39, v31;
	v32 =	vld [tilespmem:$0x12BA0];
	v5 =	vadd.f32 v5, v6  }
0x7a: {  	v0 =	vadd.f32 v1, v0;
	v1 =	vadd.f32 v30, v2;
	v30 =	vld [tilespmem:$0x12B30];
	v6 =	vmul.f32 v41, v31  }
0x7b: {  	v42 =	vmul.f32 v42, v35;
	v31 =	vld [tilespmem:$0x12B80];
	v59 =	vmul.f32 v59, v35  }
0x7c: {  	v60 =	vmul.f32 v60, v35;
	v61 =	vmul.f32 v61, v35;
	v35 =	vld [tilespmem:$0x12BB0]  }
0x7d: {  	v3 =	vadd.f32 v38, v3;
	v38 =	vld [tilespmem:$0x12C00];
	v2 =	vadd.f32 v39, v5;
	v39 =	vbroadcast v4, $0x6  }
0x7e: {  	v41 =	vld [tilespmem:$0x12C10];
	v0 =	vadd.f32 v6, v0;
	v1 =	vadd.f32 v42, v1  }
0x7f: {  	v3 =	vadd.f32 v59, v3;
	v42 =	vld [tilespmem:$0x12C30];
	v62 =	vmul.f32 v62, v39;
	v2 =	vadd.f32 v60, v2  }
0x80: {  	v6 =	vld [tilespmem:$0x12EB0];
	v63 =	vmul.f32 v63, v39;
	v60 =	vbroadcast v4, $0x7;
	v0 =	vadd.f32 v61, v0  }
0x81: {  	v61 =	vmul.f32 v12, v39;
	v12 =	vld [tilespmem:$0x12F10];
	v1 =	vadd.f32 v62, v1;
	v62 =	vmul.f32 v16, v39  }
0x82: {  	v3 =	vadd.f32 v63, v3;
	v63 =	vmul.f32 v13, v60;
	v39 =	vld [tilespmem:$0x12C20];
	v16 =	vmul.f32 v21, v60  }
0x83: {  	v13 =	vbroadcast v4, $0x8;
	v21 =	vmul.f32 v43, v60;
	v43 =	vld [tilespmem:$0x12C80]  }
0x84: {  	v2 =	vadd.f32 v61, v2;
	v59 =	vmul.f32 v46, v60;
	v46 =	vld [tilespmem:$0x12C90]  }
0x85: {  	v0 =	vadd.f32 v62, v0;
	v60 =	vmul.f32 v58, v13;
	v61 =	vmul.f32 v44, v13;
	v44 =	vld [tilespmem:$0x12CA0]  }
0x86: {  	v1 =	vadd.f32 v63, v1;
	v62 =	vbroadcast v4, $0x9;
	v63 =	vmul.f32 v47, v13;
	v47 =	vld [tilespmem:$0x12CB0]  }
0x87: {  	v3 =	vadd.f32 v16, v3;
	v2 =	vadd.f32 v21, v2;
	v21 =	vmul.f32 v50, v13;
	v50 =	vld [tilespmem:$0x12D00]  }
0x88: {  	v0 =	vadd.f32 v59, v0;
	v1 =	vadd.f32 v60, v1;
	v59 =	vmul.f32 v53, v62;
	v53 =	vld [tilespmem:$0x12D10]  }
0x89: {  	v3 =	vadd.f32 v61, v3;
	v60 =	vbroadcast v4, $0xA;
	v61 =	vmul.f32 v51, v62;
	v51 =	vld [tilespmem:$0x12D20]  }
0x8a: {  	v58 =	vmul.f32 v57, v62;
	v62 =	vmul.f32 v54, v62;
	v54 =	vld [tilespmem:$0x12D30]  }
0x8b: {  	v2 =	vadd.f32 v63, v2;
	v0 =	vadd.f32 v21, v0;
	v21 =	vmul.f32 v55, v60;
	v55 =	vld [tilespmem:$0x12D80]  }
0x8c: {  	v57 =	vbroadcast v4, $0xB;
	v1 =	vadd.f32 v58, v1;
	v58 =	vmul.f32 v52, v60;
	v52 =	vld [tilespmem:$0x12D90]  }
0x8d: {  	v3 =	vadd.f32 v59, v3;
	v59 =	vmul.f32 v48, v60;
	v48 =	vld [tilespmem:$0x12DA0]  }
0x8e: {  	v63 =	vmul.f32 v56, v60;
	v2 =	vadd.f32 v61, v2;
	v61 =	vmul.f32 v45, v57;
	v45 =	vld [tilespmem:$0x12DB0]  }
0x8f: {  	v16 =	vmul.f32 v36, v57;
	v36 =	vld [tilespmem:$0x12E10];
	v0 =	vadd.f32 v62, v0;
	v62 =	vbroadcast v4, $0xC  }
0x90: {  	v1 =	vadd.f32 v63, v1;
	v63 =	vmul.f32 v40, v57;
	v40 =	vld [tilespmem:$0x12E00]  }
0x91: {  	v60 =	vmul.f32 v49, v57;
	v49 =	vmul.f32 v33, v62;
	v33 =	vld [tilespmem:$0x12E20]  }
0x92: {  	v57 =	vmul.f32 v28, v62;
	v28 =	vld [tilespmem:$0x12E30]  }
0x93: {  	v2 =	vadd.f32 v58, v2;
	v58 =	vmul.f32 v24, v62;
	v24 =	vld [tilespmem:$0x12E80]  }
0x94: {  	v56 =	vbroadcast v4, $0xD;
	v3 =	vadd.f32 v21, v3;
	v1 =	vadd.f32 v60, v1;
	v60 =	vld [tilespmem:$0x1FF60]  }
0x95: {  	v21 =	vmul.f32 v37, v62;
	v62 =	vld [tilespmem:$0x1FF70]  }
0x96: {  	v0 =	vadd.f32 v59, v0;
	v3 =	vadd.f32 v61, v3;
	v59 =	vmul.f32 v25, v56;
	v25 =	vld [tilespmem:$0x1FF80]  }
0x97: {  	v37 =	vld [tilespmem:$0x1FFE0]  }
0x98: {  	v2 =	vadd.f32 v63, v2;
	v3 =	vadd.f32 v49, v3;
	v49 =	vld [tilespmem:$0x1FF90]  }
0x99: {  	v1 =	vadd.f32 v21, v1;
	v21 =	vld [tilespmem:$0x12E90]  }
0x9a: {  	v2 =	vadd.f32 v57, v2;
	v57 =	vld [tilespmem:$0x1FFA0]  }
0x9b: {  	v61 =	vbroadcast v4, $0xE;
	v1 =	vadd.f32 v59, v1;
	v59 =	vld [tilespmem:$0x1FFB0];
	v5 =	vmul.f32 v60, v56  }
0x9c: {  	v0 =	vadd.f32 v16, v0;
	v63 =	vmul.f32 v62, v56;
	v60 =	vld [tilespmem:$0x1FFC0]  }
0x9d: {  	v16 =	vld [tilespmem:$0x12EA0];
	v3 =	vadd.f32 v5, v3;
	v5 =	vmul.f32 v25, v56;
	v56 =	vmul.f32 v49, v61  }
0x9e: {  	v0 =	vadd.f32 v58, v0;
	v49 =	vbroadcast v4, $0xF;
	v4 =	vld [tilespmem:$0x12F00]  }
0x9f: {  	v2 =	vadd.f32 v63, v2;
	v25 =	vadd.f32 v56, v1;
	v1 =	vld [tilespmem:$0x12F20]  }
0xa0: {  	v58 =	vmul.f32 v57, v61;
	v5 =	vadd.f32 v5, v0;
	v0 =	vmul.f32 v59, v61;
	v59 =	vld [tilespmem:$0x1FFF0]  }
0xa1: {  	(v2sf) =	vpush v8, $0x0;
	v13 =	vmul.f32 v60, v61;
	v61 =	vld [tilespmem:$0x1FFD0]  }
0xa2: {  	v3 =	vadd.f32 v58, v3;
	v10 =	vmul.f32 v10, v49;
	v63 =	vadd.f32 v0, v2;
	v0 =	vld [tilespmem:$0x12F30]  }
0xa3: {  	v57 =	vbroadcast v7, $0x0;
	v2 =	vld [tilespmem:$0x12F80]  }
0xa4: {  	(v2sf) =	vpush v8, $0x1;
	v58 =	vmul.f32 v37, v49;
	v37 =	vadd.f32 v10, v3;
	v3 =	vld [tilespmem:$0x12F90]  }
0xa5: {  	(v2sf) =	vpush v8, $0x2;
	v17 =	vmul.f32 v17, v57;
	v15 =	vmul.f32 v15, v57;
	v10 =	vld [tilespmem:$0x12FB0]  }
0xa6: {  	v13 =	vadd.f32 v13, v5;
	v5 =	vld [tilespmem:$0x12FA0];
	v60 =	vmul.f32 v59, v49;
	v62 =	vmul.f32 v61, v49  }
0xa7: {  	v18 =	vmul.f32 v18, v57;
	v17 =	vadd.f32 v17, v37;
	v37 =	vld [tilespmem:$0x13120];
	v61 =	vadd.f32 v58, v63  }
0xa8: {  	v49 =	vld [tilespmem:$0x13080];
	v63 =	vadd.f32 v60, v13;
	v25 =	vadd.f32 v62, v25;
	v62 =	vbroadcast v7, $0x1  }
0xa9: {  	v14 =	vmul.f32 v14, v57;
	v13 =	vld [tilespmem:$0x13000];
	v60 =	vadd.f32 v15, v61;
	v61 =	vbroadcast v7, $0x2  }
0xaa: {  	v15 =	vld [tilespmem:$0x13010];
	v18 =	vadd.f32 v18, v63;
	v63 =	vbroadcast v7, $0x3;
	v19 =	vmul.f32 v19, v62  }
0xab: {  	(v2sf) =	vpush v8, $0x3;
	v22 =	vmul.f32 v22, v62;
	v57 =	vmul.f32 v30, v61;
	v30 =	vld [tilespmem:$0x130A0]  }
0xac: {  	(v2sf) =	vpush v8, $0x4;
	v20 =	vmul.f32 v20, v62;
	v56 =	vmul.f32 v27, v61;
	v27 =	vld [tilespmem:$0x13100]  }
0xad: {  	(v2sf) =	vpush v8, $0x5;
	v23 =	vmul.f32 v23, v62;
	v62 =	vmul.f32 v29, v61;
	v29 =	vld [tilespmem:$0x13130]  }
0xae: {  	(v2sf) =	vpush v8, $0x6;
	v14 =	vadd.f32 v14, v25;
	v25 =	vld [tilespmem:$0x13380]  }
0xaf: {  	(v2sf) =	vpush v8, $0x7;
	v59 =	vmul.f32 v34, v63;
	v34 =	vld [tilespmem:$0x130B0]  }
0xb0: {  	s15 =	spop (v2sf);
	(v2sf) =	vpush v8, $0x8;
	v26 =	vmul.f32 v26, v61;
	v61 =	vmul.f32 v32, v63;
	v32 =	vld [tilespmem:$0x13110]  }
0xb1: {  	v58 =	vmul.f32 v31, v63;
	v31 =	vld [tilespmem:$0x131A0];
	v19 =	vadd.f32 v19, v14;
	v22 =	vadd.f32 v22, v17  }
0xb2: {  	v14 =	vld [tilespmem:$0x13020];
	v20 =	vadd.f32 v20, v60;
	v18 =	vadd.f32 v23, v18;
	v60 =	vbroadcast v7, $0x4  }
0xb3: {  	v17 =	vld [tilespmem:$0x13030];
	v19 =	vadd.f32 v26, v19;
	v22 =	vadd.f32 v62, v22  }
0xb4: {  	v23 =	vld [tilespmem:$0x134B0];
	v20 =	vadd.f32 v56, v20;
	v62 =	vmul.f32 v35, v63;
	v63 =	vmul.f32 v38, v60  }
0xb5: {  	v26 =	vld [tilespmem:$0x13090];
	v18 =	vadd.f32 v57, v18;
	v41 =	vmul.f32 v41, v60;
	v56 =	vbroadcast v7, $0x5  }
0xb6: {  	v57 =	vmul.f32 v39, v60;
	v38 =	vld [tilespmem:$0x13180];
	v19 =	vadd.f32 v58, v19;
	v22 =	vadd.f32 v59, v22  }
0xb7: {  	v35 =	vld [tilespmem:$0x13210];
	v20 =	vadd.f32 v61, v20;
	v58 =	vmul.f32 v42, v60;
	v59 =	vmul.f32 v43, v56  }
0xb8: {  	v39 =	vld [tilespmem:$0x13280];
	v18 =	vadd.f32 v62, v18;
	v60 =	vmul.f32 v46, v56;
	v61 =	vbroadcast v7, $0x6  }
0xb9: {  	v62 =	vmul.f32 v44, v56;
	v42 =	vld [tilespmem:$0x131B0];
	v19 =	vadd.f32 v63, v19;
	v63 =	vmul.f32 v47, v56  }
0xba: {  	v44 =	vld [tilespmem:$0x13200];
	v22 =	vadd.f32 v41, v22;
	v50 =	vmul.f32 v50, v61;
	v53 =	vmul.f32 v53, v61  }
0xbb: {  	v46 =	vld [tilespmem:$0x13220];
	v20 =	vadd.f32 v57, v20;
	v56 =	vbroadcast v7, $0x7;
	v57 =	vmul.f32 v51, v61  }
0xbc: {  	v43 =	vld [tilespmem:$0x13290];
	v18 =	vadd.f32 v58, v18;
	v58 =	vmul.f32 v54, v61;
	v61 =	vbroadcast v7, $0x8  }
0xbd: {  	v41 =	vld [tilespmem:$0x13190];
	v51 =	vbroadcast v7, $0x9;
	v19 =	vadd.f32 v59, v19;
	v22 =	vadd.f32 v60, v22  }
0xbe: {  	v18 =	vadd.f32 v63, v18;
	v59 =	vmul.f32 v55, v56;
	v63 =	vmul.f32 v45, v56;
	v45 =	vld [tilespmem:$0x132A0]  }
0xbf: {  	v20 =	vadd.f32 v62, v20;
	v60 =	vmul.f32 v52, v56;
	v52 =	vmul.f32 v33, v61;
	v33 =	vld [tilespmem:$0x132B0]  }
0xc0: {  	v62 =	vmul.f32 v48, v56;
	v55 =	vbroadcast v7, $0xB;
	v19 =	vadd.f32 v50, v19;
	v50 =	vld [tilespmem:$0x13230]  }
0xc1: {  	v40 =	vmul.f32 v40, v61;
	v22 =	vadd.f32 v53, v22;
	v53 =	vmul.f32 v28, v61;
	v28 =	vld [tilespmem:$0x13300]  }
0xc2: {  	v56 =	vbroadcast v7, $0xC;
	v20 =	vadd.f32 v57, v20;
	v57 =	vmul.f32 v5, v55;
	v5 =	vld [tilespmem:$0x13400]  }
0xc3: {  	v48 =	vmul.f32 v36, v61;
	v18 =	vadd.f32 v58, v18;
	v58 =	vmul.f32 v10, v55;
	v10 =	vld [tilespmem:$0x13430]  }
0xc4: {  	v61 =	vbroadcast v7, $0xD;
	v22 =	vadd.f32 v60, v22;
	v60 =	vmul.f32 v15, v56;
	v15 =	vld [tilespmem:$0x13420]  }
0xc5: {  	s16 =	spop (v2sf);
	(v2sf) =	vpush v8, $0x9;
	v20 =	vadd.f32 v62, v20;
	v62 =	vmul.f32 v14, v56;
	v14 =	vld [tilespmem:$0x134A0]  }
0xc6: {  	s17 =	spop (v2sf);
	(v2sf) =	vpush v8, $0xA;
	v24 =	vmul.f32 v24, v51;
	v47 =	vmul.f32 v26, v61;
	v26 =	vld [tilespmem:$0x13500]  }
0xc7: {  	v21 =	vmul.f32 v21, v51;
	v19 =	vadd.f32 v59, v19;
	v59 =	vmul.f32 v13, v56;
	v13 =	vld [tilespmem:$0x13510]  }
0xc8: {  	s18 =	spop (v2sf);
	(v2sf) =	vpush v8, $0xB;
	v36 =	vmul.f32 v49, v61;
	v49 =	vmul.f32 v30, v61;
	v30 =	vld [tilespmem:$0x13530]  }
0xc9: {  	v16 =	vmul.f32 v16, v51;
	v18 =	vadd.f32 v63, v18;
	v63 =	vmul.f32 v17, v56;
	v17 =	vld [tilespmem:$0x13580]  }
0xca: {  	v6 =	vmul.f32 v6, v51;
	v51 =	vmul.f32 v34, v61;
	v34 =	vld [tilespmem:$0x135A0];
	v19 =	vadd.f32 v40, v19  }
0xcb: {  	s19 =	spop (v2sf);
	(v2sf) =	vpush v8, $0xC;
	v54 =	vbroadcast v7, $0xA;
	v22 =	vadd.f32 v48, v22;
	v40 =	vld [tilespmem:$0x13310]  }
0xcc: {  	v18 =	vadd.f32 v53, v18;
	v19 =	vadd.f32 v24, v19;
	v24 =	vld [tilespmem:$0x13320]  }
0xcd: {  	v4 =	vmul.f32 v4, v54;
	v20 =	vadd.f32 v52, v20;
	v21 =	vadd.f32 v21, v22;
	v22 =	vld [tilespmem:$0x13330]  }
0xce: {  	v12 =	vmul.f32 v12, v54;
	v48 =	vbroadcast v7, $0xE;
	v6 =	vadd.f32 v6, v18;
	v18 =	vld [tilespmem:$0x13390]  }
0xcf: {  	v1 =	vmul.f32 v1, v54;
	v0 =	vmul.f32 v0, v54;
	v16 =	vadd.f32 v16, v20;
	v20 =	vld [tilespmem:$0x13490]  }
0xd0: {  	s20 =	spop (v2sf);
	(v2sf) =	vpush v8, $0xD;
	v2 =	vmul.f32 v2, v55;
	v52 =	vmul.f32 v27, v48;
	v27 =	vld [tilespmem:$0x13520]  }
0xd1: {  	s21 =	spop (v2sf);
	(v2sf) =	vpush v8, $0xE;
	v3 =	vmul.f32 v3, v55;
	v54 =	vmul.f32 v37, v48;
	v37 =	vld [tilespmem:$0x13610]  }
0xd2: {  	s22 =	spop (v2sf);
	(v2sf) =	vpush v8, $0xF;
	v7 =	vbroadcast v7, $0xF;
	v55 =	vmul.f32 v29, v48;
	v29 =	vld [tilespmem:$0x13620]  }
0xd3: {  	v53 =	vmul.f32 v32, v48;
	v32 =	vld [tilespmem:$0x13630];
	v4 =	vadd.f32 v4, v19;
	v12 =	vadd.f32 v12, v21  }
0xd4: {  	v56 =	vmul.f32 v38, v7;
	v38 =	vld [tilespmem:$0x13680];
	v1 =	vadd.f32 v1, v16;
	v0 =	vadd.f32 v0, v6  }
0xd5: {  	v19 =	vld [tilespmem:$0x133A0];
	v2 =	vadd.f32 v2, v4;
	v3 =	vadd.f32 v3, v12  }
0xd6: {  	v21 =	vld [tilespmem:$0x133B0];
	v1 =	vadd.f32 v57, v1;
	v0 =	vadd.f32 v58, v0  }
0xd7: {  	v16 =	vld [tilespmem:$0x13480];
	v57 =	vmul.f32 v41, v7;
	v58 =	vbroadcast v9, $0x0;
	v2 =	vadd.f32 v59, v2  }
0xd8: {  	v6 =	vld [tilespmem:$0x13730];
	v3 =	vadd.f32 v60, v3;
	v59 =	vmul.f32 v31, v7;
	v60 =	vmul.f32 v42, v7  }
0xd9: {  	v12 =	vld [tilespmem:$0x13410];
	v0 =	vadd.f32 v63, v0;
	v61 =	vmul.f32 v44, v58;
	v63 =	vbroadcast v9, $0x1  }
0xda: {  	v1 =	vadd.f32 v62, v1;
	v31 =	vld [tilespmem:$0x13590];
	v62 =	vmul.f32 v35, v58;
	v41 =	vmul.f32 v46, v58  }
0xdb: {  	v7 =	vld [tilespmem:$0x135B0];
	v42 =	vmul.f32 v50, v58;
	v2 =	vadd.f32 v36, v2;
	v44 =	vmul.f32 v39, v63  }
0xdc: {  	v35 =	vld [tilespmem:$0x13600];
	v3 =	vadd.f32 v47, v3;
	v46 =	vmul.f32 v43, v63;
	v47 =	vbroadcast v9, $0x2  }
0xdd: {  	v1 =	vadd.f32 v49, v1;
	v48 =	vmul.f32 v45, v63;
	v49 =	vmul.f32 v33, v63;
	v39 =	vld [tilespmem:$0x13790]  }
0xde: {  	v0 =	vadd.f32 v51, v0;
	v51 =	vbroadcast v9, $0x3;
	v36 =	vbroadcast v9, $0x6;
	v45 =	vld [tilespmem:$0x13800]  }
0xdf: {  	v2 =	vadd.f32 v52, v2;
	v28 =	vmul.f32 v28, v47;
	v52 =	vmul.f32 v24, v47;
	v24 =	vld [tilespmem:$0x13690]  }
0xe0: {  	v1 =	vadd.f32 v54, v1;
	v50 =	vmul.f32 v40, v47;
	v54 =	vmul.f32 v25, v51;
	v25 =	vld [tilespmem:$0x136A0]  }
0xe1: {  	v3 =	vadd.f32 v53, v3;
	v53 =	vmul.f32 v22, v47;
	v58 =	vmul.f32 v21, v51;
	v21 =	vld [tilespmem:$0x13710]  }
0xe2: {  	v0 =	vadd.f32 v55, v0;
	v55 =	vmul.f32 v18, v51;
	v22 =	vld [tilespmem:$0x13720];
	v43 =	vmul.f32 v13, v36  }
0xe3: {  	v47 =	vmul.f32 v30, v36;
	v13 =	vld [tilespmem:$0x13890];
	v2 =	vadd.f32 v56, v2;
	v56 =	vbroadcast v9, $0x4  }
0xe4: {  	v30 =	vld [tilespmem:$0x138A0];
	v3 =	vadd.f32 v57, v3;
	v1 =	vadd.f32 v59, v1;
	v57 =	vmul.f32 v19, v51  }
0xe5: {  	v0 =	vadd.f32 v60, v0;
	v19 =	vld [tilespmem:$0x13700];
	v60 =	vbroadcast v9, $0x5;
	v5 =	vmul.f32 v5, v56  }
0xe6: {  	v2 =	vadd.f32 v61, v2;
	v59 =	vmul.f32 v12, v56;
	v61 =	vmul.f32 v15, v56;
	v15 =	vld [tilespmem:$0x13780]  }
0xe7: {  	v3 =	vadd.f32 v62, v3;
	v62 =	vmul.f32 v10, v56;
	v63 =	vmul.f32 v16, v60;
	v10 =	vld [tilespmem:$0x137A0]  }
0xe8: {  	v1 =	vadd.f32 v41, v1;
	v33 =	vmul.f32 v20, v60;
	v40 =	vmul.f32 v14, v60;
	v14 =	vld [tilespmem:$0x137B0]  }
0xe9: {  	v0 =	vadd.f32 v42, v0;
	v41 =	vmul.f32 v23, v60;
	v42 =	vmul.f32 v26, v36;
	v12 =	vld [tilespmem:$0x13810]  }
0xea: {  	v26 =	vld [tilespmem:$0x13830];
	v60 =	vbroadcast v9, $0xA;
	v2 =	vadd.f32 v44, v2;
	v3 =	vadd.f32 v46, v3  }
0xeb: {  	v16 =	vld [tilespmem:$0x13880];
	v1 =	vadd.f32 v48, v1;
	v44 =	vbroadcast v9, $0x7;
	v46 =	vmul.f32 v27, v36  }
0xec: {  	v23 =	vld [tilespmem:$0x13920];
	v0 =	vadd.f32 v49, v0;
	v36 =	vmul.f32 v6, v60;
	v19 =	vmul.f32 v19, v60  }
0xed: {  	v27 =	vld [tilespmem:$0x13D30];
	v2 =	vadd.f32 v28, v2;
	v3 =	vadd.f32 v50, v3;
	v48 =	vmul.f32 v17, v44  }
0xee: {  	v1 =	vadd.f32 v52, v1;
	v28 =	vld [tilespmem:$0x136B0];
	v49 =	vmul.f32 v31, v44;
	v50 =	vbroadcast v9, $0x8  }
0xef: {  	v0 =	vadd.f32 v53, v0;
	v17 =	vld [tilespmem:$0x13820];
	v51 =	vmul.f32 v34, v44;
	v52 =	vmul.f32 v7, v44  }
0xf0: {  	v7 =	vld [tilespmem:$0x138B0];
	v34 =	vmul.f32 v22, v60;
	v2 =	vadd.f32 v54, v2;
	v3 =	vadd.f32 v55, v3  }
0xf1: {  	v31 =	vld [tilespmem:$0x13910];
	v1 =	vadd.f32 v57, v1;
	v53 =	vmul.f32 v35, v50;
	v54 =	vmul.f32 v37, v50  }
0xf2: {  	v22 =	vld [tilespmem:$0x13D00];
	v0 =	vadd.f32 v58, v0;
	v55 =	vbroadcast v9, $0x9;
	v56 =	vmul.f32 v29, v50  }
0xf3: {  	v57 =	vmul.f32 v32, v50;
	v29 =	vld [tilespmem:$0x13900];
	v32 =	vbroadcast v9, $0xB;
	v2 =	vadd.f32 v5, v2  }
0xf4: {  	v35 =	vld [tilespmem:$0x13990];
	v3 =	vadd.f32 v59, v3;
	v58 =	vmul.f32 v38, v55;
	v59 =	vmul.f32 v24, v55  }
0xf5: {  	v1 =	vadd.f32 v61, v1;
	v61 =	vmul.f32 v25, v55;
	v25 =	vld [tilespmem:$0x13930];
	v37 =	vmul.f32 v15, v32  }
0xf6: {  	v0 =	vadd.f32 v62, v0;
	v38 =	vld [tilespmem:$0x139A0];
	v39 =	vmul.f32 v39, v32;
	v44 =	vmul.f32 v14, v32  }
0xf7: {  	v24 =	vld [tilespmem:$0x13D10];
	v62 =	vmul.f32 v28, v55;
	v55 =	vbroadcast v9, $0xE;
	v2 =	vadd.f32 v63, v2  }
0xf8: {  	v3 =	vadd.f32 v33, v3;
	v1 =	vadd.f32 v40, v1;
	v63 =	vmul.f32 v21, v60;
	v33 =	vld [tilespmem:$0x13980]  }
0xf9: {  	v0 =	vadd.f32 v41, v0;
	v40 =	vbroadcast v9, $0xC;
	v41 =	vld [tilespmem:$0x139B0];
	v60 =	vmul.f32 v29, v55  }
0xfa: {  	v28 =	vmul.f32 v23, v55;
	v29 =	vld [tilespmem:$0x13B10];
	v23 =	vbroadcast v11, $0x4;
	v2 =	vadd.f32 v42, v2  }
0xfb: {  	v3 =	vadd.f32 v43, v3;
	v1 =	vadd.f32 v46, v1;
	v42 =	vmul.f32 v10, v32;
	v43 =	vld [tilespmem:$0x13A00]  }
0xfc: {  	v0 =	vadd.f32 v47, v0;
	v45 =	vmul.f32 v45, v40;
	v46 =	vld [tilespmem:$0x13A10];
	v47 =	vmul.f32 v12, v40  }
0xfd: {  	v50 =	vmul.f32 v17, v40;
	v32 =	vld [tilespmem:$0x13B20];
	v2 =	vadd.f32 v48, v2;
	v3 =	vadd.f32 v49, v3  }
0xfe: {  	v1 =	vadd.f32 v51, v1;
	v0 =	vadd.f32 v52, v0;
	v48 =	vbroadcast v9, $0xD;
	v49 =	vld [tilespmem:$0x13A20]  }
0xff: {  	v51 =	vld [tilespmem:$0x13A30];
	v52 =	vmul.f32 v26, v40;
	v9 =	vbroadcast v9, $0xF;
	v2 =	vadd.f32 v53, v2  }
0x100: {  	v3 =	vadd.f32 v54, v3;
	v1 =	vadd.f32 v56, v1;
	v16 =	vmul.f32 v16, v48;
	v53 =	vld [tilespmem:$0x13A80]  }
0x101: {  	v0 =	vadd.f32 v57, v0;
	v54 =	vmul.f32 v13, v48;
	v56 =	vld [tilespmem:$0x13A90];
	v57 =	vmul.f32 v30, v48  }
0x102: {  	v30 =	vmul.f32 v25, v55;
	v25 =	vld [tilespmem:$0x13D20];
	v2 =	vadd.f32 v58, v2;
	v3 =	vadd.f32 v59, v3  }
0x103: {  	v1 =	vadd.f32 v61, v1;
	v0 =	vadd.f32 v62, v0;
	v58 =	vld [tilespmem:$0x13AA0];
	v59 =	vmul.f32 v7, v48  }
0x104: {  	s8 =	sadd.f32 s16, s15;
	v61 =	vld [tilespmem:$0x13AB0];
	v62 =	vmul.f32 v31, v55;
	v31 =	vmul.f32 v33, v9;
	v2 =	vadd.f32 v19, v2  }
0x105: {  	v33 =	vmul.f32 v35, v9;
	v35 =	vld [tilespmem:$0x13B30];
	v3 =	vadd.f32 v63, v3;
	v1 =	vadd.f32 v34, v1  }
0x106: {  	s8 =	sadd.f32 s8, s17;
	v55 =	vld [tilespmem:$0x13C30];
	v0 =	vadd.f32 v36, v0;
	v34 =	vbroadcast v11, $0x0;
	v36 =	vmul.f32 v38, v9  }
0x107: {  	v63 =	vld [tilespmem:$0x13B00];
	v38 =	vmul.f32 v41, v9;
	v41 =	vbroadcast v11, $0x1;
	v2 =	vadd.f32 v37, v2  }
0x108: {  	s8 =	sadd.f32 s8, s18;
	v3 =	vadd.f32 v39, v3;
	v37 =	vld [tilespmem:$0x13B80];
	v6 =	vmul.f32 v43, v34;
	v40 =	vmul.f32 v46, v34  }
0x109: {  	v1 =	vadd.f32 v42, v1;
	v39 =	vld [tilespmem:$0x13B90];
	v43 =	vmul.f32 v49, v34;
	v46 =	vmul.f32 v53, v41  }
0x10a: {  	s8 =	sadd.f32 s8, s19;
	v0 =	vadd.f32 v44, v0;
	v42 =	vld [tilespmem:$0x13BA0];
	v48 =	vmul.f32 v56, v41;
	v49 =	vbroadcast v11, $0x2  }
0x10b: {  	v44 =	vld [tilespmem:$0x13BB0];
	v53 =	vmul.f32 v61, v41;
	v2 =	vadd.f32 v45, v2;
	v3 =	vadd.f32 v47, v3  }
0x10c: {  	s8 =	sadd.f32 s8, s20;
	v1 =	vadd.f32 v50, v1;
	v0 =	vadd.f32 v52, v0;
	v45 =	vmul.f32 v51, v34;
	v47 =	vld [tilespmem:$0x13C00]  }
0x10d: {  	v50 =	vld [tilespmem:$0x13C10];
	v51 =	vmul.f32 v58, v41;
	v56 =	vmul.f32 v29, v49;
	v2 =	vadd.f32 v16, v2  }
0x10e: {  	s8 =	sadd.f32 s8, s21;
	v52 =	vld [tilespmem:$0x13C20];
	v18 =	vmul.f32 v35, v49;
	v3 =	vadd.f32 v54, v3;
	v1 =	vadd.f32 v57, v1  }
0x10f: {  	v58 =	vld [tilespmem:$0x13C80];
	v0 =	vadd.f32 v59, v0;
	v54 =	vmul.f32 v63, v49;
	v57 =	vbroadcast v11, $0x3  }
0x110: {  	s8 =	sadd.f32 s8, s22;
	v29 =	vld [tilespmem:$0x13D80];
	v59 =	vmul.f32 v32, v49;
	v2 =	vadd.f32 v60, v2;
	v3 =	vadd.f32 v62, v3  }
0x111: {  	s23 =	spop (v2sf);
	v63 =	vld [tilespmem:$0x13CB0];
	v1 =	vadd.f32 v28, v1;
	v61 =	vmul.f32 v37, v57;
	v21 =	vmul.f32 v42, v57  }
0x112: {  	s8 =	sadd.f32 s8, s23;
	v35 =	vld [tilespmem:$0x13DB0];
	v0 =	vadd.f32 v30, v0;
	v30 =	vmul.f32 v55, v23;
	v26 =	vmul.f32 v47, v23  }
0x113: {  	s24 =	spop (v2sf);
	v32 =	vld [tilespmem:$0x13D90];
	v28 =	vmul.f32 v50, v23;
	v10 =	vmul.f32 v52, v23;
	v2 =	vadd.f32 v31, v2  }
0x114: {  	s8 =	sadd.f32 s8, s24;
	v60 =	vld [tilespmem:$0x13C90];
	v1 =	vadd.f32 v36, v1;
	v0 =	vadd.f32 v38, v0;
	v31 =	vbroadcast v11, $0x5  }
0x115: {  	s25 =	spop (v2sf);
	v62 =	vld [tilespmem:$0x13CA0];
	v38 =	vbroadcast v11, $0x6;
	v2 =	vadd.f32 v6, v2;
	v6 =	vmul.f32 v44, v57  }
0x116: {  	s8 =	sadd.f32 s8, s25;
	v37 =	vld [tilespmem:$0x13E00];
	v3 =	vadd.f32 v33, v3;
	v34 =	vmul.f32 v58, v31;
	v5 =	vmul.f32 v63, v31  }
0x117: {  	s26 =	spop (v2sf);
	v42 =	vld [tilespmem:$0x13E30];
	v1 =	vadd.f32 v43, v1;
	v41 =	vmul.f32 v22, v38;
	v43 =	vmul.f32 v24, v38  }
0x118: {  	s8 =	sadd.f32 s8, s26;
	v50 =	vld [tilespmem:$0x13EB0];
	v0 =	vadd.f32 v45, v0;
	v4 =	vmul.f32 v25, v38;
	v45 =	vmul.f32 v27, v38  }
0x119: {  	s28 =	spop (v2sf);
	v33 =	vld [tilespmem:$0x13DA0];
	v3 =	vadd.f32 v40, v3;
	v58 =	vbroadcast v11, $0x9;
	v38 =	vbroadcast v11, $0xC  }
0x11a: {  	s8 =	sadd.f32 s8, s28;
	v40 =	vld [tilespmem:$0x13E20];
	v36 =	vmul.f32 v60, v31;
	v12 =	vmul.f32 v62, v31;
	v2 =	vadd.f32 v46, v2  }
0x11b: {  	s29 =	spop (v2sf);
	v44 =	vld [tilespmem:$0x13E80];
	v31 =	vbroadcast v11, $0xB;
	v3 =	vadd.f32 v48, v3;
	v0 =	vadd.f32 v53, v0  }
0x11c: {  	s8 =	sadd.f32 s8, s29;
	v63 =	vld [tilespmem:$0x13FA0];
	v1 =	vadd.f32 v51, v1;
	v46 =	vbroadcast v11, $0x7;
	v53 =	vbroadcast v11, $0x8  }
0x11d: {  	s30 =	spop (v2sf);
	v47 =	vld [tilespmem:$0x13E90];
	v25 =	vmul.f32 v50, v58;
	v0 =	vadd.f32 v18, v0;
	v18 =	vmul.f32 v39, v57  }
0x11e: {  	s8 =	sadd.f32 s8, s30;
	v24 =	vld [tilespmem:$0x14000];
	v2 =	vadd.f32 v54, v2;
	v49 =	vmul.f32 v29, v46;
	v14 =	vmul.f32 v32, v46  }
0x11f: {  	s31 =	spop (v2sf);
	v48 =	vld [tilespmem:$0x13EA0];
	v3 =	vadd.f32 v56, v3;
	v17 =	vmul.f32 v33, v46;
	v52 =	vmul.f32 v35, v46  }
0x120: {  	s8 =	sadd.f32 s8, s31;
	v51 =	vld [tilespmem:$0x13F00];
	v1 =	vadd.f32 v59, v1;
	v56 =	vmul.f32 v37, v53;
	v60 =	vmul.f32 v40, v53  }
0x121: {  	v39 =	vld [tilespmem:$0x13E10];
	v62 =	vmul.f32 v44, v58;
	v40 =	vmul.f32 v63, v31;
	v2 =	vadd.f32 v61, v2  }
0x122: {  	v59 =	vld [tilespmem:$0x13F80];
	v63 =	vmov s8;
	v3 =	vadd.f32 v18, v3;
	v1 =	vadd.f32 v21, v1  }
0x123: {  	v54 =	vld [tilespmem:$0x13F10];
	v0 =	vadd.f32 v6, v0;
	v6 =	vmul.f32 v42, v53;
	v21 =	vmul.f32 v47, v58  }
0x124: {  	v57 =	vld [tilespmem:$0x13F30];
	v42 =	vmul.f32 v24, v38;
	v2 =	vadd.f32 v26, v2;
	v3 =	vadd.f32 v28, v3  }
0x125: {  	v61 =	vld [tilespmem:$0x13F90];
	v23 =	vmul.f32 v48, v58;
	v1 =	vadd.f32 v10, v1;
	v0 =	vadd.f32 v30, v0  }
0x126: {  	v27 =	vld [tilespmem:$0x14010];
	v26 =	vbroadcast v11, $0xA;
	v7 =	vmul.f32 v39, v53;
	v2 =	vadd.f32 v34, v2  }
0x127: {  	v30 =	vld [tilespmem:$0x14030];
	v35 =	vmul.f32 v59, v31;
	v3 =	vadd.f32 v36, v3;
	v1 =	vadd.f32 v12, v1  }
0x128: {  	v55 =	vld [tilespmem:$0x13F20];
	v0 =	vadd.f32 v5, v0;
	v29 =	vmul.f32 v51, v26;
	v10 =	vmul.f32 v54, v26  }
0x129: {  	v32 =	vld [tilespmem:$0x14080];
	v33 =	vmul.f32 v57, v26;
	v2 =	vadd.f32 v41, v2;
	v3 =	vadd.f32 v43, v3  }
0x12a: {  	v37 =	vmul.f32 v61, v31;
	v1 =	vadd.f32 v4, v1;
	v0 =	vadd.f32 v45, v0  }
0x12b: {  	v34 =	vld [tilespmem:$0x14090];
	v43 =	vmul.f32 v27, v38;
	v45 =	vbroadcast v11, $0xD;
	v2 =	vadd.f32 v49, v2  }
0x12c: {  	v36 =	vld [tilespmem:$0x140A0];
	v47 =	vmul.f32 v30, v38;
	v3 =	vadd.f32 v14, v3;
	v1 =	vadd.f32 v17, v1  }
0x12d: {  	v22 =	vld [tilespmem:$0x13FB0];
	v0 =	vadd.f32 v52, v0;
	v14 =	vmul.f32 v55, v26;
	v2 =	vadd.f32 v56, v2  }
0x12e: {  	v28 =	vld [tilespmem:$0x14020];
	v49 =	vmul.f32 v32, v45;
	v52 =	vbroadcast v11, $0xE;
	v3 =	vadd.f32 v7, v3  }
0x12f: {  	v44 =	vld [tilespmem:$0x14110];
	v11 =	vbroadcast v11, $0xF;
	v1 =	vadd.f32 v60, v1;
	v2 =	vadd.f32 v62, v2  }
0x130: {  	v46 =	vld [tilespmem:$0x14120];
	v51 =	vmul.f32 v34, v45;
	v0 =	vadd.f32 v6, v0;
	v3 =	vadd.f32 v21, v3  }
0x131: {  	v50 =	vld [tilespmem:$0x14180];
	v54 =	vmul.f32 v36, v45;
	v1 =	vadd.f32 v23, v1;
	v2 =	vadd.f32 v29, v2  }
0x132: {  	v41 =	vld [tilespmem:$0x14100];
	v6 =	vmul.f32 v22, v31;
	v0 =	vadd.f32 v25, v0;
	v3 =	vadd.f32 v10, v3  }
0x133: {  	v39 =	vld [tilespmem:$0x140B0];
	v7 =	vmul.f32 v28, v38;
	v1 =	vadd.f32 v14, v1;
	v2 =	vadd.f32 v35, v2  }
0x134: {  	v48 =	vld [tilespmem:$0x14130];
	v58 =	vmul.f32 v44, v52;
	v0 =	vadd.f32 v33, v0;
	v3 =	vadd.f32 v37, v3  }
0x135: {  	v53 =	vld [tilespmem:$0x14190];
	v59 =	vmul.f32 v46, v52;
	v1 =	vadd.f32 v40, v1;
	v2 =	vadd.f32 v42, v2  }
0x136: {  	v55 =	vld [tilespmem:$0x141A0];
	v8 =	vmul.f32 v50, v11;
	v0 =	vadd.f32 v6, v0;
	v3 =	vadd.f32 v43, v3  }
0x137: {  	v57 =	vld [tilespmem:$0x141B0];
	v56 =	vmul.f32 v41, v52;
	v1 =	vadd.f32 v7, v1;
	v2 =	vadd.f32 v49, v2  }
0x138: {  	v10 =	vmul.f32 v39, v45;
	v0 =	vadd.f32 v47, v0;
	v3 =	vadd.f32 v51, v3  }
0x139: {  	v5 =	vmul.f32 v48, v52;
	v1 =	vadd.f32 v54, v1;
	v2 =	vadd.f32 v56, v2  }
0x13a: {  	v60 =	vmul.f32 v53, v11;
	v0 =	vadd.f32 v10, v0;
	v3 =	vadd.f32 v58, v3  }
0x13b: {  	v61 =	vmul.f32 v55, v11;
	v1 =	vadd.f32 v59, v1;
	v2 =	vadd.f32 v8, v2  }
0x13c: {  	[tilespmem:$0x14B80] =	vst v63;
	v62 =	vmul.f32 v57, v11;
	v0 =	vadd.f32 v5, v0;
	v3 =	vadd.f32 v60, v3  }
0x13d: {  	v1 =	vadd.f32 v61, v1;
	[tilespmem:$0x14300] =	vst v2  }
0x13e: {  	v0 =	vadd.f32 v62, v0;
	[tilespmem:$0x14310] =	vst v3  }
0x13f: {  	[tilespmem:$0x14320] =	vst v1  }
0x140: {  	[tilespmem:$0x14330] =	vst v0  }
.LBB2_2:
0x141: {  	[tilespmem:s7], [sflag:$0x4] =	stream.linear.gather [hbm4b:s5+s7], $0xC8, $0x38;
	[tilespmem:$0x14C40] =	vst v63  }
0x142: {  	s5 =	simm.s32 $0x4  }
0x143: {  	_ =	swait.ge [sflag:s5], $0xC8  }
0x144: {  	p1 =	sgt.u32 s1, $0xC;
	[sflag:s5] =	ssyncset.done $0x0  }
.Ltmp1:
0x145: {  	v0 =	vimm.f32 $0.0e+00;
	[sflag:s5] =	ssyncadd.s32 $0xFFFFFF38;
	(pc) =	sbr.rel @p1 .LBB2_4-.Ltmp1, $4  }
0x146: {  	[tilespmem:$0x14280] =	vst v0  }
0x147: {  	[tilespmem:$0x14290] =	vst v0  }
0x148: {  	[tilespmem:$0x142A0] =	vst v0  }
0x149: {  	s6 =	sadd.s32 s6, s3;
	[tilespmem:$0x142B0] =	vst v0  }
0x14a: {  	s7 =	sshll.u32 s1, $0x6  }
0x14b: {  	s7 =	sshrl.u32 s7, $0x2  }
0x14c: {  	v4 =	vld [tilespmem:s7+$0x0];
	_ =	sdelay $0x4  }
0x14d: {  	(v2sf) =	vpush v4, $0x0;
	_ =	sdelay $0x7  }
0x14e: {  	(v2sf) =	vpush v4, $0x1;
	_ =	sdelay $0x6  }
0x14f: {  	s7 =	spop (v2sf);
	(v2sf) =	vpush v4, $0x2;
	_ =	sdelay $0x1  }
0x150: {  	p1 =	sgt.s32 s7, $0x0  }
0x151: {  	s7 =	simm.s32 @!p1 $0x0  }
0x152: {  	s20 =	smin.u32 s7, $0xF423F  }
0x153: {  	s16 =	simm.s32 $0x400;
	s7 =	sand.u32 $0xFFF80, s20  }
0x154: {  	s17 =	simm.s32 $0x7A1400;
	s15 =	simm.s32 $0x180;
	s7 =	sadd.s32 s4, s7  }
0x155: {  	(v2sf) =	vpush v4, $0x3;
	[tilespmem:s15], [sflag:$0x1] =	stream.strided.gather [hbm4b:s7+s16], $0x2000, s17, s16, $0x38;
	[tilespmem:$0x14C40] =	vst v63  }
0x156: {  	s7 =	spop (v2sf)  }
0x157: {  	p1 =	sgt.s32 s7, $0x0  }
0x158: {  	s7 =	simm.s32 @!p1 $0x0  }
0x159: {  	s21 =	smin.u32 s7, $0xF423F  }
0x15a: {  	s7 =	sand.u32 $0xFFF80, s21  }
0x15b: {  	s14 =	simm.s32 $0x2180;
	s7 =	sadd.s32 s4, s7  }
0x15c: {  	(v2sf) =	vpush v4, $0x4;
	[tilespmem:s14], [sflag:$0x1] =	stream.strided.gather [hbm4b:s7+s16], $0x2000, s17, s16, $0x38;
	[tilespmem:$0x14C40] =	vst v63  }
0x15d: {  	s7 =	spop (v2sf)  }
0x15e: {  	p1 =	sgt.s32 s7, $0x0  }
0x15f: {  	(v2sf) =	vpush v4, $0x5;
	s7 =	simm.s32 @!p1 $0x0  }
0x160: {  	s23 =	smin.u32 s7, $0xF423F  }
0x161: {  	s7 =	sand.u32 $0xFFF80, s23  }
0x162: {  	s13 =	simm.s32 $0x4180;
	s7 =	sadd.s32 s4, s7  }
0x163: {  	[tilespmem:s13], [sflag:$0x1] =	stream.strided.gather [hbm4b:s7+s16], $0x2000, s17, s16, $0x38;
	[tilespmem:$0x14C40] =	vst v63  }
0x164: {  	s7 =	spop (v2sf)  }
0x165: {  	(v2sf) =	vpush v4, $0x6;
	p1 =	sgt.s32 s7, $0x0  }
0x166: {  	s7 =	simm.s32 @!p1 $0x0  }
0x167: {  	s25 =	smin.u32 s7, $0xF423F  }
0x168: {  	s7 =	sand.u32 $0xFFF80, s25  }
0x169: {  	s12 =	simm.s32 $0x6180;
	s7 =	sadd.s32 s4, s7  }
0x16a: {  	[tilespmem:s12], [sflag:$0x1] =	stream.strided.gather [hbm4b:s7+s16], $0x2000, s17, s16, $0x38;
	[tilespmem:$0x14C40] =	vst v63  }
0x16b: {  	s7 =	spop (v2sf)  }
0x16c: {  	p1 =	sgt.s32 s7, $0x0  }
0x16d: {  	(v2sf) =	vpush v4, $0x7;
	s7 =	simm.s32 @!p1 $0x0  }
0x16e: {  	s24 =	smin.u32 s7, $0xF423F;
	s8 =	spop (v2sf)  }
0x16f: {  	s7 =	sand.u32 $0xFFF80, s24;
	p1 =	sgt.s32 s8, $0x0  }
0x170: {  	s11 =	simm.s32 $0x8180;
	s7 =	sadd.s32 s4, s7;
	s8 =	simm.s32 @!p1 $0x0  }
0x171: {  	[tilespmem:s11], [sflag:$0x1] =	stream.strided.gather [hbm4b:s7+s16], $0x2000, s17, s16, $0x38;
	[tilespmem:$0x14C40] =	vst v63  }
0x172: {  	s22 =	smin.u32 s8, $0xF423F  }
0x173: {  	s10 =	sand.u32 $0xFFF80, s22  }
0x174: {  	s7 =	sadd.s32 s4, s10;
	s10 =	simm.s32 $0xA180;
	s8 =	spop (v2sf)  }
0x175: {  	[tilespmem:s10], [sflag:$0x1] =	stream.strided.gather [hbm4b:s7+s16], $0x2000, s17, s16, $0x38;
	[tilespmem:$0x14C40] =	vst v63  }
0x176: {  	p1 =	sgt.s32 s8, $0x0  }
0x177: {  	s8 =	simm.s32 @!p1 $0x0  }
0x178: {  	s19 =	smin.u32 s8, $0xF423F  }
0x179: {  	s18 =	sand.u32 $0xFFF80, s19  }
0x17a: {  	s9 =	simm.s32 $0xC180;
	s7 =	sadd.s32 s4, s18  }
0x17b: {  	[tilespmem:s9], [sflag:$0x1] =	stream.strided.gather [hbm4b:s7+s16], $0x2000, s17, s16, $0x38;
	[tilespmem:$0x14C40] =	vst v63  }
0x17c: {  	s7 =	spop (v2sf)  }
0x17d: {  	p1 =	sgt.s32 s7, $0x0  }
0x17e: {  	s7 =	simm.s32 @!p1 $0x0  }
0x17f: {  	s18 =	smin.u32 s7, $0xF423F  }
0x180: {  	s7 =	sand.u32 $0xFFF80, s18  }
0x181: {  	s8 =	simm.s32 $0x1;
	s26 =	sadd.s32 s4, s7;
	s7 =	simm.s32 $0xE180  }
0x182: {  	[tilespmem:s7], [sflag:$0x1] =	stream.strided.gather [hbm4b:s26+s16], $0x2000, s17, s16, $0x38;
	[tilespmem:$0x14C40] =	vst v63  }
0x183: {  	_ =	swait.ge [sflag:s8], $0x2000  }
0x184: {  	(v2sf) =	vpush v4, $0x8;
	_ =	sdelay $0x9  }
0x185: {  	v0 =	vlaneseq.u32  }
0x186: {  	v3 =	vmul.u32 $0x80, v0  }
0x187: {  	s20 =	sand.u32 $0x7F, s20  }
0x188: {  	v2 =	vor.u32 $0x800, v3;
	v5 =	vor.u32 s20, v3  }
0x189: {  	v1 =	vor.u32 $0x1000, v3;
	v0 =	vor.u32 $0x1800, v3;
	v6 =	vor.u32 s20, v2  }
0x18a: {  	v8 =	vor.u32 s20, v1;
	v9 =	vor.u32 s20, v0;
	s20 =	spop (v2sf)  }
0x18b: {  	[sflag:s8] =	ssyncset.done $0x0;
	p1 =	sgt.s32 s20, $0x0  }
0x18c: {  	[sflag:s8] =	ssyncadd.s32 $0xFFFFE000;
	s20 =	simm.s32 @!p1 $0x0  }
0x18d: {  	v5 =	vld.idx.msk [tilespmem:v5+s15+$0x0], $0xffff;
	s20 =	smin.u32 s20, $0xF423F  }
0x18e: {  	v7 =	vld.idx.msk [tilespmem:v6+s15+$0x0], $0xffff;
	s26 =	sand.u32 $0xFFF80, s20  }
0x18f: {  	v6 =	vld.idx.msk [tilespmem:v8+s15+$0x0], $0xffff;
	s26 =	sadd.s32 s4, s26  }
0x190: {  	v10 =	vld.idx.msk [tilespmem:v9+s15+$0x0], $0xffff;
	[tilespmem:s15], [sflag:$0x1] =	stream.strided.gather [hbm4b:s26+s16], $0x2000, s17, s16, $0x38  }
0x191: {  	_ =	swait.ge [sflag:s8], $0x2000  }
0x192: {  	(v2sf) =	vpush v4, $0x9;
	_ =	sdelay $0xb  }
0x193: {  	s21 =	sand.u32 $0x7F, s21  }
0x194: {  	v53 =	vor.u32 s21, v3  }
0x195: {  	v54 =	vor.u32 s21, v2  }
0x196: {  	v12 =	vor.u32 s21, v1;
	v13 =	vor.u32 s21, v0;
	s21 =	spop (v2sf)  }
0x197: {  	[sflag:s8] =	ssyncset.done $0x0;
	p1 =	sgt.s32 s21, $0x0  }
0x198: {  	[sflag:s8] =	ssyncadd.s32 $0xFFFFE000;
	s21 =	simm.s32 @!p1 $0x0  }
0x199: {  	v8 =	vld.idx.msk [tilespmem:v53+s14+$0x0], $0xffff;
	s21 =	smin.u32 s21, $0xF423F  }
0x19a: {  	v11 =	vld.idx.msk [tilespmem:v54+s14+$0x0], $0xffff;
	s28 =	sand.u32 $0xFFF80, s21  }
0x19b: {  	v9 =	vld.idx.msk [tilespmem:v12+s14+$0x0], $0xffff;
	s26 =	sadd.s32 s4, s28  }
0x19c: {  	v15 =	vld.idx.msk [tilespmem:v13+s14+$0x0], $0xffff;
	[tilespmem:s14], [sflag:$0x1] =	stream.strided.gather [hbm4b:s26+s16], $0x2000, s17, s16, $0x38  }
0x19d: {  	_ =	swait.ge [sflag:s8], $0x2000  }
0x19e: {  	(v2sf) =	vpush v4, $0xA;
	_ =	sdelay $0xb  }
0x19f: {  	s23 =	sand.u32 $0x7F, s23  }
0x1a0: {  	v55 =	vor.u32 s23, v3  }
0x1a1: {  	v56 =	vor.u32 s23, v2  }
0x1a2: {  	v16 =	vor.u32 s23, v1;
	v17 =	vor.u32 s23, v0;
	s23 =	spop (v2sf)  }
0x1a3: {  	[sflag:s8] =	ssyncset.done $0x0;
	p1 =	sgt.s32 s23, $0x0  }
0x1a4: {  	[sflag:s8] =	ssyncadd.s32 $0xFFFFE000;
	s23 =	simm.s32 @!p1 $0x0  }
0x1a5: {  	v12 =	vld.idx.msk [tilespmem:v55+s13+$0x0], $0xffff;
	s23 =	smin.u32 s23, $0xF423F  }
0x1a6: {  	v14 =	vld.idx.msk [tilespmem:v56+s13+$0x0], $0xffff;
	s29 =	sand.u32 $0xFFF80, s23  }
0x1a7: {  	v13 =	vld.idx.msk [tilespmem:v16+s13+$0x0], $0xffff;
	s26 =	sadd.s32 s4, s29  }
0x1a8: {  	v19 =	vld.idx.msk [tilespmem:v17+s13+$0x0], $0xffff;
	[tilespmem:s13], [sflag:$0x1] =	stream.strided.gather [hbm4b:s26+s16], $0x2000, s17, s16, $0x38  }
0x1a9: {  	_ =	swait.ge [sflag:s8], $0x2000  }
0x1aa: {  	(v2sf) =	vpush v4, $0xB;
	_ =	sdelay $0xb  }
0x1ab: {  	s25 =	sand.u32 $0x7F, s25  }
0x1ac: {  	v57 =	vor.u32 s25, v3  }
0x1ad: {  	v58 =	vor.u32 s25, v2  }
0x1ae: {  	v20 =	vor.u32 s25, v1;
	v21 =	vor.u32 s25, v0;
	s25 =	spop (v2sf)  }
0x1af: {  	[sflag:s8] =	ssyncset.done $0x0;
	p1 =	sgt.s32 s25, $0x0  }
0x1b0: {  	[sflag:s8] =	ssyncadd.s32 $0xFFFFE000;
	s25 =	simm.s32 @!p1 $0x0  }
0x1b1: {  	v16 =	vld.idx.msk [tilespmem:v57+s12+$0x0], $0xffff;
	s25 =	smin.u32 s25, $0xF423F  }
0x1b2: {  	v18 =	vld.idx.msk [tilespmem:v58+s12+$0x0], $0xffff;
	s30 =	sand.u32 $0xFFF80, s25  }
0x1b3: {  	v17 =	vld.idx.msk [tilespmem:v20+s12+$0x0], $0xffff;
	s26 =	sadd.s32 s4, s30  }
0x1b4: {  	v23 =	vld.idx.msk [tilespmem:v21+s12+$0x0], $0xffff;
	[tilespmem:s12], [sflag:$0x1] =	stream.strided.gather [hbm4b:s26+s16], $0x2000, s17, s16, $0x38  }
0x1b5: {  	_ =	swait.ge [sflag:s8], $0x2000  }
0x1b6: {  	(v2sf) =	vpush v4, $0xC;
	_ =	sdelay $0xb  }
0x1b7: {  	s24 =	sand.u32 $0x7F, s24  }
0x1b8: {  	v59 =	vor.u32 s24, v3  }
0x1b9: {  	v60 =	vor.u32 s24, v2  }
0x1ba: {  	v24 =	vor.u32 s24, v1;
	v25 =	vor.u32 s24, v0;
	s24 =	spop (v2sf)  }
0x1bb: {  	[sflag:s8] =	ssyncset.done $0x0;
	p1 =	sgt.s32 s24, $0x0  }
0x1bc: {  	[sflag:s8] =	ssyncadd.s32 $0xFFFFE000;
	s24 =	simm.s32 @!p1 $0x0  }
0x1bd: {  	v20 =	vld.idx.msk [tilespmem:v59+s11+$0x0], $0xffff;
	s24 =	smin.u32 s24, $0xF423F  }
0x1be: {  	v22 =	vld.idx.msk [tilespmem:v60+s11+$0x0], $0xffff;
	s31 =	sand.u32 $0xFFF80, s24  }
0x1bf: {  	v21 =	vld.idx.msk [tilespmem:v24+s11+$0x0], $0xffff;
	s26 =	sadd.s32 s4, s31  }
0x1c0: {  	v27 =	vld.idx.msk [tilespmem:v25+s11+$0x0], $0xffff;
	[tilespmem:s11], [sflag:$0x1] =	stream.strided.gather [hbm4b:s26+s16], $0x2000, s17, s16, $0x38  }
0x1c1: {  	_ =	swait.ge [sflag:s8], $0x2000  }
0x1c2: {  	(v2sf) =	vpush v4, $0xD;
	_ =	sdelay $0xb  }
0x1c3: {  	s22 =	sand.u32 $0x7F, s22  }
0x1c4: {  	v61 =	vor.u32 s22, v3  }
0x1c5: {  	v62 =	vor.u32 s22, v2  }
0x1c6: {  	v28 =	vor.u32 s22, v1;
	v29 =	vor.u32 s22, v0;
	s22 =	spop (v2sf)  }
0x1c7: {  	[sflag:s8] =	ssyncset.done $0x0;
	p1 =	sgt.s32 s22, $0x0  }
0x1c8: {  	[sflag:s8] =	ssyncadd.s32 $0xFFFFE000;
	s22 =	simm.s32 @!p1 $0x0  }
0x1c9: {  	v24 =	vld.idx.msk [tilespmem:v61+s10+$0x0], $0xffff;
	s22 =	smin.u32 s22, $0xF423F  }
0x1ca: {  	v26 =	vld.idx.msk [tilespmem:v62+s10+$0x0], $0xffff;
	s28 =	sand.u32 $0xFFF80, s22  }
0x1cb: {  	v25 =	vld.idx.msk [tilespmem:v28+s10+$0x0], $0xffff;
	s26 =	sadd.s32 s4, s28  }
0x1cc: {  	v63 =	vld.idx.msk [tilespmem:v29+s10+$0x0], $0xffff;
	[tilespmem:s10], [sflag:$0x1] =	stream.strided.gather [hbm4b:s26+s16], $0x2000, s17, s16, $0x38  }
0x1cd: {  	_ =	swait.ge [sflag:s8], $0x2000  }
0x1ce: {  	(v2sf) =	vpush v4, $0xE;
	_ =	sdelay $0xb  }
0x1cf: {  	s19 =	sand.u32 $0x7F, s19  }
0x1d0: {  	v52 =	vor.u32 s19, v3  }
0x1d1: {  	v30 =	vor.u32 s19, v2  }
0x1d2: {  	v31 =	vor.u32 s19, v1;
	v32 =	vor.u32 s19, v0;
	s19 =	spop (v2sf)  }
0x1d3: {  	[sflag:s8] =	ssyncset.done $0x0;
	p1 =	sgt.s32 s19, $0x0  }
0x1d4: {  	[sflag:s8] =	ssyncadd.s32 $0xFFFFE000;
	s19 =	simm.s32 @!p1 $0x0  }
0x1d5: {  	v29 =	vld.idx.msk [tilespmem:v52+s9+$0x0], $0xffff;
	s19 =	smin.u32 s19, $0xF423F  }
0x1d6: {  	v30 =	vld.idx.msk [tilespmem:v30+s9+$0x0], $0xffff;
	s29 =	sand.u32 $0xFFF80, s19  }
0x1d7: {  	v31 =	vld.idx.msk [tilespmem:v31+s9+$0x0], $0xffff;
	s26 =	sadd.s32 s4, s29  }
0x1d8: {  	v32 =	vld.idx.msk [tilespmem:v32+s9+$0x0], $0xffff;
	[tilespmem:s9], [sflag:$0x1] =	stream.strided.gather [hbm4b:s26+s16], $0x2000, s17, s16, $0x38  }
0x1d9: {  	_ =	swait.ge [sflag:s8], $0x2000  }
0x1da: {  	(v2sf) =	vpush v4, $0xF;
	_ =	sdelay $0xb  }
0x1db: {  	s18 =	sand.u32 $0x7F, s18  }
0x1dc: {  	v53 =	vor.u32 s18, v3  }
0x1dd: {  	v33 =	vor.u32 s18, v2  }
0x1de: {  	v34 =	vor.u32 s18, v1;
	v35 =	vor.u32 s18, v0;
	s18 =	spop (v2sf)  }
0x1df: {  	[sflag:s8] =	ssyncset.done $0x0;
	p1 =	sgt.s32 s18, $0x0  }
0x1e0: {  	[sflag:s8] =	ssyncadd.s32 $0xFFFFE000;
	s18 =	simm.s32 @!p1 $0x0  }
0x1e1: {  	v4 =	vld.idx.msk [tilespmem:v53+s7+$0x0], $0xffff;
	s18 =	smin.u32 s18, $0xF423F  }
0x1e2: {  	s20 =	sand.u32 $0x7F, s20;
	v33 =	vld.idx.msk [tilespmem:v33+s7+$0x0], $0xffff;
	s30 =	sand.u32 $0xFFF80, s18  }
0x1e3: {  	v36 =	vor.u32 s20, v3;
	v34 =	vld.idx.msk [tilespmem:v34+s7+$0x0], $0xffff;
	s31 =	sadd.s32 s4, s30  }
0x1e4: {  	v37 =	vor.u32 s20, v2;
	v35 =	vld.idx.msk [tilespmem:v35+s7+$0x0], $0xffff;
	[tilespmem:s7], [sflag:$0x1] =	stream.strided.gather [hbm4b:s31+s16], $0x2000, s17, s16, $0x38  }
0x1e5: {  	v38 =	vor.u32 s20, v1;
	_ =	swait.ge [sflag:s8], $0x2000  }
0x1e6: {  	v39 =	vor.u32 s20, v0;
	[sflag:s8] =	ssyncset.done $0x0  }
0x1e7: {  	[sflag:s8] =	ssyncadd.s32 $0xFFFFE000  }
0x1e8: {  	s21 =	sand.u32 $0x7F, s21;
	v36 =	vld.idx.msk [tilespmem:v36+s15+$0x0], $0xffff  }
0x1e9: {  	v40 =	vor.u32 s21, v3;
	v37 =	vld.idx.msk [tilespmem:v37+s15+$0x0], $0xffff  }
0x1ea: {  	v41 =	vor.u32 s21, v2;
	v38 =	vld.idx.msk [tilespmem:v38+s15+$0x0], $0xffff  }
0x1eb: {  	v42 =	vor.u32 s21, v1;
	v39 =	vld.idx.msk [tilespmem:v39+s15+$0x0], $0xffff;
	_ =	swait.ge [sflag:s8], $0x2000  }
0x1ec: {  	v43 =	vor.u32 s21, v0;
	[sflag:s8] =	ssyncset.done $0x0  }
0x1ed: {  	[sflag:s8] =	ssyncadd.s32 $0xFFFFE000  }
0x1ee: {  	s23 =	sand.u32 $0x7F, s23;
	v40 =	vld.idx.msk [tilespmem:v40+s14+$0x0], $0xffff  }
0x1ef: {  	v44 =	vor.u32 s23, v3;
	v41 =	vld.idx.msk [tilespmem:v41+s14+$0x0], $0xffff  }
0x1f0: {  	v45 =	vor.u32 s23, v2;
	v42 =	vld.idx.msk [tilespmem:v42+s14+$0x0], $0xffff  }
0x1f1: {  	v46 =	vor.u32 s23, v1;
	v43 =	vld.idx.msk [tilespmem:v43+s14+$0x0], $0xffff;
	_ =	swait.ge [sflag:s8], $0x2000  }
0x1f2: {  	v47 =	vor.u32 s23, v0;
	[sflag:s8] =	ssyncset.done $0x0  }
0x1f3: {  	v10 =	vadd.f32 $0.0e+00, v10;
	v7 =	vadd.f32 $0.0e+00, v7;
	[sflag:s8] =	ssyncadd.s32 $0xFFFFE000  }
0x1f4: {  	v5 =	vadd.f32 $0.0e+00, v5;
	v6 =	vadd.f32 $0.0e+00, v6;
	s26 =	sand.u32 $0x7F, s25;
	v44 =	vld.idx.msk [tilespmem:v44+s13+$0x0], $0xffff  }
0x1f5: {  	v10 =	vadd.f32 v15, v10;
	v7 =	vadd.f32 v11, v7;
	v48 =	vor.u32 s26, v3;
	v45 =	vld.idx.msk [tilespmem:v45+s13+$0x0], $0xffff  }
0x1f6: {  	v5 =	vadd.f32 v8, v5;
	v6 =	vadd.f32 v9, v6;
	v49 =	vor.u32 s26, v2;
	v46 =	vld.idx.msk [tilespmem:v46+s13+$0x0], $0xffff  }
0x1f7: {  	v10 =	vadd.f32 v19, v10;
	v7 =	vadd.f32 v14, v7;
	v54 =	vor.u32 s26, v1;
	v47 =	vld.idx.msk [tilespmem:v47+s13+$0x0], $0xffff;
	_ =	swait.ge [sflag:s8], $0x2000  }
0x1f8: {  	v5 =	vadd.f32 v12, v5;
	v6 =	vadd.f32 v13, v6;
	v50 =	vor.u32 s26, v0;
	[sflag:s8] =	ssyncset.done $0x0  }
0x1f9: {  	v10 =	vadd.f32 v23, v10;
	v7 =	vadd.f32 v18, v7;
	[sflag:s8] =	ssyncadd.s32 $0xFFFFE000  }
0x1fa: {  	v5 =	vadd.f32 v16, v5;
	v6 =	vadd.f32 v17, v6;
	s28 =	sand.u32 $0x7F, s24;
	v55 =	vld.idx.msk [tilespmem:v48+s12+$0x0], $0xffff  }
0x1fb: {  	v10 =	vadd.f32 v27, v10;
	v7 =	vadd.f32 v22, v7;
	v58 =	vor.u32 s28, v3;
	v56 =	vld.idx.msk [tilespmem:v49+s12+$0x0], $0xffff  }
0x1fc: {  	v5 =	vadd.f32 v20, v5;
	v6 =	vadd.f32 v21, v6;
	v60 =	vor.u32 s28, v2;
	v57 =	vld.idx.msk [tilespmem:v54+s12+$0x0], $0xffff  }
0x1fd: {  	v10 =	vadd.f32 v63, v10;
	v7 =	vadd.f32 v26, v7;
	v61 =	vor.u32 s28, v1;
	v59 =	vld.idx.msk [tilespmem:v50+s12+$0x0], $0xffff;
	_ =	swait.ge [sflag:s8], $0x2000  }
0x1fe: {  	v5 =	vadd.f32 v24, v5;
	v6 =	vadd.f32 v25, v6;
	v62 =	vor.u32 s28, v0;
	[sflag:s8] =	ssyncset.done $0x0  }
0x1ff: {  	v10 =	vadd.f32 v32, v10;
	v7 =	vadd.f32 v30, v7;
	s29 =	sand.u32 $0x7F, s22;
	[sflag:s8] =	ssyncadd.s32 $0xFFFFE000  }
0x200: {  	v5 =	vadd.f32 v29, v5;
	v6 =	vadd.f32 v31, v6;
	v63 =	vor.u32 s29, v3;
	p1 =	seq.s32 s1, $0xC;
	s4 =	simm.f32 $0.0e+00;
	v14 =	vld.idx.msk [tilespmem:v58+s11+$0x0], $0xffff  }
0x201: {  	v28 =	vor.u32 s29, v2;
	v29 =	vor.u32 s29, v1;
	v30 =	vor.u32 s29, v0;
	s4 =	simm.s32 @!p1 $0x3F800000;
	v15 =	vld.idx.msk [tilespmem:v60+s11+$0x0], $0xffff  }
0x202: {  	v10 =	vadd.f32 v35, v10;
	v7 =	vadd.f32 v33, v7;
	v17 =	vmov s4;
	v13 =	vld.idx.msk [tilespmem:v61+s11+$0x0], $0xffff  }
0x203: {  	v4 =	vadd.f32 v4, v5;
	v31 =	vmul.f32 v36, v17;
	v32 =	vmul.f32 v37, v17;
	v16 =	vld.idx.msk [tilespmem:v62+s11+$0x0], $0xffff;
	_ =	swait.ge [sflag:s8], $0x2000  }
0x204: {  	v6 =	vadd.f32 v34, v6;
	s30 =	sand.u32 $0x7F, s19;
	s31 =	sand.u32 $0x7F, s18;
	v33 =	vmul.f32 v38, v17;
	v34 =	vmul.f32 v39, v17;
	[sflag:s8] =	ssyncset.done $0x0  }
0x205: {  	v37 =	vor.u32 s30, v3;
	v39 =	vor.u32 s30, v2;
	v3 =	vor.u32 s31, v3;
	[sflag:s8] =	ssyncadd.s32 $0xFFFFE000  }
0x206: {  	v2 =	vor.u32 s31, v2;
	v4 =	vadd.f32 v31, v4;
	v35 =	vadd.f32 v32, v7;
	v18 =	vld.idx.msk [tilespmem:v63+s10+$0x0], $0xffff  }
0x207: {  	v6 =	vadd.f32 v33, v6;
	v36 =	vmul.f32 v40, v17;
	v38 =	vmul.f32 v41, v17;
	v19 =	vld.idx.msk [tilespmem:v28+s10+$0x0], $0xffff  }
0x208: {  	v10 =	vadd.f32 v34, v10;
	v40 =	vmul.f32 v42, v17;
	v41 =	vmul.f32 v43, v17;
	v20 =	vld.idx.msk [tilespmem:v29+s10+$0x0], $0xffff  }
0x209: {  	v42 =	vor.u32 s30, v1;
	v1 =	vor.u32 s31, v1;
	v4 =	vadd.f32 v36, v4;
	v21 =	vld.idx.msk [tilespmem:v30+s10+$0x0], $0xffff;
	_ =	swait.ge [sflag:s8], $0x2000  }
0x20a: {  	v5 =	vadd.f32 v38, v35;
	v43 =	vmul.f32 v44, v17;
	v44 =	vor.u32 s30, v0;
	[sflag:s8] =	ssyncset.done $0x0  }
0x20b: {  	v6 =	vadd.f32 v40, v6;
	v10 =	vadd.f32 v41, v10;
	v45 =	vmul.f32 v45, v17;
	[sflag:s8] =	ssyncadd.s32 $0xFFFFE000  }
0x20c: {  	v46 =	vmul.f32 v46, v17;
	v47 =	vmul.f32 v47, v17;
	v0 =	vor.u32 s31, v0;
	v22 =	vld.idx.msk [tilespmem:v37+s9+$0x0], $0xffff  }
0x20d: {  	v4 =	vadd.f32 v43, v4;
	v5 =	vadd.f32 v45, v5;
	v11 =	vmul.f32 v55, v17;
	v23 =	vld.idx.msk [tilespmem:v39+s9+$0x0], $0xffff  }
0x20e: {  	v6 =	vadd.f32 v46, v6;
	v48 =	vadd.f32 v47, v10;
	v8 =	vmul.f32 v56, v17;
	v49 =	vld.idx.msk [tilespmem:v42+s9+$0x0], $0xffff  }
0x20f: {  	v9 =	vmul.f32 v57, v17;
	v51 =	vmul.f32 v59, v17;
	v4 =	vadd.f32 v11, v4;
	v50 =	vld.idx.msk [tilespmem:v44+s9+$0x0], $0xffff;
	_ =	swait.ge [sflag:s8], $0x2000  }
0x210: {  	v5 =	vadd.f32 v8, v5;
	v52 =	vmul.f32 v14, v17;
	v53 =	vmul.f32 v15, v17;
	[sflag:s8] =	ssyncset.done $0x0  }
0x211: {  	v6 =	vadd.f32 v9, v6;
	v7 =	vadd.f32 v51, v48;
	v54 =	vmul.f32 v13, v17;
	[sflag:s8] =	ssyncadd.s32 $0xFFFFE000  }
0x212: {  	v55 =	vmul.f32 v16, v17;
	v4 =	vadd.f32 v52, v4;
	v5 =	vadd.f32 v53, v5;
	v3 =	vld.idx.msk [tilespmem:v3+s7+$0x0], $0xffff  }
0x213: {  	v6 =	vadd.f32 v54, v6;
	v56 =	vmul.f32 v18, v17;
	v57 =	vmul.f32 v19, v17;
	v2 =	vld.idx.msk [tilespmem:v2+s7+$0x0], $0xffff  }
0x214: {  	v7 =	vadd.f32 v55, v7;
	v58 =	vmul.f32 v20, v17;
	v59 =	vmul.f32 v21, v17;
	v1 =	vld.idx.msk [tilespmem:v1+s7+$0x0], $0xffff  }
0x215: {  	v0 =	vld.idx.msk [tilespmem:v0+s7+$0x0], $0xffff;
	v4 =	vadd.f32 v56, v4;
	v5 =	vadd.f32 v57, v5;
	v60 =	vmul.f32 v22, v17  }
0x216: {  	v6 =	vadd.f32 v58, v6;
	v7 =	vadd.f32 v59, v7;
	v61 =	vmul.f32 v23, v17  }
0x217: {  	v62 =	vmul.f32 v49, v17;
	v4 =	vadd.f32 v60, v4;
	v3 =	vmul.f32 v3, v17  }
0x218: {  	v8 =	vmul.f32 v50, v17;
	v5 =	vadd.f32 v61, v5;
	v2 =	vmul.f32 v2, v17  }
0x219: {  	v6 =	vadd.f32 v62, v6;
	v1 =	vmul.f32 v1, v17;
	v3 =	vadd.f32 v3, v4  }
0x21a: {  	v63 =	vadd.f32 v8, v7;
	v0 =	vmul.f32 v0, v17;
	v2 =	vadd.f32 v2, v5  }
0x21b: {  	v1 =	vadd.f32 v1, v6;
	[tilespmem:$0x14280] =	vst v3  }
0x21c: {  	v0 =	vadd.f32 v0, v63;
	[tilespmem:$0x14290] =	vst v2  }
0x21d: {  	[tilespmem:$0x142A0] =	vst v1  }
0x21e: {  	[tilespmem:$0x142B0] =	vst v0  }
.LBB2_4:
0x21f: {  	s4 =	simm.s32 $0x14280  }
0x220: {  	[spmem:s6] =	stream.linear.scatter [tilespmem:s4], [sflag:$0x4], $0x80, $0x38;
	[tilespmem:$0x14C40] =	vst v63  }
.Ltmp2:
0x221: {  	_ =	swait.ge [sflag:s5], $0x80;
	(pc) =	sbr.rel @p0 .LBB2_6-.Ltmp2, $3  }
0x222: {  	[sflag:s5] =	ssyncset.done $0x0  }
0x223: {  	[sflag:s5] =	ssyncadd.s32 $0xFFFFFF80  }
0x224: {  	[bflag:$0x0] =	sbarrier.arrive $0xFFFF;
	_ =	sdelay $0x1  }
0x225: {  	s4 =	simm.s32 $0x14380;
	s12 =	simm.s32 $0x4  }
0x226: {  	[tilespmem:s4], [sflag:$0x4] =	stream.linear.gather [spmem:s3], $0x800, $0x38;
	[tilespmem:$0x14C40] =	vst v63  }
0x227: {  	_ =	swait.ge [sflag:s12], $0x800  }
0x228: {  	[sflag:s12] =	ssyncset.done $0x0  }
0x229: {  	[sflag:s12] =	ssyncadd.s32 $0xFFFFF800  }
0x22a: {  	v0 =	vld [tilespmem:$0x14380]  }
0x22b: {  	v1 =	vld [tilespmem:$0x14400]  }
0x22c: {  	v2 =	vld [tilespmem:$0x14480]  }
0x22d: {  	v3 =	vld [tilespmem:$0x14500]  }
0x22e: {  	v4 =	vld [tilespmem:$0x14580]  }
0x22f: {  	v5 =	vld [tilespmem:$0x14600]  }
0x230: {  	v6 =	vld [tilespmem:$0x14680]  }
0x231: {  	v7 =	vld [tilespmem:$0x14700]  }
0x232: {  	v8 =	vld [tilespmem:$0x14780]  }
0x233: {  	v9 =	vld [tilespmem:$0x14800]  }
0x234: {  	v10 =	vld [tilespmem:$0x14880]  }
0x235: {  	v11 =	vld [tilespmem:$0x14900]  }
0x236: {  	v12 =	vld [tilespmem:$0x14980]  }
0x237: {  	v13 =	vld [tilespmem:$0x14A00]  }
0x238: {  	v14 =	vld [tilespmem:$0x14A80]  }
0x239: {  	v15 =	vld [tilespmem:$0x14B00]  }
0x23a: {  	v16 =	vld [tilespmem:$0x14300]  }
0x23b: {  	v17 =	vld [tilespmem:$0x14390]  }
0x23c: {  	v18 =	vld [tilespmem:$0x14410]  }
0x23d: {  	v19 =	vld [tilespmem:$0x14490]  }
0x23e: {  	v20 =	vld [tilespmem:$0x14510]  }
0x23f: {  	v21 =	vld [tilespmem:$0x14590]  }
0x240: {  	v22 =	vld [tilespmem:$0x14610]  }
0x241: {  	v23 =	vld [tilespmem:$0x14690]  }
0x242: {  	v24 =	vld [tilespmem:$0x14710]  }
0x243: {  	v25 =	vld [tilespmem:$0x14790]  }
0x244: {  	v26 =	vld [tilespmem:$0x14810]  }
0x245: {  	v27 =	vld [tilespmem:$0x14890]  }
0x246: {  	v28 =	vld [tilespmem:$0x14910]  }
0x247: {  	v29 =	vld [tilespmem:$0x14990]  }
0x248: {  	v30 =	vld [tilespmem:$0x14A10]  }
0x249: {  	v31 =	vld [tilespmem:$0x14A90]  }
0x24a: {  	v33 =	vld [tilespmem:$0x143A0]  }
0x24b: {  	v34 =	vld [tilespmem:$0x14420]  }
0x24c: {  	v56 =	vld [tilespmem:$0x144A0]  }
0x24d: {  	v35 =	vld [tilespmem:$0x143B0]  }
0x24e: {  	v58 =	vld [tilespmem:$0x14430];
	v0 =	vadd.f32 v1, v0  }
0x24f: {  	v59 =	vld [tilespmem:$0x14520]  }
0x250: {  	v60 =	vld [tilespmem:$0x144B0];
	v57 =	vadd.f32 v18, v17;
	v0 =	vadd.f32 v2, v0  }
0x251: {  	v62 =	vld [tilespmem:$0x145A0];
	v61 =	vadd.f32 v34, v33  }
0x252: {  	v63 =	vld [tilespmem:$0x14530];
	v2 =	vadd.f32 v19, v57;
	v0 =	vadd.f32 v3, v0  }
0x253: {  	v17 =	vadd.f32 v58, v35;
	v34 =	vld [tilespmem:$0x14620];
	v1 =	vadd.f32 v56, v61  }
0x254: {  	v35 =	vld [tilespmem:$0x145B0];
	v2 =	vadd.f32 v20, v2;
	v0 =	vadd.f32 v4, v0  }
0x255: {  	v36 =	vld [tilespmem:$0x146A0];
	v1 =	vadd.f32 v59, v1;
	v3 =	vadd.f32 v60, v17  }
0x256: {  	v37 =	vld [tilespmem:$0x14630];
	v2 =	vadd.f32 v21, v2;
	v0 =	vadd.f32 v5, v0  }
0x257: {  	v38 =	vld [tilespmem:$0x14720];
	v1 =	vadd.f32 v62, v1;
	v3 =	vadd.f32 v63, v3  }
0x258: {  	v39 =	vld [tilespmem:$0x146B0];
	v2 =	vadd.f32 v22, v2;
	v0 =	vadd.f32 v6, v0  }
0x259: {  	v40 =	vld [tilespmem:$0x147A0];
	v1 =	vadd.f32 v34, v1;
	v3 =	vadd.f32 v35, v3  }
0x25a: {  	v41 =	vld [tilespmem:$0x14730];
	v2 =	vadd.f32 v23, v2;
	v0 =	vadd.f32 v7, v0  }
0x25b: {  	v42 =	vld [tilespmem:$0x14820];
	v1 =	vadd.f32 v36, v1;
	v3 =	vadd.f32 v37, v3  }
0x25c: {  	v43 =	vld [tilespmem:$0x147B0];
	v2 =	vadd.f32 v24, v2;
	v0 =	vadd.f32 v8, v0  }
0x25d: {  	v44 =	vld [tilespmem:$0x148A0];
	v1 =	vadd.f32 v38, v1;
	v3 =	vadd.f32 v39, v3  }
0x25e: {  	v45 =	vld [tilespmem:$0x14830];
	v2 =	vadd.f32 v25, v2;
	v0 =	vadd.f32 v9, v0  }
0x25f: {  	v46 =	vld [tilespmem:$0x14920];
	v1 =	vadd.f32 v40, v1;
	v3 =	vadd.f32 v41, v3  }
0x260: {  	v47 =	vld [tilespmem:$0x148B0];
	v2 =	vadd.f32 v26, v2;
	v0 =	vadd.f32 v10, v0  }
0x261: {  	v48 =	vld [tilespmem:$0x149A0];
	v1 =	vadd.f32 v42, v1;
	v3 =	vadd.f32 v43, v3  }
0x262: {  	v49 =	vld [tilespmem:$0x14930];
	v2 =	vadd.f32 v27, v2;
	v0 =	vadd.f32 v11, v0  }
0x263: {  	v50 =	vld [tilespmem:$0x14A20];
	v1 =	vadd.f32 v44, v1;
	v3 =	vadd.f32 v45, v3  }
0x264: {  	v51 =	vld [tilespmem:$0x149B0];
	v2 =	vadd.f32 v28, v2;
	v0 =	vadd.f32 v12, v0  }
0x265: {  	v32 =	vld [tilespmem:$0x14B10];
	v1 =	vadd.f32 v46, v1;
	v3 =	vadd.f32 v47, v3  }
0x266: {  	v53 =	vld [tilespmem:$0x14A30];
	v2 =	vadd.f32 v29, v2;
	v0 =	vadd.f32 v13, v0  }
0x267: {  	v52 =	vld [tilespmem:$0x14AA0];
	v1 =	vadd.f32 v48, v1;
	v3 =	vadd.f32 v49, v3  }
0x268: {  	v55 =	vld [tilespmem:$0x14AB0];
	v2 =	vadd.f32 v30, v2;
	v0 =	vadd.f32 v14, v0  }
0x269: {  	v54 =	vld [tilespmem:$0x14B20];
	v1 =	vadd.f32 v50, v1;
	v3 =	vadd.f32 v51, v3  }
0x26a: {  	v57 =	vld [tilespmem:$0x14B30];
	v2 =	vadd.f32 v31, v2;
	v0 =	vadd.f32 v15, v0  }
0x26b: {  	v56 =	vld [tilespmem:$0x14310];
	v3 =	vadd.f32 v53, v3  }
0x26c: {  	v1 =	vadd.f32 v52, v1;
	v2 =	vadd.f32 v32, v2;
	v0 =	vmul.f32 $4.999999890e-03, v0  }
0x26d: {  	v58 =	vld [tilespmem:$0x14320];
	v3 =	vadd.f32 v55, v3  }
0x26e: {  	v1 =	vadd.f32 v54, v1;
	v2 =	vmul.f32 $4.999999890e-03, v2;
	v0 =	vmul.f32 v0, v16  }
0x26f: {  	v59 =	vld [tilespmem:$0x14330];
	v3 =	vadd.f32 v57, v3  }
0x270: {  	v1 =	vmul.f32 $4.999999890e-03, v1;
	v2 =	vmul.f32 v2, v56;
	v0 =	vadd.f32 $0.0e+00, v0;
	_ =	sdelay $0x1  }
0x271: {  	v1 =	vmul.f32 v1, v58;
	v60 =	vmul.f32 $4.999999890e-03, v3;
	v0 =	vadd.f32 v2, v0;
	_ =	sdelay $0x1  }
0x272: {  	v61 =	vmul.f32 v60, v59;
	v0 =	vadd.f32 v1, v0;
	_ =	sdelay $0x1  }
0x273: {  	v0 =	vadd.f32 v61, v0;
	_ =	sdelay $0x1  }
0x274: {  	(v2sf) =	vpush v0, $0x0  }
0x275: {  	(v2sf) =	vpush v0, $0x1;
	_ =	sdelay $0x1  }
0x276: {  	(v2sf) =	vpush v0, $0x2;
	_ =	sdelay $0x1  }
0x277: {  	(v2sf) =	vpush v0, $0x3;
	_ =	sdelay $0x1  }
0x278: {  	(v2sf) =	vpush v0, $0x4;
	_ =	sdelay $0x1  }
0x279: {  	(v2sf) =	vpush v0, $0x5;
	_ =	sdelay $0x1  }
0x27a: {  	(v2sf) =	vpush v0, $0x6;
	_ =	sdelay $0x1  }
0x27b: {  	(v2sf) =	vpush v0, $0x7;
	_ =	sdelay $0x1  }
0x27c: {  	s13 =	spop (v2sf);
	(v2sf) =	vpush v0, $0x8  }
0x27d: {  	s5 =	spop (v2sf)  }
0x27e: {  	(v2sf) =	vpush v0, $0x9;
	s4 =	sadd.f32 s5, s13  }
0x27f: {  	s14 =	spop (v2sf)  }
0x280: {  	(v2sf) =	vpush v0, $0xA;
	s4 =	sadd.f32 s4, s14  }
0x281: {  	s15 =	spop (v2sf)  }
0x282: {  	(v2sf) =	vpush v0, $0xB;
	s4 =	sadd.f32 s4, s15  }
0x283: {  	s16 =	spop (v2sf)  }
0x284: {  	(v2sf) =	vpush v0, $0xC;
	s4 =	sadd.f32 s4, s16  }
0x285: {  	s17 =	spop (v2sf)  }
0x286: {  	(v2sf) =	vpush v0, $0xD;
	s4 =	sadd.f32 s4, s17  }
0x287: {  	v62 =	vld [tilespmem:$0x14B80];
	s18 =	spop (v2sf)  }
0x288: {  	(v2sf) =	vpush v0, $0xE;
	s4 =	sadd.f32 s4, s18  }
0x289: {  	s19 =	spop (v2sf)  }
0x28a: {  	(v2sf) =	vpush v0, $0xF;
	s4 =	sadd.f32 s4, s19  }
0x28b: {  	s20 =	spop (v2sf)  }
0x28c: {  	(v2sf) =	vpush v62, $0x0;
	s4 =	sadd.f32 s4, s20  }
0x28d: {  	s21 =	spop (v2sf)  }
0x28e: {  	s4 =	sadd.f32 s4, s21  }
0x28f: {  	s22 =	spop (v2sf)  }
0x290: {  	s4 =	sadd.f32 s4, s22  }
0x291: {  	s23 =	spop (v2sf)  }
0x292: {  	s4 =	sadd.f32 s4, s23  }
0x293: {  	s24 =	spop (v2sf)  }
0x294: {  	s4 =	sadd.f32 s4, s24  }
0x295: {  	s25 =	spop (v2sf)  }
0x296: {  	s4 =	sadd.f32 s4, s25  }
0x297: {  	s26 =	spop (v2sf)  }
0x298: {  	s4 =	sadd.f32 s4, s26  }
0x299: {  	s28 =	spop (v2sf)  }
0x29a: {  	s4 =	sadd.f32 s4, s28  }
0x29b: {  	s29 =	spop (v2sf)  }
0x29c: {  	s4 =	sadd.f32 s4, s29;
	_ =	sdelay $0x1  }
0x29d: {  	v63 =	vmov s4  }
0x29e: {  	v0 =	vsub.f32 $0.0e+00, v63;
	_ =	sdelay $0x1  }
0x29f: {  	v0 =	vmul.f32 $1.442695020e+00, v0;
	_ =	sdelay $0x1  }
0x2a0: {  	v0 =	vbroadcast v0, $0x0;
	_ =	sdelay $0x1  }
0x2a1: {  	(erf) = vpow2.f32 v0;
	_ =	sdelay $0x8  }
0x2a2: {  	v0 =	vpop (erf)  }
0x2a3: {  	v0 =	vadd.f32 $1.000000000e+00, v0;
	_ =	sdelay $0x1  }
0x2a4: {  	(erf) = vrcp.f32 v0;
	_ =	sdelay $0x8  }
0x2a5: {  	v0 =	vpop (erf)  }
0x2a6: {  	s30 =	simm.s32 $0x0;
	s31 =	simm.s32 $0x14B80;
	[tilespmem:$0x14B80] =	vst v0  }
0x2a7: {  	[hbm4b:s2+s30] =	stream.linear.scatter [tilespmem:s31], [sflag:$0x4], $0x80, $0x38;
	[tilespmem:$0x14C40] =	vst v63  }
0x2a8: {  	_ =	swait.ge [sflag:s12], $0x80  }
0x2a9: {  	[sflag:s12] =	ssyncset.done $0x0  }
0x2aa: {  	[sflag:s12] =	ssyncadd.s32 $0xFFFFFF80  }
.LBB2_6:
0x2ab: {  	_ =	sfence.sel $0x180000  }
0x2ac: {  	[bflag:$0x0] =	sbarrier.arrive $0xFFFF  }
0x2ad: {  	p0 =	sne.s32 s1, $0x0;
	_ =	strace $0x90000047  }
0x2ae: {  	s0 =	sadd.s32 @!p0 $0x100000, s0;
	[bflag:$0x2] =	sbarrier.arrive $0xFFFF  }
0x2af: {  	[sflag:s0] =	ssyncadd.tile.s32 @!p0 $0x1;
	_ =	shalt  }
.Lfunc_end2:
_tile_overlayer_lowered:
.L_overlay_start_2:
0x2b0: {  	(tag) =	ssettag $0x2  }
0x2b1: {  	s0 =	rddreg [dreg:$0x0];
	s2 =	stileid.u32  }
0x2b2: {  	s1 =	rddreg [dreg:$0x1];
	p0 =	sne.s32 s2, $0x0  }
0x2b3: {  	s3 =	rddreg [dreg:$0x2];
	[bflag:$0x3] =	sbarrier.arrive $0xFFFF;
	s2 =	simm.s32 @!p0 $0x1C04  }
0x2b4: {  	[timem:s3], [sflag:s2] =	dma.local @!p0 [hbm:s0], s1  }
0x2b5: {  	s0 =	simm.s32 @!p0 $0x4  }
0x2b6: {  	_ =	swait.ge @!p0 [sflag:s0], s1  }
0x2b7: {  	s1 =	ssub.s32 @!p0 $0x0, s1;
	[sflag:s0] =	ssyncset.done @!p0 $0x0  }
0x2b8: {  	[sflag:s0] =	ssyncadd.s32 @!p0 s1  }
0x2b9: {  	[bflag:$0x3] =	sbarrier.arrive $0xFFFF  }
0x2ba: {  	_ =	shalt  }

</sc_bundles>
